<compile_context>
chip_gen: v7x
topology: tpu7x:2x2x1
jax: 0.10.2.dev20260603
libtpu: 0.0.44.dev20260713+nightly
codegen_flags: <defaults>
</compile_context>

<pallas_src>
import functools

import jax
import jax.numpy as jnp
from jax import lax
from jax.experimental import pallas as pl
from jax.experimental.pallas import tpu as pltpu
from jax.experimental.pallas import tpu_sc as plsc

_N = 10000
_E = 320000
_D = 128
_NPAD = 10240
_NTILES = 32
_EPT = _E // _NTILES
_CHUNK = 96
_BLK = 15
_NBLK = 7
_NCHUNK = _BLK * _NBLK
_EPT_PAD = _NCHUNK * _CHUNK
_EPAD = _NTILES * _EPT_PAD
_ROWS_PER_TILE = _NPAD // 16


def _mesh():
    return plsc.VectorSubcoreMesh(core_axis_name="c", subcore_axis_name="s")


def _sc_params():
    return pltpu.CompilerParams(needs_layout_passes=False)


@functools.lru_cache(maxsize=None)
def _deg_kernel():
    @functools.partial(
        pl.kernel,
        out_type=jax.ShapeDtypeStruct((_NTILES, 2, _NPAD), jnp.float32),
        mesh=_mesh(),
        compiler_params=_sc_params(),
        scratch_types=[
            pltpu.VMEM((_EPT,), jnp.int32),
            pltpu.VMEM((_EPT,), jnp.int32),
            pltpu.VMEM((_NPAD,), jnp.float32),
            pltpu.VMEM((_NPAD,), jnp.float32),
        ],
    )
    def deg(src_hbm, dst_hbm, out_hbm, src_v, dst_v, tsrc_v, tdst_v):
        c = lax.axis_index("c")
        s = lax.axis_index("s")
        wid = c * 16 + s
        zero16 = jnp.zeros((16,), jnp.float32)

        def zero_body(i, carry):
            tsrc_v[pl.ds(i * 16, 16)] = zero16
            tdst_v[pl.ds(i * 16, 16)] = zero16
            return carry

        lax.fori_loop(0, _NPAD // 16, zero_body, 0)

        pltpu.sync_copy(src_hbm.at[pl.ds(wid * _EPT, _EPT)], src_v)
        pltpu.sync_copy(dst_hbm.at[pl.ds(wid * _EPT, _EPT)], dst_v)

        ones16 = jnp.ones((16,), jnp.float32)

        def count_body(i, carry):
            si = src_v[pl.ds(i * 16, 16)]
            di = dst_v[pl.ds(i * 16, 16)]
            plsc.addupdate_scatter(tsrc_v, [si], ones16)
            plsc.addupdate_scatter(tdst_v, [di], ones16)
            return carry

        lax.fori_loop(0, _EPT // 16, count_body, 0)

        pltpu.sync_copy(tsrc_v, out_hbm.at[wid, 0])
        pltpu.sync_copy(tdst_v, out_hbm.at[wid, 1])

    return deg


@functools.lru_cache(maxsize=None)
def _agg_kernel():
    @functools.partial(
        pl.kernel,
        out_type=jax.ShapeDtypeStruct((2, _NPAD, _D), jnp.float32),
        mesh=_mesh(),
        compiler_params=_sc_params(),
        scratch_types=[
            pltpu.VMEM((2, _BLK, _CHUNK), jnp.int32),
            pltpu.VMEM((2, _BLK, _CHUNK), jnp.int32),
            pltpu.VMEM((_CHUNK, _D), jnp.float32),
            pltpu.VMEM((_CHUNK, _D), jnp.float32),
            pltpu.VMEM((_CHUNK, _D), jnp.float32),
            pltpu.VMEM_SHARED((_NPAD, _D), jnp.float32),
            pltpu.SemaphoreType.DMA,
            pltpu.SemaphoreType.DMA,
            pltpu.SemaphoreType.DMA,
        ],
    )
    def agg(h_hbm, src_hbm, dst_hbm, zeros_hbm, out_hbm,
            sidx, didx, rows_a, rows_b, rows_c, acc_sh, gsem, ssem, isem):
        c = lax.axis_index("c")
        s = lax.axis_index("s")
        wid = c * 16 + s
        r0 = s * _ROWS_PER_TILE
        bufs = (rows_a, rows_b, rows_c)

        pltpu.sync_copy(zeros_hbm.at[pl.ds(r0, _ROWS_PER_TILE)],
                        acc_sh.at[pl.ds(r0, _ROWS_PER_TILE)])
        pltpu.sync_copy(src_hbm.at[wid, 0], sidx.at[0])
        pltpu.sync_copy(dst_hbm.at[wid, 0], didx.at[0])
        pltpu.sync_copy(zeros_hbm.at[pl.ds(0, _CHUNK)], rows_c)
        plsc.subcore_barrier()

        def gath(idx_row, buf):
            pltpu.async_copy(h_hbm.at[idx_row], buf, gsem)

        def scat(idx_row, buf):
            pltpu.async_copy(buf, acc_sh.at[idx_row], ssem, add=True)

        def drain_rows(buf, sem):
            pltpu.make_async_copy(h_hbm.at[pl.ds(0, _CHUNK)], buf,
                                  sem).wait()

        def drain_idx():
            pltpu.make_async_copy(src_hbm.at[wid, 0], sidx.at[0],
                                  isem).wait()

        gath(sidx.at[0, 0], rows_a)
        gath(sidx.at[0, 1], rows_b)
        scat(didx.at[0, 0], rows_c)

        def body(k, carry):
            p = lax.rem(k, 2)
            np_ = 1 - p
            pltpu.async_copy(src_hbm.at[wid, k + 1], sidx.at[np_], isem)
            pltpu.async_copy(dst_hbm.at[wid, k + 1], didx.at[np_], isem)
            for j in range(_BLK):
                if j == _BLK - 2:
                    drain_idx()
                    drain_idx()
                buf = bufs[j % 3]
                nbuf = bufs[(j + 2) % 3]
                drain_rows(buf, gsem)
                drain_rows(nbuf, ssem)
                if j < _BLK - 2:
                    gath(sidx.at[p, j + 2], nbuf)
                else:
                    gath(sidx.at[np_, j + 2 - _BLK], nbuf)
                scat(didx.at[p, j], buf)
            return carry

        lax.fori_loop(0, _NBLK - 1, body, 0, unroll=False)

        lp = (_NBLK - 1) % 2
        for j in range(_BLK):
            buf = bufs[j % 3]
            nbuf = bufs[(j + 2) % 3]
            drain_rows(buf, gsem)
            drain_rows(nbuf, ssem)
            if j < _BLK - 2:
                gath(sidx.at[lp, j + 2], nbuf)
            scat(didx.at[lp, j], buf)
        drain_rows(bufs[(_BLK - 1) % 3], ssem)

        plsc.subcore_barrier()
        pltpu.sync_copy(acc_sh.at[pl.ds(r0, _ROWS_PER_TILE)],
                        out_hbm.at[c, pl.ds(r0, _ROWS_PER_TILE)])

    return agg


_ROWS_BLK = 2048


def _norms(deg_ref):
    d = deg_ref[...]
    out_deg = jnp.sum(d[:, :_NTILES], axis=1, keepdims=True)
    in_deg = jnp.sum(d[:, _NTILES:], axis=1, keepdims=True)
    ns = lax.rsqrt(jnp.maximum(out_deg, 1.0))
    nd = lax.rsqrt(jnp.maximum(in_deg, 1.0))
    return ns, nd


def _tc1_body(deg_ref, x_ref, w_ref, o_ref):
    ns, _ = _norms(deg_ref)
    h = jnp.dot(x_ref[...], w_ref[...], preferred_element_type=jnp.float32)
    o_ref[...] = h * ns


def _tc2_body(deg_ref, a0_ref, a1_ref, b_ref, w_ref, o_ref):
    ns, nd = _norms(deg_ref)
    h = (a0_ref[...] + a1_ref[...]) * nd + b_ref[...]
    h = jnp.dot(h, w_ref[...], preferred_element_type=jnp.float32)
    o_ref[...] = h * ns


def _tc3_body(deg_ref, a0_ref, a1_ref, b_ref, o_ref):
    _, nd = _norms(deg_ref)
    o_ref[...] = (a0_ref[...] + a1_ref[...]) * nd + b_ref[...]


_GRID = _NPAD // _ROWS_BLK

_DEG_SPEC = pl.BlockSpec((_ROWS_BLK, 2 * _NTILES), lambda i: (i, 0))
_MAT_SPEC = pl.BlockSpec((_ROWS_BLK, _D), lambda i: (i, 0))
_W_SPEC = pl.BlockSpec((_D, _D), lambda i: (0, 0))
_B_SPEC = pl.BlockSpec((1, _D), lambda i: (0, 0))
_OUT_TYPE = jax.ShapeDtypeStruct((_NPAD, _D), jnp.float32)


def _tc1(deg, x, w):
    return pl.pallas_call(
        _tc1_body, grid=(_GRID,),
        in_specs=[_DEG_SPEC, _MAT_SPEC, _W_SPEC],
        out_specs=_MAT_SPEC, out_shape=_OUT_TYPE,
    )(deg, x, w)


def _tc2(deg, a0, a1, b, w):
    return pl.pallas_call(
        _tc2_body, grid=(_GRID,),
        in_specs=[_DEG_SPEC, _MAT_SPEC, _MAT_SPEC, _B_SPEC, _W_SPEC],
        out_specs=_MAT_SPEC, out_shape=_OUT_TYPE,
    )(deg, a0, a1, b, w)


def _tc3(deg, a0, a1, b):
    return pl.pallas_call(
        _tc3_body, grid=(_GRID,),
        in_specs=[_DEG_SPEC, _MAT_SPEC, _MAT_SPEC, _B_SPEC],
        out_specs=_MAT_SPEC, out_shape=_OUT_TYPE,
    )(deg, a0, a1, b)


def kernel(in_feat, edge_index, W0, b0, W1, b1):
    ei = edge_index.astype(jnp.int32)
    src = ei[0]
    dst = ei[1]
    npadrow = _EPAD - _E
    pad_idx = _N + jnp.arange(npadrow, dtype=jnp.int32) % (_NPAD - _N)
    epad = jnp.stack([pad_idx, pad_idx])
    eip = jnp.concatenate([ei, epad], axis=1)
    src4 = eip[0].reshape(_NTILES, _NBLK, _BLK, _CHUNK)
    dst4 = eip[1].reshape(_NTILES, _NBLK, _BLK, _CHUNK)

    xp = jnp.zeros((_NPAD, _D), jnp.float32).at[:_N].set(in_feat)
    zeros = jnp.zeros((_NPAD, _D), jnp.float32)
    b0r = b0.reshape(1, _D)
    b1r = b1.reshape(1, _D)

    degp = _deg_kernel()(src, dst)
    deg64 = degp.transpose(1, 0, 2).reshape(2 * _NTILES, _NPAD).T

    h1s = _tc1(deg64, xp, W0)
    m1 = _agg_kernel()(h1s, src4, dst4, zeros)
    h2s = _tc2(deg64, m1[0], m1[1], b0r, W1)
    m2 = _agg_kernel()(h2s, src4, dst4, zeros)
    out = _tc3(deg64, m2[0], m2[1], b1r)
    return out[:_N]

# --- scband reference (transcript-rebuilt; emitter-appended) ---
"""Pipeline reference for scband-gcn-43765716746406 (READ-ONLY COPY).

The authoritative reference and input builder live on the scoring server;
editing this copy changes nothing except your own understanding.
"""

import jax, jax.numpy as jnp
import numpy as np

N = 10000
E = 320000
D = 128
NUM_LAYERS = 2


def _gcn_layer(h, src, dst, W, b, n):
    # DGL GraphConv with norm='both':
    #   h = h @ W; h = h * out_deg(src)^{-1/2}; aggregate-sum src->dst; * in_deg(dst)^{-1/2}; + bias
    out_deg = jnp.bincount(src, length=n)
    in_deg = jnp.bincount(dst, length=n)
    norm_src = jax.lax.rsqrt(jnp.maximum(out_deg, 1).astype(h.dtype))
    norm_dst = jax.lax.rsqrt(jnp.maximum(in_deg, 1).astype(h.dtype))
    h = h @ W
    h = h * norm_src[:, None]
    msgs = jnp.take(h, src, axis=0)                 # gather (SparseCore)
    agg = jnp.zeros_like(h).at[dst].add(msgs)       # scatter-add (SparseCore)
    agg = agg * norm_dst[:, None]
    return agg + b


def setup_inputs(seed: int = 0) -> dict:
    key = jax.random.key(seed)
    k_x, k_e, k_w0, k_w1 = jax.random.split(key, 4)
    in_feat = jax.random.normal(k_x, (N, D), dtype=jnp.float32)
    edge_index = jax.random.randint(k_e, (2, E), 0, N, dtype=jnp.int64)
    scale = 1.0 / np.sqrt(D)
    W0 = jax.random.normal(k_w0, (D, D), dtype=jnp.float32) * scale
    b0 = jnp.zeros((D,), dtype=jnp.float32)
    W1 = jax.random.normal(k_w1, (D, D), dtype=jnp.float32) * scale
    b1 = jnp.zeros((D,), dtype=jnp.float32)
    return {"in_feat": in_feat, "edge_index": edge_index, "W0": W0, "b0": b0, "W1": W1, "b1": b1}


def reference(in_feat, edge_index, W0, b0, W1, b1):
    src = edge_index[0]
    dst = edge_index[1]
    h = in_feat
    h = _gcn_layer(h, src, dst, W0, b0, N)
    h = _gcn_layer(h, src, dst, W1, b1, N)
    return h

if __name__ == "__main__":
    import jax
    _d = setup_inputs()
    print(jax.jit(kernel)(*tuple(_d.values())))

</pallas_src>

<mosaic_0001>
#map = affine_map<(d0, d1) -> (0, 0)>
#map1 = affine_map<(d0, d1) -> (0, 0, 0, 0)>
#map2 = affine_map<(d0, d1) -> (0, 0, 0)>
module attributes {stable_mosaic.version = 14 : i64} {
  func.func @agg(%arg0: i32, %arg1: i32, %arg2: memref<10240x128xf32, #tpu.memory_space<hbm>>, %arg3: memref<32x7x15x96xi32, #tpu.memory_space<hbm>>, %arg4: memref<32x7x15x96xi32, #tpu.memory_space<hbm>>, %arg5: memref<10240x128xf32, #tpu.memory_space<hbm>>, %arg6: memref<2x10240x128xf32, #tpu.memory_space<hbm>>, %arg7: memref<2x15x96xi32, #tpu.memory_space<vmem>>, %arg8: memref<2x15x96xi32, #tpu.memory_space<vmem>>, %arg9: memref<96x128xf32, #tpu.memory_space<vmem>>, %arg10: memref<96x128xf32, #tpu.memory_space<vmem>>, %arg11: memref<96x128xf32, #tpu.memory_space<vmem>>, %arg12: memref<10240x128xf32, #tpu.memory_space<vmem_shared>>, %arg13: memref<!tpu.dma_semaphore, #tpu.memory_space<semaphore_mem>>, %arg14: memref<!tpu.dma_semaphore, #tpu.memory_space<semaphore_mem>>, %arg15: memref<!tpu.dma_semaphore, #tpu.memory_space<semaphore_mem>>) attributes {dimension_semantics = [#tpu.dimension_semantics<core_parallel>, #tpu.dimension_semantics<subcore_parallel>], iteration_bounds = array<i64: 2, 16>, scalar_prefetch = 0 : i64, scratch_operands = 9 : i64, tpu.core_type = #tpu.core_type<sc_vector_subcore>, window_params = [{transform_indices = #map}, {transform_indices = #map1}, {transform_indices = #map1}, {transform_indices = #map}, {transform_indices = #map2}]} {
    %mul3A = arith.constant 16 : i32
    %mul3A_0 = arith.muli %arg0, %mul3A : i32
    %add3A = arith.addi %mul3A_0, %arg1 : i32
    %mul3A_1 = arith.constant 640 : i32
    %mul3A_2 = arith.muli %arg1, %mul3A_1 : i32
    "tpu.region"() ({
      %run_scoped3A_444 = tpu.sem_alloc : memref<!tpu.dma_semaphore, #tpu.memory_space<semaphore_mem>>
      %dma_start3A_445 = arith.constant 0 : i32
      %dma_start3A_446 = tpu.memref_slice %arg12[%mul3A_2, %dma_start3A_445] : memref<10240x128xf32, #tpu.memory_space<vmem_shared>> -> memref<640x128xf32, #tpu.memory_space<vmem_shared>>
      %dma_start3A_447 = arith.constant 0 : i32
      %dma_start3A_448 = tpu.memref_slice %arg5[%mul3A_2, %dma_start3A_447] : memref<10240x128xf32, #tpu.memory_space<hbm>> -> memref<640x128xf32, #tpu.memory_space<hbm>>
      tpu.enqueue_dma source(%dma_start3A_448 : memref<640x128xf32, #tpu.memory_space<hbm>>) target(%dma_start3A_446 : memref<640x128xf32, #tpu.memory_space<vmem_shared>>) target_semaphore(%run_scoped3A_444 : memref<!tpu.dma_semaphore, #tpu.memory_space<semaphore_mem>>)
      %dma_wait3A_449 = arith.constant 0 : i32
      %dma_wait3A_450 = tpu.memref_slice %arg12[%mul3A_2, %dma_wait3A_449] : memref<10240x128xf32, #tpu.memory_space<vmem_shared>> -> memref<640x128xf32, #tpu.memory_space<vmem_shared>>
      %dma_wait3A_451 = arith.constant 0 : i32
      %dma_wait3A_452 = tpu.memref_slice %arg5[%mul3A_2, %dma_wait3A_451] : memref<10240x128xf32, #tpu.memory_space<hbm>> -> memref<640x128xf32, #tpu.memory_space<hbm>>
      tpu.wait_dma2 semaphore(%run_scoped3A_444 : memref<!tpu.dma_semaphore, #tpu.memory_space<semaphore_mem>>) src(%dma_wait3A_452 : memref<640x128xf32, #tpu.memory_space<hbm>>) dst(%dma_wait3A_450 : memref<640x128xf32, #tpu.memory_space<vmem_shared>>)
      tpu.yield
    }) : () -> ()
    %run_scoped3A = arith.constant 0 : i32
    %run_scoped3A_3 = arith.constant 0 : i32
    "tpu.region"() ({
      %run_scoped3A_444 = tpu.sem_alloc : memref<!tpu.dma_semaphore, #tpu.memory_space<semaphore_mem>>
      %dma_start3A_445 = arith.constant 0 : i32
      %dma_start3A_446 = arith.constant 0 : i32
      %dma_start3A_447 = tpu.memref_slice %arg7[%run_scoped3A_3, %dma_start3A_445, %dma_start3A_446] : memref<2x15x96xi32, #tpu.memory_space<vmem>> -> memref<1x15x96xi32, #tpu.memory_space<vmem>>
      %dma_start3A_448 = tpu.memref_squeeze %dma_start3A_447 : memref<1x15x96xi32, #tpu.memory_space<vmem>> -> memref<15x96xi32, #tpu.memory_space<vmem>>
      %dma_start3A_449 = arith.constant 0 : i32
      %dma_start3A_450 = arith.constant 0 : i32
      %dma_start3A_451 = tpu.memref_slice %arg3[%add3A, %run_scoped3A, %dma_start3A_449, %dma_start3A_450] : memref<32x7x15x96xi32, #tpu.memory_space<hbm>> -> memref<1x1x15x96xi32, #tpu.memory_space<hbm>>
      %dma_start3A_452 = tpu.memref_squeeze %dma_start3A_451 : memref<1x1x15x96xi32, #tpu.memory_space<hbm>> -> memref<15x96xi32, #tpu.memory_space<hbm>>
      %dma_start3A_453 = arith.constant 0 : i32
      %dma_start3A_454 = arith.constant 0 : i32
      %dma_start3A_455 = tpu.memref_slice %arg7[%run_scoped3A_3, %dma_start3A_453, %dma_start3A_454] : memref<2x15x96xi32, #tpu.memory_space<vmem>> -> memref<1x15x96xi32, #tpu.memory_space<vmem>>
      %dma_start3A_456 = tpu.memref_squeeze %dma_start3A_455 : memref<1x15x96xi32, #tpu.memory_space<vmem>> -> memref<15x96xi32, #tpu.memory_space<vmem>>
      %dma_start3A_457 = arith.constant 0 : i32
      %dma_start3A_458 = arith.constant 0 : i32
      %dma_start3A_459 = tpu.memref_slice %arg3[%add3A, %run_scoped3A, %dma_start3A_457, %dma_start3A_458] : memref<32x7x15x96xi32, #tpu.memory_space<hbm>> -> memref<1x1x15x96xi32, #tpu.memory_space<hbm>>
      %dma_start3A_460 = tpu.memref_squeeze %dma_start3A_459 : memref<1x1x15x96xi32, #tpu.memory_space<hbm>> -> memref<15x96xi32, #tpu.memory_space<hbm>>
      tpu.enqueue_dma source(%dma_start3A_460 : memref<15x96xi32, #tpu.memory_space<hbm>>) target(%dma_start3A_456 : memref<15x96xi32, #tpu.memory_space<vmem>>) target_semaphore(%run_scoped3A_444 : memref<!tpu.dma_semaphore, #tpu.memory_space<semaphore_mem>>)
      %dma_wait3A_461 = arith.constant 0 : i32
      %dma_wait3A_462 = arith.constant 0 : i32
      %dma_wait3A_463 = tpu.memref_slice %arg7[%run_scoped3A_3, %dma_wait3A_461, %dma_wait3A_462] : memref<2x15x96xi32, #tpu.memory_space<vmem>> -> memref<1x15x96xi32, #tpu.memory_space<vmem>>
      %dma_wait3A_464 = tpu.memref_squeeze %dma_wait3A_463 : memref<1x15x96xi32, #tpu.memory_space<vmem>> -> memref<15x96xi32, #tpu.memory_space<vmem>>
      %dma_wait3A_465 = arith.constant 0 : i32
      %dma_wait3A_466 = arith.constant 0 : i32
      %dma_wait3A_467 = tpu.memref_slice %arg3[%add3A, %run_scoped3A, %dma_wait3A_465, %dma_wait3A_466] : memref<32x7x15x96xi32, #tpu.memory_space<hbm>> -> memref<1x1x15x96xi32, #tpu.memory_space<hbm>>
      %dma_wait3A_468 = tpu.memref_squeeze %dma_wait3A_467 : memref<1x1x15x96xi32, #tpu.memory_space<hbm>> -> memref<15x96xi32, #tpu.memory_space<hbm>>
      %dma_wait3A_469 = arith.constant 0 : i32
      %dma_wait3A_470 = arith.constant 0 : i32
      %dma_wait3A_471 = tpu.memref_slice %arg7[%run_scoped3A_3, %dma_wait3A_469, %dma_wait3A_470] : memref<2x15x96xi32, #tpu.memory_space<vmem>> -> memref<1x15x96xi32, #tpu.memory_space<vmem>>
      %dma_wait3A_472 = tpu.memref_squeeze %dma_wait3A_471 : memref<1x15x96xi32, #tpu.memory_space<vmem>> -> memref<15x96xi32, #tpu.memory_space<vmem>>
      %dma_wait3A_473 = arith.constant 0 : i32
      %dma_wait3A_474 = arith.constant 0 : i32
      %dma_wait3A_475 = tpu.memref_slice %arg3[%add3A, %run_scoped3A, %dma_wait3A_473, %dma_wait3A_474] : memref<32x7x15x96xi32, #tpu.memory_space<hbm>> -> memref<1x1x15x96xi32, #tpu.memory_space<hbm>>
      %dma_wait3A_476 = tpu.memref_squeeze %dma_wait3A_475 : memref<1x1x15x96xi32, #tpu.memory_space<hbm>> -> memref<15x96xi32, #tpu.memory_space<hbm>>
      tpu.wait_dma2 semaphore(%run_scoped3A_444 : memref<!tpu.dma_semaphore, #tpu.memory_space<semaphore_mem>>) src(%dma_wait3A_476 : memref<15x96xi32, #tpu.memory_space<hbm>>) dst(%dma_wait3A_472 : memref<15x96xi32, #tpu.memory_space<vmem>>)
      tpu.yield
    }) : () -> ()
    %run_scoped3A_4 = arith.constant 0 : i32
    %run_scoped3A_5 = arith.constant 0 : i32
    "tpu.region"() ({
      %run_scoped3A_444 = tpu.sem_alloc : memref<!tpu.dma_semaphore, #tpu.memory_space<semaphore_mem>>
      %dma_start3A_445 = arith.constant 0 : i32
      %dma_start3A_446 = arith.constant 0 : i32
      %dma_start3A_447 = tpu.memref_slice %arg8[%run_scoped3A_5, %dma_start3A_445, %dma_start3A_446] : memref<2x15x96xi32, #tpu.memory_space<vmem>> -> memref<1x15x96xi32, #tpu.memory_space<vmem>>
      %dma_start3A_448 = tpu.memref_squeeze %dma_start3A_447 : memref<1x15x96xi32, #tpu.memory_space<vmem>> -> memref<15x96xi32, #tpu.memory_space<vmem>>
      %dma_start3A_449 = arith.constant 0 : i32
      %dma_start3A_450 = arith.constant 0 : i32
      %dma_start3A_451 = tpu.memref_slice %arg4[%add3A, %run_scoped3A_4, %dma_start3A_449, %dma_start3A_450] : memref<32x7x15x96xi32, #tpu.memory_space<hbm>> -> memref<1x1x15x96xi32, #tpu.memory_space<hbm>>
      %dma_start3A_452 = tpu.memref_squeeze %dma_start3A_451 : memref<1x1x15x96xi32, #tpu.memory_space<hbm>> -> memref<15x96xi32, #tpu.memory_space<hbm>>
      %dma_start3A_453 = arith.constant 0 : i32
      %dma_start3A_454 = arith.constant 0 : i32
      %dma_start3A_455 = tpu.memref_slice %arg8[%run_scoped3A_5, %dma_start3A_453, %dma_start3A_454] : memref<2x15x96xi32, #tpu.memory_space<vmem>> -> memref<1x15x96xi32, #tpu.memory_space<vmem>>
      %dma_start3A_456 = tpu.memref_squeeze %dma_start3A_455 : memref<1x15x96xi32, #tpu.memory_space<vmem>> -> memref<15x96xi32, #tpu.memory_space<vmem>>
      %dma_start3A_457 = arith.constant 0 : i32
      %dma_start3A_458 = arith.constant 0 : i32
      %dma_start3A_459 = tpu.memref_slice %arg4[%add3A, %run_scoped3A_4, %dma_start3A_457, %dma_start3A_458] : memref<32x7x15x96xi32, #tpu.memory_space<hbm>> -> memref<1x1x15x96xi32, #tpu.memory_space<hbm>>
      %dma_start3A_460 = tpu.memref_squeeze %dma_start3A_459 : memref<1x1x15x96xi32, #tpu.memory_space<hbm>> -> memref<15x96xi32, #tpu.memory_space<hbm>>
      tpu.enqueue_dma source(%dma_start3A_460 : memref<15x96xi32, #tpu.memory_space<hbm>>) target(%dma_start3A_456 : memref<15x96xi32, #tpu.memory_space<vmem>>) target_semaphore(%run_scoped3A_444 : memref<!tpu.dma_semaphore, #tpu.memory_space<semaphore_mem>>)
      %dma_wait3A_461 = arith.constant 0 : i32
      %dma_wait3A_462 = arith.constant 0 : i32
      %dma_wait3A_463 = tpu.memref_slice %arg8[%run_scoped3A_5, %dma_wait3A_461, %dma_wait3A_462] : memref<2x15x96xi32, #tpu.memory_space<vmem>> -> memref<1x15x96xi32, #tpu.memory_space<vmem>>
      %dma_wait3A_464 = tpu.memref_squeeze %dma_wait3A_463 : memref<1x15x96xi32, #tpu.memory_space<vmem>> -> memref<15x96xi32, #tpu.memory_space<vmem>>
      %dma_wait3A_465 = arith.constant 0 : i32
      %dma_wait3A_466 = arith.constant 0 : i32
      %dma_wait3A_467 = tpu.memref_slice %arg4[%add3A, %run_scoped3A_4, %dma_wait3A_465, %dma_wait3A_466] : memref<32x7x15x96xi32, #tpu.memory_space<hbm>> -> memref<1x1x15x96xi32, #tpu.memory_space<hbm>>
      %dma_wait3A_468 = tpu.memref_squeeze %dma_wait3A_467 : memref<1x1x15x96xi32, #tpu.memory_space<hbm>> -> memref<15x96xi32, #tpu.memory_space<hbm>>
      %dma_wait3A_469 = arith.constant 0 : i32
      %dma_wait3A_470 = arith.constant 0 : i32
      %dma_wait3A_471 = tpu.memref_slice %arg8[%run_scoped3A_5, %dma_wait3A_469, %dma_wait3A_470] : memref<2x15x96xi32, #tpu.memory_space<vmem>> -> memref<1x15x96xi32, #tpu.memory_space<vmem>>
      %dma_wait3A_472 = tpu.memref_squeeze %dma_wait3A_471 : memref<1x15x96xi32, #tpu.memory_space<vmem>> -> memref<15x96xi32, #tpu.memory_space<vmem>>
      %dma_wait3A_473 = arith.constant 0 : i32
      %dma_wait3A_474 = arith.constant 0 : i32
      %dma_wait3A_475 = tpu.memref_slice %arg4[%add3A, %run_scoped3A_4, %dma_wait3A_473, %dma_wait3A_474] : memref<32x7x15x96xi32, #tpu.memory_space<hbm>> -> memref<1x1x15x96xi32, #tpu.memory_space<hbm>>
      %dma_wait3A_476 = tpu.memref_squeeze %dma_wait3A_475 : memref<1x1x15x96xi32, #tpu.memory_space<hbm>> -> memref<15x96xi32, #tpu.memory_space<hbm>>
      tpu.wait_dma2 semaphore(%run_scoped3A_444 : memref<!tpu.dma_semaphore, #tpu.memory_space<semaphore_mem>>) src(%dma_wait3A_476 : memref<15x96xi32, #tpu.memory_space<hbm>>) dst(%dma_wait3A_472 : memref<15x96xi32, #tpu.memory_space<vmem>>)
      tpu.yield
    }) : () -> ()
    "tpu.region"() ({
      %run_scoped3A_444 = tpu.sem_alloc : memref<!tpu.dma_semaphore, #tpu.memory_space<semaphore_mem>>
      %dma_start3A_445 = arith.constant 0 : i32
      %dma_start3A_446 = arith.constant 0 : i32
      %dma_start3A_447 = tpu.memref_slice %arg5[%dma_start3A_445, %dma_start3A_446] : memref<10240x128xf32, #tpu.memory_space<hbm>> -> memref<96x128xf32, #tpu.memory_space<hbm>>
      %dma_start3A_448 = arith.constant 0 : i32
      %dma_start3A_449 = arith.constant 0 : i32
      %dma_start3A_450 = tpu.memref_slice %arg5[%dma_start3A_448, %dma_start3A_449] : memref<10240x128xf32, #tpu.memory_space<hbm>> -> memref<96x128xf32, #tpu.memory_space<hbm>>
      tpu.enqueue_dma source(%dma_start3A_450 : memref<96x128xf32, #tpu.memory_space<hbm>>) target(%arg11 : memref<96x128xf32, #tpu.memory_space<vmem>>) target_semaphore(%run_scoped3A_444 : memref<!tpu.dma_semaphore, #tpu.memory_space<semaphore_mem>>)
      %dma_wait3A_451 = arith.constant 0 : i32
      %dma_wait3A_452 = arith.constant 0 : i32
      %dma_wait3A_453 = tpu.memref_slice %arg5[%dma_wait3A_451, %dma_wait3A_452] : memref<10240x128xf32, #tpu.memory_space<hbm>> -> memref<96x128xf32, #tpu.memory_space<hbm>>
      %dma_wait3A_454 = arith.constant 0 : i32
      %dma_wait3A_455 = arith.constant 0 : i32
      %dma_wait3A_456 = tpu.memref_slice %arg5[%dma_wait3A_454, %dma_wait3A_455] : memref<10240x128xf32, #tpu.memory_space<hbm>> -> memref<96x128xf32, #tpu.memory_space<hbm>>
      tpu.wait_dma2 semaphore(%run_scoped3A_444 : memref<!tpu.dma_semaphore, #tpu.memory_space<semaphore_mem>>) src(%dma_wait3A_456 : memref<96x128xf32, #tpu.memory_space<hbm>>) dst(%arg11 : memref<96x128xf32, #tpu.memory_space<vmem>>)
      tpu.yield
    }) : () -> ()
    %barrier3A = arith.constant 0 : index
    tpu.barrier barrier_id(%barrier3A)
    %dma_start3A = arith.constant 0 : i32
    %dma_start3A_6 = arith.constant 0 : i32
    %dma_start3A_7 = arith.constant 0 : i32
    %dma_start3A_8 = tpu.memref_slice %arg7[%dma_start3A, %dma_start3A_6, %dma_start3A_7] : memref<2x15x96xi32, #tpu.memory_space<vmem>> -> memref<1x1x96xi32, #tpu.memory_space<vmem>>
    %dma_start3A_9 = tpu.memref_squeeze %dma_start3A_8 : memref<1x1x96xi32, #tpu.memory_space<vmem>> -> memref<96xi32, #tpu.memory_space<vmem>>
    %dma_start3A_10 = arith.constant 0 : i32
    %dma_start3A_11 = arith.constant 0 : i32
    %dma_start3A_12 = tpu.memref_slice %arg2[%dma_start3A_10, %dma_start3A_11] : memref<10240x128xf32, #tpu.memory_space<hbm>> -> memref<10240x128xf32, #tpu.memory_space<hbm>>
    tpu.enqueue_indirect_dma source(%dma_start3A_12 : memref<10240x128xf32, #tpu.memory_space<hbm>>) target(%arg9 : memref<96x128xf32, #tpu.memory_space<vmem>>) offsets(%dma_start3A_9 : memref<96xi32, #tpu.memory_space<vmem>>) semaphore(%arg13 : memref<!tpu.dma_semaphore, #tpu.memory_space<semaphore_mem>>)
    %dma_start3A_13 = arith.constant 0 : i32
    %dma_start3A_14 = arith.constant 1 : i32
    %dma_start3A_15 = arith.constant 0 : i32
    %dma_start3A_16 = tpu.memref_slice %arg7[%dma_start3A_13, %dma_start3A_14, %dma_start3A_15] : memref<2x15x96xi32, #tpu.memory_space<vmem>> -> memref<1x1x96xi32, #tpu.memory_space<vmem>>
    %dma_start3A_17 = tpu.memref_squeeze %dma_start3A_16 : memref<1x1x96xi32, #tpu.memory_space<vmem>> -> memref<96xi32, #tpu.memory_space<vmem>>
    %dma_start3A_18 = arith.constant 0 : i32
    %dma_start3A_19 = arith.constant 0 : i32
    %dma_start3A_20 = tpu.memref_slice %arg2[%dma_start3A_18, %dma_start3A_19] : memref<10240x128xf32, #tpu.memory_space<hbm>> -> memref<10240x128xf32, #tpu.memory_space<hbm>>
    tpu.enqueue_indirect_dma source(%dma_start3A_20 : memref<10240x128xf32, #tpu.memory_space<hbm>>) target(%arg10 : memref<96x128xf32, #tpu.memory_space<vmem>>) offsets(%dma_start3A_17 : memref<96xi32, #tpu.memory_space<vmem>>) semaphore(%arg13 : memref<!tpu.dma_semaphore, #tpu.memory_space<semaphore_mem>>)
    %dma_start3A_21 = arith.constant 0 : i32
    %dma_start3A_22 = arith.constant 0 : i32
    %dma_start3A_23 = arith.constant 0 : i32
    %dma_start3A_24 = tpu.memref_slice %arg8[%dma_start3A_21, %dma_start3A_22, %dma_start3A_23] : memref<2x15x96xi32, #tpu.memory_space<vmem>> -> memref<1x1x96xi32, #tpu.memory_space<vmem>>
    %dma_start3A_25 = tpu.memref_squeeze %dma_start3A_24 : memref<1x1x96xi32, #tpu.memory_space<vmem>> -> memref<96xi32, #tpu.memory_space<vmem>>
    %dma_start3A_26 = arith.constant 0 : i32
    %dma_start3A_27 = arith.constant 0 : i32
    %dma_start3A_28 = tpu.memref_slice %arg12[%dma_start3A_26, %dma_start3A_27] : memref<10240x128xf32, #tpu.memory_space<vmem_shared>> -> memref<10240x128xf32, #tpu.memory_space<vmem_shared>>
    tpu.enqueue_indirect_dma source(%arg11 : memref<96x128xf32, #tpu.memory_space<vmem>>) target(%dma_start3A_28 : memref<10240x128xf32, #tpu.memory_space<vmem_shared>>) offsets(%dma_start3A_25 : memref<96xi32, #tpu.memory_space<vmem>>) semaphore(%arg14 : memref<!tpu.dma_semaphore, #tpu.memory_space<semaphore_mem>>) {add = true}
    %scan3A = arith.constant 0 : i32
    %scan3A_29 = arith.constant 0 : i32
    %scan3A_30 = arith.constant 6 : i32
    %scan3A_31 = arith.addi %scan3A_29, %scan3A_30 : i32
    %scan3A_32 = arith.constant 1 : i32
    scf.for %scan3A_444 = %scan3A_29 to %scan3A_31 step %scan3A_32  : i32 {
      %rem3A = arith.constant 2 : i32
      %rem3A_445 = arith.remsi %scan3A_444, %rem3A : i32
      %sub3A = arith.constant 1 : i32
      %sub3A_446 = arith.subi %sub3A, %rem3A_445 : i32
      %add3A_447 = arith.constant 1 : i32
      %add3A_448 = arith.addi %scan3A_444, %add3A_447 : i32
      %dma_start3A_449 = arith.constant 0 : i32
      %dma_start3A_450 = arith.constant 0 : i32
      %dma_start3A_451 = tpu.memref_slice %arg7[%sub3A_446, %dma_start3A_449, %dma_start3A_450] : memref<2x15x96xi32, #tpu.memory_space<vmem>> -> memref<1x15x96xi32, #tpu.memory_space<vmem>>
      %dma_start3A_452 = tpu.memref_squeeze %dma_start3A_451 : memref<1x15x96xi32, #tpu.memory_space<vmem>> -> memref<15x96xi32, #tpu.memory_space<vmem>>
      %dma_start3A_453 = arith.constant 0 : i32
      %dma_start3A_454 = arith.constant 0 : i32
      %dma_start3A_455 = tpu.memref_slice %arg3[%add3A, %add3A_448, %dma_start3A_453, %dma_start3A_454] : memref<32x7x15x96xi32, #tpu.memory_space<hbm>> -> memref<1x1x15x96xi32, #tpu.memory_space<hbm>>
      %dma_start3A_456 = tpu.memref_squeeze %dma_start3A_455 : memref<1x1x15x96xi32, #tpu.memory_space<hbm>> -> memref<15x96xi32, #tpu.memory_space<hbm>>
      %dma_start3A_457 = arith.constant 0 : i32
      %dma_start3A_458 = arith.constant 0 : i32
      %dma_start3A_459 = tpu.memref_slice %arg7[%sub3A_446, %dma_start3A_457, %dma_start3A_458] : memref<2x15x96xi32, #tpu.memory_space<vmem>> -> memref<1x15x96xi32, #tpu.memory_space<vmem>>
      %dma_start3A_460 = tpu.memref_squeeze %dma_start3A_459 : memref<1x15x96xi32, #tpu.memory_space<vmem>> -> memref<15x96xi32, #tpu.memory_space<vmem>>
      %dma_start3A_461 = arith.constant 0 : i32
      %dma_start3A_462 = arith.constant 0 : i32
      %dma_start3A_463 = tpu.memref_slice %arg3[%add3A, %add3A_448, %dma_start3A_461, %dma_start3A_462] : memref<32x7x15x96xi32, #tpu.memory_space<hbm>> -> memref<1x1x15x96xi32, #tpu.memory_space<hbm>>
      %dma_start3A_464 = tpu.memref_squeeze %dma_start3A_463 : memref<1x1x15x96xi32, #tpu.memory_space<hbm>> -> memref<15x96xi32, #tpu.memory_space<hbm>>
      tpu.enqueue_dma source(%dma_start3A_464 : memref<15x96xi32, #tpu.memory_space<hbm>>) target(%dma_start3A_460 : memref<15x96xi32, #tpu.memory_space<vmem>>) target_semaphore(%arg15 : memref<!tpu.dma_semaphore, #tpu.memory_space<semaphore_mem>>)
      %add3A_465 = arith.constant 1 : i32
      %add3A_466 = arith.addi %scan3A_444, %add3A_465 : i32
      %dma_start3A_467 = arith.constant 0 : i32
      %dma_start3A_468 = arith.constant 0 : i32
      %dma_start3A_469 = tpu.memref_slice %arg8[%sub3A_446, %dma_start3A_467, %dma_start3A_468] : memref<2x15x96xi32, #tpu.memory_space<vmem>> -> memref<1x15x96xi32, #tpu.memory_space<vmem>>
      %dma_start3A_470 = tpu.memref_squeeze %dma_start3A_469 : memref<1x15x96xi32, #tpu.memory_space<vmem>> -> memref<15x96xi32, #tpu.memory_space<vmem>>
      %dma_start3A_471 = arith.constant 0 : i32
      %dma_start3A_472 = arith.constant 0 : i32
      %dma_start3A_473 = tpu.memref_slice %arg4[%add3A, %add3A_466, %dma_start3A_471, %dma_start3A_472] : memref<32x7x15x96xi32, #tpu.memory_space<hbm>> -> memref<1x1x15x96xi32, #tpu.memory_space<hbm>>
      %dma_start3A_474 = tpu.memref_squeeze %dma_start3A_473 : memref<1x1x15x96xi32, #tpu.memory_space<hbm>> -> memref<15x96xi32, #tpu.memory_space<hbm>>
      %dma_start3A_475 = arith.constant 0 : i32
      %dma_start3A_476 = arith.constant 0 : i32
      %dma_start3A_477 = tpu.memref_slice %arg8[%sub3A_446, %dma_start3A_475, %dma_start3A_476] : memref<2x15x96xi32, #tpu.memory_space<vmem>> -> memref<1x15x96xi32, #tpu.memory_space<vmem>>
      %dma_start3A_478 = tpu.memref_squeeze %dma_start3A_477 : memref<1x15x96xi32, #tpu.memory_space<vmem>> -> memref<15x96xi32, #tpu.memory_space<vmem>>
      %dma_start3A_479 = arith.constant 0 : i32
      %dma_start3A_480 = arith.constant 0 : i32
      %dma_start3A_481 = tpu.memref_slice %arg4[%add3A, %add3A_466, %dma_start3A_479, %dma_start3A_480] : memref<32x7x15x96xi32, #tpu.memory_space<hbm>> -> memref<1x1x15x96xi32, #tpu.memory_space<hbm>>
      %dma_start3A_482 = tpu.memref_squeeze %dma_start3A_481 : memref<1x1x15x96xi32, #tpu.memory_space<hbm>> -> memref<15x96xi32, #tpu.memory_space<hbm>>
      tpu.enqueue_dma source(%dma_start3A_482 : memref<15x96xi32, #tpu.memory_space<hbm>>) target(%dma_start3A_478 : memref<15x96xi32, #tpu.memory_space<vmem>>) target_semaphore(%arg15 : memref<!tpu.dma_semaphore, #tpu.memory_space<semaphore_mem>>)
      %dma_wait3A_483 = arith.constant 0 : i32
      %dma_wait3A_484 = arith.constant 0 : i32
      %dma_wait3A_485 = tpu.memref_slice %arg2[%dma_wait3A_483, %dma_wait3A_484] : memref<10240x128xf32, #tpu.memory_space<hbm>> -> memref<96x128xf32, #tpu.memory_space<hbm>>
      %dma_wait3A_486 = arith.constant 0 : i32
      %dma_wait3A_487 = arith.constant 0 : i32
      %dma_wait3A_488 = tpu.memref_slice %arg2[%dma_wait3A_486, %dma_wait3A_487] : memref<10240x128xf32, #tpu.memory_space<hbm>> -> memref<96x128xf32, #tpu.memory_space<hbm>>
      tpu.wait_dma2 semaphore(%arg13 : memref<!tpu.dma_semaphore, #tpu.memory_space<semaphore_mem>>) src(%dma_wait3A_488 : memref<96x128xf32, #tpu.memory_space<hbm>>) dst(%arg9 : memref<96x128xf32, #tpu.memory_space<vmem>>)
      %dma_wait3A_489 = arith.constant 0 : i32
      %dma_wait3A_490 = arith.constant 0 : i32
      %dma_wait3A_491 = tpu.memref_slice %arg2[%dma_wait3A_489, %dma_wait3A_490] : memref<10240x128xf32, #tpu.memory_space<hbm>> -> memref<96x128xf32, #tpu.memory_space<hbm>>
      %dma_wait3A_492 = arith.constant 0 : i32
      %dma_wait3A_493 = arith.constant 0 : i32
      %dma_wait3A_494 = tpu.memref_slice %arg2[%dma_wait3A_492, %dma_wait3A_493] : memref<10240x128xf32, #tpu.memory_space<hbm>> -> memref<96x128xf32, #tpu.memory_space<hbm>>
      tpu.wait_dma2 semaphore(%arg14 : memref<!tpu.dma_semaphore, #tpu.memory_space<semaphore_mem>>) src(%dma_wait3A_494 : memref<96x128xf32, #tpu.memory_space<hbm>>) dst(%arg11 : memref<96x128xf32, #tpu.memory_space<vmem>>)
      %dma_start3A_495 = arith.constant 2 : i32
      %dma_start3A_496 = arith.constant 0 : i32
      %dma_start3A_497 = tpu.memref_slice %arg7[%rem3A_445, %dma_start3A_495, %dma_start3A_496] : memref<2x15x96xi32, #tpu.memory_space<vmem>> -> memref<1x1x96xi32, #tpu.memory_space<vmem>>
      %dma_start3A_498 = tpu.memref_squeeze %dma_start3A_497 : memref<1x1x96xi32, #tpu.memory_space<vmem>> -> memref<96xi32, #tpu.memory_space<vmem>>
      %dma_start3A_499 = arith.constant 0 : i32
      %dma_start3A_500 = arith.constant 0 : i32
      %dma_start3A_501 = tpu.memref_slice %arg2[%dma_start3A_499, %dma_start3A_500] : memref<10240x128xf32, #tpu.memory_space<hbm>> -> memref<10240x128xf32, #tpu.memory_space<hbm>>
      tpu.enqueue_indirect_dma source(%dma_start3A_501 : memref<10240x128xf32, #tpu.memory_space<hbm>>) target(%arg11 : memref<96x128xf32, #tpu.memory_space<vmem>>) offsets(%dma_start3A_498 : memref<96xi32, #tpu.memory_space<vmem>>) semaphore(%arg13 : memref<!tpu.dma_semaphore, #tpu.memory_space<semaphore_mem>>)
      %dma_start3A_502 = arith.constant 0 : i32
      %dma_start3A_503 = arith.constant 0 : i32
      %dma_start3A_504 = tpu.memref_slice %arg8[%rem3A_445, %dma_start3A_502, %dma_start3A_503] : memref<2x15x96xi32, #tpu.memory_space<vmem>> -> memref<1x1x96xi32, #tpu.memory_space<vmem>>
      %dma_start3A_505 = tpu.memref_squeeze %dma_start3A_504 : memref<1x1x96xi32, #tpu.memory_space<vmem>> -> memref<96xi32, #tpu.memory_space<vmem>>
      %dma_start3A_506 = arith.constant 0 : i32
      %dma_start3A_507 = arith.constant 0 : i32
      %dma_start3A_508 = tpu.memref_slice %arg12[%dma_start3A_506, %dma_start3A_507] : memref<10240x128xf32, #tpu.memory_space<vmem_shared>> -> memref<10240x128xf32, #tpu.memory_space<vmem_shared>>
      tpu.enqueue_indirect_dma source(%arg9 : memref<96x128xf32, #tpu.memory_space<vmem>>) target(%dma_start3A_508 : memref<10240x128xf32, #tpu.memory_space<vmem_shared>>) offsets(%dma_start3A_505 : memref<96xi32, #tpu.memory_space<vmem>>) semaphore(%arg14 : memref<!tpu.dma_semaphore, #tpu.memory_space<semaphore_mem>>) {add = true}
      %dma_wait3A_509 = arith.constant 0 : i32
      %dma_wait3A_510 = arith.constant 0 : i32
      %dma_wait3A_511 = tpu.memref_slice %arg2[%dma_wait3A_509, %dma_wait3A_510] : memref<10240x128xf32, #tpu.memory_space<hbm>> -> memref<96x128xf32, #tpu.memory_space<hbm>>
      %dma_wait3A_512 = arith.constant 0 : i32
      %dma_wait3A_513 = arith.constant 0 : i32
      %dma_wait3A_514 = tpu.memref_slice %arg2[%dma_wait3A_512, %dma_wait3A_513] : memref<10240x128xf32, #tpu.memory_space<hbm>> -> memref<96x128xf32, #tpu.memory_space<hbm>>
      tpu.wait_dma2 semaphore(%arg13 : memref<!tpu.dma_semaphore, #tpu.memory_space<semaphore_mem>>) src(%dma_wait3A_514 : memref<96x128xf32, #tpu.memory_space<hbm>>) dst(%arg10 : memref<96x128xf32, #tpu.memory_space<vmem>>)
      %dma_wait3A_515 = arith.constant 0 : i32
      %dma_wait3A_516 = arith.constant 0 : i32
      %dma_wait3A_517 = tpu.memref_slice %arg2[%dma_wait3A_515, %dma_wait3A_516] : memref<10240x128xf32, #tpu.memory_space<hbm>> -> memref<96x128xf32, #tpu.memory_space<hbm>>
      %dma_wait3A_518 = arith.constant 0 : i32
      %dma_wait3A_519 = arith.constant 0 : i32
      %dma_wait3A_520 = tpu.memref_slice %arg2[%dma_wait3A_518, %dma_wait3A_519] : memref<10240x128xf32, #tpu.memory_space<hbm>> -> memref<96x128xf32, #tpu.memory_space<hbm>>
      tpu.wait_dma2 semaphore(%arg14 : memref<!tpu.dma_semaphore, #tpu.memory_space<semaphore_mem>>) src(%dma_wait3A_520 : memref<96x128xf32, #tpu.memory_space<hbm>>) dst(%arg9 : memref<96x128xf32, #tpu.memory_space<vmem>>)
      %dma_start3A_521 = arith.constant 3 : i32
      %dma_start3A_522 = arith.constant 0 : i32
      %dma_start3A_523 = tpu.memref_slice %arg7[%rem3A_445, %dma_start3A_521, %dma_start3A_522] : memref<2x15x96xi32, #tpu.memory_space<vmem>> -> memref<1x1x96xi32, #tpu.memory_space<vmem>>
      %dma_start3A_524 = tpu.memref_squeeze %dma_start3A_523 : memref<1x1x96xi32, #tpu.memory_space<vmem>> -> memref<96xi32, #tpu.memory_space<vmem>>
      %dma_start3A_525 = arith.constant 0 : i32
      %dma_start3A_526 = arith.constant 0 : i32
      %dma_start3A_527 = tpu.memref_slice %arg2[%dma_start3A_525, %dma_start3A_526] : memref<10240x128xf32, #tpu.memory_space<hbm>> -> memref<10240x128xf32, #tpu.memory_space<hbm>>
      tpu.enqueue_indirect_dma source(%dma_start3A_527 : memref<10240x128xf32, #tpu.memory_space<hbm>>) target(%arg9 : memref<96x128xf32, #tpu.memory_space<vmem>>) offsets(%dma_start3A_524 : memref<96xi32, #tpu.memory_space<vmem>>) semaphore(%arg13 : memref<!tpu.dma_semaphore, #tpu.memory_space<semaphore_mem>>)
      %dma_start3A_528 = arith.constant 1 : i32
      %dma_start3A_529 = arith.constant 0 : i32
      %dma_start3A_530 = tpu.memref_slice %arg8[%rem3A_445, %dma_start3A_528, %dma_start3A_529] : memref<2x15x96xi32, #tpu.memory_space<vmem>> -> memref<1x1x96xi32, #tpu.memory_space<vmem>>
      %dma_start3A_531 = tpu.memref_squeeze %dma_start3A_530 : memref<1x1x96xi32, #tpu.memory_space<vmem>> -> memref<96xi32, #tpu.memory_space<vmem>>
      %dma_start3A_532 = arith.constant 0 : i32
      %dma_start3A_533 = arith.constant 0 : i32
      %dma_start3A_534 = tpu.memref_slice %arg12[%dma_start3A_532, %dma_start3A_533] : memref<10240x128xf32, #tpu.memory_space<vmem_shared>> -> memref<10240x128xf32, #tpu.memory_space<vmem_shared>>
      tpu.enqueue_indirect_dma source(%arg10 : memref<96x128xf32, #tpu.memory_space<vmem>>) target(%dma_start3A_534 : memref<10240x128xf32, #tpu.memory_space<vmem_shared>>) offsets(%dma_start3A_531 : memref<96xi32, #tpu.memory_space<vmem>>) semaphore(%arg14 : memref<!tpu.dma_semaphore, #tpu.memory_space<semaphore_mem>>) {add = true}
      %dma_wait3A_535 = arith.constant 0 : i32
      %dma_wait3A_536 = arith.constant 0 : i32
      %dma_wait3A_537 = tpu.memref_slice %arg2[%dma_wait3A_535, %dma_wait3A_536] : memref<10240x128xf32, #tpu.memory_space<hbm>> -> memref<96x128xf32, #tpu.memory_space<hbm>>
      %dma_wait3A_538 = arith.constant 0 : i32
      %dma_wait3A_539 = arith.constant 0 : i32
      %dma_wait3A_540 = tpu.memref_slice %arg2[%dma_wait3A_538, %dma_wait3A_539] : memref<10240x128xf32, #tpu.memory_space<hbm>> -> memref<96x128xf32, #tpu.memory_space<hbm>>
      tpu.wait_dma2 semaphore(%arg13 : memref<!tpu.dma_semaphore, #tpu.memory_space<semaphore_mem>>) src(%dma_wait3A_540 : memref<96x128xf32, #tpu.memory_space<hbm>>) dst(%arg11 : memref<96x128xf32, #tpu.memory_space<vmem>>)
      %dma_wait3A_541 = arith.constant 0 : i32
      %dma_wait3A_542 = arith.constant 0 : i32
      %dma_wait3A_543 = tpu.memref_slice %arg2[%dma_wait3A_541, %dma_wait3A_542] : memref<10240x128xf32, #tpu.memory_space<hbm>> -> memref<96x128xf32, #tpu.memory_space<hbm>>
      %dma_wait3A_544 = arith.constant 0 : i32
      %dma_wait3A_545 = arith.constant 0 : i32
      %dma_wait3A_546 = tpu.memref_slice %arg2[%dma_wait3A_544, %dma_wait3A_545] : memref<10240x128xf32, #tpu.memory_space<hbm>> -> memref<96x128xf32, #tpu.memory_space<hbm>>
      tpu.wait_dma2 semaphore(%arg14 : memref<!tpu.dma_semaphore, #tpu.memory_space<semaphore_mem>>) src(%dma_wait3A_546 : memref<96x128xf32, #tpu.memory_space<hbm>>) dst(%arg10 : memref<96x128xf32, #tpu.memory_space<vmem>>)
      %dma_start3A_547 = arith.constant 4 : i32
      %dma_start3A_548 = arith.constant 0 : i32
      %dma_start3A_549 = tpu.memref_slice %arg7[%rem3A_445, %dma_start3A_547, %dma_start3A_548] : memref<2x15x96xi32, #tpu.memory_space<vmem>> -> memref<1x1x96xi32, #tpu.memory_space<vmem>>
      %dma_start3A_550 = tpu.memref_squeeze %dma_start3A_549 : memref<1x1x96xi32, #tpu.memory_space<vmem>> -> memref<96xi32, #tpu.memory_space<vmem>>
      %dma_start3A_551 = arith.constant 0 : i32
      %dma_start3A_552 = arith.constant 0 : i32
      %dma_start3A_553 = tpu.memref_slice %arg2[%dma_start3A_551, %dma_start3A_552] : memref<10240x128xf32, #tpu.memory_space<hbm>> -> memref<10240x128xf32, #tpu.memory_space<hbm>>
      tpu.enqueue_indirect_dma source(%dma_start3A_553 : memref<10240x128xf32, #tpu.memory_space<hbm>>) target(%arg10 : memref<96x128xf32, #tpu.memory_space<vmem>>) offsets(%dma_start3A_550 : memref<96xi32, #tpu.memory_space<vmem>>) semaphore(%arg13 : memref<!tpu.dma_semaphore, #tpu.memory_space<semaphore_mem>>)
      %dma_start3A_554 = arith.constant 2 : i32
      %dma_start3A_555 = arith.constant 0 : i32
      %dma_start3A_556 = tpu.memref_slice %arg8[%rem3A_445, %dma_start3A_554, %dma_start3A_555] : memref<2x15x96xi32, #tpu.memory_space<vmem>> -> memref<1x1x96xi32, #tpu.memory_space<vmem>>
      %dma_start3A_557 = tpu.memref_squeeze %dma_start3A_556 : memref<1x1x96xi32, #tpu.memory_space<vmem>> -> memref<96xi32, #tpu.memory_space<vmem>>
      %dma_start3A_558 = arith.constant 0 : i32
      %dma_start3A_559 = arith.constant 0 : i32
      %dma_start3A_560 = tpu.memref_slice %arg12[%dma_start3A_558, %dma_start3A_559] : memref<10240x128xf32, #tpu.memory_space<vmem_shared>> -> memref<10240x128xf32, #tpu.memory_space<vmem_shared>>
      tpu.enqueue_indirect_dma source(%arg11 : memref<96x128xf32, #tpu.memory_space<vmem>>) target(%dma_start3A_560 : memref<10240x128xf32, #tpu.memory_space<vmem_shared>>) offsets(%dma_start3A_557 : memref<96xi32, #tpu.memory_space<vmem>>) semaphore(%arg14 : memref<!tpu.dma_semaphore, #tpu.memory_space<semaphore_mem>>) {add = true}
      %dma_wait3A_561 = arith.constant 0 : i32
      %dma_wait3A_562 = arith.constant 0 : i32
      %dma_wait3A_563 = tpu.memref_slice %arg2[%dma_wait3A_561, %dma_wait3A_562] : memref<10240x128xf32, #tpu.memory_space<hbm>> -> memref<96x128xf32, #tpu.memory_space<hbm>>
      %dma_wait3A_564 = arith.constant 0 : i32
      %dma_wait3A_565 = arith.constant 0 : i32
      %dma_wait3A_566 = tpu.memref_slice %arg2[%dma_wait3A_564, %dma_wait3A_565] : memref<10240x128xf32, #tpu.memory_space<hbm>> -> memref<96x128xf32, #tpu.memory_space<hbm>>
      tpu.wait_dma2 semaphore(%arg13 : memref<!tpu.dma_semaphore, #tpu.memory_space<semaphore_mem>>) src(%dma_wait3A_566 : memref<96x128xf32, #tpu.memory_space<hbm>>) dst(%arg9 : memref<96x128xf32, #tpu.memory_space<vmem>>)
      %dma_wait3A_567 = arith.constant 0 : i32
      %dma_wait3A_568 = arith.constant 0 : i32
      %dma_wait3A_569 = tpu.memref_slice %arg2[%dma_wait3A_567, %dma_wait3A_568] : memref<10240x128xf32, #tpu.memory_space<hbm>> -> memref<96x128xf32, #tpu.memory_space<hbm>>
      %dma_wait3A_570 = arith.constant 0 : i32
      %dma_wait3A_571 = arith.constant 0 : i32
      %dma_wait3A_572 = tpu.memref_slice %arg2[%dma_wait3A_570, %dma_wait3A_571] : memref<10240x128xf32, #tpu.memory_space<hbm>> -> memref<96x128xf32, #tpu.memory_space<hbm>>
      tpu.wait_dma2 semaphore(%arg14 : memref<!tpu.dma_semaphore, #tpu.memory_space<semaphore_mem>>) src(%dma_wait3A_572 : memref<96x128xf32, #tpu.memory_space<hbm>>) dst(%arg11 : memref<96x128xf32, #tpu.memory_space<vmem>>)
      %dma_start3A_573 = arith.constant 5 : i32
      %dma_start3A_574 = arith.constant 0 : i32
      %dma_start3A_575 = tpu.memref_slice %arg7[%rem3A_445, %dma_start3A_573, %dma_start3A_574] : memref<2x15x96xi32, #tpu.memory_space<vmem>> -> memref<1x1x96xi32, #tpu.memory_space<vmem>>
      %dma_start3A_576 = tpu.memref_squeeze %dma_start3A_575 : memref<1x1x96xi32, #tpu.memory_space<vmem>> -> memref<96xi32, #tpu.memory_space<vmem>>
      %dma_start3A_577 = arith.constant 0 : i32
      %dma_start3A_578 = arith.constant 0 : i32
      %dma_start3A_579 = tpu.memref_slice %arg2[%dma_start3A_577, %dma_start3A_578] : memref<10240x128xf32, #tpu.memory_space<hbm>> -> memref<10240x128xf32, #tpu.memory_space<hbm>>
      tpu.enqueue_indirect_dma source(%dma_start3A_579 : memref<10240x128xf32, #tpu.memory_space<hbm>>) target(%arg11 : memref<96x128xf32, #tpu.memory_space<vmem>>) offsets(%dma_start3A_576 : memref<96xi32, #tpu.memory_space<vmem>>) semaphore(%arg13 : memref<!tpu.dma_semaphore, #tpu.memory_space<semaphore_mem>>)
      %dma_start3A_580 = arith.constant 3 : i32
      %dma_start3A_581 = arith.constant 0 : i32
      %dma_start3A_582 = tpu.memref_slice %arg8[%rem3A_445, %dma_start3A_580, %dma_start3A_581] : memref<2x15x96xi32, #tpu.memory_space<vmem>> -> memref<1x1x96xi32, #tpu.memory_space<vmem>>
      %dma_start3A_583 = tpu.memref_squeeze %dma_start3A_582 : memref<1x1x96xi32, #tpu.memory_space<vmem>> -> memref<96xi32, #tpu.memory_space<vmem>>
      %dma_start3A_584 = arith.constant 0 : i32
      %dma_start3A_585 = arith.constant 0 : i32
      %dma_start3A_586 = tpu.memref_slice %arg12[%dma_start3A_584, %dma_start3A_585] : memref<10240x128xf32, #tpu.memory_space<vmem_shared>> -> memref<10240x128xf32, #tpu.memory_space<vmem_shared>>
      tpu.enqueue_indirect_dma source(%arg9 : memref<96x128xf32, #tpu.memory_space<vmem>>) target(%dma_start3A_586 : memref<10240x128xf32, #tpu.memory_space<vmem_shared>>) offsets(%dma_start3A_583 : memref<96xi32, #tpu.memory_space<vmem>>) semaphore(%arg14 : memref<!tpu.dma_semaphore, #tpu.memory_space<semaphore_mem>>) {add = true}
      %dma_wait3A_587 = arith.constant 0 : i32
      %dma_wait3A_588 = arith.constant 0 : i32
      %dma_wait3A_589 = tpu.memref_slice %arg2[%dma_wait3A_587, %dma_wait3A_588] : memref<10240x128xf32, #tpu.memory_space<hbm>> -> memref<96x128xf32, #tpu.memory_space<hbm>>
      %dma_wait3A_590 = arith.constant 0 : i32
      %dma_wait3A_591 = arith.constant 0 : i32
      %dma_wait3A_592 = tpu.memref_slice %arg2[%dma_wait3A_590, %dma_wait3A_591] : memref<10240x128xf32, #tpu.memory_space<hbm>> -> memref<96x128xf32, #tpu.memory_space<hbm>>
      tpu.wait_dma2 semaphore(%arg13 : memref<!tpu.dma_semaphore, #tpu.memory_space<semaphore_mem>>) src(%dma_wait3A_592 : memref<96x128xf32, #tpu.memory_space<hbm>>) dst(%arg10 : memref<96x128xf32, #tpu.memory_space<vmem>>)
      %dma_wait3A_593 = arith.constant 0 : i32
      %dma_wait3A_594 = arith.constant 0 : i32
      %dma_wait3A_595 = tpu.memref_slice %arg2[%dma_wait3A_593, %dma_wait3A_594] : memref<10240x128xf32, #tpu.memory_space<hbm>> -> memref<96x128xf32, #tpu.memory_space<hbm>>
      %dma_wait3A_596 = arith.constant 0 : i32
      %dma_wait3A_597 = arith.constant 0 : i32
      %dma_wait3A_598 = tpu.memref_slice %arg2[%dma_wait3A_596, %dma_wait3A_597] : memref<10240x128xf32, #tpu.memory_space<hbm>> -> memref<96x128xf32, #tpu.memory_space<hbm>>
      tpu.wait_dma2 semaphore(%arg14 : memref<!tpu.dma_semaphore, #tpu.memory_space<semaphore_mem>>) src(%dma_wait3A_598 : memref<96x128xf32, #tpu.memory_space<hbm>>) dst(%arg9 : memref<96x128xf32, #tpu.memory_space<vmem>>)
      %dma_start3A_599 = arith.constant 6 : i32
      %dma_start3A_600 = arith.constant 0 : i32
      %dma_start3A_601 = tpu.memref_slice %arg7[%rem3A_445, %dma_start3A_599, %dma_start3A_600] : memref<2x15x96xi32, #tpu.memory_space<vmem>> -> memref<1x1x96xi32, #tpu.memory_space<vmem>>
      %dma_start3A_602 = tpu.memref_squeeze %dma_start3A_601 : memref<1x1x96xi32, #tpu.memory_space<vmem>> -> memref<96xi32, #tpu.memory_space<vmem>>
      %dma_start3A_603 = arith.constant 0 : i32
      %dma_start3A_604 = arith.constant 0 : i32
      %dma_start3A_605 = tpu.memref_slice %arg2[%dma_start3A_603, %dma_start3A_604] : memref<10240x128xf32, #tpu.memory_space<hbm>> -> memref<10240x128xf32, #tpu.memory_space<hbm>>
      tpu.enqueue_indirect_dma source(%dma_start3A_605 : memref<10240x128xf32, #tpu.memory_space<hbm>>) target(%arg9 : memref<96x128xf32, #tpu.memory_space<vmem>>) offsets(%dma_start3A_602 : memref<96xi32, #tpu.memory_space<vmem>>) semaphore(%arg13 : memref<!tpu.dma_semaphore, #tpu.memory_space<semaphore_mem>>)
      %dma_start3A_606 = arith.constant 4 : i32
      %dma_start3A_607 = arith.constant 0 : i32
      %dma_start3A_608 = tpu.memref_slice %arg8[%rem3A_445, %dma_start3A_606, %dma_start3A_607] : memref<2x15x96xi32, #tpu.memory_space<vmem>> -> memref<1x1x96xi32, #tpu.memory_space<vmem>>
      %dma_start3A_609 = tpu.memref_squeeze %dma_start3A_608 : memref<1x1x96xi32, #tpu.memory_space<vmem>> -> memref<96xi32, #tpu.memory_space<vmem>>
      %dma_start3A_610 = arith.constant 0 : i32
      %dma_start3A_611 = arith.constant 0 : i32
      %dma_start3A_612 = tpu.memref_slice %arg12[%dma_start3A_610, %dma_start3A_611] : memref<10240x128xf32, #tpu.memory_space<vmem_shared>> -> memref<10240x128xf32, #tpu.memory_space<vmem_shared>>
      tpu.enqueue_indirect_dma source(%arg10 : memref<96x128xf32, #tpu.memory_space<vmem>>) target(%dma_start3A_612 : memref<10240x128xf32, #tpu.memory_space<vmem_shared>>) offsets(%dma_start3A_609 : memref<96xi32, #tpu.memory_space<vmem>>) semaphore(%arg14 : memref<!tpu.dma_semaphore, #tpu.memory_space<semaphore_mem>>) {add = true}
      %dma_wait3A_613 = arith.constant 0 : i32
      %dma_wait3A_614 = arith.constant 0 : i32
      %dma_wait3A_615 = tpu.memref_slice %arg2[%dma_wait3A_613, %dma_wait3A_614] : memref<10240x128xf32, #tpu.memory_space<hbm>> -> memref<96x128xf32, #tpu.memory_space<hbm>>
      %dma_wait3A_616 = arith.constant 0 : i32
      %dma_wait3A_617 = arith.constant 0 : i32
      %dma_wait3A_618 = tpu.memref_slice %arg2[%dma_wait3A_616, %dma_wait3A_617] : memref<10240x128xf32, #tpu.memory_space<hbm>> -> memref<96x128xf32, #tpu.memory_space<hbm>>
      tpu.wait_dma2 semaphore(%arg13 : memref<!tpu.dma_semaphore, #tpu.memory_space<semaphore_mem>>) src(%dma_wait3A_618 : memref<96x128xf32, #tpu.memory_space<hbm>>) dst(%arg11 : memref<96x128xf32, #tpu.memory_space<vmem>>)
      %dma_wait3A_619 = arith.constant 0 : i32
      %dma_wait3A_620 = arith.constant 0 : i32
      %dma_wait3A_621 = tpu.memref_slice %arg2[%dma_wait3A_619, %dma_wait3A_620] : memref<10240x128xf32, #tpu.memory_space<hbm>> -> memref<96x128xf32, #tpu.memory_space<hbm>>
      %dma_wait3A_622 = arith.constant 0 : i32
      %dma_wait3A_623 = arith.constant 0 : i32
      %dma_wait3A_624 = tpu.memref_slice %arg2[%dma_wait3A_622, %dma_wait3A_623] : memref<10240x128xf32, #tpu.memory_space<hbm>> -> memref<96x128xf32, #tpu.memory_space<hbm>>
      tpu.wait_dma2 semaphore(%arg14 : memref<!tpu.dma_semaphore, #tpu.memory_space<semaphore_mem>>) src(%dma_wait3A_624 : memref<96x128xf32, #tpu.memory_space<hbm>>) dst(%arg10 : memref<96x128xf32, #tpu.memory_space<vmem>>)
      %dma_start3A_625 = arith.constant 7 : i32
      %dma_start3A_626 = arith.constant 0 : i32
      %dma_start3A_627 = tpu.memref_slice %arg7[%rem3A_445, %dma_start3A_625, %dma_start3A_626] : memref<2x15x96xi32, #tpu.memory_space<vmem>> -> memref<1x1x96xi32, #tpu.memory_space<vmem>>
      %dma_start3A_628 = tpu.memref_squeeze %dma_start3A_627 : memref<1x1x96xi32, #tpu.memory_space<vmem>> -> memref<96xi32, #tpu.memory_space<vmem>>
      %dma_start3A_629 = arith.constant 0 : i32
      %dma_start3A_630 = arith.constant 0 : i32
      %dma_start3A_631 = tpu.memref_slice %arg2[%dma_start3A_629, %dma_start3A_630] : memref<10240x128xf32, #tpu.memory_space<hbm>> -> memref<10240x128xf32, #tpu.memory_space<hbm>>
      tpu.enqueue_indirect_dma source(%dma_start3A_631 : memref<10240x128xf32, #tpu.memory_space<hbm>>) target(%arg10 : memref<96x128xf32, #tpu.memory_space<vmem>>) offsets(%dma_start3A_628 : memref<96xi32, #tpu.memory_space<vmem>>) semaphore(%arg13 : memref<!tpu.dma_semaphore, #tpu.memory_space<semaphore_mem>>)
      %dma_start3A_632 = arith.constant 5 : i32
      %dma_start3A_633 = arith.constant 0 : i32
      %dma_start3A_634 = tpu.memref_slice %arg8[%rem3A_445, %dma_start3A_632, %dma_start3A_633] : memref<2x15x96xi32, #tpu.memory_space<vmem>> -> memref<1x1x96xi32, #tpu.memory_space<vmem>>
      %dma_start3A_635 = tpu.memref_squeeze %dma_start3A_634 : memref<1x1x96xi32, #tpu.memory_space<vmem>> -> memref<96xi32, #tpu.memory_space<vmem>>
      %dma_start3A_636 = arith.constant 0 : i32
      %dma_start3A_637 = arith.constant 0 : i32
      %dma_start3A_638 = tpu.memref_slice %arg12[%dma_start3A_636, %dma_start3A_637] : memref<10240x128xf32, #tpu.memory_space<vmem_shared>> -> memref<10240x128xf32, #tpu.memory_space<vmem_shared>>
      tpu.enqueue_indirect_dma source(%arg11 : memref<96x128xf32, #tpu.memory_space<vmem>>) target(%dma_start3A_638 : memref<10240x128xf32, #tpu.memory_space<vmem_shared>>) offsets(%dma_start3A_635 : memref<96xi32, #tpu.memory_space<vmem>>) semaphore(%arg14 : memref<!tpu.dma_semaphore, #tpu.memory_space<semaphore_mem>>) {add = true}
      %dma_wait3A_639 = arith.constant 0 : i32
      %dma_wait3A_640 = arith.constant 0 : i32
      %dma_wait3A_641 = tpu.memref_slice %arg2[%dma_wait3A_639, %dma_wait3A_640] : memref<10240x128xf32, #tpu.memory_space<hbm>> -> memref<96x128xf32, #tpu.memory_space<hbm>>
      %dma_wait3A_642 = arith.constant 0 : i32
      %dma_wait3A_643 = arith.constant 0 : i32
      %dma_wait3A_644 = tpu.memref_slice %arg2[%dma_wait3A_642, %dma_wait3A_643] : memref<10240x128xf32, #tpu.memory_space<hbm>> -> memref<96x128xf32, #tpu.memory_space<hbm>>
      tpu.wait_dma2 semaphore(%arg13 : memref<!tpu.dma_semaphore, #tpu.memory_space<semaphore_mem>>) src(%dma_wait3A_644 : memref<96x128xf32, #tpu.memory_space<hbm>>) dst(%arg9 : memref<96x128xf32, #tpu.memory_space<vmem>>)
      %dma_wait3A_645 = arith.constant 0 : i32
      %dma_wait3A_646 = arith.constant 0 : i32
      %dma_wait3A_647 = tpu.memref_slice %arg2[%dma_wait3A_645, %dma_wait3A_646] : memref<10240x128xf32, #tpu.memory_space<hbm>> -> memref<96x128xf32, #tpu.memory_space<hbm>>
      %dma_wait3A_648 = arith.constant 0 : i32
      %dma_wait3A_649 = arith.constant 0 : i32
      %dma_wait3A_650 = tpu.memref_slice %arg2[%dma_wait3A_648, %dma_wait3A_649] : memref<10240x128xf32, #tpu.memory_space<hbm>> -> memref<96x128xf32, #tpu.memory_space<hbm>>
      tpu.wait_dma2 semaphore(%arg14 : memref<!tpu.dma_semaphore, #tpu.memory_space<semaphore_mem>>) src(%dma_wait3A_650 : memref<96x128xf32, #tpu.memory_space<hbm>>) dst(%arg11 : memref<96x128xf32, #tpu.memory_space<vmem>>)
      %dma_start3A_651 = arith.constant 8 : i32
      %dma_start3A_652 = arith.constant 0 : i32
      %dma_start3A_653 = tpu.memref_slice %arg7[%rem3A_445, %dma_start3A_651, %dma_start3A_652] : memref<2x15x96xi32, #tpu.memory_space<vmem>> -> memref<1x1x96xi32, #tpu.memory_space<vmem>>
      %dma_start3A_654 = tpu.memref_squeeze %dma_start3A_653 : memref<1x1x96xi32, #tpu.memory_space<vmem>> -> memref<96xi32, #tpu.memory_space<vmem>>
      %dma_start3A_655 = arith.constant 0 : i32
      %dma_start3A_656 = arith.constant 0 : i32
      %dma_start3A_657 = tpu.memref_slice %arg2[%dma_start3A_655, %dma_start3A_656] : memref<10240x128xf32, #tpu.memory_space<hbm>> -> memref<10240x128xf32, #tpu.memory_space<hbm>>
      tpu.enqueue_indirect_dma source(%dma_start3A_657 : memref<10240x128xf32, #tpu.memory_space<hbm>>) target(%arg11 : memref<96x128xf32, #tpu.memory_space<vmem>>) offsets(%dma_start3A_654 : memref<96xi32, #tpu.memory_space<vmem>>) semaphore(%arg13 : memref<!tpu.dma_semaphore, #tpu.memory_space<semaphore_mem>>)
      %dma_start3A_658 = arith.constant 6 : i32
      %dma_start3A_659 = arith.constant 0 : i32
      %dma_start3A_660 = tpu.memref_slice %arg8[%rem3A_445, %dma_start3A_658, %dma_start3A_659] : memref<2x15x96xi32, #tpu.memory_space<vmem>> -> memref<1x1x96xi32, #tpu.memory_space<vmem>>
      %dma_start3A_661 = tpu.memref_squeeze %dma_start3A_660 : memref<1x1x96xi32, #tpu.memory_space<vmem>> -> memref<96xi32, #tpu.memory_space<vmem>>
      %dma_start3A_662 = arith.constant 0 : i32
      %dma_start3A_663 = arith.constant 0 : i32
      %dma_start3A_664 = tpu.memref_slice %arg12[%dma_start3A_662, %dma_start3A_663] : memref<10240x128xf32, #tpu.memory_space<vmem_shared>> -> memref<10240x128xf32, #tpu.memory_space<vmem_shared>>
      tpu.enqueue_indirect_dma source(%arg9 : memref<96x128xf32, #tpu.memory_space<vmem>>) target(%dma_start3A_664 : memref<10240x128xf32, #tpu.memory_space<vmem_shared>>) offsets(%dma_start3A_661 : memref<96xi32, #tpu.memory_space<vmem>>) semaphore(%arg14 : memref<!tpu.dma_semaphore, #tpu.memory_space<semaphore_mem>>) {add = true}
      %dma_wait3A_665 = arith.constant 0 : i32
      %dma_wait3A_666 = arith.constant 0 : i32
      %dma_wait3A_667 = tpu.memref_slice %arg2[%dma_wait3A_665, %dma_wait3A_666] : memref<10240x128xf32, #tpu.memory_space<hbm>> -> memref<96x128xf32, #tpu.memory_space<hbm>>
      %dma_wait3A_668 = arith.constant 0 : i32
      %dma_wait3A_669 = arith.constant 0 : i32
      %dma_wait3A_670 = tpu.memref_slice %arg2[%dma_wait3A_668, %dma_wait3A_669] : memref<10240x128xf32, #tpu.memory_space<hbm>> -> memref<96x128xf32, #tpu.memory_space<hbm>>
      tpu.wait_dma2 semaphore(%arg13 : memref<!tpu.dma_semaphore, #tpu.memory_space<semaphore_mem>>) src(%dma_wait3A_670 : memref<96x128xf32, #tpu.memory_space<hbm>>) dst(%arg10 : memref<96x128xf32, #tpu.memory_space<vmem>>)
      %dma_wait3A_671 = arith.constant 0 : i32
      %dma_wait3A_672 = arith.constant 0 : i32
      %dma_wait3A_673 = tpu.memref_slice %arg2[%dma_wait3A_671, %dma_wait3A_672] : memref<10240x128xf32, #tpu.memory_space<hbm>> -> memref<96x128xf32, #tpu.memory_space<hbm>>
      %dma_wait3A_674 = arith.constant 0 : i32
      %dma_wait3A_675 = arith.constant 0 : i32
      %dma_wait3A_676 = tpu.memref_slice %arg2[%dma_wait3A_674, %dma_wait3A_675] : memref<10240x128xf32, #tpu.memory_space<hbm>> -> memref<96x128xf32, #tpu.memory_space<hbm>>
      tpu.wait_dma2 semaphore(%arg14 : memref<!tpu.dma_semaphore, #tpu.memory_space<semaphore_mem>>) src(%dma_wait3A_676 : memref<96x128xf32, #tpu.memory_space<hbm>>) dst(%arg9 : memref<96x128xf32, #tpu.memory_space<vmem>>)
      %dma_start3A_677 = arith.constant 9 : i32
      %dma_start3A_678 = arith.constant 0 : i32
      %dma_start3A_679 = tpu.memref_slice %arg7[%rem3A_445, %dma_start3A_677, %dma_start3A_678] : memref<2x15x96xi32, #tpu.memory_space<vmem>> -> memref<1x1x96xi32, #tpu.memory_space<vmem>>
      %dma_start3A_680 = tpu.memref_squeeze %dma_start3A_679 : memref<1x1x96xi32, #tpu.memory_space<vmem>> -> memref<96xi32, #tpu.memory_space<vmem>>
      %dma_start3A_681 = arith.constant 0 : i32
      %dma_start3A_682 = arith.constant 0 : i32
      %dma_start3A_683 = tpu.memref_slice %arg2[%dma_start3A_681, %dma_start3A_682] : memref<10240x128xf32, #tpu.memory_space<hbm>> -> memref<10240x128xf32, #tpu.memory_space<hbm>>
      tpu.enqueue_indirect_dma source(%dma_start3A_683 : memref<10240x128xf32, #tpu.memory_space<hbm>>) target(%arg9 : memref<96x128xf32, #tpu.memory_space<vmem>>) offsets(%dma_start3A_680 : memref<96xi32, #tpu.memory_space<vmem>>) semaphore(%arg13 : memref<!tpu.dma_semaphore, #tpu.memory_space<semaphore_mem>>)
      %dma_start3A_684 = arith.constant 7 : i32
      %dma_start3A_685 = arith.constant 0 : i32
      %dma_start3A_686 = tpu.memref_slice %arg8[%rem3A_445, %dma_start3A_684, %dma_start3A_685] : memref<2x15x96xi32, #tpu.memory_space<vmem>> -> memref<1x1x96xi32, #tpu.memory_space<vmem>>
      %dma_start3A_687 = tpu.memref_squeeze %dma_start3A_686 : memref<1x1x96xi32, #tpu.memory_space<vmem>> -> memref<96xi32, #tpu.memory_space<vmem>>
      %dma_start3A_688 = arith.constant 0 : i32
      %dma_start3A_689 = arith.constant 0 : i32
      %dma_start3A_690 = tpu.memref_slice %arg12[%dma_start3A_688, %dma_start3A_689] : memref<10240x128xf32, #tpu.memory_space<vmem_shared>> -> memref<10240x128xf32, #tpu.memory_space<vmem_shared>>
      tpu.enqueue_indirect_dma source(%arg10 : memref<96x128xf32, #tpu.memory_space<vmem>>) target(%dma_start3A_690 : memref<10240x128xf32, #tpu.memory_space<vmem_shared>>) offsets(%dma_start3A_687 : memref<96xi32, #tpu.memory_space<vmem>>) semaphore(%arg14 : memref<!tpu.dma_semaphore, #tpu.memory_space<semaphore_mem>>) {add = true}
      %dma_wait3A_691 = arith.constant 0 : i32
      %dma_wait3A_692 = arith.constant 0 : i32
      %dma_wait3A_693 = tpu.memref_slice %arg2[%dma_wait3A_691, %dma_wait3A_692] : memref<10240x128xf32, #tpu.memory_space<hbm>> -> memref<96x128xf32, #tpu.memory_space<hbm>>
      %dma_wait3A_694 = arith.constant 0 : i32
      %dma_wait3A_695 = arith.constant 0 : i32
      %dma_wait3A_696 = tpu.memref_slice %arg2[%dma_wait3A_694, %dma_wait3A_695] : memref<10240x128xf32, #tpu.memory_space<hbm>> -> memref<96x128xf32, #tpu.memory_space<hbm>>
      tpu.wait_dma2 semaphore(%arg13 : memref<!tpu.dma_semaphore, #tpu.memory_space<semaphore_mem>>) src(%dma_wait3A_696 : memref<96x128xf32, #tpu.memory_space<hbm>>) dst(%arg11 : memref<96x128xf32, #tpu.memory_space<vmem>>)
      %dma_wait3A_697 = arith.constant 0 : i32
      %dma_wait3A_698 = arith.constant 0 : i32
      %dma_wait3A_699 = tpu.memref_slice %arg2[%dma_wait3A_697, %dma_wait3A_698] : memref<10240x128xf32, #tpu.memory_space<hbm>> -> memref<96x128xf32, #tpu.memory_space<hbm>>
      %dma_wait3A_700 = arith.constant 0 : i32
      %dma_wait3A_701 = arith.constant 0 : i32
      %dma_wait3A_702 = tpu.memref_slice %arg2[%dma_wait3A_700, %dma_wait3A_701] : memref<10240x128xf32, #tpu.memory_space<hbm>> -> memref<96x128xf32, #tpu.memory_space<hbm>>
      tpu.wait_dma2 semaphore(%arg14 : memref<!tpu.dma_semaphore, #tpu.memory_space<semaphore_mem>>) src(%dma_wait3A_702 : memref<96x128xf32, #tpu.memory_space<hbm>>) dst(%arg10 : memref<96x128xf32, #tpu.memory_space<vmem>>)
      %dma_start3A_703 = arith.constant 10 : i32
      %dma_start3A_704 = arith.constant 0 : i32
      %dma_start3A_705 = tpu.memref_slice %arg7[%rem3A_445, %dma_start3A_703, %dma_start3A_704] : memref<2x15x96xi32, #tpu.memory_space<vmem>> -> memref<1x1x96xi32, #tpu.memory_space<vmem>>
      %dma_start3A_706 = tpu.memref_squeeze %dma_start3A_705 : memref<1x1x96xi32, #tpu.memory_space<vmem>> -> memref<96xi32, #tpu.memory_space<vmem>>
      %dma_start3A_707 = arith.constant 0 : i32
      %dma_start3A_708 = arith.constant 0 : i32
      %dma_start3A_709 = tpu.memref_slice %arg2[%dma_start3A_707, %dma_start3A_708] : memref<10240x128xf32, #tpu.memory_space<hbm>> -> memref<10240x128xf32, #tpu.memory_space<hbm>>
      tpu.enqueue_indirect_dma source(%dma_start3A_709 : memref<10240x128xf32, #tpu.memory_space<hbm>>) target(%arg10 : memref<96x128xf32, #tpu.memory_space<vmem>>) offsets(%dma_start3A_706 : memref<96xi32, #tpu.memory_space<vmem>>) semaphore(%arg13 : memref<!tpu.dma_semaphore, #tpu.memory_space<semaphore_mem>>)
      %dma_start3A_710 = arith.constant 8 : i32
      %dma_start3A_711 = arith.constant 0 : i32
      %dma_start3A_712 = tpu.memref_slice %arg8[%rem3A_445, %dma_start3A_710, %dma_start3A_711] : memref<2x15x96xi32, #tpu.memory_space<vmem>> -> memref<1x1x96xi32, #tpu.memory_space<vmem>>
      %dma_start3A_713 = tpu.memref_squeeze %dma_start3A_712 : memref<1x1x96xi32, #tpu.memory_space<vmem>> -> memref<96xi32, #tpu.memory_space<vmem>>
      %dma_start3A_714 = arith.constant 0 : i32
      %dma_start3A_715 = arith.constant 0 : i32
      %dma_start3A_716 = tpu.memref_slice %arg12[%dma_start3A_714, %dma_start3A_715] : memref<10240x128xf32, #tpu.memory_space<vmem_shared>> -> memref<10240x128xf32, #tpu.memory_space<vmem_shared>>
      tpu.enqueue_indirect_dma source(%arg11 : memref<96x128xf32, #tpu.memory_space<vmem>>) target(%dma_start3A_716 : memref<10240x128xf32, #tpu.memory_space<vmem_shared>>) offsets(%dma_start3A_713 : memref<96xi32, #tpu.memory_space<vmem>>) semaphore(%arg14 : memref<!tpu.dma_semaphore, #tpu.memory_space<semaphore_mem>>) {add = true}
      %dma_wait3A_717 = arith.constant 0 : i32
      %dma_wait3A_718 = arith.constant 0 : i32
      %dma_wait3A_719 = tpu.memref_slice %arg2[%dma_wait3A_717, %dma_wait3A_718] : memref<10240x128xf32, #tpu.memory_space<hbm>> -> memref<96x128xf32, #tpu.memory_space<hbm>>
      %dma_wait3A_720 = arith.constant 0 : i32
      %dma_wait3A_721 = arith.constant 0 : i32
      %dma_wait3A_722 = tpu.memref_slice %arg2[%dma_wait3A_720, %dma_wait3A_721] : memref<10240x128xf32, #tpu.memory_space<hbm>> -> memref<96x128xf32, #tpu.memory_space<hbm>>
      tpu.wait_dma2 semaphore(%arg13 : memref<!tpu.dma_semaphore, #tpu.memory_space<semaphore_mem>>) src(%dma_wait3A_722 : memref<96x128xf32, #tpu.memory_space<hbm>>) dst(%arg9 : memref<96x128xf32, #tpu.memory_space<vmem>>)
      %dma_wait3A_723 = arith.constant 0 : i32
      %dma_wait3A_724 = arith.constant 0 : i32
      %dma_wait3A_725 = tpu.memref_slice %arg2[%dma_wait3A_723, %dma_wait3A_724] : memref<10240x128xf32, #tpu.memory_space<hbm>> -> memref<96x128xf32, #tpu.memory_space<hbm>>
      %dma_wait3A_726 = arith.constant 0 : i32
      %dma_wait3A_727 = arith.constant 0 : i32
      %dma_wait3A_728 = tpu.memref_slice %arg2[%dma_wait3A_726, %dma_wait3A_727] : memref<10240x128xf32, #tpu.memory_space<hbm>> -> memref<96x128xf32, #tpu.memory_space<hbm>>
      tpu.wait_dma2 semaphore(%arg14 : memref<!tpu.dma_semaphore, #tpu.memory_space<semaphore_mem>>) src(%dma_wait3A_728 : memref<96x128xf32, #tpu.memory_space<hbm>>) dst(%arg11 : memref<96x128xf32, #tpu.memory_space<vmem>>)
      %dma_start3A_729 = arith.constant 11 : i32
      %dma_start3A_730 = arith.constant 0 : i32
      %dma_start3A_731 = tpu.memref_slice %arg7[%rem3A_445, %dma_start3A_729, %dma_start3A_730] : memref<2x15x96xi32, #tpu.memory_space<vmem>> -> memref<1x1x96xi32, #tpu.memory_space<vmem>>
      %dma_start3A_732 = tpu.memref_squeeze %dma_start3A_731 : memref<1x1x96xi32, #tpu.memory_space<vmem>> -> memref<96xi32, #tpu.memory_space<vmem>>
      %dma_start3A_733 = arith.constant 0 : i32
      %dma_start3A_734 = arith.constant 0 : i32
      %dma_start3A_735 = tpu.memref_slice %arg2[%dma_start3A_733, %dma_start3A_734] : memref<10240x128xf32, #tpu.memory_space<hbm>> -> memref<10240x128xf32, #tpu.memory_space<hbm>>
      tpu.enqueue_indirect_dma source(%dma_start3A_735 : memref<10240x128xf32, #tpu.memory_space<hbm>>) target(%arg11 : memref<96x128xf32, #tpu.memory_space<vmem>>) offsets(%dma_start3A_732 : memref<96xi32, #tpu.memory_space<vmem>>) semaphore(%arg13 : memref<!tpu.dma_semaphore, #tpu.memory_space<semaphore_mem>>)
      %dma_start3A_736 = arith.constant 9 : i32
      %dma_start3A_737 = arith.constant 0 : i32
      %dma_start3A_738 = tpu.memref_slice %arg8[%rem3A_445, %dma_start3A_736, %dma_start3A_737] : memref<2x15x96xi32, #tpu.memory_space<vmem>> -> memref<1x1x96xi32, #tpu.memory_space<vmem>>
      %dma_start3A_739 = tpu.memref_squeeze %dma_start3A_738 : memref<1x1x96xi32, #tpu.memory_space<vmem>> -> memref<96xi32, #tpu.memory_space<vmem>>
      %dma_start3A_740 = arith.constant 0 : i32
      %dma_start3A_741 = arith.constant 0 : i32
      %dma_start3A_742 = tpu.memref_slice %arg12[%dma_start3A_740, %dma_start3A_741] : memref<10240x128xf32, #tpu.memory_space<vmem_shared>> -> memref<10240x128xf32, #tpu.memory_space<vmem_shared>>
      tpu.enqueue_indirect_dma source(%arg9 : memref<96x128xf32, #tpu.memory_space<vmem>>) target(%dma_start3A_742 : memref<10240x128xf32, #tpu.memory_space<vmem_shared>>) offsets(%dma_start3A_739 : memref<96xi32, #tpu.memory_space<vmem>>) semaphore(%arg14 : memref<!tpu.dma_semaphore, #tpu.memory_space<semaphore_mem>>) {add = true}
      %dma_wait3A_743 = arith.constant 0 : i32
      %dma_wait3A_744 = arith.constant 0 : i32
      %dma_wait3A_745 = tpu.memref_slice %arg2[%dma_wait3A_743, %dma_wait3A_744] : memref<10240x128xf32, #tpu.memory_space<hbm>> -> memref<96x128xf32, #tpu.memory_space<hbm>>
      %dma_wait3A_746 = arith.constant 0 : i32
      %dma_wait3A_747 = arith.constant 0 : i32
      %dma_wait3A_748 = tpu.memref_slice %arg2[%dma_wait3A_746, %dma_wait3A_747] : memref<10240x128xf32, #tpu.memory_space<hbm>> -> memref<96x128xf32, #tpu.memory_space<hbm>>
      tpu.wait_dma2 semaphore(%arg13 : memref<!tpu.dma_semaphore, #tpu.memory_space<semaphore_mem>>) src(%dma_wait3A_748 : memref<96x128xf32, #tpu.memory_space<hbm>>) dst(%arg10 : memref<96x128xf32, #tpu.memory_space<vmem>>)
      %dma_wait3A_749 = arith.constant 0 : i32
      %dma_wait3A_750 = arith.constant 0 : i32
      %dma_wait3A_751 = tpu.memref_slice %arg2[%dma_wait3A_749, %dma_wait3A_750] : memref<10240x128xf32, #tpu.memory_space<hbm>> -> memref<96x128xf32, #tpu.memory_space<hbm>>
      %dma_wait3A_752 = arith.constant 0 : i32
      %dma_wait3A_753 = arith.constant 0 : i32
      %dma_wait3A_754 = tpu.memref_slice %arg2[%dma_wait3A_752, %dma_wait3A_753] : memref<10240x128xf32, #tpu.memory_space<hbm>> -> memref<96x128xf32, #tpu.memory_space<hbm>>
      tpu.wait_dma2 semaphore(%arg14 : memref<!tpu.dma_semaphore, #tpu.memory_space<semaphore_mem>>) src(%dma_wait3A_754 : memref<96x128xf32, #tpu.memory_space<hbm>>) dst(%arg9 : memref<96x128xf32, #tpu.memory_space<vmem>>)
      %dma_start3A_755 = arith.constant 12 : i32
      %dma_start3A_756 = arith.constant 0 : i32
      %dma_start3A_757 = tpu.memref_slice %arg7[%rem3A_445, %dma_start3A_755, %dma_start3A_756] : memref<2x15x96xi32, #tpu.memory_space<vmem>> -> memref<1x1x96xi32, #tpu.memory_space<vmem>>
      %dma_start3A_758 = tpu.memref_squeeze %dma_start3A_757 : memref<1x1x96xi32, #tpu.memory_space<vmem>> -> memref<96xi32, #tpu.memory_space<vmem>>
      %dma_start3A_759 = arith.constant 0 : i32
      %dma_start3A_760 = arith.constant 0 : i32
      %dma_start3A_761 = tpu.memref_slice %arg2[%dma_start3A_759, %dma_start3A_760] : memref<10240x128xf32, #tpu.memory_space<hbm>> -> memref<10240x128xf32, #tpu.memory_space<hbm>>
      tpu.enqueue_indirect_dma source(%dma_start3A_761 : memref<10240x128xf32, #tpu.memory_space<hbm>>) target(%arg9 : memref<96x128xf32, #tpu.memory_space<vmem>>) offsets(%dma_start3A_758 : memref<96xi32, #tpu.memory_space<vmem>>) semaphore(%arg13 : memref<!tpu.dma_semaphore, #tpu.memory_space<semaphore_mem>>)
      %dma_start3A_762 = arith.constant 10 : i32
      %dma_start3A_763 = arith.constant 0 : i32
      %dma_start3A_764 = tpu.memref_slice %arg8[%rem3A_445, %dma_start3A_762, %dma_start3A_763] : memref<2x15x96xi32, #tpu.memory_space<vmem>> -> memref<1x1x96xi32, #tpu.memory_space<vmem>>
      %dma_start3A_765 = tpu.memref_squeeze %dma_start3A_764 : memref<1x1x96xi32, #tpu.memory_space<vmem>> -> memref<96xi32, #tpu.memory_space<vmem>>
      %dma_start3A_766 = arith.constant 0 : i32
      %dma_start3A_767 = arith.constant 0 : i32
      %dma_start3A_768 = tpu.memref_slice %arg12[%dma_start3A_766, %dma_start3A_767] : memref<10240x128xf32, #tpu.memory_space<vmem_shared>> -> memref<10240x128xf32, #tpu.memory_space<vmem_shared>>
      tpu.enqueue_indirect_dma source(%arg10 : memref<96x128xf32, #tpu.memory_space<vmem>>) target(%dma_start3A_768 : memref<10240x128xf32, #tpu.memory_space<vmem_shared>>) offsets(%dma_start3A_765 : memref<96xi32, #tpu.memory_space<vmem>>) semaphore(%arg14 : memref<!tpu.dma_semaphore, #tpu.memory_space<semaphore_mem>>) {add = true}
      %dma_wait3A_769 = arith.constant 0 : i32
      %dma_wait3A_770 = arith.constant 0 : i32
      %dma_wait3A_771 = tpu.memref_slice %arg2[%dma_wait3A_769, %dma_wait3A_770] : memref<10240x128xf32, #tpu.memory_space<hbm>> -> memref<96x128xf32, #tpu.memory_space<hbm>>
      %dma_wait3A_772 = arith.constant 0 : i32
      %dma_wait3A_773 = arith.constant 0 : i32
      %dma_wait3A_774 = tpu.memref_slice %arg2[%dma_wait3A_772, %dma_wait3A_773] : memref<10240x128xf32, #tpu.memory_space<hbm>> -> memref<96x128xf32, #tpu.memory_space<hbm>>
      tpu.wait_dma2 semaphore(%arg13 : memref<!tpu.dma_semaphore, #tpu.memory_space<semaphore_mem>>) src(%dma_wait3A_774 : memref<96x128xf32, #tpu.memory_space<hbm>>) dst(%arg11 : memref<96x128xf32, #tpu.memory_space<vmem>>)
      %dma_wait3A_775 = arith.constant 0 : i32
      %dma_wait3A_776 = arith.constant 0 : i32
      %dma_wait3A_777 = tpu.memref_slice %arg2[%dma_wait3A_775, %dma_wait3A_776] : memref<10240x128xf32, #tpu.memory_space<hbm>> -> memref<96x128xf32, #tpu.memory_space<hbm>>
      %dma_wait3A_778 = arith.constant 0 : i32
      %dma_wait3A_779 = arith.constant 0 : i32
      %dma_wait3A_780 = tpu.memref_slice %arg2[%dma_wait3A_778, %dma_wait3A_779] : memref<10240x128xf32, #tpu.memory_space<hbm>> -> memref<96x128xf32, #tpu.memory_space<hbm>>
      tpu.wait_dma2 semaphore(%arg14 : memref<!tpu.dma_semaphore, #tpu.memory_space<semaphore_mem>>) src(%dma_wait3A_780 : memref<96x128xf32, #tpu.memory_space<hbm>>) dst(%arg10 : memref<96x128xf32, #tpu.memory_space<vmem>>)
      %dma_start3A_781 = arith.constant 13 : i32
      %dma_start3A_782 = arith.constant 0 : i32
      %dma_start3A_783 = tpu.memref_slice %arg7[%rem3A_445, %dma_start3A_781, %dma_start3A_782] : memref<2x15x96xi32, #tpu.memory_space<vmem>> -> memref<1x1x96xi32, #tpu.memory_space<vmem>>
      %dma_start3A_784 = tpu.memref_squeeze %dma_start3A_783 : memref<1x1x96xi32, #tpu.memory_space<vmem>> -> memref<96xi32, #tpu.memory_space<vmem>>
      %dma_start3A_785 = arith.constant 0 : i32
      %dma_start3A_786 = arith.constant 0 : i32
      %dma_start3A_787 = tpu.memref_slice %arg2[%dma_start3A_785, %dma_start3A_786] : memref<10240x128xf32, #tpu.memory_space<hbm>> -> memref<10240x128xf32, #tpu.memory_space<hbm>>
      tpu.enqueue_indirect_dma source(%dma_start3A_787 : memref<10240x128xf32, #tpu.memory_space<hbm>>) target(%arg10 : memref<96x128xf32, #tpu.memory_space<vmem>>) offsets(%dma_start3A_784 : memref<96xi32, #tpu.memory_space<vmem>>) semaphore(%arg13 : memref<!tpu.dma_semaphore, #tpu.memory_space<semaphore_mem>>)
      %dma_start3A_788 = arith.constant 11 : i32
      %dma_start3A_789 = arith.constant 0 : i32
      %dma_start3A_790 = tpu.memref_slice %arg8[%rem3A_445, %dma_start3A_788, %dma_start3A_789] : memref<2x15x96xi32, #tpu.memory_space<vmem>> -> memref<1x1x96xi32, #tpu.memory_space<vmem>>
      %dma_start3A_791 = tpu.memref_squeeze %dma_start3A_790 : memref<1x1x96xi32, #tpu.memory_space<vmem>> -> memref<96xi32, #tpu.memory_space<vmem>>
      %dma_start3A_792 = arith.constant 0 : i32
      %dma_start3A_793 = arith.constant 0 : i32
      %dma_start3A_794 = tpu.memref_slice %arg12[%dma_start3A_792, %dma_start3A_793] : memref<10240x128xf32, #tpu.memory_space<vmem_shared>> -> memref<10240x128xf32, #tpu.memory_space<vmem_shared>>
      tpu.enqueue_indirect_dma source(%arg11 : memref<96x128xf32, #tpu.memory_space<vmem>>) target(%dma_start3A_794 : memref<10240x128xf32, #tpu.memory_space<vmem_shared>>) offsets(%dma_start3A_791 : memref<96xi32, #tpu.memory_space<vmem>>) semaphore(%arg14 : memref<!tpu.dma_semaphore, #tpu.memory_space<semaphore_mem>>) {add = true}
      %dma_wait3A_795 = arith.constant 0 : i32
      %dma_wait3A_796 = arith.constant 0 : i32
      %dma_wait3A_797 = tpu.memref_slice %arg2[%dma_wait3A_795, %dma_wait3A_796] : memref<10240x128xf32, #tpu.memory_space<hbm>> -> memref<96x128xf32, #tpu.memory_space<hbm>>
      %dma_wait3A_798 = arith.constant 0 : i32
      %dma_wait3A_799 = arith.constant 0 : i32
      %dma_wait3A_800 = tpu.memref_slice %arg2[%dma_wait3A_798, %dma_wait3A_799] : memref<10240x128xf32, #tpu.memory_space<hbm>> -> memref<96x128xf32, #tpu.memory_space<hbm>>
      tpu.wait_dma2 semaphore(%arg13 : memref<!tpu.dma_semaphore, #tpu.memory_space<semaphore_mem>>) src(%dma_wait3A_800 : memref<96x128xf32, #tpu.memory_space<hbm>>) dst(%arg9 : memref<96x128xf32, #tpu.memory_space<vmem>>)
      %dma_wait3A_801 = arith.constant 0 : i32
      %dma_wait3A_802 = arith.constant 0 : i32
      %dma_wait3A_803 = tpu.memref_slice %arg2[%dma_wait3A_801, %dma_wait3A_802] : memref<10240x128xf32, #tpu.memory_space<hbm>> -> memref<96x128xf32, #tpu.memory_space<hbm>>
      %dma_wait3A_804 = arith.constant 0 : i32
      %dma_wait3A_805 = arith.constant 0 : i32
      %dma_wait3A_806 = tpu.memref_slice %arg2[%dma_wait3A_804, %dma_wait3A_805] : memref<10240x128xf32, #tpu.memory_space<hbm>> -> memref<96x128xf32, #tpu.memory_space<hbm>>
      tpu.wait_dma2 semaphore(%arg14 : memref<!tpu.dma_semaphore, #tpu.memory_space<semaphore_mem>>) src(%dma_wait3A_806 : memref<96x128xf32, #tpu.memory_space<hbm>>) dst(%arg11 : memref<96x128xf32, #tpu.memory_space<vmem>>)
      %dma_start3A_807 = arith.constant 14 : i32
      %dma_start3A_808 = arith.constant 0 : i32
      %dma_start3A_809 = tpu.memref_slice %arg7[%rem3A_445, %dma_start3A_807, %dma_start3A_808] : memref<2x15x96xi32, #tpu.memory_space<vmem>> -> memref<1x1x96xi32, #tpu.memory_space<vmem>>
      %dma_start3A_810 = tpu.memref_squeeze %dma_start3A_809 : memref<1x1x96xi32, #tpu.memory_space<vmem>> -> memref<96xi32, #tpu.memory_space<vmem>>
      %dma_start3A_811 = arith.constant 0 : i32
      %dma_start3A_812 = arith.constant 0 : i32
      %dma_start3A_813 = tpu.memref_slice %arg2[%dma_start3A_811, %dma_start3A_812] : memref<10240x128xf32, #tpu.memory_space<hbm>> -> memref<10240x128xf32, #tpu.memory_space<hbm>>
      tpu.enqueue_indirect_dma source(%dma_start3A_813 : memref<10240x128xf32, #tpu.memory_space<hbm>>) target(%arg11 : memref<96x128xf32, #tpu.memory_space<vmem>>) offsets(%dma_start3A_810 : memref<96xi32, #tpu.memory_space<vmem>>) semaphore(%arg13 : memref<!tpu.dma_semaphore, #tpu.memory_space<semaphore_mem>>)
      %dma_start3A_814 = arith.constant 12 : i32
      %dma_start3A_815 = arith.constant 0 : i32
      %dma_start3A_816 = tpu.memref_slice %arg8[%rem3A_445, %dma_start3A_814, %dma_start3A_815] : memref<2x15x96xi32, #tpu.memory_space<vmem>> -> memref<1x1x96xi32, #tpu.memory_space<vmem>>
      %dma_start3A_817 = tpu.memref_squeeze %dma_start3A_816 : memref<1x1x96xi32, #tpu.memory_space<vmem>> -> memref<96xi32, #tpu.memory_space<vmem>>
      %dma_start3A_818 = arith.constant 0 : i32
      %dma_start3A_819 = arith.constant 0 : i32
      %dma_start3A_820 = tpu.memref_slice %arg12[%dma_start3A_818, %dma_start3A_819] : memref<10240x128xf32, #tpu.memory_space<vmem_shared>> -> memref<10240x128xf32, #tpu.memory_space<vmem_shared>>
      tpu.enqueue_indirect_dma source(%arg9 : memref<96x128xf32, #tpu.memory_space<vmem>>) target(%dma_start3A_820 : memref<10240x128xf32, #tpu.memory_space<vmem_shared>>) offsets(%dma_start3A_817 : memref<96xi32, #tpu.memory_space<vmem>>) semaphore(%arg14 : memref<!tpu.dma_semaphore, #tpu.memory_space<semaphore_mem>>) {add = true}
      %dma_wait3A_821 = arith.constant 0 : i32
      %dma_wait3A_822 = arith.constant 0 : i32
      %dma_wait3A_823 = arith.constant 0 : i32
      %dma_wait3A_824 = arith.constant 0 : i32
      %dma_wait3A_825 = tpu.memref_slice %arg7[%dma_wait3A_822, %dma_wait3A_823, %dma_wait3A_824] : memref<2x15x96xi32, #tpu.memory_space<vmem>> -> memref<1x15x96xi32, #tpu.memory_space<vmem>>
      %dma_wait3A_826 = tpu.memref_squeeze %dma_wait3A_825 : memref<1x15x96xi32, #tpu.memory_space<vmem>> -> memref<15x96xi32, #tpu.memory_space<vmem>>
      %dma_wait3A_827 = arith.constant 0 : i32
      %dma_wait3A_828 = arith.constant 0 : i32
      %dma_wait3A_829 = tpu.memref_slice %arg3[%add3A, %dma_wait3A_821, %dma_wait3A_827, %dma_wait3A_828] : memref<32x7x15x96xi32, #tpu.memory_space<hbm>> -> memref<1x1x15x96xi32, #tpu.memory_space<hbm>>
      %dma_wait3A_830 = tpu.memref_squeeze %dma_wait3A_829 : memref<1x1x15x96xi32, #tpu.memory_space<hbm>> -> memref<15x96xi32, #tpu.memory_space<hbm>>
      %dma_wait3A_831 = arith.constant 0 : i32
      %dma_wait3A_832 = arith.constant 0 : i32
      %dma_wait3A_833 = tpu.memref_slice %arg7[%dma_wait3A_822, %dma_wait3A_831, %dma_wait3A_832] : memref<2x15x96xi32, #tpu.memory_space<vmem>> -> memref<1x15x96xi32, #tpu.memory_space<vmem>>
      %dma_wait3A_834 = tpu.memref_squeeze %dma_wait3A_833 : memref<1x15x96xi32, #tpu.memory_space<vmem>> -> memref<15x96xi32, #tpu.memory_space<vmem>>
      %dma_wait3A_835 = arith.constant 0 : i32
      %dma_wait3A_836 = arith.constant 0 : i32
      %dma_wait3A_837 = tpu.memref_slice %arg3[%add3A, %dma_wait3A_821, %dma_wait3A_835, %dma_wait3A_836] : memref<32x7x15x96xi32, #tpu.memory_space<hbm>> -> memref<1x1x15x96xi32, #tpu.memory_space<hbm>>
      %dma_wait3A_838 = tpu.memref_squeeze %dma_wait3A_837 : memref<1x1x15x96xi32, #tpu.memory_space<hbm>> -> memref<15x96xi32, #tpu.memory_space<hbm>>
      tpu.wait_dma2 semaphore(%arg15 : memref<!tpu.dma_semaphore, #tpu.memory_space<semaphore_mem>>) src(%dma_wait3A_838 : memref<15x96xi32, #tpu.memory_space<hbm>>) dst(%dma_wait3A_834 : memref<15x96xi32, #tpu.memory_space<vmem>>)
      %dma_wait3A_839 = arith.constant 0 : i32
      %dma_wait3A_840 = arith.constant 0 : i32
      %dma_wait3A_841 = arith.constant 0 : i32
      %dma_wait3A_842 = arith.constant 0 : i32
      %dma_wait3A_843 = tpu.memref_slice %arg7[%dma_wait3A_840, %dma_wait3A_841, %dma_wait3A_842] : memref<2x15x96xi32, #tpu.memory_space<vmem>> -> memref<1x15x96xi32, #tpu.memory_space<vmem>>
      %dma_wait3A_844 = tpu.memref_squeeze %dma_wait3A_843 : memref<1x15x96xi32, #tpu.memory_space<vmem>> -> memref<15x96xi32, #tpu.memory_space<vmem>>
      %dma_wait3A_845 = arith.constant 0 : i32
      %dma_wait3A_846 = arith.constant 0 : i32
      %dma_wait3A_847 = tpu.memref_slice %arg3[%add3A, %dma_wait3A_839, %dma_wait3A_845, %dma_wait3A_846] : memref<32x7x15x96xi32, #tpu.memory_space<hbm>> -> memref<1x1x15x96xi32, #tpu.memory_space<hbm>>
      %dma_wait3A_848 = tpu.memref_squeeze %dma_wait3A_847 : memref<1x1x15x96xi32, #tpu.memory_space<hbm>> -> memref<15x96xi32, #tpu.memory_space<hbm>>
      %dma_wait3A_849 = arith.constant 0 : i32
      %dma_wait3A_850 = arith.constant 0 : i32
      %dma_wait3A_851 = tpu.memref_slice %arg7[%dma_wait3A_840, %dma_wait3A_849, %dma_wait3A_850] : memref<2x15x96xi32, #tpu.memory_space<vmem>> -> memref<1x15x96xi32, #tpu.memory_space<vmem>>
      %dma_wait3A_852 = tpu.memref_squeeze %dma_wait3A_851 : memref<1x15x96xi32, #tpu.memory_space<vmem>> -> memref<15x96xi32, #tpu.memory_space<vmem>>
      %dma_wait3A_853 = arith.constant 0 : i32
      %dma_wait3A_854 = arith.constant 0 : i32
      %dma_wait3A_855 = tpu.memref_slice %arg3[%add3A, %dma_wait3A_839, %dma_wait3A_853, %dma_wait3A_854] : memref<32x7x15x96xi32, #tpu.memory_space<hbm>> -> memref<1x1x15x96xi32, #tpu.memory_space<hbm>>
      %dma_wait3A_856 = tpu.memref_squeeze %dma_wait3A_855 : memref<1x1x15x96xi32, #tpu.memory_space<hbm>> -> memref<15x96xi32, #tpu.memory_space<hbm>>
      tpu.wait_dma2 semaphore(%arg15 : memref<!tpu.dma_semaphore, #tpu.memory_space<semaphore_mem>>) src(%dma_wait3A_856 : memref<15x96xi32, #tpu.memory_space<hbm>>) dst(%dma_wait3A_852 : memref<15x96xi32, #tpu.memory_space<vmem>>)
      %dma_wait3A_857 = arith.constant 0 : i32
      %dma_wait3A_858 = arith.constant 0 : i32
      %dma_wait3A_859 = tpu.memref_slice %arg2[%dma_wait3A_857, %dma_wait3A_858] : memref<10240x128xf32, #tpu.memory_space<hbm>> -> memref<96x128xf32, #tpu.memory_space<hbm>>
      %dma_wait3A_860 = arith.constant 0 : i32
      %dma_wait3A_861 = arith.constant 0 : i32
      %dma_wait3A_862 = tpu.memref_slice %arg2[%dma_wait3A_860, %dma_wait3A_861] : memref<10240x128xf32, #tpu.memory_space<hbm>> -> memref<96x128xf32, #tpu.memory_space<hbm>>
      tpu.wait_dma2 semaphore(%arg13 : memref<!tpu.dma_semaphore, #tpu.memory_space<semaphore_mem>>) src(%dma_wait3A_862 : memref<96x128xf32, #tpu.memory_space<hbm>>) dst(%arg10 : memref<96x128xf32, #tpu.memory_space<vmem>>)
      %dma_wait3A_863 = arith.constant 0 : i32
      %dma_wait3A_864 = arith.constant 0 : i32
      %dma_wait3A_865 = tpu.memref_slice %arg2[%dma_wait3A_863, %dma_wait3A_864] : memref<10240x128xf32, #tpu.memory_space<hbm>> -> memref<96x128xf32, #tpu.memory_space<hbm>>
      %dma_wait3A_866 = arith.constant 0 : i32
      %dma_wait3A_867 = arith.constant 0 : i32
      %dma_wait3A_868 = tpu.memref_slice %arg2[%dma_wait3A_866, %dma_wait3A_867] : memref<10240x128xf32, #tpu.memory_space<hbm>> -> memref<96x128xf32, #tpu.memory_space<hbm>>
      tpu.wait_dma2 semaphore(%arg14 : memref<!tpu.dma_semaphore, #tpu.memory_space<semaphore_mem>>) src(%dma_wait3A_868 : memref<96x128xf32, #tpu.memory_space<hbm>>) dst(%arg9 : memref<96x128xf32, #tpu.memory_space<vmem>>)
      %dma_start3A_869 = arith.constant 0 : i32
      %dma_start3A_870 = arith.constant 0 : i32
      %dma_start3A_871 = tpu.memref_slice %arg7[%sub3A_446, %dma_start3A_869, %dma_start3A_870] : memref<2x15x96xi32, #tpu.memory_space<vmem>> -> memref<1x1x96xi32, #tpu.memory_space<vmem>>
      %dma_start3A_872 = tpu.memref_squeeze %dma_start3A_871 : memref<1x1x96xi32, #tpu.memory_space<vmem>> -> memref<96xi32, #tpu.memory_space<vmem>>
      %dma_start3A_873 = arith.constant 0 : i32
      %dma_start3A_874 = arith.constant 0 : i32
      %dma_start3A_875 = tpu.memref_slice %arg2[%dma_start3A_873, %dma_start3A_874] : memref<10240x128xf32, #tpu.memory_space<hbm>> -> memref<10240x128xf32, #tpu.memory_space<hbm>>
      tpu.enqueue_indirect_dma source(%dma_start3A_875 : memref<10240x128xf32, #tpu.memory_space<hbm>>) target(%arg9 : memref<96x128xf32, #tpu.memory_space<vmem>>) offsets(%dma_start3A_872 : memref<96xi32, #tpu.memory_space<vmem>>) semaphore(%arg13 : memref<!tpu.dma_semaphore, #tpu.memory_space<semaphore_mem>>)
      %dma_start3A_876 = arith.constant 13 : i32
      %dma_start3A_877 = arith.constant 0 : i32
      %dma_start3A_878 = tpu.memref_slice %arg8[%rem3A_445, %dma_start3A_876, %dma_start3A_877] : memref<2x15x96xi32, #tpu.memory_space<vmem>> -> memref<1x1x96xi32, #tpu.memory_space<vmem>>
      %dma_start3A_879 = tpu.memref_squeeze %dma_start3A_878 : memref<1x1x96xi32, #tpu.memory_space<vmem>> -> memref<96xi32, #tpu.memory_space<vmem>>
      %dma_start3A_880 = arith.constant 0 : i32
      %dma_start3A_881 = arith.constant 0 : i32
      %dma_start3A_882 = tpu.memref_slice %arg12[%dma_start3A_880, %dma_start3A_881] : memref<10240x128xf32, #tpu.memory_space<vmem_shared>> -> memref<10240x128xf32, #tpu.memory_space<vmem_shared>>
      tpu.enqueue_indirect_dma source(%arg10 : memref<96x128xf32, #tpu.memory_space<vmem>>) target(%dma_start3A_882 : memref<10240x128xf32, #tpu.memory_space<vmem_shared>>) offsets(%dma_start3A_879 : memref<96xi32, #tpu.memory_space<vmem>>) semaphore(%arg14 : memref<!tpu.dma_semaphore, #tpu.memory_space<semaphore_mem>>) {add = true}
      %dma_wait3A_883 = arith.constant 0 : i32
      %dma_wait3A_884 = arith.constant 0 : i32
      %dma_wait3A_885 = tpu.memref_slice %arg2[%dma_wait3A_883, %dma_wait3A_884] : memref<10240x128xf32, #tpu.memory_space<hbm>> -> memref<96x128xf32, #tpu.memory_space<hbm>>
      %dma_wait3A_886 = arith.constant 0 : i32
      %dma_wait3A_887 = arith.constant 0 : i32
      %dma_wait3A_888 = tpu.memref_slice %arg2[%dma_wait3A_886, %dma_wait3A_887] : memref<10240x128xf32, #tpu.memory_space<hbm>> -> memref<96x128xf32, #tpu.memory_space<hbm>>
      tpu.wait_dma2 semaphore(%arg13 : memref<!tpu.dma_semaphore, #tpu.memory_space<semaphore_mem>>) src(%dma_wait3A_888 : memref<96x128xf32, #tpu.memory_space<hbm>>) dst(%arg11 : memref<96x128xf32, #tpu.memory_space<vmem>>)
      %dma_wait3A_889 = arith.constant 0 : i32
      %dma_wait3A_890 = arith.constant 0 : i32
      %dma_wait3A_891 = tpu.memref_slice %arg2[%dma_wait3A_889, %dma_wait3A_890] : memref<10240x128xf32, #tpu.memory_space<hbm>> -> memref<96x128xf32, #tpu.memory_space<hbm>>
      %dma_wait3A_892 = arith.constant 0 : i32
      %dma_wait3A_893 = arith.constant 0 : i32
      %dma_wait3A_894 = tpu.memref_slice %arg2[%dma_wait3A_892, %dma_wait3A_893] : memref<10240x128xf32, #tpu.memory_space<hbm>> -> memref<96x128xf32, #tpu.memory_space<hbm>>
      tpu.wait_dma2 semaphore(%arg14 : memref<!tpu.dma_semaphore, #tpu.memory_space<semaphore_mem>>) src(%dma_wait3A_894 : memref<96x128xf32, #tpu.memory_space<hbm>>) dst(%arg10 : memref<96x128xf32, #tpu.memory_space<vmem>>)
      %dma_start3A_895 = arith.constant 1 : i32
      %dma_start3A_896 = arith.constant 0 : i32
      %dma_start3A_897 = tpu.memref_slice %arg7[%sub3A_446, %dma_start3A_895, %dma_start3A_896] : memref<2x15x96xi32, #tpu.memory_space<vmem>> -> memref<1x1x96xi32, #tpu.memory_space<vmem>>
      %dma_start3A_898 = tpu.memref_squeeze %dma_start3A_897 : memref<1x1x96xi32, #tpu.memory_space<vmem>> -> memref<96xi32, #tpu.memory_space<vmem>>
      %dma_start3A_899 = arith.constant 0 : i32
      %dma_start3A_900 = arith.constant 0 : i32
      %dma_start3A_901 = tpu.memref_slice %arg2[%dma_start3A_899, %dma_start3A_900] : memref<10240x128xf32, #tpu.memory_space<hbm>> -> memref<10240x128xf32, #tpu.memory_space<hbm>>
      tpu.enqueue_indirect_dma source(%dma_start3A_901 : memref<10240x128xf32, #tpu.memory_space<hbm>>) target(%arg10 : memref<96x128xf32, #tpu.memory_space<vmem>>) offsets(%dma_start3A_898 : memref<96xi32, #tpu.memory_space<vmem>>) semaphore(%arg13 : memref<!tpu.dma_semaphore, #tpu.memory_space<semaphore_mem>>)
      %dma_start3A_902 = arith.constant 14 : i32
      %dma_start3A_903 = arith.constant 0 : i32
      %dma_start3A_904 = tpu.memref_slice %arg8[%rem3A_445, %dma_start3A_902, %dma_start3A_903] : memref<2x15x96xi32, #tpu.memory_space<vmem>> -> memref<1x1x96xi32, #tpu.memory_space<vmem>>
      %dma_start3A_905 = tpu.memref_squeeze %dma_start3A_904 : memref<1x1x96xi32, #tpu.memory_space<vmem>> -> memref<96xi32, #tpu.memory_space<vmem>>
      %dma_start3A_906 = arith.constant 0 : i32
      %dma_start3A_907 = arith.constant 0 : i32
      %dma_start3A_908 = tpu.memref_slice %arg12[%dma_start3A_906, %dma_start3A_907] : memref<10240x128xf32, #tpu.memory_space<vmem_shared>> -> memref<10240x128xf32, #tpu.memory_space<vmem_shared>>
      tpu.enqueue_indirect_dma source(%arg11 : memref<96x128xf32, #tpu.memory_space<vmem>>) target(%dma_start3A_908 : memref<10240x128xf32, #tpu.memory_space<vmem_shared>>) offsets(%dma_start3A_905 : memref<96xi32, #tpu.memory_space<vmem>>) semaphore(%arg14 : memref<!tpu.dma_semaphore, #tpu.memory_space<semaphore_mem>>) {add = true}
    }
    %scan3A_33 = arith.constant 6 : i32
    %dma_wait3A = arith.constant 0 : i32
    %dma_wait3A_34 = arith.constant 0 : i32
    %dma_wait3A_35 = tpu.memref_slice %arg2[%dma_wait3A, %dma_wait3A_34] : memref<10240x128xf32, #tpu.memory_space<hbm>> -> memref<96x128xf32, #tpu.memory_space<hbm>>
    %dma_wait3A_36 = arith.constant 0 : i32
    %dma_wait3A_37 = arith.constant 0 : i32
    %dma_wait3A_38 = tpu.memref_slice %arg2[%dma_wait3A_36, %dma_wait3A_37] : memref<10240x128xf32, #tpu.memory_space<hbm>> -> memref<96x128xf32, #tpu.memory_space<hbm>>
    tpu.wait_dma2 semaphore(%arg13 : memref<!tpu.dma_semaphore, #tpu.memory_space<semaphore_mem>>) src(%dma_wait3A_38 : memref<96x128xf32, #tpu.memory_space<hbm>>) dst(%arg9 : memref<96x128xf32, #tpu.memory_space<vmem>>)
    %dma_wait3A_39 = arith.constant 0 : i32
    %dma_wait3A_40 = arith.constant 0 : i32
    %dma_wait3A_41 = tpu.memref_slice %arg2[%dma_wait3A_39, %dma_wait3A_40] : memref<10240x128xf32, #tpu.memory_space<hbm>> -> memref<96x128xf32, #tpu.memory_space<hbm>>
    %dma_wait3A_42 = arith.constant 0 : i32
    %dma_wait3A_43 = arith.constant 0 : i32
    %dma_wait3A_44 = tpu.memref_slice %arg2[%dma_wait3A_42, %dma_wait3A_43] : memref<10240x128xf32, #tpu.memory_space<hbm>> -> memref<96x128xf32, #tpu.memory_space<hbm>>
    tpu.wait_dma2 semaphore(%arg14 : memref<!tpu.dma_semaphore, #tpu.memory_space<semaphore_mem>>) src(%dma_wait3A_44 : memref<96x128xf32, #tpu.memory_space<hbm>>) dst(%arg11 : memref<96x128xf32, #tpu.memory_space<vmem>>)
    %dma_start3A_45 = arith.constant 0 : i32
    %dma_start3A_46 = arith.constant 2 : i32
    %dma_start3A_47 = arith.constant 0 : i32
    %dma_start3A_48 = tpu.memref_slice %arg7[%dma_start3A_45, %dma_start3A_46, %dma_start3A_47] : memref<2x15x96xi32, #tpu.memory_space<vmem>> -> memref<1x1x96xi32, #tpu.memory_space<vmem>>
    %dma_start3A_49 = tpu.memref_squeeze %dma_start3A_48 : memref<1x1x96xi32, #tpu.memory_space<vmem>> -> memref<96xi32, #tpu.memory_space<vmem>>
    %dma_start3A_50 = arith.constant 0 : i32
    %dma_start3A_51 = arith.constant 0 : i32
    %dma_start3A_52 = tpu.memref_slice %arg2[%dma_start3A_50, %dma_start3A_51] : memref<10240x128xf32, #tpu.memory_space<hbm>> -> memref<10240x128xf32, #tpu.memory_space<hbm>>
    tpu.enqueue_indirect_dma source(%dma_start3A_52 : memref<10240x128xf32, #tpu.memory_space<hbm>>) target(%arg11 : memref<96x128xf32, #tpu.memory_space<vmem>>) offsets(%dma_start3A_49 : memref<96xi32, #tpu.memory_space<vmem>>) semaphore(%arg13 : memref<!tpu.dma_semaphore, #tpu.memory_space<semaphore_mem>>)
    %dma_start3A_53 = arith.constant 0 : i32
    %dma_start3A_54 = arith.constant 0 : i32
    %dma_start3A_55 = arith.constant 0 : i32
    %dma_start3A_56 = tpu.memref_slice %arg8[%dma_start3A_53, %dma_start3A_54, %dma_start3A_55] : memref<2x15x96xi32, #tpu.memory_space<vmem>> -> memref<1x1x96xi32, #tpu.memory_space<vmem>>
    %dma_start3A_57 = tpu.memref_squeeze %dma_start3A_56 : memref<1x1x96xi32, #tpu.memory_space<vmem>> -> memref<96xi32, #tpu.memory_space<vmem>>
    %dma_start3A_58 = arith.constant 0 : i32
    %dma_start3A_59 = arith.constant 0 : i32
    %dma_start3A_60 = tpu.memref_slice %arg12[%dma_start3A_58, %dma_start3A_59] : memref<10240x128xf32, #tpu.memory_space<vmem_shared>> -> memref<10240x128xf32, #tpu.memory_space<vmem_shared>>
    tpu.enqueue_indirect_dma source(%arg9 : memref<96x128xf32, #tpu.memory_space<vmem>>) target(%dma_start3A_60 : memref<10240x128xf32, #tpu.memory_space<vmem_shared>>) offsets(%dma_start3A_57 : memref<96xi32, #tpu.memory_space<vmem>>) semaphore(%arg14 : memref<!tpu.dma_semaphore, #tpu.memory_space<semaphore_mem>>) {add = true}
    %dma_wait3A_61 = arith.constant 0 : i32
    %dma_wait3A_62 = arith.constant 0 : i32
    %dma_wait3A_63 = tpu.memref_slice %arg2[%dma_wait3A_61, %dma_wait3A_62] : memref<10240x128xf32, #tpu.memory_space<hbm>> -> memref<96x128xf32, #tpu.memory_space<hbm>>
    %dma_wait3A_64 = arith.constant 0 : i32
    %dma_wait3A_65 = arith.constant 0 : i32
    %dma_wait3A_66 = tpu.memref_slice %arg2[%dma_wait3A_64, %dma_wait3A_65] : memref<10240x128xf32, #tpu.memory_space<hbm>> -> memref<96x128xf32, #tpu.memory_space<hbm>>
    tpu.wait_dma2 semaphore(%arg13 : memref<!tpu.dma_semaphore, #tpu.memory_space<semaphore_mem>>) src(%dma_wait3A_66 : memref<96x128xf32, #tpu.memory_space<hbm>>) dst(%arg10 : memref<96x128xf32, #tpu.memory_space<vmem>>)
    %dma_wait3A_67 = arith.constant 0 : i32
    %dma_wait3A_68 = arith.constant 0 : i32
    %dma_wait3A_69 = tpu.memref_slice %arg2[%dma_wait3A_67, %dma_wait3A_68] : memref<10240x128xf32, #tpu.memory_space<hbm>> -> memref<96x128xf32, #tpu.memory_space<hbm>>
    %dma_wait3A_70 = arith.constant 0 : i32
    %dma_wait3A_71 = arith.constant 0 : i32
    %dma_wait3A_72 = tpu.memref_slice %arg2[%dma_wait3A_70, %dma_wait3A_71] : memref<10240x128xf32, #tpu.memory_space<hbm>> -> memref<96x128xf32, #tpu.memory_space<hbm>>
    tpu.wait_dma2 semaphore(%arg14 : memref<!tpu.dma_semaphore, #tpu.memory_space<semaphore_mem>>) src(%dma_wait3A_72 : memref<96x128xf32, #tpu.memory_space<hbm>>) dst(%arg9 : memref<96x128xf32, #tpu.memory_space<vmem>>)
    %dma_start3A_73 = arith.constant 0 : i32
    %dma_start3A_74 = arith.constant 3 : i32
    %dma_start3A_75 = arith.constant 0 : i32
    %dma_start3A_76 = tpu.memref_slice %arg7[%dma_start3A_73, %dma_start3A_74, %dma_start3A_75] : memref<2x15x96xi32, #tpu.memory_space<vmem>> -> memref<1x1x96xi32, #tpu.memory_space<vmem>>
    %dma_start3A_77 = tpu.memref_squeeze %dma_start3A_76 : memref<1x1x96xi32, #tpu.memory_space<vmem>> -> memref<96xi32, #tpu.memory_space<vmem>>
    %dma_start3A_78 = arith.constant 0 : i32
    %dma_start3A_79 = arith.constant 0 : i32
    %dma_start3A_80 = tpu.memref_slice %arg2[%dma_start3A_78, %dma_start3A_79] : memref<10240x128xf32, #tpu.memory_space<hbm>> -> memref<10240x128xf32, #tpu.memory_space<hbm>>
    tpu.enqueue_indirect_dma source(%dma_start3A_80 : memref<10240x128xf32, #tpu.memory_space<hbm>>) target(%arg9 : memref<96x128xf32, #tpu.memory_space<vmem>>) offsets(%dma_start3A_77 : memref<96xi32, #tpu.memory_space<vmem>>) semaphore(%arg13 : memref<!tpu.dma_semaphore, #tpu.memory_space<semaphore_mem>>)
    %dma_start3A_81 = arith.constant 0 : i32
    %dma_start3A_82 = arith.constant 1 : i32
    %dma_start3A_83 = arith.constant 0 : i32
    %dma_start3A_84 = tpu.memref_slice %arg8[%dma_start3A_81, %dma_start3A_82, %dma_start3A_83] : memref<2x15x96xi32, #tpu.memory_space<vmem>> -> memref<1x1x96xi32, #tpu.memory_space<vmem>>
    %dma_start3A_85 = tpu.memref_squeeze %dma_start3A_84 : memref<1x1x96xi32, #tpu.memory_space<vmem>> -> memref<96xi32, #tpu.memory_space<vmem>>
    %dma_start3A_86 = arith.constant 0 : i32
    %dma_start3A_87 = arith.constant 0 : i32
    %dma_start3A_88 = tpu.memref_slice %arg12[%dma_start3A_86, %dma_start3A_87] : memref<10240x128xf32, #tpu.memory_space<vmem_shared>> -> memref<10240x128xf32, #tpu.memory_space<vmem_shared>>
    tpu.enqueue_indirect_dma source(%arg10 : memref<96x128xf32, #tpu.memory_space<vmem>>) target(%dma_start3A_88 : memref<10240x128xf32, #tpu.memory_space<vmem_shared>>) offsets(%dma_start3A_85 : memref<96xi32, #tpu.memory_space<vmem>>) semaphore(%arg14 : memref<!tpu.dma_semaphore, #tpu.memory_space<semaphore_mem>>) {add = true}
    %dma_wait3A_89 = arith.constant 0 : i32
    %dma_wait3A_90 = arith.constant 0 : i32
    %dma_wait3A_91 = tpu.memref_slice %arg2[%dma_wait3A_89, %dma_wait3A_90] : memref<10240x128xf32, #tpu.memory_space<hbm>> -> memref<96x128xf32, #tpu.memory_space<hbm>>
    %dma_wait3A_92 = arith.constant 0 : i32
    %dma_wait3A_93 = arith.constant 0 : i32
    %dma_wait3A_94 = tpu.memref_slice %arg2[%dma_wait3A_92, %dma_wait3A_93] : memref<10240x128xf32, #tpu.memory_space<hbm>> -> memref<96x128xf32, #tpu.memory_space<hbm>>
    tpu.wait_dma2 semaphore(%arg13 : memref<!tpu.dma_semaphore, #tpu.memory_space<semaphore_mem>>) src(%dma_wait3A_94 : memref<96x128xf32, #tpu.memory_space<hbm>>) dst(%arg11 : memref<96x128xf32, #tpu.memory_space<vmem>>)
    %dma_wait3A_95 = arith.constant 0 : i32
    %dma_wait3A_96 = arith.constant 0 : i32
    %dma_wait3A_97 = tpu.memref_slice %arg2[%dma_wait3A_95, %dma_wait3A_96] : memref<10240x128xf32, #tpu.memory_space<hbm>> -> memref<96x128xf32, #tpu.memory_space<hbm>>
    %dma_wait3A_98 = arith.constant 0 : i32
    %dma_wait3A_99 = arith.constant 0 : i32
    %dma_wait3A_100 = tpu.memref_slice %arg2[%dma_wait3A_98, %dma_wait3A_99] : memref<10240x128xf32, #tpu.memory_space<hbm>> -> memref<96x128xf32, #tpu.memory_space<hbm>>
    tpu.wait_dma2 semaphore(%arg14 : memref<!tpu.dma_semaphore, #tpu.memory_space<semaphore_mem>>) src(%dma_wait3A_100 : memref<96x128xf32, #tpu.memory_space<hbm>>) dst(%arg10 : memref<96x128xf32, #tpu.memory_space<vmem>>)
    %dma_start3A_101 = arith.constant 0 : i32
    %dma_start3A_102 = arith.constant 4 : i32
    %dma_start3A_103 = arith.constant 0 : i32
    %dma_start3A_104 = tpu.memref_slice %arg7[%dma_start3A_101, %dma_start3A_102, %dma_start3A_103] : memref<2x15x96xi32, #tpu.memory_space<vmem>> -> memref<1x1x96xi32, #tpu.memory_space<vmem>>
    %dma_start3A_105 = tpu.memref_squeeze %dma_start3A_104 : memref<1x1x96xi32, #tpu.memory_space<vmem>> -> memref<96xi32, #tpu.memory_space<vmem>>
    %dma_start3A_106 = arith.constant 0 : i32
    %dma_start3A_107 = arith.constant 0 : i32
    %dma_start3A_108 = tpu.memref_slice %arg2[%dma_start3A_106, %dma_start3A_107] : memref<10240x128xf32, #tpu.memory_space<hbm>> -> memref<10240x128xf32, #tpu.memory_space<hbm>>
    tpu.enqueue_indirect_dma source(%dma_start3A_108 : memref<10240x128xf32, #tpu.memory_space<hbm>>) target(%arg10 : memref<96x128xf32, #tpu.memory_space<vmem>>) offsets(%dma_start3A_105 : memref<96xi32, #tpu.memory_space<vmem>>) semaphore(%arg13 : memref<!tpu.dma_semaphore, #tpu.memory_space<semaphore_mem>>)
    %dma_start3A_109 = arith.constant 0 : i32
    %dma_start3A_110 = arith.constant 2 : i32
    %dma_start3A_111 = arith.constant 0 : i32
    %dma_start3A_112 = tpu.memref_slice %arg8[%dma_start3A_109, %dma_start3A_110, %dma_start3A_111] : memref<2x15x96xi32, #tpu.memory_space<vmem>> -> memref<1x1x96xi32, #tpu.memory_space<vmem>>
    %dma_start3A_113 = tpu.memref_squeeze %dma_start3A_112 : memref<1x1x96xi32, #tpu.memory_space<vmem>> -> memref<96xi32, #tpu.memory_space<vmem>>
    %dma_start3A_114 = arith.constant 0 : i32
    %dma_start3A_115 = arith.constant 0 : i32
    %dma_start3A_116 = tpu.memref_slice %arg12[%dma_start3A_114, %dma_start3A_115] : memref<10240x128xf32, #tpu.memory_space<vmem_shared>> -> memref<10240x128xf32, #tpu.memory_space<vmem_shared>>
    tpu.enqueue_indirect_dma source(%arg11 : memref<96x128xf32, #tpu.memory_space<vmem>>) target(%dma_start3A_116 : memref<10240x128xf32, #tpu.memory_space<vmem_shared>>) offsets(%dma_start3A_113 : memref<96xi32, #tpu.memory_space<vmem>>) semaphore(%arg14 : memref<!tpu.dma_semaphore, #tpu.memory_space<semaphore_mem>>) {add = true}
    %dma_wait3A_117 = arith.constant 0 : i32
    %dma_wait3A_118 = arith.constant 0 : i32
    %dma_wait3A_119 = tpu.memref_slice %arg2[%dma_wait3A_117, %dma_wait3A_118] : memref<10240x128xf32, #tpu.memory_space<hbm>> -> memref<96x128xf32, #tpu.memory_space<hbm>>
    %dma_wait3A_120 = arith.constant 0 : i32
    %dma_wait3A_121 = arith.constant 0 : i32
    %dma_wait3A_122 = tpu.memref_slice %arg2[%dma_wait3A_120, %dma_wait3A_121] : memref<10240x128xf32, #tpu.memory_space<hbm>> -> memref<96x128xf32, #tpu.memory_space<hbm>>
    tpu.wait_dma2 semaphore(%arg13 : memref<!tpu.dma_semaphore, #tpu.memory_space<semaphore_mem>>) src(%dma_wait3A_122 : memref<96x128xf32, #tpu.memory_space<hbm>>) dst(%arg9 : memref<96x128xf32, #tpu.memory_space<vmem>>)
    %dma_wait3A_123 = arith.constant 0 : i32
    %dma_wait3A_124 = arith.constant 0 : i32
    %dma_wait3A_125 = tpu.memref_slice %arg2[%dma_wait3A_123, %dma_wait3A_124] : memref<10240x128xf32, #tpu.memory_space<hbm>> -> memref<96x128xf32, #tpu.memory_space<hbm>>
    %dma_wait3A_126 = arith.constant 0 : i32
    %dma_wait3A_127 = arith.constant 0 : i32
    %dma_wait3A_128 = tpu.memref_slice %arg2[%dma_wait3A_126, %dma_wait3A_127] : memref<10240x128xf32, #tpu.memory_space<hbm>> -> memref<96x128xf32, #tpu.memory_space<hbm>>
    tpu.wait_dma2 semaphore(%arg14 : memref<!tpu.dma_semaphore, #tpu.memory_space<semaphore_mem>>) src(%dma_wait3A_128 : memref<96x128xf32, #tpu.memory_space<hbm>>) dst(%arg11 : memref<96x128xf32, #tpu.memory_space<vmem>>)
    %dma_start3A_129 = arith.constant 0 : i32
    %dma_start3A_130 = arith.constant 5 : i32
    %dma_start3A_131 = arith.constant 0 : i32
    %dma_start3A_132 = tpu.memref_slice %arg7[%dma_start3A_129, %dma_start3A_130, %dma_start3A_131] : memref<2x15x96xi32, #tpu.memory_space<vmem>> -> memref<1x1x96xi32, #tpu.memory_space<vmem>>
    %dma_start3A_133 = tpu.memref_squeeze %dma_start3A_132 : memref<1x1x96xi32, #tpu.memory_space<vmem>> -> memref<96xi32, #tpu.memory_space<vmem>>
    %dma_start3A_134 = arith.constant 0 : i32
    %dma_start3A_135 = arith.constant 0 : i32
    %dma_start3A_136 = tpu.memref_slice %arg2[%dma_start3A_134, %dma_start3A_135] : memref<10240x128xf32, #tpu.memory_space<hbm>> -> memref<10240x128xf32, #tpu.memory_space<hbm>>
    tpu.enqueue_indirect_dma source(%dma_start3A_136 : memref<10240x128xf32, #tpu.memory_space<hbm>>) target(%arg11 : memref<96x128xf32, #tpu.memory_space<vmem>>) offsets(%dma_start3A_133 : memref<96xi32, #tpu.memory_space<vmem>>) semaphore(%arg13 : memref<!tpu.dma_semaphore, #tpu.memory_space<semaphore_mem>>)
    %dma_start3A_137 = arith.constant 0 : i32
    %dma_start3A_138 = arith.constant 3 : i32
    %dma_start3A_139 = arith.constant 0 : i32
    %dma_start3A_140 = tpu.memref_slice %arg8[%dma_start3A_137, %dma_start3A_138, %dma_start3A_139] : memref<2x15x96xi32, #tpu.memory_space<vmem>> -> memref<1x1x96xi32, #tpu.memory_space<vmem>>
    %dma_start3A_141 = tpu.memref_squeeze %dma_start3A_140 : memref<1x1x96xi32, #tpu.memory_space<vmem>> -> memref<96xi32, #tpu.memory_space<vmem>>
    %dma_start3A_142 = arith.constant 0 : i32
    %dma_start3A_143 = arith.constant 0 : i32
    %dma_start3A_144 = tpu.memref_slice %arg12[%dma_start3A_142, %dma_start3A_143] : memref<10240x128xf32, #tpu.memory_space<vmem_shared>> -> memref<10240x128xf32, #tpu.memory_space<vmem_shared>>
    tpu.enqueue_indirect_dma source(%arg9 : memref<96x128xf32, #tpu.memory_space<vmem>>) target(%dma_start3A_144 : memref<10240x128xf32, #tpu.memory_space<vmem_shared>>) offsets(%dma_start3A_141 : memref<96xi32, #tpu.memory_space<vmem>>) semaphore(%arg14 : memref<!tpu.dma_semaphore, #tpu.memory_space<semaphore_mem>>) {add = true}
    %dma_wait3A_145 = arith.constant 0 : i32
    %dma_wait3A_146 = arith.constant 0 : i32
    %dma_wait3A_147 = tpu.memref_slice %arg2[%dma_wait3A_145, %dma_wait3A_146] : memref<10240x128xf32, #tpu.memory_space<hbm>> -> memref<96x128xf32, #tpu.memory_space<hbm>>
    %dma_wait3A_148 = arith.constant 0 : i32
    %dma_wait3A_149 = arith.constant 0 : i32
    %dma_wait3A_150 = tpu.memref_slice %arg2[%dma_wait3A_148, %dma_wait3A_149] : memref<10240x128xf32, #tpu.memory_space<hbm>> -> memref<96x128xf32, #tpu.memory_space<hbm>>
    tpu.wait_dma2 semaphore(%arg13 : memref<!tpu.dma_semaphore, #tpu.memory_space<semaphore_mem>>) src(%dma_wait3A_150 : memref<96x128xf32, #tpu.memory_space<hbm>>) dst(%arg10 : memref<96x128xf32, #tpu.memory_space<vmem>>)
    %dma_wait3A_151 = arith.constant 0 : i32
    %dma_wait3A_152 = arith.constant 0 : i32
    %dma_wait3A_153 = tpu.memref_slice %arg2[%dma_wait3A_151, %dma_wait3A_152] : memref<10240x128xf32, #tpu.memory_space<hbm>> -> memref<96x128xf32, #tpu.memory_space<hbm>>
    %dma_wait3A_154 = arith.constant 0 : i32
    %dma_wait3A_155 = arith.constant 0 : i32
    %dma_wait3A_156 = tpu.memref_slice %arg2[%dma_wait3A_154, %dma_wait3A_155] : memref<10240x128xf32, #tpu.memory_space<hbm>> -> memref<96x128xf32, #tpu.memory_space<hbm>>
    tpu.wait_dma2 semaphore(%arg14 : memref<!tpu.dma_semaphore, #tpu.memory_space<semaphore_mem>>) src(%dma_wait3A_156 : memref<96x128xf32, #tpu.memory_space<hbm>>) dst(%arg9 : memref<96x128xf32, #tpu.memory_space<vmem>>)
    %dma_start3A_157 = arith.constant 0 : i32
    %dma_start3A_158 = arith.constant 6 : i32
    %dma_start3A_159 = arith.constant 0 : i32
    %dma_start3A_160 = tpu.memref_slice %arg7[%dma_start3A_157, %dma_start3A_158, %dma_start3A_159] : memref<2x15x96xi32, #tpu.memory_space<vmem>> -> memref<1x1x96xi32, #tpu.memory_space<vmem>>
    %dma_start3A_161 = tpu.memref_squeeze %dma_start3A_160 : memref<1x1x96xi32, #tpu.memory_space<vmem>> -> memref<96xi32, #tpu.memory_space<vmem>>
    %dma_start3A_162 = arith.constant 0 : i32
    %dma_start3A_163 = arith.constant 0 : i32
    %dma_start3A_164 = tpu.memref_slice %arg2[%dma_start3A_162, %dma_start3A_163] : memref<10240x128xf32, #tpu.memory_space<hbm>> -> memref<10240x128xf32, #tpu.memory_space<hbm>>
    tpu.enqueue_indirect_dma source(%dma_start3A_164 : memref<10240x128xf32, #tpu.memory_space<hbm>>) target(%arg9 : memref<96x128xf32, #tpu.memory_space<vmem>>) offsets(%dma_start3A_161 : memref<96xi32, #tpu.memory_space<vmem>>) semaphore(%arg13 : memref<!tpu.dma_semaphore, #tpu.memory_space<semaphore_mem>>)
    %dma_start3A_165 = arith.constant 0 : i32
    %dma_start3A_166 = arith.constant 4 : i32
    %dma_start3A_167 = arith.constant 0 : i32
    %dma_start3A_168 = tpu.memref_slice %arg8[%dma_start3A_165, %dma_start3A_166, %dma_start3A_167] : memref<2x15x96xi32, #tpu.memory_space<vmem>> -> memref<1x1x96xi32, #tpu.memory_space<vmem>>
    %dma_start3A_169 = tpu.memref_squeeze %dma_start3A_168 : memref<1x1x96xi32, #tpu.memory_space<vmem>> -> memref<96xi32, #tpu.memory_space<vmem>>
    %dma_start3A_170 = arith.constant 0 : i32
    %dma_start3A_171 = arith.constant 0 : i32
    %dma_start3A_172 = tpu.memref_slice %arg12[%dma_start3A_170, %dma_start3A_171] : memref<10240x128xf32, #tpu.memory_space<vmem_shared>> -> memref<10240x128xf32, #tpu.memory_space<vmem_shared>>
    tpu.enqueue_indirect_dma source(%arg10 : memref<96x128xf32, #tpu.memory_space<vmem>>) target(%dma_start3A_172 : memref<10240x128xf32, #tpu.memory_space<vmem_shared>>) offsets(%dma_start3A_169 : memref<96xi32, #tpu.memory_space<vmem>>) semaphore(%arg14 : memref<!tpu.dma_semaphore, #tpu.memory_space<semaphore_mem>>) {add = true}
    %dma_wait3A_173 = arith.constant 0 : i32
    %dma_wait3A_174 = arith.constant 0 : i32
    %dma_wait3A_175 = tpu.memref_slice %arg2[%dma_wait3A_173, %dma_wait3A_174] : memref<10240x128xf32, #tpu.memory_space<hbm>> -> memref<96x128xf32, #tpu.memory_space<hbm>>
    %dma_wait3A_176 = arith.constant 0 : i32
    %dma_wait3A_177 = arith.constant 0 : i32
    %dma_wait3A_178 = tpu.memref_slice %arg2[%dma_wait3A_176, %dma_wait3A_177] : memref<10240x128xf32, #tpu.memory_space<hbm>> -> memref<96x128xf32, #tpu.memory_space<hbm>>
    tpu.wait_dma2 semaphore(%arg13 : memref<!tpu.dma_semaphore, #tpu.memory_space<semaphore_mem>>) src(%dma_wait3A_178 : memref<96x128xf32, #tpu.memory_space<hbm>>) dst(%arg11 : memref<96x128xf32, #tpu.memory_space<vmem>>)
    %dma_wait3A_179 = arith.constant 0 : i32
    %dma_wait3A_180 = arith.constant 0 : i32
    %dma_wait3A_181 = tpu.memref_slice %arg2[%dma_wait3A_179, %dma_wait3A_180] : memref<10240x128xf32, #tpu.memory_space<hbm>> -> memref<96x128xf32, #tpu.memory_space<hbm>>
    %dma_wait3A_182 = arith.constant 0 : i32
    %dma_wait3A_183 = arith.constant 0 : i32
    %dma_wait3A_184 = tpu.memref_slice %arg2[%dma_wait3A_182, %dma_wait3A_183] : memref<10240x128xf32, #tpu.memory_space<hbm>> -> memref<96x128xf32, #tpu.memory_space<hbm>>
    tpu.wait_dma2 semaphore(%arg14 : memref<!tpu.dma_semaphore, #tpu.memory_space<semaphore_mem>>) src(%dma_wait3A_184 : memref<96x128xf32, #tpu.memory_space<hbm>>) dst(%arg10 : memref<96x128xf32, #tpu.memory_space<vmem>>)
    %dma_start3A_185 = arith.constant 0 : i32
    %dma_start3A_186 = arith.constant 7 : i32
    %dma_start3A_187 = arith.constant 0 : i32
    %dma_start3A_188 = tpu.memref_slice %arg7[%dma_start3A_185, %dma_start3A_186, %dma_start3A_187] : memref<2x15x96xi32, #tpu.memory_space<vmem>> -> memref<1x1x96xi32, #tpu.memory_space<vmem>>
    %dma_start3A_189 = tpu.memref_squeeze %dma_start3A_188 : memref<1x1x96xi32, #tpu.memory_space<vmem>> -> memref<96xi32, #tpu.memory_space<vmem>>
    %dma_start3A_190 = arith.constant 0 : i32
    %dma_start3A_191 = arith.constant 0 : i32
    %dma_start3A_192 = tpu.memref_slice %arg2[%dma_start3A_190, %dma_start3A_191] : memref<10240x128xf32, #tpu.memory_space<hbm>> -> memref<10240x128xf32, #tpu.memory_space<hbm>>
    tpu.enqueue_indirect_dma source(%dma_start3A_192 : memref<10240x128xf32, #tpu.memory_space<hbm>>) target(%arg10 : memref<96x128xf32, #tpu.memory_space<vmem>>) offsets(%dma_start3A_189 : memref<96xi32, #tpu.memory_space<vmem>>) semaphore(%arg13 : memref<!tpu.dma_semaphore, #tpu.memory_space<semaphore_mem>>)
    %dma_start3A_193 = arith.constant 0 : i32
    %dma_start3A_194 = arith.constant 5 : i32
    %dma_start3A_195 = arith.constant 0 : i32
    %dma_start3A_196 = tpu.memref_slice %arg8[%dma_start3A_193, %dma_start3A_194, %dma_start3A_195] : memref<2x15x96xi32, #tpu.memory_space<vmem>> -> memref<1x1x96xi32, #tpu.memory_space<vmem>>
    %dma_start3A_197 = tpu.memref_squeeze %dma_start3A_196 : memref<1x1x96xi32, #tpu.memory_space<vmem>> -> memref<96xi32, #tpu.memory_space<vmem>>
    %dma_start3A_198 = arith.constant 0 : i32
    %dma_start3A_199 = arith.constant 0 : i32
    %dma_start3A_200 = tpu.memref_slice %arg12[%dma_start3A_198, %dma_start3A_199] : memref<10240x128xf32, #tpu.memory_space<vmem_shared>> -> memref<10240x128xf32, #tpu.memory_space<vmem_shared>>
    tpu.enqueue_indirect_dma source(%arg11 : memref<96x128xf32, #tpu.memory_space<vmem>>) target(%dma_start3A_200 : memref<10240x128xf32, #tpu.memory_space<vmem_shared>>) offsets(%dma_start3A_197 : memref<96xi32, #tpu.memory_space<vmem>>) semaphore(%arg14 : memref<!tpu.dma_semaphore, #tpu.memory_space<semaphore_mem>>) {add = true}
    %dma_wait3A_201 = arith.constant 0 : i32
    %dma_wait3A_202 = arith.constant 0 : i32
    %dma_wait3A_203 = tpu.memref_slice %arg2[%dma_wait3A_201, %dma_wait3A_202] : memref<10240x128xf32, #tpu.memory_space<hbm>> -> memref<96x128xf32, #tpu.memory_space<hbm>>
    %dma_wait3A_204 = arith.constant 0 : i32
    %dma_wait3A_205 = arith.constant 0 : i32
    %dma_wait3A_206 = tpu.memref_slice %arg2[%dma_wait3A_204, %dma_wait3A_205] : memref<10240x128xf32, #tpu.memory_space<hbm>> -> memref<96x128xf32, #tpu.memory_space<hbm>>
    tpu.wait_dma2 semaphore(%arg13 : memref<!tpu.dma_semaphore, #tpu.memory_space<semaphore_mem>>) src(%dma_wait3A_206 : memref<96x128xf32, #tpu.memory_space<hbm>>) dst(%arg9 : memref<96x128xf32, #tpu.memory_space<vmem>>)
    %dma_wait3A_207 = arith.constant 0 : i32
    %dma_wait3A_208 = arith.constant 0 : i32
    %dma_wait3A_209 = tpu.memref_slice %arg2[%dma_wait3A_207, %dma_wait3A_208] : memref<10240x128xf32, #tpu.memory_space<hbm>> -> memref<96x128xf32, #tpu.memory_space<hbm>>
    %dma_wait3A_210 = arith.constant 0 : i32
    %dma_wait3A_211 = arith.constant 0 : i32
    %dma_wait3A_212 = tpu.memref_slice %arg2[%dma_wait3A_210, %dma_wait3A_211] : memref<10240x128xf32, #tpu.memory_space<hbm>> -> memref<96x128xf32, #tpu.memory_space<hbm>>
    tpu.wait_dma2 semaphore(%arg14 : memref<!tpu.dma_semaphore, #tpu.memory_space<semaphore_mem>>) src(%dma_wait3A_212 : memref<96x128xf32, #tpu.memory_space<hbm>>) dst(%arg11 : memref<96x128xf32, #tpu.memory_space<vmem>>)
    %dma_start3A_213 = arith.constant 0 : i32
    %dma_start3A_214 = arith.constant 8 : i32
    %dma_start3A_215 = arith.constant 0 : i32
    %dma_start3A_216 = tpu.memref_slice %arg7[%dma_start3A_213, %dma_start3A_214, %dma_start3A_215] : memref<2x15x96xi32, #tpu.memory_space<vmem>> -> memref<1x1x96xi32, #tpu.memory_space<vmem>>
    %dma_start3A_217 = tpu.memref_squeeze %dma_start3A_216 : memref<1x1x96xi32, #tpu.memory_space<vmem>> -> memref<96xi32, #tpu.memory_space<vmem>>
    %dma_start3A_218 = arith.constant 0 : i32
    %dma_start3A_219 = arith.constant 0 : i32
    %dma_start3A_220 = tpu.memref_slice %arg2[%dma_start3A_218, %dma_start3A_219] : memref<10240x128xf32, #tpu.memory_space<hbm>> -> memref<10240x128xf32, #tpu.memory_space<hbm>>
    tpu.enqueue_indirect_dma source(%dma_start3A_220 : memref<10240x128xf32, #tpu.memory_space<hbm>>) target(%arg11 : memref<96x128xf32, #tpu.memory_space<vmem>>) offsets(%dma_start3A_217 : memref<96xi32, #tpu.memory_space<vmem>>) semaphore(%arg13 : memref<!tpu.dma_semaphore, #tpu.memory_space<semaphore_mem>>)
    %dma_start3A_221 = arith.constant 0 : i32
    %dma_start3A_222 = arith.constant 6 : i32
    %dma_start3A_223 = arith.constant 0 : i32
    %dma_start3A_224 = tpu.memref_slice %arg8[%dma_start3A_221, %dma_start3A_222, %dma_start3A_223] : memref<2x15x96xi32, #tpu.memory_space<vmem>> -> memref<1x1x96xi32, #tpu.memory_space<vmem>>
    %dma_start3A_225 = tpu.memref_squeeze %dma_start3A_224 : memref<1x1x96xi32, #tpu.memory_space<vmem>> -> memref<96xi32, #tpu.memory_space<vmem>>
    %dma_start3A_226 = arith.constant 0 : i32
    %dma_start3A_227 = arith.constant 0 : i32
    %dma_start3A_228 = tpu.memref_slice %arg12[%dma_start3A_226, %dma_start3A_227] : memref<10240x128xf32, #tpu.memory_space<vmem_shared>> -> memref<10240x128xf32, #tpu.memory_space<vmem_shared>>
    tpu.enqueue_indirect_dma source(%arg9 : memref<96x128xf32, #tpu.memory_space<vmem>>) target(%dma_start3A_228 : memref<10240x128xf32, #tpu.memory_space<vmem_shared>>) offsets(%dma_start3A_225 : memref<96xi32, #tpu.memory_space<vmem>>) semaphore(%arg14 : memref<!tpu.dma_semaphore, #tpu.memory_space<semaphore_mem>>) {add = true}
    %dma_wait3A_229 = arith.constant 0 : i32
    %dma_wait3A_230 = arith.constant 0 : i32
    %dma_wait3A_231 = tpu.memref_slice %arg2[%dma_wait3A_229, %dma_wait3A_230] : memref<10240x128xf32, #tpu.memory_space<hbm>> -> memref<96x128xf32, #tpu.memory_space<hbm>>
    %dma_wait3A_232 = arith.constant 0 : i32
    %dma_wait3A_233 = arith.constant 0 : i32
    %dma_wait3A_234 = tpu.memref_slice %arg2[%dma_wait3A_232, %dma_wait3A_233] : memref<10240x128xf32, #tpu.memory_space<hbm>> -> memref<96x128xf32, #tpu.memory_space<hbm>>
    tpu.wait_dma2 semaphore(%arg13 : memref<!tpu.dma_semaphore, #tpu.memory_space<semaphore_mem>>) src(%dma_wait3A_234 : memref<96x128xf32, #tpu.memory_space<hbm>>) dst(%arg10 : memref<96x128xf32, #tpu.memory_space<vmem>>)
    %dma_wait3A_235 = arith.constant 0 : i32
    %dma_wait3A_236 = arith.constant 0 : i32
    %dma_wait3A_237 = tpu.memref_slice %arg2[%dma_wait3A_235, %dma_wait3A_236] : memref<10240x128xf32, #tpu.memory_space<hbm>> -> memref<96x128xf32, #tpu.memory_space<hbm>>
    %dma_wait3A_238 = arith.constant 0 : i32
    %dma_wait3A_239 = arith.constant 0 : i32
    %dma_wait3A_240 = tpu.memref_slice %arg2[%dma_wait3A_238, %dma_wait3A_239] : memref<10240x128xf32, #tpu.memory_space<hbm>> -> memref<96x128xf32, #tpu.memory_space<hbm>>
    tpu.wait_dma2 semaphore(%arg14 : memref<!tpu.dma_semaphore, #tpu.memory_space<semaphore_mem>>) src(%dma_wait3A_240 : memref<96x128xf32, #tpu.memory_space<hbm>>) dst(%arg9 : memref<96x128xf32, #tpu.memory_space<vmem>>)
    %dma_start3A_241 = arith.constant 0 : i32
    %dma_start3A_242 = arith.constant 9 : i32
    %dma_start3A_243 = arith.constant 0 : i32
    %dma_start3A_244 = tpu.memref_slice %arg7[%dma_start3A_241, %dma_start3A_242, %dma_start3A_243] : memref<2x15x96xi32, #tpu.memory_space<vmem>> -> memref<1x1x96xi32, #tpu.memory_space<vmem>>
    %dma_start3A_245 = tpu.memref_squeeze %dma_start3A_244 : memref<1x1x96xi32, #tpu.memory_space<vmem>> -> memref<96xi32, #tpu.memory_space<vmem>>
    %dma_start3A_246 = arith.constant 0 : i32
    %dma_start3A_247 = arith.constant 0 : i32
    %dma_start3A_248 = tpu.memref_slice %arg2[%dma_start3A_246, %dma_start3A_247] : memref<10240x128xf32, #tpu.memory_space<hbm>> -> memref<10240x128xf32, #tpu.memory_space<hbm>>
    tpu.enqueue_indirect_dma source(%dma_start3A_248 : memref<10240x128xf32, #tpu.memory_space<hbm>>) target(%arg9 : memref<96x128xf32, #tpu.memory_space<vmem>>) offsets(%dma_start3A_245 : memref<96xi32, #tpu.memory_space<vmem>>) semaphore(%arg13 : memref<!tpu.dma_semaphore, #tpu.memory_space<semaphore_mem>>)
    %dma_start3A_249 = arith.constant 0 : i32
    %dma_start3A_250 = arith.constant 7 : i32
    %dma_start3A_251 = arith.constant 0 : i32
    %dma_start3A_252 = tpu.memref_slice %arg8[%dma_start3A_249, %dma_start3A_250, %dma_start3A_251] : memref<2x15x96xi32, #tpu.memory_space<vmem>> -> memref<1x1x96xi32, #tpu.memory_space<vmem>>
    %dma_start3A_253 = tpu.memref_squeeze %dma_start3A_252 : memref<1x1x96xi32, #tpu.memory_space<vmem>> -> memref<96xi32, #tpu.memory_space<vmem>>
    %dma_start3A_254 = arith.constant 0 : i32
    %dma_start3A_255 = arith.constant 0 : i32
    %dma_start3A_256 = tpu.memref_slice %arg12[%dma_start3A_254, %dma_start3A_255] : memref<10240x128xf32, #tpu.memory_space<vmem_shared>> -> memref<10240x128xf32, #tpu.memory_space<vmem_shared>>
    tpu.enqueue_indirect_dma source(%arg10 : memref<96x128xf32, #tpu.memory_space<vmem>>) target(%dma_start3A_256 : memref<10240x128xf32, #tpu.memory_space<vmem_shared>>) offsets(%dma_start3A_253 : memref<96xi32, #tpu.memory_space<vmem>>) semaphore(%arg14 : memref<!tpu.dma_semaphore, #tpu.memory_space<semaphore_mem>>) {add = true}
    %dma_wait3A_257 = arith.constant 0 : i32
    %dma_wait3A_258 = arith.constant 0 : i32
    %dma_wait3A_259 = tpu.memref_slice %arg2[%dma_wait3A_257, %dma_wait3A_258] : memref<10240x128xf32, #tpu.memory_space<hbm>> -> memref<96x128xf32, #tpu.memory_space<hbm>>
    %dma_wait3A_260 = arith.constant 0 : i32
    %dma_wait3A_261 = arith.constant 0 : i32
    %dma_wait3A_262 = tpu.memref_slice %arg2[%dma_wait3A_260, %dma_wait3A_261] : memref<10240x128xf32, #tpu.memory_space<hbm>> -> memref<96x128xf32, #tpu.memory_space<hbm>>
    tpu.wait_dma2 semaphore(%arg13 : memref<!tpu.dma_semaphore, #tpu.memory_space<semaphore_mem>>) src(%dma_wait3A_262 : memref<96x128xf32, #tpu.memory_space<hbm>>) dst(%arg11 : memref<96x128xf32, #tpu.memory_space<vmem>>)
    %dma_wait3A_263 = arith.constant 0 : i32
    %dma_wait3A_264 = arith.constant 0 : i32
    %dma_wait3A_265 = tpu.memref_slice %arg2[%dma_wait3A_263, %dma_wait3A_264] : memref<10240x128xf32, #tpu.memory_space<hbm>> -> memref<96x128xf32, #tpu.memory_space<hbm>>
    %dma_wait3A_266 = arith.constant 0 : i32
    %dma_wait3A_267 = arith.constant 0 : i32
    %dma_wait3A_268 = tpu.memref_slice %arg2[%dma_wait3A_266, %dma_wait3A_267] : memref<10240x128xf32, #tpu.memory_space<hbm>> -> memref<96x128xf32, #tpu.memory_space<hbm>>
    tpu.wait_dma2 semaphore(%arg14 : memref<!tpu.dma_semaphore, #tpu.memory_space<semaphore_mem>>) src(%dma_wait3A_268 : memref<96x128xf32, #tpu.memory_space<hbm>>) dst(%arg10 : memref<96x128xf32, #tpu.memory_space<vmem>>)
    %dma_start3A_269 = arith.constant 0 : i32
    %dma_start3A_270 = arith.constant 10 : i32
    %dma_start3A_271 = arith.constant 0 : i32
    %dma_start3A_272 = tpu.memref_slice %arg7[%dma_start3A_269, %dma_start3A_270, %dma_start3A_271] : memref<2x15x96xi32, #tpu.memory_space<vmem>> -> memref<1x1x96xi32, #tpu.memory_space<vmem>>
    %dma_start3A_273 = tpu.memref_squeeze %dma_start3A_272 : memref<1x1x96xi32, #tpu.memory_space<vmem>> -> memref<96xi32, #tpu.memory_space<vmem>>
    %dma_start3A_274 = arith.constant 0 : i32
    %dma_start3A_275 = arith.constant 0 : i32
    %dma_start3A_276 = tpu.memref_slice %arg2[%dma_start3A_274, %dma_start3A_275] : memref<10240x128xf32, #tpu.memory_space<hbm>> -> memref<10240x128xf32, #tpu.memory_space<hbm>>
    tpu.enqueue_indirect_dma source(%dma_start3A_276 : memref<10240x128xf32, #tpu.memory_space<hbm>>) target(%arg10 : memref<96x128xf32, #tpu.memory_space<vmem>>) offsets(%dma_start3A_273 : memref<96xi32, #tpu.memory_space<vmem>>) semaphore(%arg13 : memref<!tpu.dma_semaphore, #tpu.memory_space<semaphore_mem>>)
    %dma_start3A_277 = arith.constant 0 : i32
    %dma_start3A_278 = arith.constant 8 : i32
    %dma_start3A_279 = arith.constant 0 : i32
    %dma_start3A_280 = tpu.memref_slice %arg8[%dma_start3A_277, %dma_start3A_278, %dma_start3A_279] : memref<2x15x96xi32, #tpu.memory_space<vmem>> -> memref<1x1x96xi32, #tpu.memory_space<vmem>>
    %dma_start3A_281 = tpu.memref_squeeze %dma_start3A_280 : memref<1x1x96xi32, #tpu.memory_space<vmem>> -> memref<96xi32, #tpu.memory_space<vmem>>
    %dma_start3A_282 = arith.constant 0 : i32
    %dma_start3A_283 = arith.constant 0 : i32
    %dma_start3A_284 = tpu.memref_slice %arg12[%dma_start3A_282, %dma_start3A_283] : memref<10240x128xf32, #tpu.memory_space<vmem_shared>> -> memref<10240x128xf32, #tpu.memory_space<vmem_shared>>
    tpu.enqueue_indirect_dma source(%arg11 : memref<96x128xf32, #tpu.memory_space<vmem>>) target(%dma_start3A_284 : memref<10240x128xf32, #tpu.memory_space<vmem_shared>>) offsets(%dma_start3A_281 : memref<96xi32, #tpu.memory_space<vmem>>) semaphore(%arg14 : memref<!tpu.dma_semaphore, #tpu.memory_space<semaphore_mem>>) {add = true}
    %dma_wait3A_285 = arith.constant 0 : i32
    %dma_wait3A_286 = arith.constant 0 : i32
    %dma_wait3A_287 = tpu.memref_slice %arg2[%dma_wait3A_285, %dma_wait3A_286] : memref<10240x128xf32, #tpu.memory_space<hbm>> -> memref<96x128xf32, #tpu.memory_space<hbm>>
    %dma_wait3A_288 = arith.constant 0 : i32
    %dma_wait3A_289 = arith.constant 0 : i32
    %dma_wait3A_290 = tpu.memref_slice %arg2[%dma_wait3A_288, %dma_wait3A_289] : memref<10240x128xf32, #tpu.memory_space<hbm>> -> memref<96x128xf32, #tpu.memory_space<hbm>>
    tpu.wait_dma2 semaphore(%arg13 : memref<!tpu.dma_semaphore, #tpu.memory_space<semaphore_mem>>) src(%dma_wait3A_290 : memref<96x128xf32, #tpu.memory_space<hbm>>) dst(%arg9 : memref<96x128xf32, #tpu.memory_space<vmem>>)
    %dma_wait3A_291 = arith.constant 0 : i32
    %dma_wait3A_292 = arith.constant 0 : i32
    %dma_wait3A_293 = tpu.memref_slice %arg2[%dma_wait3A_291, %dma_wait3A_292] : memref<10240x128xf32, #tpu.memory_space<hbm>> -> memref<96x128xf32, #tpu.memory_space<hbm>>
    %dma_wait3A_294 = arith.constant 0 : i32
    %dma_wait3A_295 = arith.constant 0 : i32
    %dma_wait3A_296 = tpu.memref_slice %arg2[%dma_wait3A_294, %dma_wait3A_295] : memref<10240x128xf32, #tpu.memory_space<hbm>> -> memref<96x128xf32, #tpu.memory_space<hbm>>
    tpu.wait_dma2 semaphore(%arg14 : memref<!tpu.dma_semaphore, #tpu.memory_space<semaphore_mem>>) src(%dma_wait3A_296 : memref<96x128xf32, #tpu.memory_space<hbm>>) dst(%arg11 : memref<96x128xf32, #tpu.memory_space<vmem>>)
    %dma_start3A_297 = arith.constant 0 : i32
    %dma_start3A_298 = arith.constant 11 : i32
    %dma_start3A_299 = arith.constant 0 : i32
    %dma_start3A_300 = tpu.memref_slice %arg7[%dma_start3A_297, %dma_start3A_298, %dma_start3A_299] : memref<2x15x96xi32, #tpu.memory_space<vmem>> -> memref<1x1x96xi32, #tpu.memory_space<vmem>>
    %dma_start3A_301 = tpu.memref_squeeze %dma_start3A_300 : memref<1x1x96xi32, #tpu.memory_space<vmem>> -> memref<96xi32, #tpu.memory_space<vmem>>
    %dma_start3A_302 = arith.constant 0 : i32
    %dma_start3A_303 = arith.constant 0 : i32
    %dma_start3A_304 = tpu.memref_slice %arg2[%dma_start3A_302, %dma_start3A_303] : memref<10240x128xf32, #tpu.memory_space<hbm>> -> memref<10240x128xf32, #tpu.memory_space<hbm>>
    tpu.enqueue_indirect_dma source(%dma_start3A_304 : memref<10240x128xf32, #tpu.memory_space<hbm>>) target(%arg11 : memref<96x128xf32, #tpu.memory_space<vmem>>) offsets(%dma_start3A_301 : memref<96xi32, #tpu.memory_space<vmem>>) semaphore(%arg13 : memref<!tpu.dma_semaphore, #tpu.memory_space<semaphore_mem>>)
    %dma_start3A_305 = arith.constant 0 : i32
    %dma_start3A_306 = arith.constant 9 : i32
    %dma_start3A_307 = arith.constant 0 : i32
    %dma_start3A_308 = tpu.memref_slice %arg8[%dma_start3A_305, %dma_start3A_306, %dma_start3A_307] : memref<2x15x96xi32, #tpu.memory_space<vmem>> -> memref<1x1x96xi32, #tpu.memory_space<vmem>>
    %dma_start3A_309 = tpu.memref_squeeze %dma_start3A_308 : memref<1x1x96xi32, #tpu.memory_space<vmem>> -> memref<96xi32, #tpu.memory_space<vmem>>
    %dma_start3A_310 = arith.constant 0 : i32
    %dma_start3A_311 = arith.constant 0 : i32
    %dma_start3A_312 = tpu.memref_slice %arg12[%dma_start3A_310, %dma_start3A_311] : memref<10240x128xf32, #tpu.memory_space<vmem_shared>> -> memref<10240x128xf32, #tpu.memory_space<vmem_shared>>
    tpu.enqueue_indirect_dma source(%arg9 : memref<96x128xf32, #tpu.memory_space<vmem>>) target(%dma_start3A_312 : memref<10240x128xf32, #tpu.memory_space<vmem_shared>>) offsets(%dma_start3A_309 : memref<96xi32, #tpu.memory_space<vmem>>) semaphore(%arg14 : memref<!tpu.dma_semaphore, #tpu.memory_space<semaphore_mem>>) {add = true}
    %dma_wait3A_313 = arith.constant 0 : i32
    %dma_wait3A_314 = arith.constant 0 : i32
    %dma_wait3A_315 = tpu.memref_slice %arg2[%dma_wait3A_313, %dma_wait3A_314] : memref<10240x128xf32, #tpu.memory_space<hbm>> -> memref<96x128xf32, #tpu.memory_space<hbm>>
    %dma_wait3A_316 = arith.constant 0 : i32
    %dma_wait3A_317 = arith.constant 0 : i32
    %dma_wait3A_318 = tpu.memref_slice %arg2[%dma_wait3A_316, %dma_wait3A_317] : memref<10240x128xf32, #tpu.memory_space<hbm>> -> memref<96x128xf32, #tpu.memory_space<hbm>>
    tpu.wait_dma2 semaphore(%arg13 : memref<!tpu.dma_semaphore, #tpu.memory_space<semaphore_mem>>) src(%dma_wait3A_318 : memref<96x128xf32, #tpu.memory_space<hbm>>) dst(%arg10 : memref<96x128xf32, #tpu.memory_space<vmem>>)
    %dma_wait3A_319 = arith.constant 0 : i32
    %dma_wait3A_320 = arith.constant 0 : i32
    %dma_wait3A_321 = tpu.memref_slice %arg2[%dma_wait3A_319, %dma_wait3A_320] : memref<10240x128xf32, #tpu.memory_space<hbm>> -> memref<96x128xf32, #tpu.memory_space<hbm>>
    %dma_wait3A_322 = arith.constant 0 : i32
    %dma_wait3A_323 = arith.constant 0 : i32
    %dma_wait3A_324 = tpu.memref_slice %arg2[%dma_wait3A_322, %dma_wait3A_323] : memref<10240x128xf32, #tpu.memory_space<hbm>> -> memref<96x128xf32, #tpu.memory_space<hbm>>
    tpu.wait_dma2 semaphore(%arg14 : memref<!tpu.dma_semaphore, #tpu.memory_space<semaphore_mem>>) src(%dma_wait3A_324 : memref<96x128xf32, #tpu.memory_space<hbm>>) dst(%arg9 : memref<96x128xf32, #tpu.memory_space<vmem>>)
    %dma_start3A_325 = arith.constant 0 : i32
    %dma_start3A_326 = arith.constant 12 : i32
    %dma_start3A_327 = arith.constant 0 : i32
    %dma_start3A_328 = tpu.memref_slice %arg7[%dma_start3A_325, %dma_start3A_326, %dma_start3A_327] : memref<2x15x96xi32, #tpu.memory_space<vmem>> -> memref<1x1x96xi32, #tpu.memory_space<vmem>>
    %dma_start3A_329 = tpu.memref_squeeze %dma_start3A_328 : memref<1x1x96xi32, #tpu.memory_space<vmem>> -> memref<96xi32, #tpu.memory_space<vmem>>
    %dma_start3A_330 = arith.constant 0 : i32
    %dma_start3A_331 = arith.constant 0 : i32
    %dma_start3A_332 = tpu.memref_slice %arg2[%dma_start3A_330, %dma_start3A_331] : memref<10240x128xf32, #tpu.memory_space<hbm>> -> memref<10240x128xf32, #tpu.memory_space<hbm>>
    tpu.enqueue_indirect_dma source(%dma_start3A_332 : memref<10240x128xf32, #tpu.memory_space<hbm>>) target(%arg9 : memref<96x128xf32, #tpu.memory_space<vmem>>) offsets(%dma_start3A_329 : memref<96xi32, #tpu.memory_space<vmem>>) semaphore(%arg13 : memref<!tpu.dma_semaphore, #tpu.memory_space<semaphore_mem>>)
    %dma_start3A_333 = arith.constant 0 : i32
    %dma_start3A_334 = arith.constant 10 : i32
    %dma_start3A_335 = arith.constant 0 : i32
    %dma_start3A_336 = tpu.memref_slice %arg8[%dma_start3A_333, %dma_start3A_334, %dma_start3A_335] : memref<2x15x96xi32, #tpu.memory_space<vmem>> -> memref<1x1x96xi32, #tpu.memory_space<vmem>>
    %dma_start3A_337 = tpu.memref_squeeze %dma_start3A_336 : memref<1x1x96xi32, #tpu.memory_space<vmem>> -> memref<96xi32, #tpu.memory_space<vmem>>
    %dma_start3A_338 = arith.constant 0 : i32
    %dma_start3A_339 = arith.constant 0 : i32
    %dma_start3A_340 = tpu.memref_slice %arg12[%dma_start3A_338, %dma_start3A_339] : memref<10240x128xf32, #tpu.memory_space<vmem_shared>> -> memref<10240x128xf32, #tpu.memory_space<vmem_shared>>
    tpu.enqueue_indirect_dma source(%arg10 : memref<96x128xf32, #tpu.memory_space<vmem>>) target(%dma_start3A_340 : memref<10240x128xf32, #tpu.memory_space<vmem_shared>>) offsets(%dma_start3A_337 : memref<96xi32, #tpu.memory_space<vmem>>) semaphore(%arg14 : memref<!tpu.dma_semaphore, #tpu.memory_space<semaphore_mem>>) {add = true}
    %dma_wait3A_341 = arith.constant 0 : i32
    %dma_wait3A_342 = arith.constant 0 : i32
    %dma_wait3A_343 = tpu.memref_slice %arg2[%dma_wait3A_341, %dma_wait3A_342] : memref<10240x128xf32, #tpu.memory_space<hbm>> -> memref<96x128xf32, #tpu.memory_space<hbm>>
    %dma_wait3A_344 = arith.constant 0 : i32
    %dma_wait3A_345 = arith.constant 0 : i32
    %dma_wait3A_346 = tpu.memref_slice %arg2[%dma_wait3A_344, %dma_wait3A_345] : memref<10240x128xf32, #tpu.memory_space<hbm>> -> memref<96x128xf32, #tpu.memory_space<hbm>>
    tpu.wait_dma2 semaphore(%arg13 : memref<!tpu.dma_semaphore, #tpu.memory_space<semaphore_mem>>) src(%dma_wait3A_346 : memref<96x128xf32, #tpu.memory_space<hbm>>) dst(%arg11 : memref<96x128xf32, #tpu.memory_space<vmem>>)
    %dma_wait3A_347 = arith.constant 0 : i32
    %dma_wait3A_348 = arith.constant 0 : i32
    %dma_wait3A_349 = tpu.memref_slice %arg2[%dma_wait3A_347, %dma_wait3A_348] : memref<10240x128xf32, #tpu.memory_space<hbm>> -> memref<96x128xf32, #tpu.memory_space<hbm>>
    %dma_wait3A_350 = arith.constant 0 : i32
    %dma_wait3A_351 = arith.constant 0 : i32
    %dma_wait3A_352 = tpu.memref_slice %arg2[%dma_wait3A_350, %dma_wait3A_351] : memref<10240x128xf32, #tpu.memory_space<hbm>> -> memref<96x128xf32, #tpu.memory_space<hbm>>
    tpu.wait_dma2 semaphore(%arg14 : memref<!tpu.dma_semaphore, #tpu.memory_space<semaphore_mem>>) src(%dma_wait3A_352 : memref<96x128xf32, #tpu.memory_space<hbm>>) dst(%arg10 : memref<96x128xf32, #tpu.memory_space<vmem>>)
    %dma_start3A_353 = arith.constant 0 : i32
    %dma_start3A_354 = arith.constant 13 : i32
    %dma_start3A_355 = arith.constant 0 : i32
    %dma_start3A_356 = tpu.memref_slice %arg7[%dma_start3A_353, %dma_start3A_354, %dma_start3A_355] : memref<2x15x96xi32, #tpu.memory_space<vmem>> -> memref<1x1x96xi32, #tpu.memory_space<vmem>>
    %dma_start3A_357 = tpu.memref_squeeze %dma_start3A_356 : memref<1x1x96xi32, #tpu.memory_space<vmem>> -> memref<96xi32, #tpu.memory_space<vmem>>
    %dma_start3A_358 = arith.constant 0 : i32
    %dma_start3A_359 = arith.constant 0 : i32
    %dma_start3A_360 = tpu.memref_slice %arg2[%dma_start3A_358, %dma_start3A_359] : memref<10240x128xf32, #tpu.memory_space<hbm>> -> memref<10240x128xf32, #tpu.memory_space<hbm>>
    tpu.enqueue_indirect_dma source(%dma_start3A_360 : memref<10240x128xf32, #tpu.memory_space<hbm>>) target(%arg10 : memref<96x128xf32, #tpu.memory_space<vmem>>) offsets(%dma_start3A_357 : memref<96xi32, #tpu.memory_space<vmem>>) semaphore(%arg13 : memref<!tpu.dma_semaphore, #tpu.memory_space<semaphore_mem>>)
    %dma_start3A_361 = arith.constant 0 : i32
    %dma_start3A_362 = arith.constant 11 : i32
    %dma_start3A_363 = arith.constant 0 : i32
    %dma_start3A_364 = tpu.memref_slice %arg8[%dma_start3A_361, %dma_start3A_362, %dma_start3A_363] : memref<2x15x96xi32, #tpu.memory_space<vmem>> -> memref<1x1x96xi32, #tpu.memory_space<vmem>>
    %dma_start3A_365 = tpu.memref_squeeze %dma_start3A_364 : memref<1x1x96xi32, #tpu.memory_space<vmem>> -> memref<96xi32, #tpu.memory_space<vmem>>
    %dma_start3A_366 = arith.constant 0 : i32
    %dma_start3A_367 = arith.constant 0 : i32
    %dma_start3A_368 = tpu.memref_slice %arg12[%dma_start3A_366, %dma_start3A_367] : memref<10240x128xf32, #tpu.memory_space<vmem_shared>> -> memref<10240x128xf32, #tpu.memory_space<vmem_shared>>
    tpu.enqueue_indirect_dma source(%arg11 : memref<96x128xf32, #tpu.memory_space<vmem>>) target(%dma_start3A_368 : memref<10240x128xf32, #tpu.memory_space<vmem_shared>>) offsets(%dma_start3A_365 : memref<96xi32, #tpu.memory_space<vmem>>) semaphore(%arg14 : memref<!tpu.dma_semaphore, #tpu.memory_space<semaphore_mem>>) {add = true}
    %dma_wait3A_369 = arith.constant 0 : i32
    %dma_wait3A_370 = arith.constant 0 : i32
    %dma_wait3A_371 = tpu.memref_slice %arg2[%dma_wait3A_369, %dma_wait3A_370] : memref<10240x128xf32, #tpu.memory_space<hbm>> -> memref<96x128xf32, #tpu.memory_space<hbm>>
    %dma_wait3A_372 = arith.constant 0 : i32
    %dma_wait3A_373 = arith.constant 0 : i32
    %dma_wait3A_374 = tpu.memref_slice %arg2[%dma_wait3A_372, %dma_wait3A_373] : memref<10240x128xf32, #tpu.memory_space<hbm>> -> memref<96x128xf32, #tpu.memory_space<hbm>>
    tpu.wait_dma2 semaphore(%arg13 : memref<!tpu.dma_semaphore, #tpu.memory_space<semaphore_mem>>) src(%dma_wait3A_374 : memref<96x128xf32, #tpu.memory_space<hbm>>) dst(%arg9 : memref<96x128xf32, #tpu.memory_space<vmem>>)
    %dma_wait3A_375 = arith.constant 0 : i32
    %dma_wait3A_376 = arith.constant 0 : i32
    %dma_wait3A_377 = tpu.memref_slice %arg2[%dma_wait3A_375, %dma_wait3A_376] : memref<10240x128xf32, #tpu.memory_space<hbm>> -> memref<96x128xf32, #tpu.memory_space<hbm>>
    %dma_wait3A_378 = arith.constant 0 : i32
    %dma_wait3A_379 = arith.constant 0 : i32
    %dma_wait3A_380 = tpu.memref_slice %arg2[%dma_wait3A_378, %dma_wait3A_379] : memref<10240x128xf32, #tpu.memory_space<hbm>> -> memref<96x128xf32, #tpu.memory_space<hbm>>
    tpu.wait_dma2 semaphore(%arg14 : memref<!tpu.dma_semaphore, #tpu.memory_space<semaphore_mem>>) src(%dma_wait3A_380 : memref<96x128xf32, #tpu.memory_space<hbm>>) dst(%arg11 : memref<96x128xf32, #tpu.memory_space<vmem>>)
    %dma_start3A_381 = arith.constant 0 : i32
    %dma_start3A_382 = arith.constant 14 : i32
    %dma_start3A_383 = arith.constant 0 : i32
    %dma_start3A_384 = tpu.memref_slice %arg7[%dma_start3A_381, %dma_start3A_382, %dma_start3A_383] : memref<2x15x96xi32, #tpu.memory_space<vmem>> -> memref<1x1x96xi32, #tpu.memory_space<vmem>>
    %dma_start3A_385 = tpu.memref_squeeze %dma_start3A_384 : memref<1x1x96xi32, #tpu.memory_space<vmem>> -> memref<96xi32, #tpu.memory_space<vmem>>
    %dma_start3A_386 = arith.constant 0 : i32
    %dma_start3A_387 = arith.constant 0 : i32
    %dma_start3A_388 = tpu.memref_slice %arg2[%dma_start3A_386, %dma_start3A_387] : memref<10240x128xf32, #tpu.memory_space<hbm>> -> memref<10240x128xf32, #tpu.memory_space<hbm>>
    tpu.enqueue_indirect_dma source(%dma_start3A_388 : memref<10240x128xf32, #tpu.memory_space<hbm>>) target(%arg11 : memref<96x128xf32, #tpu.memory_space<vmem>>) offsets(%dma_start3A_385 : memref<96xi32, #tpu.memory_space<vmem>>) semaphore(%arg13 : memref<!tpu.dma_semaphore, #tpu.memory_space<semaphore_mem>>)
    %dma_start3A_389 = arith.constant 0 : i32
    %dma_start3A_390 = arith.constant 12 : i32
    %dma_start3A_391 = arith.constant 0 : i32
    %dma_start3A_392 = tpu.memref_slice %arg8[%dma_start3A_389, %dma_start3A_390, %dma_start3A_391] : memref<2x15x96xi32, #tpu.memory_space<vmem>> -> memref<1x1x96xi32, #tpu.memory_space<vmem>>
    %dma_start3A_393 = tpu.memref_squeeze %dma_start3A_392 : memref<1x1x96xi32, #tpu.memory_space<vmem>> -> memref<96xi32, #tpu.memory_space<vmem>>
    %dma_start3A_394 = arith.constant 0 : i32
    %dma_start3A_395 = arith.constant 0 : i32
    %dma_start3A_396 = tpu.memref_slice %arg12[%dma_start3A_394, %dma_start3A_395] : memref<10240x128xf32, #tpu.memory_space<vmem_shared>> -> memref<10240x128xf32, #tpu.memory_space<vmem_shared>>
    tpu.enqueue_indirect_dma source(%arg9 : memref<96x128xf32, #tpu.memory_space<vmem>>) target(%dma_start3A_396 : memref<10240x128xf32, #tpu.memory_space<vmem_shared>>) offsets(%dma_start3A_393 : memref<96xi32, #tpu.memory_space<vmem>>) semaphore(%arg14 : memref<!tpu.dma_semaphore, #tpu.memory_space<semaphore_mem>>) {add = true}
    %dma_wait3A_397 = arith.constant 0 : i32
    %dma_wait3A_398 = arith.constant 0 : i32
    %dma_wait3A_399 = tpu.memref_slice %arg2[%dma_wait3A_397, %dma_wait3A_398] : memref<10240x128xf32, #tpu.memory_space<hbm>> -> memref<96x128xf32, #tpu.memory_space<hbm>>
    %dma_wait3A_400 = arith.constant 0 : i32
    %dma_wait3A_401 = arith.constant 0 : i32
    %dma_wait3A_402 = tpu.memref_slice %arg2[%dma_wait3A_400, %dma_wait3A_401] : memref<10240x128xf32, #tpu.memory_space<hbm>> -> memref<96x128xf32, #tpu.memory_space<hbm>>
    tpu.wait_dma2 semaphore(%arg13 : memref<!tpu.dma_semaphore, #tpu.memory_space<semaphore_mem>>) src(%dma_wait3A_402 : memref<96x128xf32, #tpu.memory_space<hbm>>) dst(%arg10 : memref<96x128xf32, #tpu.memory_space<vmem>>)
    %dma_wait3A_403 = arith.constant 0 : i32
    %dma_wait3A_404 = arith.constant 0 : i32
    %dma_wait3A_405 = tpu.memref_slice %arg2[%dma_wait3A_403, %dma_wait3A_404] : memref<10240x128xf32, #tpu.memory_space<hbm>> -> memref<96x128xf32, #tpu.memory_space<hbm>>
    %dma_wait3A_406 = arith.constant 0 : i32
    %dma_wait3A_407 = arith.constant 0 : i32
    %dma_wait3A_408 = tpu.memref_slice %arg2[%dma_wait3A_406, %dma_wait3A_407] : memref<10240x128xf32, #tpu.memory_space<hbm>> -> memref<96x128xf32, #tpu.memory_space<hbm>>
    tpu.wait_dma2 semaphore(%arg14 : memref<!tpu.dma_semaphore, #tpu.memory_space<semaphore_mem>>) src(%dma_wait3A_408 : memref<96x128xf32, #tpu.memory_space<hbm>>) dst(%arg9 : memref<96x128xf32, #tpu.memory_space<vmem>>)
    %dma_start3A_409 = arith.constant 0 : i32
    %dma_start3A_410 = arith.constant 13 : i32
    %dma_start3A_411 = arith.constant 0 : i32
    %dma_start3A_412 = tpu.memref_slice %arg8[%dma_start3A_409, %dma_start3A_410, %dma_start3A_411] : memref<2x15x96xi32, #tpu.memory_space<vmem>> -> memref<1x1x96xi32, #tpu.memory_space<vmem>>
    %dma_start3A_413 = tpu.memref_squeeze %dma_start3A_412 : memref<1x1x96xi32, #tpu.memory_space<vmem>> -> memref<96xi32, #tpu.memory_space<vmem>>
    %dma_start3A_414 = arith.constant 0 : i32
    %dma_start3A_415 = arith.constant 0 : i32
    %dma_start3A_416 = tpu.memref_slice %arg12[%dma_start3A_414, %dma_start3A_415] : memref<10240x128xf32, #tpu.memory_space<vmem_shared>> -> memref<10240x128xf32, #tpu.memory_space<vmem_shared>>
    tpu.enqueue_indirect_dma source(%arg10 : memref<96x128xf32, #tpu.memory_space<vmem>>) target(%dma_start3A_416 : memref<10240x128xf32, #tpu.memory_space<vmem_shared>>) offsets(%dma_start3A_413 : memref<96xi32, #tpu.memory_space<vmem>>) semaphore(%arg14 : memref<!tpu.dma_semaphore, #tpu.memory_space<semaphore_mem>>) {add = true}
    %dma_wait3A_417 = arith.constant 0 : i32
    %dma_wait3A_418 = arith.constant 0 : i32
    %dma_wait3A_419 = tpu.memref_slice %arg2[%dma_wait3A_417, %dma_wait3A_418] : memref<10240x128xf32, #tpu.memory_space<hbm>> -> memref<96x128xf32, #tpu.memory_space<hbm>>
    %dma_wait3A_420 = arith.constant 0 : i32
    %dma_wait3A_421 = arith.constant 0 : i32
    %dma_wait3A_422 = tpu.memref_slice %arg2[%dma_wait3A_420, %dma_wait3A_421] : memref<10240x128xf32, #tpu.memory_space<hbm>> -> memref<96x128xf32, #tpu.memory_space<hbm>>
    tpu.wait_dma2 semaphore(%arg13 : memref<!tpu.dma_semaphore, #tpu.memory_space<semaphore_mem>>) src(%dma_wait3A_422 : memref<96x128xf32, #tpu.memory_space<hbm>>) dst(%arg11 : memref<96x128xf32, #tpu.memory_space<vmem>>)
    %dma_wait3A_423 = arith.constant 0 : i32
    %dma_wait3A_424 = arith.constant 0 : i32
    %dma_wait3A_425 = tpu.memref_slice %arg2[%dma_wait3A_423, %dma_wait3A_424] : memref<10240x128xf32, #tpu.memory_space<hbm>> -> memref<96x128xf32, #tpu.memory_space<hbm>>
    %dma_wait3A_426 = arith.constant 0 : i32
    %dma_wait3A_427 = arith.constant 0 : i32
    %dma_wait3A_428 = tpu.memref_slice %arg2[%dma_wait3A_426, %dma_wait3A_427] : memref<10240x128xf32, #tpu.memory_space<hbm>> -> memref<96x128xf32, #tpu.memory_space<hbm>>
    tpu.wait_dma2 semaphore(%arg14 : memref<!tpu.dma_semaphore, #tpu.memory_space<semaphore_mem>>) src(%dma_wait3A_428 : memref<96x128xf32, #tpu.memory_space<hbm>>) dst(%arg10 : memref<96x128xf32, #tpu.memory_space<vmem>>)
    %dma_start3A_429 = arith.constant 0 : i32
    %dma_start3A_430 = arith.constant 14 : i32
    %dma_start3A_431 = arith.constant 0 : i32
    %dma_start3A_432 = tpu.memref_slice %arg8[%dma_start3A_429, %dma_start3A_430, %dma_start3A_431] : memref<2x15x96xi32, #tpu.memory_space<vmem>> -> memref<1x1x96xi32, #tpu.memory_space<vmem>>
    %dma_start3A_433 = tpu.memref_squeeze %dma_start3A_432 : memref<1x1x96xi32, #tpu.memory_space<vmem>> -> memref<96xi32, #tpu.memory_space<vmem>>
    %dma_start3A_434 = arith.constant 0 : i32
    %dma_start3A_435 = arith.constant 0 : i32
    %dma_start3A_436 = tpu.memref_slice %arg12[%dma_start3A_434, %dma_start3A_435] : memref<10240x128xf32, #tpu.memory_space<vmem_shared>> -> memref<10240x128xf32, #tpu.memory_space<vmem_shared>>
    tpu.enqueue_indirect_dma source(%arg11 : memref<96x128xf32, #tpu.memory_space<vmem>>) target(%dma_start3A_436 : memref<10240x128xf32, #tpu.memory_space<vmem_shared>>) offsets(%dma_start3A_433 : memref<96xi32, #tpu.memory_space<vmem>>) semaphore(%arg14 : memref<!tpu.dma_semaphore, #tpu.memory_space<semaphore_mem>>) {add = true}
    %dma_wait3A_437 = arith.constant 0 : i32
    %dma_wait3A_438 = arith.constant 0 : i32
    %dma_wait3A_439 = tpu.memref_slice %arg2[%dma_wait3A_437, %dma_wait3A_438] : memref<10240x128xf32, #tpu.memory_space<hbm>> -> memref<96x128xf32, #tpu.memory_space<hbm>>
    %dma_wait3A_440 = arith.constant 0 : i32
    %dma_wait3A_441 = arith.constant 0 : i32
    %dma_wait3A_442 = tpu.memref_slice %arg2[%dma_wait3A_440, %dma_wait3A_441] : memref<10240x128xf32, #tpu.memory_space<hbm>> -> memref<96x128xf32, #tpu.memory_space<hbm>>
    tpu.wait_dma2 semaphore(%arg14 : memref<!tpu.dma_semaphore, #tpu.memory_space<semaphore_mem>>) src(%dma_wait3A_442 : memref<96x128xf32, #tpu.memory_space<hbm>>) dst(%arg11 : memref<96x128xf32, #tpu.memory_space<vmem>>)
    %barrier3A_443 = arith.constant 0 : index
    tpu.barrier barrier_id(%barrier3A_443)
    "tpu.region"() ({
      %run_scoped3A_444 = tpu.sem_alloc : memref<!tpu.dma_semaphore, #tpu.memory_space<semaphore_mem>>
      %dma_start3A_445 = arith.constant 0 : i32
      %dma_start3A_446 = tpu.memref_slice %arg6[%arg0, %mul3A_2, %dma_start3A_445] : memref<2x10240x128xf32, #tpu.memory_space<hbm>> -> memref<1x640x128xf32, #tpu.memory_space<hbm>>
      %dma_start3A_447 = tpu.memref_squeeze %dma_start3A_446 : memref<1x640x128xf32, #tpu.memory_space<hbm>> -> memref<640x128xf32, #tpu.memory_space<hbm>>
      %dma_start3A_448 = arith.constant 0 : i32
      %dma_start3A_449 = tpu.memref_slice %arg12[%mul3A_2, %dma_start3A_448] : memref<10240x128xf32, #tpu.memory_space<vmem_shared>> -> memref<640x128xf32, #tpu.memory_space<vmem_shared>>
      tpu.enqueue_dma source(%dma_start3A_449 : memref<640x128xf32, #tpu.memory_space<vmem_shared>>) target(%dma_start3A_447 : memref<640x128xf32, #tpu.memory_space<hbm>>) target_semaphore(%run_scoped3A_444 : memref<!tpu.dma_semaphore, #tpu.memory_space<semaphore_mem>>)
      %dma_wait3A_450 = arith.constant 0 : i32
      %dma_wait3A_451 = tpu.memref_slice %arg6[%arg0, %mul3A_2, %dma_wait3A_450] : memref<2x10240x128xf32, #tpu.memory_space<hbm>> -> memref<1x640x128xf32, #tpu.memory_space<hbm>>
      %dma_wait3A_452 = tpu.memref_squeeze %dma_wait3A_451 : memref<1x640x128xf32, #tpu.memory_space<hbm>> -> memref<640x128xf32, #tpu.memory_space<hbm>>
      %dma_wait3A_453 = arith.constant 0 : i32
      %dma_wait3A_454 = tpu.memref_slice %arg12[%mul3A_2, %dma_wait3A_453] : memref<10240x128xf32, #tpu.memory_space<vmem_shared>> -> memref<640x128xf32, #tpu.memory_space<vmem_shared>>
      tpu.wait_dma2 semaphore(%run_scoped3A_444 : memref<!tpu.dma_semaphore, #tpu.memory_space<semaphore_mem>>) src(%dma_wait3A_454 : memref<640x128xf32, #tpu.memory_space<vmem_shared>>) dst(%dma_wait3A_452 : memref<640x128xf32, #tpu.memory_space<hbm>>)
      tpu.yield
    }) : () -> ()
    return
  }
}

#map = affine_map<(d0, d1) -> (0, 0)>
#map1 = affine_map<(d0, d1) -> (0, 0, 0, 0)>
#map2 = affine_map<(d0, d1) -> (0, 0, 0)>
module attributes {stable_mosaic.version = 14 : i64} {
  func.func @agg(%arg0: i32, %arg1: i32, %arg2: memref<10240x128xf32, #tpu.memory_space<hbm>>, %arg3: memref<32x7x15x96xi32, #tpu.memory_space<hbm>>, %arg4: memref<32x7x15x96xi32, #tpu.memory_space<hbm>>, %arg5: memref<10240x128xf32, #tpu.memory_space<hbm>>, %arg6: memref<2x10240x128xf32, #tpu.memory_space<hbm>>, %arg7: memref<2x15x96xi32, #tpu.memory_space<vmem>>, %arg8: memref<2x15x96xi32, #tpu.memory_space<vmem>>, %arg9: memref<96x128xf32, #tpu.memory_space<vmem>>, %arg10: memref<96x128xf32, #tpu.memory_space<vmem>>, %arg11: memref<96x128xf32, #tpu.memory_space<vmem>>, %arg12: memref<10240x128xf32, #tpu.memory_space<vmem_shared>>, %arg13: memref<!tpu.dma_semaphore, #tpu.memory_space<semaphore_mem>>, %arg14: memref<!tpu.dma_semaphore, #tpu.memory_space<semaphore_mem>>, %arg15: memref<!tpu.dma_semaphore, #tpu.memory_space<semaphore_mem>>) attributes {dimension_semantics = [#tpu.dimension_semantics<core_parallel>, #tpu.dimension_semantics<subcore_parallel>], iteration_bounds = array<i64: 2, 16>, scalar_prefetch = 0 : i64, scratch_operands = 9 : i64, tpu.core_type = #tpu.core_type<sc_vector_subcore>, window_params = [{transform_indices = #map}, {transform_indices = #map1}, {transform_indices = #map1}, {transform_indices = #map}, {transform_indices = #map2}]} {
    %mul3A = arith.constant 16 : i32
    %mul3A_0 = arith.muli %arg0, %mul3A : i32
    %add3A = arith.addi %mul3A_0, %arg1 : i32
    %mul3A_1 = arith.constant 640 : i32
    %mul3A_2 = arith.muli %arg1, %mul3A_1 : i32
    "tpu.region"() ({
      %run_scoped3A_444 = tpu.sem_alloc : memref<!tpu.dma_semaphore, #tpu.memory_space<semaphore_mem>>
      %dma_start3A_445 = arith.constant 0 : i32
      %dma_start3A_446 = tpu.memref_slice %arg12[%mul3A_2, %dma_start3A_445] : memref<10240x128xf32, #tpu.memory_space<vmem_shared>> -> memref<640x128xf32, #tpu.memory_space<vmem_shared>>
      %dma_start3A_447 = arith.constant 0 : i32
      %dma_start3A_448 = tpu.memref_slice %arg5[%mul3A_2, %dma_start3A_447] : memref<10240x128xf32, #tpu.memory_space<hbm>> -> memref<640x128xf32, #tpu.memory_space<hbm>>
      tpu.enqueue_dma source(%dma_start3A_448 : memref<640x128xf32, #tpu.memory_space<hbm>>) target(%dma_start3A_446 : memref<640x128xf32, #tpu.memory_space<vmem_shared>>) target_semaphore(%run_scoped3A_444 : memref<!tpu.dma_semaphore, #tpu.memory_space<semaphore_mem>>)
      %dma_wait3A_449 = arith.constant 0 : i32
      %dma_wait3A_450 = tpu.memref_slice %arg12[%mul3A_2, %dma_wait3A_449] : memref<10240x128xf32, #tpu.memory_space<vmem_shared>> -> memref<640x128xf32, #tpu.memory_space<vmem_shared>>
      %dma_wait3A_451 = arith.constant 0 : i32
      %dma_wait3A_452 = tpu.memref_slice %arg5[%mul3A_2, %dma_wait3A_451] : memref<10240x128xf32, #tpu.memory_space<hbm>> -> memref<640x128xf32, #tpu.memory_space<hbm>>
      tpu.wait_dma2 semaphore(%run_scoped3A_444 : memref<!tpu.dma_semaphore, #tpu.memory_space<semaphore_mem>>) src(%dma_wait3A_452 : memref<640x128xf32, #tpu.memory_space<hbm>>) dst(%dma_wait3A_450 : memref<640x128xf32, #tpu.memory_space<vmem_shared>>)
      tpu.yield
    }) : () -> ()
    %run_scoped3A = arith.constant 0 : i32
    %run_scoped3A_3 = arith.constant 0 : i32
    "tpu.region"() ({
      %run_scoped3A_444 = tpu.sem_alloc : memref<!tpu.dma_semaphore, #tpu.memory_space<semaphore_mem>>
      %dma_start3A_445 = arith.constant 0 : i32
      %dma_start3A_446 = arith.constant 0 : i32
      %dma_start3A_447 = tpu.memref_slice %arg7[%run_scoped3A_3, %dma_start3A_445, %dma_start3A_446] : memref<2x15x96xi32, #tpu.memory_space<vmem>> -> memref<1x15x96xi32, #tpu.memory_space<vmem>>
      %dma_start3A_448 = tpu.memref_squeeze %dma_start3A_447 : memref<1x15x96xi32, #tpu.memory_space<vmem>> -> memref<15x96xi32, #tpu.memory_space<vmem>>
      %dma_start3A_449 = arith.constant 0 : i32
      %dma_start3A_450 = arith.constant 0 : i32
      %dma_start3A_451 = tpu.memref_slice %arg3[%add3A, %run_scoped3A, %dma_start3A_449, %dma_start3A_450] : memref<32x7x15x96xi32, #tpu.memory_space<hbm>> -> memref<1x1x15x96xi32, #tpu.memory_space<hbm>>
      %dma_start3A_452 = tpu.memref_squeeze %dma_start3A_451 : memref<1x1x15x96xi32, #tpu.memory_space<hbm>> -> memref<15x96xi32, #tpu.memory_space<hbm>>
      %dma_start3A_453 = arith.constant 0 : i32
      %dma_start3A_454 = arith.constant 0 : i32
      %dma_start3A_455 = tpu.memref_slice %arg7[%run_scoped3A_3, %dma_start3A_453, %dma_start3A_454] : memref<2x15x96xi32, #tpu.memory_space<vmem>> -> memref<1x15x96xi32, #tpu.memory_space<vmem>>
      %dma_start3A_456 = tpu.memref_squeeze %dma_start3A_455 : memref<1x15x96xi32, #tpu.memory_space<vmem>> -> memref<15x96xi32, #tpu.memory_space<vmem>>
      %dma_start3A_457 = arith.constant 0 : i32
      %dma_start3A_458 = arith.constant 0 : i32
      %dma_start3A_459 = tpu.memref_slice %arg3[%add3A, %run_scoped3A, %dma_start3A_457, %dma_start3A_458] : memref<32x7x15x96xi32, #tpu.memory_space<hbm>> -> memref<1x1x15x96xi32, #tpu.memory_space<hbm>>
      %dma_start3A_460 = tpu.memref_squeeze %dma_start3A_459 : memref<1x1x15x96xi32, #tpu.memory_space<hbm>> -> memref<15x96xi32, #tpu.memory_space<hbm>>
      tpu.enqueue_dma source(%dma_start3A_460 : memref<15x96xi32, #tpu.memory_space<hbm>>) target(%dma_start3A_456 : memref<15x96xi32, #tpu.memory_space<vmem>>) target_semaphore(%run_scoped3A_444 : memref<!tpu.dma_semaphore, #tpu.memory_space<semaphore_mem>>)
      %dma_wait3A_461 = arith.constant 0 : i32
      %dma_wait3A_462 = arith.constant 0 : i32
      %dma_wait3A_463 = tpu.memref_slice %arg7[%run_scoped3A_3, %dma_wait3A_461, %dma_wait3A_462] : memref<2x15x96xi32, #tpu.memory_space<vmem>> -> memref<1x15x96xi32, #tpu.memory_space<vmem>>
      %dma_wait3A_464 = tpu.memref_squeeze %dma_wait3A_463 : memref<1x15x96xi32, #tpu.memory_space<vmem>> -> memref<15x96xi32, #tpu.memory_space<vmem>>
      %dma_wait3A_465 = arith.constant 0 : i32
      %dma_wait3A_466 = arith.constant 0 : i32
      %dma_wait3A_467 = tpu.memref_slice %arg3[%add3A, %run_scoped3A, %dma_wait3A_465, %dma_wait3A_466] : memref<32x7x15x96xi32, #tpu.memory_space<hbm>> -> memref<1x1x15x96xi32, #tpu.memory_space<hbm>>
      %dma_wait3A_468 = tpu.memref_squeeze %dma_wait3A_467 : memref<1x1x15x96xi32, #tpu.memory_space<hbm>> -> memref<15x96xi32, #tpu.memory_space<hbm>>
      %dma_wait3A_469 = arith.constant 0 : i32
      %dma_wait3A_470 = arith.constant 0 : i32
      %dma_wait3A_471 = tpu.memref_slice %arg7[%run_scoped3A_3, %dma_wait3A_469, %dma_wait3A_470] : memref<2x15x96xi32, #tpu.memory_space<vmem>> -> memref<1x15x96xi32, #tpu.memory_space<vmem>>
      %dma_wait3A_472 = tpu.memref_squeeze %dma_wait3A_471 : memref<1x15x96xi32, #tpu.memory_space<vmem>> -> memref<15x96xi32, #tpu.memory_space<vmem>>
      %dma_wait3A_473 = arith.constant 0 : i32
      %dma_wait3A_474 = arith.constant 0 : i32
      %dma_wait3A_475 = tpu.memref_slice %arg3[%add3A, %run_scoped3A, %dma_wait3A_473, %dma_wait3A_474] : memref<32x7x15x96xi32, #tpu.memory_space<hbm>> -> memref<1x1x15x96xi32, #tpu.memory_space<hbm>>
      %dma_wait3A_476 = tpu.memref_squeeze %dma_wait3A_475 : memref<1x1x15x96xi32, #tpu.memory_space<hbm>> -> memref<15x96xi32, #tpu.memory_space<hbm>>
      tpu.wait_dma2 semaphore(%run_scoped3A_444 : memref<!tpu.dma_semaphore, #tpu.memory_space<semaphore_mem>>) src(%dma_wait3A_476 : memref<15x96xi32, #tpu.memory_space<hbm>>) dst(%dma_wait3A_472 : memref<15x96xi32, #tpu.memory_space<vmem>>)
      tpu.yield
    }) : () -> ()
    %run_scoped3A_4 = arith.constant 0 : i32
    %run_scoped3A_5 = arith.constant 0 : i32
    "tpu.region"() ({
      %run_scoped3A_444 = tpu.sem_alloc : memref<!tpu.dma_semaphore, #tpu.memory_space<semaphore_mem>>
      %dma_start3A_445 = arith.constant 0 : i32
      %dma_start3A_446 = arith.constant 0 : i32
      %dma_start3A_447 = tpu.memref_slice %arg8[%run_scoped3A_5, %dma_start3A_445, %dma_start3A_446] : memref<2x15x96xi32, #tpu.memory_space<vmem>> -> memref<1x15x96xi32, #tpu.memory_space<vmem>>
      %dma_start3A_448 = tpu.memref_squeeze %dma_start3A_447 : memref<1x15x96xi32, #tpu.memory_space<vmem>> -> memref<15x96xi32, #tpu.memory_space<vmem>>
      %dma_start3A_449 = arith.constant 0 : i32
      %dma_start3A_450 = arith.constant 0 : i32
      %dma_start3A_451 = tpu.memref_slice %arg4[%add3A, %run_scoped3A_4, %dma_start3A_449, %dma_start3A_450] : memref<32x7x15x96xi32, #tpu.memory_space<hbm>> -> memref<1x1x15x96xi32, #tpu.memory_space<hbm>>
      %dma_start3A_452 = tpu.memref_squeeze %dma_start3A_451 : memref<1x1x15x96xi32, #tpu.memory_space<hbm>> -> memref<15x96xi32, #tpu.memory_space<hbm>>
      %dma_start3A_453 = arith.constant 0 : i32
      %dma_start3A_454 = arith.constant 0 : i32
      %dma_start3A_455 = tpu.memref_slice %arg8[%run_scoped3A_5, %dma_start3A_453, %dma_start3A_454] : memref<2x15x96xi32, #tpu.memory_space<vmem>> -> memref<1x15x96xi32, #tpu.memory_space<vmem>>
      %dma_start3A_456 = tpu.memref_squeeze %dma_start3A_455 : memref<1x15x96xi32, #tpu.memory_space<vmem>> -> memref<15x96xi32, #tpu.memory_space<vmem>>
      %dma_start3A_457 = arith.constant 0 : i32
      %dma_start3A_458 = arith.constant 0 : i32
      %dma_start3A_459 = tpu.memref_slice %arg4[%add3A, %run_scoped3A_4, %dma_start3A_457, %dma_start3A_458] : memref<32x7x15x96xi32, #tpu.memory_space<hbm>> -> memref<1x1x15x96xi32, #tpu.memory_space<hbm>>
      %dma_start3A_460 = tpu.memref_squeeze %dma_start3A_459 : memref<1x1x15x96xi32, #tpu.memory_space<hbm>> -> memref<15x96xi32, #tpu.memory_space<hbm>>
      tpu.enqueue_dma source(%dma_start3A_460 : memref<15x96xi32, #tpu.memory_space<hbm>>) target(%dma_start3A_456 : memref<15x96xi32, #tpu.memory_space<vmem>>) target_semaphore(%run_scoped3A_444 : memref<!tpu.dma_semaphore, #tpu.memory_space<semaphore_mem>>)
      %dma_wait3A_461 = arith.constant 0 : i32
      %dma_wait3A_462 = arith.constant 0 : i32
      %dma_wait3A_463 = tpu.memref_slice %arg8[%run_scoped3A_5, %dma_wait3A_461, %dma_wait3A_462] : memref<2x15x96xi32, #tpu.memory_space<vmem>> -> memref<1x15x96xi32, #tpu.memory_space<vmem>>
      %dma_wait3A_464 = tpu.memref_squeeze %dma_wait3A_463 : memref<1x15x96xi32, #tpu.memory_space<vmem>> -> memref<15x96xi32, #tpu.memory_space<vmem>>
      %dma_wait3A_465 = arith.constant 0 : i32
      %dma_wait3A_466 = arith.constant 0 : i32
      %dma_wait3A_467 = tpu.memref_slice %arg4[%add3A, %run_scoped3A_4, %dma_wait3A_465, %dma_wait3A_466] : memref<32x7x15x96xi32, #tpu.memory_space<hbm>> -> memref<1x1x15x96xi32, #tpu.memory_space<hbm>>
      %dma_wait3A_468 = tpu.memref_squeeze %dma_wait3A_467 : memref<1x1x15x96xi32, #tpu.memory_space<hbm>> -> memref<15x96xi32, #tpu.memory_space<hbm>>
      %dma_wait3A_469 = arith.constant 0 : i32
      %dma_wait3A_470 = arith.constant 0 : i32
      %dma_wait3A_471 = tpu.memref_slice %arg8[%run_scoped3A_5, %dma_wait3A_469, %dma_wait3A_470] : memref<2x15x96xi32, #tpu.memory_space<vmem>> -> memref<1x15x96xi32, #tpu.memory_space<vmem>>
      %dma_wait3A_472 = tpu.memref_squeeze %dma_wait3A_471 : memref<1x15x96xi32, #tpu.memory_space<vmem>> -> memref<15x96xi32, #tpu.memory_space<vmem>>
      %dma_wait3A_473 = arith.constant 0 : i32
      %dma_wait3A_474 = arith.constant 0 : i32
      %dma_wait3A_475 = tpu.memref_slice %arg4[%add3A, %run_scoped3A_4, %dma_wait3A_473, %dma_wait3A_474] : memref<32x7x15x96xi32, #tpu.memory_space<hbm>> -> memref<1x1x15x96xi32, #tpu.memory_space<hbm>>
      %dma_wait3A_476 = tpu.memref_squeeze %dma_wait3A_475 : memref<1x1x15x96xi32, #tpu.memory_space<hbm>> -> memref<15x96xi32, #tpu.memory_space<hbm>>
      tpu.wait_dma2 semaphore(%run_scoped3A_444 : memref<!tpu.dma_semaphore, #tpu.memory_space<semaphore_mem>>) src(%dma_wait3A_476 : memref<15x96xi32, #tpu.memory_space<hbm>>) dst(%dma_wait3A_472 : memref<15x96xi32, #tpu.memory_space<vmem>>)
      tpu.yield
    }) : () -> ()
    "tpu.region"() ({
      %run_scoped3A_444 = tpu.sem_alloc : memref<!tpu.dma_semaphore, #tpu.memory_space<semaphore_mem>>
      %dma_start3A_445 = arith.constant 0 : i32
      %dma_start3A_446 = arith.constant 0 : i32
      %dma_start3A_447 = tpu.memref_slice %arg5[%dma_start3A_445, %dma_start3A_446] : memref<10240x128xf32, #tpu.memory_space<hbm>> -> memref<96x128xf32, #tpu.memory_space<hbm>>
      %dma_start3A_448 = arith.constant 0 : i32
      %dma_start3A_449 = arith.constant 0 : i32
      %dma_start3A_450 = tpu.memref_slice %arg5[%dma_start3A_448, %dma_start3A_449] : memref<10240x128xf32, #tpu.memory_space<hbm>> -> memref<96x128xf32, #tpu.memory_space<hbm>>
      tpu.enqueue_dma source(%dma_start3A_450 : memref<96x128xf32, #tpu.memory_space<hbm>>) target(%arg11 : memref<96x128xf32, #tpu.memory_space<vmem>>) target_semaphore(%run_scoped3A_444 : memref<!tpu.dma_semaphore, #tpu.memory_space<semaphore_mem>>)
      %dma_wait3A_451 = arith.constant 0 : i32
      %dma_wait3A_452 = arith.constant 0 : i32
      %dma_wait3A_453 = tpu.memref_slice %arg5[%dma_wait3A_451, %dma_wait3A_452] : memref<10240x128xf32, #tpu.memory_space<hbm>> -> memref<96x128xf32, #tpu.memory_space<hbm>>
      %dma_wait3A_454 = arith.constant 0 : i32
      %dma_wait3A_455 = arith.constant 0 : i32
      %dma_wait3A_456 = tpu.memref_slice %arg5[%dma_wait3A_454, %dma_wait3A_455] : memref<10240x128xf32, #tpu.memory_space<hbm>> -> memref<96x128xf32, #tpu.memory_space<hbm>>
      tpu.wait_dma2 semaphore(%run_scoped3A_444 : memref<!tpu.dma_semaphore, #tpu.memory_space<semaphore_mem>>) src(%dma_wait3A_456 : memref<96x128xf32, #tpu.memory_space<hbm>>) dst(%arg11 : memref<96x128xf32, #tpu.memory_space<vmem>>)
      tpu.yield
    }) : () -> ()
    %barrier3A = arith.constant 0 : index
    tpu.barrier barrier_id(%barrier3A)
    %dma_start3A = arith.constant 0 : i32
    %dma_start3A_6 = arith.constant 0 : i32
    %dma_start3A_7 = arith.constant 0 : i32
    %dma_start3A_8 = tpu.memref_slice %arg7[%dma_start3A, %dma_start3A_6, %dma_start3A_7] : memref<2x15x96xi32, #tpu.memory_space<vmem>> -> memref<1x1x96xi32, #tpu.memory_space<vmem>>
    %dma_start3A_9 = tpu.memref_squeeze %dma_start3A_8 : memref<1x1x96xi32, #tpu.memory_space<vmem>> -> memref<96xi32, #tpu.memory_space<vmem>>
    %dma_start3A_10 = arith.constant 0 : i32
    %dma_start3A_11 = arith.constant 0 : i32
    %dma_start3A_12 = tpu.memref_slice %arg2[%dma_start3A_10, %dma_start3A_11] : memref<10240x128xf32, #tpu.memory_space<hbm>> -> memref<10240x128xf32, #tpu.memory_space<hbm>>
    tpu.enqueue_indirect_dma source(%dma_start3A_12 : memref<10240x128xf32, #tpu.memory_space<hbm>>) target(%arg9 : memref<96x128xf32, #tpu.memory_space<vmem>>) offsets(%dma_start3A_9 : memref<96xi32, #tpu.memory_space<vmem>>) semaphore(%arg13 : memref<!tpu.dma_semaphore, #tpu.memory_space<semaphore_mem>>)
    %dma_start3A_13 = arith.constant 0 : i32
    %dma_start3A_14 = arith.constant 1 : i32
    %dma_start3A_15 = arith.constant 0 : i32
    %dma_start3A_16 = tpu.memref_slice %arg7[%dma_start3A_13, %dma_start3A_14, %dma_start3A_15] : memref<2x15x96xi32, #tpu.memory_space<vmem>> -> memref<1x1x96xi32, #tpu.memory_space<vmem>>
    %dma_start3A_17 = tpu.memref_squeeze %dma_start3A_16 : memref<1x1x96xi32, #tpu.memory_space<vmem>> -> memref<96xi32, #tpu.memory_space<vmem>>
    %dma_start3A_18 = arith.constant 0 : i32
    %dma_start3A_19 = arith.constant 0 : i32
    %dma_start3A_20 = tpu.memref_slice %arg2[%dma_start3A_18, %dma_start3A_19] : memref<10240x128xf32, #tpu.memory_space<hbm>> -> memref<10240x128xf32, #tpu.memory_space<hbm>>
    tpu.enqueue_indirect_dma source(%dma_start3A_20 : memref<10240x128xf32, #tpu.memory_space<hbm>>) target(%arg10 : memref<96x128xf32, #tpu.memory_space<vmem>>) offsets(%dma_start3A_17 : memref<96xi32, #tpu.memory_space<vmem>>) semaphore(%arg13 : memref<!tpu.dma_semaphore, #tpu.memory_space<semaphore_mem>>)
    %dma_start3A_21 = arith.constant 0 : i32
    %dma_start3A_22 = arith.constant 0 : i32
    %dma_start3A_23 = arith.constant 0 : i32
    %dma_start3A_24 = tpu.memref_slice %arg8[%dma_start3A_21, %dma_start3A_22, %dma_start3A_23] : memref<2x15x96xi32, #tpu.memory_space<vmem>> -> memref<1x1x96xi32, #tpu.memory_space<vmem>>
    %dma_start3A_25 = tpu.memref_squeeze %dma_start3A_24 : memref<1x1x96xi32, #tpu.memory_space<vmem>> -> memref<96xi32, #tpu.memory_space<vmem>>
    %dma_start3A_26 = arith.constant 0 : i32
    %dma_start3A_27 = arith.constant 0 : i32
    %dma_start3A_28 = tpu.memref_slice %arg12[%dma_start3A_26, %dma_start3A_27] : memref<10240x128xf32, #tpu.memory_space<vmem_shared>> -> memref<10240x128xf32, #tpu.memory_space<vmem_shared>>
    tpu.enqueue_indirect_dma source(%arg11 : memref<96x128xf32, #tpu.memory_space<vmem>>) target(%dma_start3A_28 : memref<10240x128xf32, #tpu.memory_space<vmem_shared>>) offsets(%dma_start3A_25 : memref<96xi32, #tpu.memory_space<vmem>>) semaphore(%arg14 : memref<!tpu.dma_semaphore, #tpu.memory_space<semaphore_mem>>) {add = true}
    %scan3A = arith.constant 0 : i32
    %scan3A_29 = arith.constant 0 : i32
    %scan3A_30 = arith.constant 6 : i32
    %scan3A_31 = arith.addi %scan3A_29, %scan3A_30 : i32
    %scan3A_32 = arith.constant 1 : i32
    scf.for %scan3A_444 = %scan3A_29 to %scan3A_31 step %scan3A_32  : i32 {
      %rem3A = arith.constant 2 : i32
      %rem3A_445 = arith.remsi %scan3A_444, %rem3A : i32
      %sub3A = arith.constant 1 : i32
      %sub3A_446 = arith.subi %sub3A, %rem3A_445 : i32
      %add3A_447 = arith.constant 1 : i32
      %add3A_448 = arith.addi %scan3A_444, %add3A_447 : i32
      %dma_start3A_449 = arith.constant 0 : i32
      %dma_start3A_450 = arith.constant 0 : i32
      %dma_start3A_451 = tpu.memref_slice %arg7[%sub3A_446, %dma_start3A_449, %dma_start3A_450] : memref<2x15x96xi32, #tpu.memory_space<vmem>> -> memref<1x15x96xi32, #tpu.memory_space<vmem>>
      %dma_start3A_452 = tpu.memref_squeeze %dma_start3A_451 : memref<1x15x96xi32, #tpu.memory_space<vmem>> -> memref<15x96xi32, #tpu.memory_space<vmem>>
      %dma_start3A_453 = arith.constant 0 : i32
      %dma_start3A_454 = arith.constant 0 : i32
      %dma_start3A_455 = tpu.memref_slice %arg3[%add3A, %add3A_448, %dma_start3A_453, %dma_start3A_454] : memref<32x7x15x96xi32, #tpu.memory_space<hbm>> -> memref<1x1x15x96xi32, #tpu.memory_space<hbm>>
      %dma_start3A_456 = tpu.memref_squeeze %dma_start3A_455 : memref<1x1x15x96xi32, #tpu.memory_space<hbm>> -> memref<15x96xi32, #tpu.memory_space<hbm>>
      %dma_start3A_457 = arith.constant 0 : i32
      %dma_start3A_458 = arith.constant 0 : i32
      %dma_start3A_459 = tpu.memref_slice %arg7[%sub3A_446, %dma_start3A_457, %dma_start3A_458] : memref<2x15x96xi32, #tpu.memory_space<vmem>> -> memref<1x15x96xi32, #tpu.memory_space<vmem>>
      %dma_start3A_460 = tpu.memref_squeeze %dma_start3A_459 : memref<1x15x96xi32, #tpu.memory_space<vmem>> -> memref<15x96xi32, #tpu.memory_space<vmem>>
      %dma_start3A_461 = arith.constant 0 : i32
      %dma_start3A_462 = arith.constant 0 : i32
      %dma_start3A_463 = tpu.memref_slice %arg3[%add3A, %add3A_448, %dma_start3A_461, %dma_start3A_462] : memref<32x7x15x96xi32, #tpu.memory_space<hbm>> -> memref<1x1x15x96xi32, #tpu.memory_space<hbm>>
      %dma_start3A_464 = tpu.memref_squeeze %dma_start3A_463 : memref<1x1x15x96xi32, #tpu.memory_space<hbm>> -> memref<15x96xi32, #tpu.memory_space<hbm>>
      tpu.enqueue_dma source(%dma_start3A_464 : memref<15x96xi32, #tpu.memory_space<hbm>>) target(%dma_start3A_460 : memref<15x96xi32, #tpu.memory_space<vmem>>) target_semaphore(%arg15 : memref<!tpu.dma_semaphore, #tpu.memory_space<semaphore_mem>>)
      %add3A_465 = arith.constant 1 : i32
      %add3A_466 = arith.addi %scan3A_444, %add3A_465 : i32
      %dma_start3A_467 = arith.constant 0 : i32
      %dma_start3A_468 = arith.constant 0 : i32
      %dma_start3A_469 = tpu.memref_slice %arg8[%sub3A_446, %dma_start3A_467, %dma_start3A_468] : memref<2x15x96xi32, #tpu.memory_space<vmem>> -> memref<1x15x96xi32, #tpu.memory_space<vmem>>
      %dma_start3A_470 = tpu.memref_squeeze %dma_start3A_469 : memref<1x15x96xi32, #tpu.memory_space<vmem>> -> memref<15x96xi32, #tpu.memory_space<vmem>>
      %dma_start3A_471 = arith.constant 0 : i32
      %dma_start3A_472 = arith.constant 0 : i32
      %dma_start3A_473 = tpu.memref_slice %arg4[%add3A, %add3A_466, %dma_start3A_471, %dma_start3A_472] : memref<32x7x15x96xi32, #tpu.memory_space<hbm>> -> memref<1x1x15x96xi32, #tpu.memory_space<hbm>>
      %dma_start3A_474 = tpu.memref_squeeze %dma_start3A_473 : memref<1x1x15x96xi32, #tpu.memory_space<hbm>> -> memref<15x96xi32, #tpu.memory_space<hbm>>
      %dma_start3A_475 = arith.constant 0 : i32
      %dma_start3A_476 = arith.constant 0 : i32
      %dma_start3A_477 = tpu.memref_slice %arg8[%sub3A_446, %dma_start3A_475, %dma_start3A_476] : memref<2x15x96xi32, #tpu.memory_space<vmem>> -> memref<1x15x96xi32, #tpu.memory_space<vmem>>
      %dma_start3A_478 = tpu.memref_squeeze %dma_start3A_477 : memref<1x15x96xi32, #tpu.memory_space<vmem>> -> memref<15x96xi32, #tpu.memory_space<vmem>>
      %dma_start3A_479 = arith.constant 0 : i32
      %dma_start3A_480 = arith.constant 0 : i32
      %dma_start3A_481 = tpu.memref_slice %arg4[%add3A, %add3A_466, %dma_start3A_479, %dma_start3A_480] : memref<32x7x15x96xi32, #tpu.memory_space<hbm>> -> memref<1x1x15x96xi32, #tpu.memory_space<hbm>>
      %dma_start3A_482 = tpu.memref_squeeze %dma_start3A_481 : memref<1x1x15x96xi32, #tpu.memory_space<hbm>> -> memref<15x96xi32, #tpu.memory_space<hbm>>
      tpu.enqueue_dma source(%dma_start3A_482 : memref<15x96xi32, #tpu.memory_space<hbm>>) target(%dma_start3A_478 : memref<15x96xi32, #tpu.memory_space<vmem>>) target_semaphore(%arg15 : memref<!tpu.dma_semaphore, #tpu.memory_space<semaphore_mem>>)
      %dma_wait3A_483 = arith.constant 0 : i32
      %dma_wait3A_484 = arith.constant 0 : i32
      %dma_wait3A_485 = tpu.memref_slice %arg2[%dma_wait3A_483, %dma_wait3A_484] : memref<10240x128xf32, #tpu.memory_space<hbm>> -> memref<96x128xf32, #tpu.memory_space<hbm>>
      %dma_wait3A_486 = arith.constant 0 : i32
      %dma_wait3A_487 = arith.constant 0 : i32
      %dma_wait3A_488 = tpu.memref_slice %arg2[%dma_wait3A_486, %dma_wait3A_487] : memref<10240x128xf32, #tpu.memory_space<hbm>> -> memref<96x128xf32, #tpu.memory_space<hbm>>
      tpu.wait_dma2 semaphore(%arg13 : memref<!tpu.dma_semaphore, #tpu.memory_space<semaphore_mem>>) src(%dma_wait3A_488 : memref<96x128xf32, #tpu.memory_space<hbm>>) dst(%arg9 : memref<96x128xf32, #tpu.memory_space<vmem>>)
      %dma_wait3A_489 = arith.constant 0 : i32
      %dma_wait3A_490 = arith.constant 0 : i32
      %dma_wait3A_491 = tpu.memref_slice %arg2[%dma_wait3A_489, %dma_wait3A_490] : memref<10240x128xf32, #tpu.memory_space<hbm>> -> memref<96x128xf32, #tpu.memory_space<hbm>>
      %dma_wait3A_492 = arith.constant 0 : i32
      %dma_wait3A_493 = arith.constant 0 : i32
      %dma_wait3A_494 = tpu.memref_slice %arg2[%dma_wait3A_492, %dma_wait3A_493] : memref<10240x128xf32, #tpu.memory_space<hbm>> -> memref<96x128xf32, #tpu.memory_space<hbm>>
      tpu.wait_dma2 semaphore(%arg14 : memref<!tpu.dma_semaphore, #tpu.memory_space<semaphore_mem>>) src(%dma_wait3A_494 : memref<96x128xf32, #tpu.memory_space<hbm>>) dst(%arg11 : memref<96x128xf32, #tpu.memory_space<vmem>>)
      %dma_start3A_495 = arith.constant 2 : i32
      %dma_start3A_496 = arith.constant 0 : i32
      %dma_start3A_497 = tpu.memref_slice %arg7[%rem3A_445, %dma_start3A_495, %dma_start3A_496] : memref<2x15x96xi32, #tpu.memory_space<vmem>> -> memref<1x1x96xi32, #tpu.memory_space<vmem>>
      %dma_start3A_498 = tpu.memref_squeeze %dma_start3A_497 : memref<1x1x96xi32, #tpu.memory_space<vmem>> -> memref<96xi32, #tpu.memory_space<vmem>>
      %dma_start3A_499 = arith.constant 0 : i32
      %dma_start3A_500 = arith.constant 0 : i32
      %dma_start3A_501 = tpu.memref_slice %arg2[%dma_start3A_499, %dma_start3A_500] : memref<10240x128xf32, #tpu.memory_space<hbm>> -> memref<10240x128xf32, #tpu.memory_space<hbm>>
      tpu.enqueue_indirect_dma source(%dma_start3A_501 : memref<10240x128xf32, #tpu.memory_space<hbm>>) target(%arg11 : memref<96x128xf32, #tpu.memory_space<vmem>>) offsets(%dma_start3A_498 : memref<96xi32, #tpu.memory_space<vmem>>) semaphore(%arg13 : memref<!tpu.dma_semaphore, #tpu.memory_space<semaphore_mem>>)
      %dma_start3A_502 = arith.constant 0 : i32
      %dma_start3A_503 = arith.constant 0 : i32
      %dma_start3A_504 = tpu.memref_slice %arg8[%rem3A_445, %dma_start3A_502, %dma_start3A_503] : memref<2x15x96xi32, #tpu.memory_space<vmem>> -> memref<1x1x96xi32, #tpu.memory_space<vmem>>
      %dma_start3A_505 = tpu.memref_squeeze %dma_start3A_504 : memref<1x1x96xi32, #tpu.memory_space<vmem>> -> memref<96xi32, #tpu.memory_space<vmem>>
      %dma_start3A_506 = arith.constant 0 : i32
      %dma_start3A_507 = arith.constant 0 : i32
      %dma_start3A_508 = tpu.memref_slice %arg12[%dma_start3A_506, %dma_start3A_507] : memref<10240x128xf32, #tpu.memory_space<vmem_shared>> -> memref<10240x128xf32, #tpu.memory_space<vmem_shared>>
      tpu.enqueue_indirect_dma source(%arg9 : memref<96x128xf32, #tpu.memory_space<vmem>>) target(%dma_start3A_508 : memref<10240x128xf32, #tpu.memory_space<vmem_shared>>) offsets(%dma_start3A_505 : memref<96xi32, #tpu.memory_space<vmem>>) semaphore(%arg14 : memref<!tpu.dma_semaphore, #tpu.memory_space<semaphore_mem>>) {add = true}
      %dma_wait3A_509 = arith.constant 0 : i32
      %dma_wait3A_510 = arith.constant 0 : i32
      %dma_wait3A_511 = tpu.memref_slice %arg2[%dma_wait3A_509, %dma_wait3A_510] : memref<10240x128xf32, #tpu.memory_space<hbm>> -> memref<96x128xf32, #tpu.memory_space<hbm>>
      %dma_wait3A_512 = arith.constant 0 : i32
      %dma_wait3A_513 = arith.constant 0 : i32
      %dma_wait3A_514 = tpu.memref_slice %arg2[%dma_wait3A_512, %dma_wait3A_513] : memref<10240x128xf32, #tpu.memory_space<hbm>> -> memref<96x128xf32, #tpu.memory_space<hbm>>
      tpu.wait_dma2 semaphore(%arg13 : memref<!tpu.dma_semaphore, #tpu.memory_space<semaphore_mem>>) src(%dma_wait3A_514 : memref<96x128xf32, #tpu.memory_space<hbm>>) dst(%arg10 : memref<96x128xf32, #tpu.memory_space<vmem>>)
      %dma_wait3A_515 = arith.constant 0 : i32
      %dma_wait3A_516 = arith.constant 0 : i32
      %dma_wait3A_517 = tpu.memref_slice %arg2[%dma_wait3A_515, %dma_wait3A_516] : memref<10240x128xf32, #tpu.memory_space<hbm>> -> memref<96x128xf32, #tpu.memory_space<hbm>>
      %dma_wait3A_518 = arith.constant 0 : i32
      %dma_wait3A_519 = arith.constant 0 : i32
      %dma_wait3A_520 = tpu.memref_slice %arg2[%dma_wait3A_518, %dma_wait3A_519] : memref<10240x128xf32, #tpu.memory_space<hbm>> -> memref<96x128xf32, #tpu.memory_space<hbm>>
      tpu.wait_dma2 semaphore(%arg14 : memref<!tpu.dma_semaphore, #tpu.memory_space<semaphore_mem>>) src(%dma_wait3A_520 : memref<96x128xf32, #tpu.memory_space<hbm>>) dst(%arg9 : memref<96x128xf32, #tpu.memory_space<vmem>>)
      %dma_start3A_521 = arith.constant 3 : i32
      %dma_start3A_522 = arith.constant 0 : i32
      %dma_start3A_523 = tpu.memref_slice %arg7[%rem3A_445, %dma_start3A_521, %dma_start3A_522] : memref<2x15x96xi32, #tpu.memory_space<vmem>> -> memref<1x1x96xi32, #tpu.memory_space<vmem>>
      %dma_start3A_524 = tpu.memref_squeeze %dma_start3A_523 : memref<1x1x96xi32, #tpu.memory_space<vmem>> -> memref<96xi32, #tpu.memory_space<vmem>>
      %dma_start3A_525 = arith.constant 0 : i32
      %dma_start3A_526 = arith.constant 0 : i32
      %dma_start3A_527 = tpu.memref_slice %arg2[%dma_start3A_525, %dma_start3A_526] : memref<10240x128xf32, #tpu.memory_space<hbm>> -> memref<10240x128xf32, #tpu.memory_space<hbm>>
      tpu.enqueue_indirect_dma source(%dma_start3A_527 : memref<10240x128xf32, #tpu.memory_space<hbm>>) target(%arg9 : memref<96x128xf32, #tpu.memory_space<vmem>>) offsets(%dma_start3A_524 : memref<96xi32, #tpu.memory_space<vmem>>) semaphore(%arg13 : memref<!tpu.dma_semaphore, #tpu.memory_space<semaphore_mem>>)
      %dma_start3A_528 = arith.constant 1 : i32
      %dma_start3A_529 = arith.constant 0 : i32
      %dma_start3A_530 = tpu.memref_slice %arg8[%rem3A_445, %dma_start3A_528, %dma_start3A_529] : memref<2x15x96xi32, #tpu.memory_space<vmem>> -> memref<1x1x96xi32, #tpu.memory_space<vmem>>
      %dma_start3A_531 = tpu.memref_squeeze %dma_start3A_530 : memref<1x1x96xi32, #tpu.memory_space<vmem>> -> memref<96xi32, #tpu.memory_space<vmem>>
      %dma_start3A_532 = arith.constant 0 : i32
      %dma_start3A_533 = arith.constant 0 : i32
      %dma_start3A_534 = tpu.memref_slice %arg12[%dma_start3A_532, %dma_start3A_533] : memref<10240x128xf32, #tpu.memory_space<vmem_shared>> -> memref<10240x128xf32, #tpu.memory_space<vmem_shared>>
      tpu.enqueue_indirect_dma source(%arg10 : memref<96x128xf32, #tpu.memory_space<vmem>>) target(%dma_start3A_534 : memref<10240x128xf32, #tpu.memory_space<vmem_shared>>) offsets(%dma_start3A_531 : memref<96xi32, #tpu.memory_space<vmem>>) semaphore(%arg14 : memref<!tpu.dma_semaphore, #tpu.memory_space<semaphore_mem>>) {add = true}
      %dma_wait3A_535 = arith.constant 0 : i32
      %dma_wait3A_536 = arith.constant 0 : i32
      %dma_wait3A_537 = tpu.memref_slice %arg2[%dma_wait3A_535, %dma_wait3A_536] : memref<10240x128xf32, #tpu.memory_space<hbm>> -> memref<96x128xf32, #tpu.memory_space<hbm>>
      %dma_wait3A_538 = arith.constant 0 : i32
      %dma_wait3A_539 = arith.constant 0 : i32
      %dma_wait3A_540 = tpu.memref_slice %arg2[%dma_wait3A_538, %dma_wait3A_539] : memref<10240x128xf32, #tpu.memory_space<hbm>> -> memref<96x128xf32, #tpu.memory_space<hbm>>
      tpu.wait_dma2 semaphore(%arg13 : memref<!tpu.dma_semaphore, #tpu.memory_space<semaphore_mem>>) src(%dma_wait3A_540 : memref<96x128xf32, #tpu.memory_space<hbm>>) dst(%arg11 : memref<96x128xf32, #tpu.memory_space<vmem>>)
      %dma_wait3A_541 = arith.constant 0 : i32
      %dma_wait3A_542 = arith.constant 0 : i32
      %dma_wait3A_543 = tpu.memref_slice %arg2[%dma_wait3A_541, %dma_wait3A_542] : memref<10240x128xf32, #tpu.memory_space<hbm>> -> memref<96x128xf32, #tpu.memory_space<hbm>>
      %dma_wait3A_544 = arith.constant 0 : i32
      %dma_wait3A_545 = arith.constant 0 : i32
      %dma_wait3A_546 = tpu.memref_slice %arg2[%dma_wait3A_544, %dma_wait3A_545] : memref<10240x128xf32, #tpu.memory_space<hbm>> -> memref<96x128xf32, #tpu.memory_space<hbm>>
      tpu.wait_dma2 semaphore(%arg14 : memref<!tpu.dma_semaphore, #tpu.memory_space<semaphore_mem>>) src(%dma_wait3A_546 : memref<96x128xf32, #tpu.memory_space<hbm>>) dst(%arg10 : memref<96x128xf32, #tpu.memory_space<vmem>>)
      %dma_start3A_547 = arith.constant 4 : i32
      %dma_start3A_548 = arith.constant 0 : i32
      %dma_start3A_549 = tpu.memref_slice %arg7[%rem3A_445, %dma_start3A_547, %dma_start3A_548] : memref<2x15x96xi32, #tpu.memory_space<vmem>> -> memref<1x1x96xi32, #tpu.memory_space<vmem>>
      %dma_start3A_550 = tpu.memref_squeeze %dma_start3A_549 : memref<1x1x96xi32, #tpu.memory_space<vmem>> -> memref<96xi32, #tpu.memory_space<vmem>>
      %dma_start3A_551 = arith.constant 0 : i32
      %dma_start3A_552 = arith.constant 0 : i32
      %dma_start3A_553 = tpu.memref_slice %arg2[%dma_start3A_551, %dma_start3A_552] : memref<10240x128xf32, #tpu.memory_space<hbm>> -> memref<10240x128xf32, #tpu.memory_space<hbm>>
      tpu.enqueue_indirect_dma source(%dma_start3A_553 : memref<10240x128xf32, #tpu.memory_space<hbm>>) target(%arg10 : memref<96x128xf32, #tpu.memory_space<vmem>>) offsets(%dma_start3A_550 : memref<96xi32, #tpu.memory_space<vmem>>) semaphore(%arg13 : memref<!tpu.dma_semaphore, #tpu.memory_space<semaphore_mem>>)
      %dma_start3A_554 = arith.constant 2 : i32
      %dma_start3A_555 = arith.constant 0 : i32
      %dma_start3A_556 = tpu.memref_slice %arg8[%rem3A_445, %dma_start3A_554, %dma_start3A_555] : memref<2x15x96xi32, #tpu.memory_space<vmem>> -> memref<1x1x96xi32, #tpu.memory_space<vmem>>
      %dma_start3A_557 = tpu.memref_squeeze %dma_start3A_556 : memref<1x1x96xi32, #tpu.memory_space<vmem>> -> memref<96xi32, #tpu.memory_space<vmem>>
      %dma_start3A_558 = arith.constant 0 : i32
      %dma_start3A_559 = arith.constant 0 : i32
      %dma_start3A_560 = tpu.memref_slice %arg12[%dma_start3A_558, %dma_start3A_559] : memref<10240x128xf32, #tpu.memory_space<vmem_shared>> -> memref<10240x128xf32, #tpu.memory_space<vmem_shared>>
      tpu.enqueue_indirect_dma source(%arg11 : memref<96x128xf32, #tpu.memory_space<vmem>>) target(%dma_start3A_560 : memref<10240x128xf32, #tpu.memory_space<vmem_shared>>) offsets(%dma_start3A_557 : memref<96xi32, #tpu.memory_space<vmem>>) semaphore(%arg14 : memref<!tpu.dma_semaphore, #tpu.memory_space<semaphore_mem>>) {add = true}
      %dma_wait3A_561 = arith.constant 0 : i32
      %dma_wait3A_562 = arith.constant 0 : i32
      %dma_wait3A_563 = tpu.memref_slice %arg2[%dma_wait3A_561, %dma_wait3A_562] : memref<10240x128xf32, #tpu.memory_space<hbm>> -> memref<96x128xf32, #tpu.memory_space<hbm>>
      %dma_wait3A_564 = arith.constant 0 : i32
      %dma_wait3A_565 = arith.constant 0 : i32
      %dma_wait3A_566 = tpu.memref_slice %arg2[%dma_wait3A_564, %dma_wait3A_565] : memref<10240x128xf32, #tpu.memory_space<hbm>> -> memref<96x128xf32, #tpu.memory_space<hbm>>
      tpu.wait_dma2 semaphore(%arg13 : memref<!tpu.dma_semaphore, #tpu.memory_space<semaphore_mem>>) src(%dma_wait3A_566 : memref<96x128xf32, #tpu.memory_space<hbm>>) dst(%arg9 : memref<96x128xf32, #tpu.memory_space<vmem>>)
      %dma_wait3A_567 = arith.constant 0 : i32
      %dma_wait3A_568 = arith.constant 0 : i32
      %dma_wait3A_569 = tpu.memref_slice %arg2[%dma_wait3A_567, %dma_wait3A_568] : memref<10240x128xf32, #tpu.memory_space<hbm>> -> memref<96x128xf32, #tpu.memory_space<hbm>>
      %dma_wait3A_570 = arith.constant 0 : i32
      %dma_wait3A_571 = arith.constant 0 : i32
      %dma_wait3A_572 = tpu.memref_slice %arg2[%dma_wait3A_570, %dma_wait3A_571] : memref<10240x128xf32, #tpu.memory_space<hbm>> -> memref<96x128xf32, #tpu.memory_space<hbm>>
      tpu.wait_dma2 semaphore(%arg14 : memref<!tpu.dma_semaphore, #tpu.memory_space<semaphore_mem>>) src(%dma_wait3A_572 : memref<96x128xf32, #tpu.memory_space<hbm>>) dst(%arg11 : memref<96x128xf32, #tpu.memory_space<vmem>>)
      %dma_start3A_573 = arith.constant 5 : i32
      %dma_start3A_574 = arith.constant 0 : i32
      %dma_start3A_575 = tpu.memref_slice %arg7[%rem3A_445, %dma_start3A_573, %dma_start3A_574] : memref<2x15x96xi32, #tpu.memory_space<vmem>> -> memref<1x1x96xi32, #tpu.memory_space<vmem>>
      %dma_start3A_576 = tpu.memref_squeeze %dma_start3A_575 : memref<1x1x96xi32, #tpu.memory_space<vmem>> -> memref<96xi32, #tpu.memory_space<vmem>>
      %dma_start3A_577 = arith.constant 0 : i32
      %dma_start3A_578 = arith.constant 0 : i32
      %dma_start3A_579 = tpu.memref_slice %arg2[%dma_start3A_577, %dma_start3A_578] : memref<10240x128xf32, #tpu.memory_space<hbm>> -> memref<10240x128xf32, #tpu.memory_space<hbm>>
      tpu.enqueue_indirect_dma source(%dma_start3A_579 : memref<10240x128xf32, #tpu.memory_space<hbm>>) target(%arg11 : memref<96x128xf32, #tpu.memory_space<vmem>>) offsets(%dma_start3A_576 : memref<96xi32, #tpu.memory_space<vmem>>) semaphore(%arg13 : memref<!tpu.dma_semaphore, #tpu.memory_space<semaphore_mem>>)
      %dma_start3A_580 = arith.constant 3 : i32
      %dma_start3A_581 = arith.constant 0 : i32
      %dma_start3A_582 = tpu.memref_slice %arg8[%rem3A_445, %dma_start3A_580, %dma_start3A_581] : memref<2x15x96xi32, #tpu.memory_space<vmem>> -> memref<1x1x96xi32, #tpu.memory_space<vmem>>
      %dma_start3A_583 = tpu.memref_squeeze %dma_start3A_582 : memref<1x1x96xi32, #tpu.memory_space<vmem>> -> memref<96xi32, #tpu.memory_space<vmem>>
      %dma_start3A_584 = arith.constant 0 : i32
      %dma_start3A_585 = arith.constant 0 : i32
      %dma_start3A_586 = tpu.memref_slice %arg12[%dma_start3A_584, %dma_start3A_585] : memref<10240x128xf32, #tpu.memory_space<vmem_shared>> -> memref<10240x128xf32, #tpu.memory_space<vmem_shared>>
      tpu.enqueue_indirect_dma source(%arg9 : memref<96x128xf32, #tpu.memory_space<vmem>>) target(%dma_start3A_586 : memref<10240x128xf32, #tpu.memory_space<vmem_shared>>) offsets(%dma_start3A_583 : memref<96xi32, #tpu.memory_space<vmem>>) semaphore(%arg14 : memref<!tpu.dma_semaphore, #tpu.memory_space<semaphore_mem>>) {add = true}
      %dma_wait3A_587 = arith.constant 0 : i32
      %dma_wait3A_588 = arith.constant 0 : i32
      %dma_wait3A_589 = tpu.memref_slice %arg2[%dma_wait3A_587, %dma_wait3A_588] : memref<10240x128xf32, #tpu.memory_space<hbm>> -> memref<96x128xf32, #tpu.memory_space<hbm>>
      %dma_wait3A_590 = arith.constant 0 : i32
      %dma_wait3A_591 = arith.constant 0 : i32
      %dma_wait3A_592 = tpu.memref_slice %arg2[%dma_wait3A_590, %dma_wait3A_591] : memref<10240x128xf32, #tpu.memory_space<hbm>> -> memref<96x128xf32, #tpu.memory_space<hbm>>
      tpu.wait_dma2 semaphore(%arg13 : memref<!tpu.dma_semaphore, #tpu.memory_space<semaphore_mem>>) src(%dma_wait3A_592 : memref<96x128xf32, #tpu.memory_space<hbm>>) dst(%arg10 : memref<96x128xf32, #tpu.memory_space<vmem>>)
      %dma_wait3A_593 = arith.constant 0 : i32
      %dma_wait3A_594 = arith.constant 0 : i32
      %dma_wait3A_595 = tpu.memref_slice %arg2[%dma_wait3A_593, %dma_wait3A_594] : memref<10240x128xf32, #tpu.memory_space<hbm>> -> memref<96x128xf32, #tpu.memory_space<hbm>>
      %dma_wait3A_596 = arith.constant 0 : i32
      %dma_wait3A_597 = arith.constant 0 : i32
      %dma_wait3A_598 = tpu.memref_slice %arg2[%dma_wait3A_596, %dma_wait3A_597] : memref<10240x128xf32, #tpu.memory_space<hbm>> -> memref<96x128xf32, #tpu.memory_space<hbm>>
      tpu.wait_dma2 semaphore(%arg14 : memref<!tpu.dma_semaphore, #tpu.memory_space<semaphore_mem>>) src(%dma_wait3A_598 : memref<96x128xf32, #tpu.memory_space<hbm>>) dst(%arg9 : memref<96x128xf32, #tpu.memory_space<vmem>>)
      %dma_start3A_599 = arith.constant 6 : i32
      %dma_start3A_600 = arith.constant 0 : i32
      %dma_start3A_601 = tpu.memref_slice %arg7[%rem3A_445, %dma_start3A_599, %dma_start3A_600] : memref<2x15x96xi32, #tpu.memory_space<vmem>> -> memref<1x1x96xi32, #tpu.memory_space<vmem>>
      %dma_start3A_602 = tpu.memref_squeeze %dma_start3A_601 : memref<1x1x96xi32, #tpu.memory_space<vmem>> -> memref<96xi32, #tpu.memory_space<vmem>>
      %dma_start3A_603 = arith.constant 0 : i32
      %dma_start3A_604 = arith.constant 0 : i32
      %dma_start3A_605 = tpu.memref_slice %arg2[%dma_start3A_603, %dma_start3A_604] : memref<10240x128xf32, #tpu.memory_space<hbm>> -> memref<10240x128xf32, #tpu.memory_space<hbm>>
      tpu.enqueue_indirect_dma source(%dma_start3A_605 : memref<10240x128xf32, #tpu.memory_space<hbm>>) target(%arg9 : memref<96x128xf32, #tpu.memory_space<vmem>>) offsets(%dma_start3A_602 : memref<96xi32, #tpu.memory_space<vmem>>) semaphore(%arg13 : memref<!tpu.dma_semaphore, #tpu.memory_space<semaphore_mem>>)
      %dma_start3A_606 = arith.constant 4 : i32
      %dma_start3A_607 = arith.constant 0 : i32
      %dma_start3A_608 = tpu.memref_slice %arg8[%rem3A_445, %dma_start3A_606, %dma_start3A_607] : memref<2x15x96xi32, #tpu.memory_space<vmem>> -> memref<1x1x96xi32, #tpu.memory_space<vmem>>
      %dma_start3A_609 = tpu.memref_squeeze %dma_start3A_608 : memref<1x1x96xi32, #tpu.memory_space<vmem>> -> memref<96xi32, #tpu.memory_space<vmem>>
      %dma_start3A_610 = arith.constant 0 : i32
      %dma_start3A_611 = arith.constant 0 : i32
      %dma_start3A_612 = tpu.memref_slice %arg12[%dma_start3A_610, %dma_start3A_611] : memref<10240x128xf32, #tpu.memory_space<vmem_shared>> -> memref<10240x128xf32, #tpu.memory_space<vmem_shared>>
      tpu.enqueue_indirect_dma source(%arg10 : memref<96x128xf32, #tpu.memory_space<vmem>>) target(%dma_start3A_612 : memref<10240x128xf32, #tpu.memory_space<vmem_shared>>) offsets(%dma_start3A_609 : memref<96xi32, #tpu.memory_space<vmem>>) semaphore(%arg14 : memref<!tpu.dma_semaphore, #tpu.memory_space<semaphore_mem>>) {add = true}
      %dma_wait3A_613 = arith.constant 0 : i32
      %dma_wait3A_614 = arith.constant 0 : i32
      %dma_wait3A_615 = tpu.memref_slice %arg2[%dma_wait3A_613, %dma_wait3A_614] : memref<10240x128xf32, #tpu.memory_space<hbm>> -> memref<96x128xf32, #tpu.memory_space<hbm>>
      %dma_wait3A_616 = arith.constant 0 : i32
      %dma_wait3A_617 = arith.constant 0 : i32
      %dma_wait3A_618 = tpu.memref_slice %arg2[%dma_wait3A_616, %dma_wait3A_617] : memref<10240x128xf32, #tpu.memory_space<hbm>> -> memref<96x128xf32, #tpu.memory_space<hbm>>
      tpu.wait_dma2 semaphore(%arg13 : memref<!tpu.dma_semaphore, #tpu.memory_space<semaphore_mem>>) src(%dma_wait3A_618 : memref<96x128xf32, #tpu.memory_space<hbm>>) dst(%arg11 : memref<96x128xf32, #tpu.memory_space<vmem>>)
      %dma_wait3A_619 = arith.constant 0 : i32
      %dma_wait3A_620 = arith.constant 0 : i32
      %dma_wait3A_621 = tpu.memref_slice %arg2[%dma_wait3A_619, %dma_wait3A_620] : memref<10240x128xf32, #tpu.memory_space<hbm>> -> memref<96x128xf32, #tpu.memory_space<hbm>>
      %dma_wait3A_622 = arith.constant 0 : i32
      %dma_wait3A_623 = arith.constant 0 : i32
      %dma_wait3A_624 = tpu.memref_slice %arg2[%dma_wait3A_622, %dma_wait3A_623] : memref<10240x128xf32, #tpu.memory_space<hbm>> -> memref<96x128xf32, #tpu.memory_space<hbm>>
      tpu.wait_dma2 semaphore(%arg14 : memref<!tpu.dma_semaphore, #tpu.memory_space<semaphore_mem>>) src(%dma_wait3A_624 : memref<96x128xf32, #tpu.memory_space<hbm>>) dst(%arg10 : memref<96x128xf32, #tpu.memory_space<vmem>>)
      %dma_start3A_625 = arith.constant 7 : i32
      %dma_start3A_626 = arith.constant 0 : i32
      %dma_start3A_627 = tpu.memref_slice %arg7[%rem3A_445, %dma_start3A_625, %dma_start3A_626] : memref<2x15x96xi32, #tpu.memory_space<vmem>> -> memref<1x1x96xi32, #tpu.memory_space<vmem>>
      %dma_start3A_628 = tpu.memref_squeeze %dma_start3A_627 : memref<1x1x96xi32, #tpu.memory_space<vmem>> -> memref<96xi32, #tpu.memory_space<vmem>>
      %dma_start3A_629 = arith.constant 0 : i32
      %dma_start3A_630 = arith.constant 0 : i32
      %dma_start3A_631 = tpu.memref_slice %arg2[%dma_start3A_629, %dma_start3A_630] : memref<10240x128xf32, #tpu.memory_space<hbm>> -> memref<10240x128xf32, #tpu.memory_space<hbm>>
      tpu.enqueue_indirect_dma source(%dma_start3A_631 : memref<10240x128xf32, #tpu.memory_space<hbm>>) target(%arg10 : memref<96x128xf32, #tpu.memory_space<vmem>>) offsets(%dma_start3A_628 : memref<96xi32, #tpu.memory_space<vmem>>) semaphore(%arg13 : memref<!tpu.dma_semaphore, #tpu.memory_space<semaphore_mem>>)
      %dma_start3A_632 = arith.constant 5 : i32
      %dma_start3A_633 = arith.constant 0 : i32
      %dma_start3A_634 = tpu.memref_slice %arg8[%rem3A_445, %dma_start3A_632, %dma_start3A_633] : memref<2x15x96xi32, #tpu.memory_space<vmem>> -> memref<1x1x96xi32, #tpu.memory_space<vmem>>
      %dma_start3A_635 = tpu.memref_squeeze %dma_start3A_634 : memref<1x1x96xi32, #tpu.memory_space<vmem>> -> memref<96xi32, #tpu.memory_space<vmem>>
      %dma_start3A_636 = arith.constant 0 : i32
      %dma_start3A_637 = arith.constant 0 : i32
      %dma_start3A_638 = tpu.memref_slice %arg12[%dma_start3A_636, %dma_start3A_637] : memref<10240x128xf32, #tpu.memory_space<vmem_shared>> -> memref<10240x128xf32, #tpu.memory_space<vmem_shared>>
      tpu.enqueue_indirect_dma source(%arg11 : memref<96x128xf32, #tpu.memory_space<vmem>>) target(%dma_start3A_638 : memref<10240x128xf32, #tpu.memory_space<vmem_shared>>) offsets(%dma_start3A_635 : memref<96xi32, #tpu.memory_space<vmem>>) semaphore(%arg14 : memref<!tpu.dma_semaphore, #tpu.memory_space<semaphore_mem>>) {add = true}
      %dma_wait3A_639 = arith.constant 0 : i32
      %dma_wait3A_640 = arith.constant 0 : i32
      %dma_wait3A_641 = tpu.memref_slice %arg2[%dma_wait3A_639, %dma_wait3A_640] : memref<10240x128xf32, #tpu.memory_space<hbm>> -> memref<96x128xf32, #tpu.memory_space<hbm>>
      %dma_wait3A_642 = arith.constant 0 : i32
      %dma_wait3A_643 = arith.constant 0 : i32
      %dma_wait3A_644 = tpu.memref_slice %arg2[%dma_wait3A_642, %dma_wait3A_643] : memref<10240x128xf32, #tpu.memory_space<hbm>> -> memref<96x128xf32, #tpu.memory_space<hbm>>
      tpu.wait_dma2 semaphore(%arg13 : memref<!tpu.dma_semaphore, #tpu.memory_space<semaphore_mem>>) src(%dma_wait3A_644 : memref<96x128xf32, #tpu.memory_space<hbm>>) dst(%arg9 : memref<96x128xf32, #tpu.memory_space<vmem>>)
      %dma_wait3A_645 = arith.constant 0 : i32
      %dma_wait3A_646 = arith.constant 0 : i32
      %dma_wait3A_647 = tpu.memref_slice %arg2[%dma_wait3A_645, %dma_wait3A_646] : memref<10240x128xf32, #tpu.memory_space<hbm>> -> memref<96x128xf32, #tpu.memory_space<hbm>>
      %dma_wait3A_648 = arith.constant 0 : i32
      %dma_wait3A_649 = arith.constant 0 : i32
      %dma_wait3A_650 = tpu.memref_slice %arg2[%dma_wait3A_648, %dma_wait3A_649] : memref<10240x128xf32, #tpu.memory_space<hbm>> -> memref<96x128xf32, #tpu.memory_space<hbm>>
      tpu.wait_dma2 semaphore(%arg14 : memref<!tpu.dma_semaphore, #tpu.memory_space<semaphore_mem>>) src(%dma_wait3A_650 : memref<96x128xf32, #tpu.memory_space<hbm>>) dst(%arg11 : memref<96x128xf32, #tpu.memory_space<vmem>>)
      %dma_start3A_651 = arith.constant 8 : i32
      %dma_start3A_652 = arith.constant 0 : i32
      %dma_start3A_653 = tpu.memref_slice %arg7[%rem3A_445, %dma_start3A_651, %dma_start3A_652] : memref<2x15x96xi32, #tpu.memory_space<vmem>> -> memref<1x1x96xi32, #tpu.memory_space<vmem>>
      %dma_start3A_654 = tpu.memref_squeeze %dma_start3A_653 : memref<1x1x96xi32, #tpu.memory_space<vmem>> -> memref<96xi32, #tpu.memory_space<vmem>>
      %dma_start3A_655 = arith.constant 0 : i32
      %dma_start3A_656 = arith.constant 0 : i32
      %dma_start3A_657 = tpu.memref_slice %arg2[%dma_start3A_655, %dma_start3A_656] : memref<10240x128xf32, #tpu.memory_space<hbm>> -> memref<10240x128xf32, #tpu.memory_space<hbm>>
      tpu.enqueue_indirect_dma source(%dma_start3A_657 : memref<10240x128xf32, #tpu.memory_space<hbm>>) target(%arg11 : memref<96x128xf32, #tpu.memory_space<vmem>>) offsets(%dma_start3A_654 : memref<96xi32, #tpu.memory_space<vmem>>) semaphore(%arg13 : memref<!tpu.dma_semaphore, #tpu.memory_space<semaphore_mem>>)
      %dma_start3A_658 = arith.constant 6 : i32
      %dma_start3A_659 = arith.constant 0 : i32
      %dma_start3A_660 = tpu.memref_slice %arg8[%rem3A_445, %dma_start3A_658, %dma_start3A_659] : memref<2x15x96xi32, #tpu.memory_space<vmem>> -> memref<1x1x96xi32, #tpu.memory_space<vmem>>
      %dma_start3A_661 = tpu.memref_squeeze %dma_start3A_660 : memref<1x1x96xi32, #tpu.memory_space<vmem>> -> memref<96xi32, #tpu.memory_space<vmem>>
      %dma_start3A_662 = arith.constant 0 : i32
      %dma_start3A_663 = arith.constant 0 : i32
      %dma_start3A_664 = tpu.memref_slice %arg12[%dma_start3A_662, %dma_start3A_663] : memref<10240x128xf32, #tpu.memory_space<vmem_shared>> -> memref<10240x128xf32, #tpu.memory_space<vmem_shared>>
      tpu.enqueue_indirect_dma source(%arg9 : memref<96x128xf32, #tpu.memory_space<vmem>>) target(%dma_start3A_664 : memref<10240x128xf32, #tpu.memory_space<vmem_shared>>) offsets(%dma_start3A_661 : memref<96xi32, #tpu.memory_space<vmem>>) semaphore(%arg14 : memref<!tpu.dma_semaphore, #tpu.memory_space<semaphore_mem>>) {add = true}
      %dma_wait3A_665 = arith.constant 0 : i32
      %dma_wait3A_666 = arith.constant 0 : i32
      %dma_wait3A_667 = tpu.memref_slice %arg2[%dma_wait3A_665, %dma_wait3A_666] : memref<10240x128xf32, #tpu.memory_space<hbm>> -> memref<96x128xf32, #tpu.memory_space<hbm>>
      %dma_wait3A_668 = arith.constant 0 : i32
      %dma_wait3A_669 = arith.constant 0 : i32
      %dma_wait3A_670 = tpu.memref_slice %arg2[%dma_wait3A_668, %dma_wait3A_669] : memref<10240x128xf32, #tpu.memory_space<hbm>> -> memref<96x128xf32, #tpu.memory_space<hbm>>
      tpu.wait_dma2 semaphore(%arg13 : memref<!tpu.dma_semaphore, #tpu.memory_space<semaphore_mem>>) src(%dma_wait3A_670 : memref<96x128xf32, #tpu.memory_space<hbm>>) dst(%arg10 : memref<96x128xf32, #tpu.memory_space<vmem>>)
      %dma_wait3A_671 = arith.constant 0 : i32
      %dma_wait3A_672 = arith.constant 0 : i32
      %dma_wait3A_673 = tpu.memref_slice %arg2[%dma_wait3A_671, %dma_wait3A_672] : memref<10240x128xf32, #tpu.memory_space<hbm>> -> memref<96x128xf32, #tpu.memory_space<hbm>>
      %dma_wait3A_674 = arith.constant 0 : i32
      %dma_wait3A_675 = arith.constant 0 : i32
      %dma_wait3A_676 = tpu.memref_slice %arg2[%dma_wait3A_674, %dma_wait3A_675] : memref<10240x128xf32, #tpu.memory_space<hbm>> -> memref<96x128xf32, #tpu.memory_space<hbm>>
      tpu.wait_dma2 semaphore(%arg14 : memref<!tpu.dma_semaphore, #tpu.memory_space<semaphore_mem>>) src(%dma_wait3A_676 : memref<96x128xf32, #tpu.memory_space<hbm>>) dst(%arg9 : memref<96x128xf32, #tpu.memory_space<vmem>>)
      %dma_start3A_677 = arith.constant 9 : i32
      %dma_start3A_678 = arith.constant 0 : i32
      %dma_start3A_679 = tpu.memref_slice %arg7[%rem3A_445, %dma_start3A_677, %dma_start3A_678] : memref<2x15x96xi32, #tpu.memory_space<vmem>> -> memref<1x1x96xi32, #tpu.memory_space<vmem>>
      %dma_start3A_680 = tpu.memref_squeeze %dma_start3A_679 : memref<1x1x96xi32, #tpu.memory_space<vmem>> -> memref<96xi32, #tpu.memory_space<vmem>>
      %dma_start3A_681 = arith.constant 0 : i32
      %dma_start3A_682 = arith.constant 0 : i32
      %dma_start3A_683 = tpu.memref_slice %arg2[%dma_start3A_681, %dma_start3A_682] : memref<10240x128xf32, #tpu.memory_space<hbm>> -> memref<10240x128xf32, #tpu.memory_space<hbm>>
      tpu.enqueue_indirect_dma source(%dma_start3A_683 : memref<10240x128xf32, #tpu.memory_space<hbm>>) target(%arg9 : memref<96x128xf32, #tpu.memory_space<vmem>>) offsets(%dma_start3A_680 : memref<96xi32, #tpu.memory_space<vmem>>) semaphore(%arg13 : memref<!tpu.dma_semaphore, #tpu.memory_space<semaphore_mem>>)
      %dma_start3A_684 = arith.constant 7 : i32
      %dma_start3A_685 = arith.constant 0 : i32
      %dma_start3A_686 = tpu.memref_slice %arg8[%rem3A_445, %dma_start3A_684, %dma_start3A_685] : memref<2x15x96xi32, #tpu.memory_space<vmem>> -> memref<1x1x96xi32, #tpu.memory_space<vmem>>
      %dma_start3A_687 = tpu.memref_squeeze %dma_start3A_686 : memref<1x1x96xi32, #tpu.memory_space<vmem>> -> memref<96xi32, #tpu.memory_space<vmem>>
      %dma_start3A_688 = arith.constant 0 : i32
      %dma_start3A_689 = arith.constant 0 : i32
      %dma_start3A_690 = tpu.memref_slice %arg12[%dma_start3A_688, %dma_start3A_689] : memref<10240x128xf32, #tpu.memory_space<vmem_shared>> -> memref<10240x128xf32, #tpu.memory_space<vmem_shared>>
      tpu.enqueue_indirect_dma source(%arg10 : memref<96x128xf32, #tpu.memory_space<vmem>>) target(%dma_start3A_690 : memref<10240x128xf32, #tpu.memory_space<vmem_shared>>) offsets(%dma_start3A_687 : memref<96xi32, #tpu.memory_space<vmem>>) semaphore(%arg14 : memref<!tpu.dma_semaphore, #tpu.memory_space<semaphore_mem>>) {add = true}
      %dma_wait3A_691 = arith.constant 0 : i32
      %dma_wait3A_692 = arith.constant 0 : i32
      %dma_wait3A_693 = tpu.memref_slice %arg2[%dma_wait3A_691, %dma_wait3A_692] : memref<10240x128xf32, #tpu.memory_space<hbm>> -> memref<96x128xf32, #tpu.memory_space<hbm>>
      %dma_wait3A_694 = arith.constant 0 : i32
      %dma_wait3A_695 = arith.constant 0 : i32
      %dma_wait3A_696 = tpu.memref_slice %arg2[%dma_wait3A_694, %dma_wait3A_695] : memref<10240x128xf32, #tpu.memory_space<hbm>> -> memref<96x128xf32, #tpu.memory_space<hbm>>
      tpu.wait_dma2 semaphore(%arg13 : memref<!tpu.dma_semaphore, #tpu.memory_space<semaphore_mem>>) src(%dma_wait3A_696 : memref<96x128xf32, #tpu.memory_space<hbm>>) dst(%arg11 : memref<96x128xf32, #tpu.memory_space<vmem>>)
      %dma_wait3A_697 = arith.constant 0 : i32
      %dma_wait3A_698 = arith.constant 0 : i32
      %dma_wait3A_699 = tpu.memref_slice %arg2[%dma_wait3A_697, %dma_wait3A_698] : memref<10240x128xf32, #tpu.memory_space<hbm>> -> memref<96x128xf32, #tpu.memory_space<hbm>>
      %dma_wait3A_700 = arith.constant 0 : i32
      %dma_wait3A_701 = arith.constant 0 : i32
      %dma_wait3A_702 = tpu.memref_slice %arg2[%dma_wait3A_700, %dma_wait3A_701] : memref<10240x128xf32, #tpu.memory_space<hbm>> -> memref<96x128xf32, #tpu.memory_space<hbm>>
      tpu.wait_dma2 semaphore(%arg14 : memref<!tpu.dma_semaphore, #tpu.memory_space<semaphore_mem>>) src(%dma_wait3A_702 : memref<96x128xf32, #tpu.memory_space<hbm>>) dst(%arg10 : memref<96x128xf32, #tpu.memory_space<vmem>>)
      %dma_start3A_703 = arith.constant 10 : i32
      %dma_start3A_704 = arith.constant 0 : i32
      %dma_start3A_705 = tpu.memref_slice %arg7[%rem3A_445, %dma_start3A_703, %dma_start3A_704] : memref<2x15x96xi32, #tpu.memory_space<vmem>> -> memref<1x1x96xi32, #tpu.memory_space<vmem>>
      %dma_start3A_706 = tpu.memref_squeeze %dma_start3A_705 : memref<1x1x96xi32, #tpu.memory_space<vmem>> -> memref<96xi32, #tpu.memory_space<vmem>>
      %dma_start3A_707 = arith.constant 0 : i32
      %dma_start3A_708 = arith.constant 0 : i32
      %dma_start3A_709 = tpu.memref_slice %arg2[%dma_start3A_707, %dma_start3A_708] : memref<10240x128xf32, #tpu.memory_space<hbm>> -> memref<10240x128xf32, #tpu.memory_space<hbm>>
      tpu.enqueue_indirect_dma source(%dma_start3A_709 : memref<10240x128xf32, #tpu.memory_space<hbm>>) target(%arg10 : memref<96x128xf32, #tpu.memory_space<vmem>>) offsets(%dma_start3A_706 : memref<96xi32, #tpu.memory_space<vmem>>) semaphore(%arg13 : memref<!tpu.dma_semaphore, #tpu.memory_space<semaphore_mem>>)
      %dma_start3A_710 = arith.constant 8 : i32
      %dma_start3A_711 = arith.constant 0 : i32
      %dma_start3A_712 = tpu.memref_slice %arg8[%rem3A_445, %dma_start3A_710, %dma_start3A_711] : memref<2x15x96xi32, #tpu.memory_space<vmem>> -> memref<1x1x96xi32, #tpu.memory_space<vmem>>
      %dma_start3A_713 = tpu.memref_squeeze %dma_start3A_712 : memref<1x1x96xi32, #tpu.memory_space<vmem>> -> memref<96xi32, #tpu.memory_space<vmem>>
      %dma_start3A_714 = arith.constant 0 : i32
      %dma_start3A_715 = arith.constant 0 : i32
      %dma_start3A_716 = tpu.memref_slice %arg12[%dma_start3A_714, %dma_start3A_715] : memref<10240x128xf32, #tpu.memory_space<vmem_shared>> -> memref<10240x128xf32, #tpu.memory_space<vmem_shared>>
      tpu.enqueue_indirect_dma source(%arg11 : memref<96x128xf32, #tpu.memory_space<vmem>>) target(%dma_start3A_716 : memref<10240x128xf32, #tpu.memory_space<vmem_shared>>) offsets(%dma_start3A_713 : memref<96xi32, #tpu.memory_space<vmem>>) semaphore(%arg14 : memref<!tpu.dma_semaphore, #tpu.memory_space<semaphore_mem>>) {add = true}
      %dma_wait3A_717 = arith.constant 0 : i32
      %dma_wait3A_718 = arith.constant 0 : i32
      %dma_wait3A_719 = tpu.memref_slice %arg2[%dma_wait3A_717, %dma_wait3A_718] : memref<10240x128xf32, #tpu.memory_space<hbm>> -> memref<96x128xf32, #tpu.memory_space<hbm>>
      %dma_wait3A_720 = arith.constant 0 : i32
      %dma_wait3A_721 = arith.constant 0 : i32
      %dma_wait3A_722 = tpu.memref_slice %arg2[%dma_wait3A_720, %dma_wait3A_721] : memref<10240x128xf32, #tpu.memory_space<hbm>> -> memref<96x128xf32, #tpu.memory_space<hbm>>
      tpu.wait_dma2 semaphore(%arg13 : memref<!tpu.dma_semaphore, #tpu.memory_space<semaphore_mem>>) src(%dma_wait3A_722 : memref<96x128xf32, #tpu.memory_space<hbm>>) dst(%arg9 : memref<96x128xf32, #tpu.memory_space<vmem>>)
      %dma_wait3A_723 = arith.constant 0 : i32
      %dma_wait3A_724 = arith.constant 0 : i32
      %dma_wait3A_725 = tpu.memref_slice %arg2[%dma_wait3A_723, %dma_wait3A_724] : memref<10240x128xf32, #tpu.memory_space<hbm>> -> memref<96x128xf32, #tpu.memory_space<hbm>>
      %dma_wait3A_726 = arith.constant 0 : i32
      %dma_wait3A_727 = arith.constant 0 : i32
      %dma_wait3A_728 = tpu.memref_slice %arg2[%dma_wait3A_726, %dma_wait3A_727] : memref<10240x128xf32, #tpu.memory_space<hbm>> -> memref<96x128xf32, #tpu.memory_space<hbm>>
      tpu.wait_dma2 semaphore(%arg14 : memref<!tpu.dma_semaphore, #tpu.memory_space<semaphore_mem>>) src(%dma_wait3A_728 : memref<96x128xf32, #tpu.memory_space<hbm>>) dst(%arg11 : memref<96x128xf32, #tpu.memory_space<vmem>>)
      %dma_start3A_729 = arith.constant 11 : i32
      %dma_start3A_730 = arith.constant 0 : i32
      %dma_start3A_731 = tpu.memref_slice %arg7[%rem3A_445, %dma_start3A_729, %dma_start3A_730] : memref<2x15x96xi32, #tpu.memory_space<vmem>> -> memref<1x1x96xi32, #tpu.memory_space<vmem>>
      %dma_start3A_732 = tpu.memref_squeeze %dma_start3A_731 : memref<1x1x96xi32, #tpu.memory_space<vmem>> -> memref<96xi32, #tpu.memory_space<vmem>>
      %dma_start3A_733 = arith.constant 0 : i32
      %dma_start3A_734 = arith.constant 0 : i32
      %dma_start3A_735 = tpu.memref_slice %arg2[%dma_start3A_733, %dma_start3A_734] : memref<10240x128xf32, #tpu.memory_space<hbm>> -> memref<10240x128xf32, #tpu.memory_space<hbm>>
      tpu.enqueue_indirect_dma source(%dma_start3A_735 : memref<10240x128xf32, #tpu.memory_space<hbm>>) target(%arg11 : memref<96x128xf32, #tpu.memory_space<vmem>>) offsets(%dma_start3A_732 : memref<96xi32, #tpu.memory_space<vmem>>) semaphore(%arg13 : memref<!tpu.dma_semaphore, #tpu.memory_space<semaphore_mem>>)
      %dma_start3A_736 = arith.constant 9 : i32
      %dma_start3A_737 = arith.constant 0 : i32
      %dma_start3A_738 = tpu.memref_slice %arg8[%rem3A_445, %dma_start3A_736, %dma_start3A_737] : memref<2x15x96xi32, #tpu.memory_space<vmem>> -> memref<1x1x96xi32, #tpu.memory_space<vmem>>
      %dma_start3A_739 = tpu.memref_squeeze %dma_start3A_738 : memref<1x1x96xi32, #tpu.memory_space<vmem>> -> memref<96xi32, #tpu.memory_space<vmem>>
      %dma_start3A_740 = arith.constant 0 : i32
      %dma_start3A_741 = arith.constant 0 : i32
      %dma_start3A_742 = tpu.memref_slice %arg12[%dma_start3A_740, %dma_start3A_741] : memref<10240x128xf32, #tpu.memory_space<vmem_shared>> -> memref<10240x128xf32, #tpu.memory_space<vmem_shared>>
      tpu.enqueue_indirect_dma source(%arg9 : memref<96x128xf32, #tpu.memory_space<vmem>>) target(%dma_start3A_742 : memref<10240x128xf32, #tpu.memory_space<vmem_shared>>) offsets(%dma_start3A_739 : memref<96xi32, #tpu.memory_space<vmem>>) semaphore(%arg14 : memref<!tpu.dma_semaphore, #tpu.memory_space<semaphore_mem>>) {add = true}
      %dma_wait3A_743 = arith.constant 0 : i32
      %dma_wait3A_744 = arith.constant 0 : i32
      %dma_wait3A_745 = tpu.memref_slice %arg2[%dma_wait3A_743, %dma_wait3A_744] : memref<10240x128xf32, #tpu.memory_space<hbm>> -> memref<96x128xf32, #tpu.memory_space<hbm>>
      %dma_wait3A_746 = arith.constant 0 : i32
      %dma_wait3A_747 = arith.constant 0 : i32
      %dma_wait3A_748 = tpu.memref_slice %arg2[%dma_wait3A_746, %dma_wait3A_747] : memref<10240x128xf32, #tpu.memory_space<hbm>> -> memref<96x128xf32, #tpu.memory_space<hbm>>
      tpu.wait_dma2 semaphore(%arg13 : memref<!tpu.dma_semaphore, #tpu.memory_space<semaphore_mem>>) src(%dma_wait3A_748 : memref<96x128xf32, #tpu.memory_space<hbm>>) dst(%arg10 : memref<96x128xf32, #tpu.memory_space<vmem>>)
      %dma_wait3A_749 = arith.constant 0 : i32
      %dma_wait3A_750 = arith.constant 0 : i32
      %dma_wait3A_751 = tpu.memref_slice %arg2[%dma_wait3A_749, %dma_wait3A_750] : memref<10240x128xf32, #tpu.memory_space<hbm>> -> memref<96x128xf32, #tpu.memory_space<hbm>>
      %dma_wait3A_752 = arith.constant 0 : i32
      %dma_wait3A_753 = arith.constant 0 : i32
      %dma_wait3A_754 = tpu.memref_slice %arg2[%dma_wait3A_752, %dma_wait3A_753] : memref<10240x128xf32, #tpu.memory_space<hbm>> -> memref<96x128xf32, #tpu.memory_space<hbm>>
      tpu.wait_dma2 semaphore(%arg14 : memref<!tpu.dma_semaphore, #tpu.memory_space<semaphore_mem>>) src(%dma_wait3A_754 : memref<96x128xf32, #tpu.memory_space<hbm>>) dst(%arg9 : memref<96x128xf32, #tpu.memory_space<vmem>>)
      %dma_start3A_755 = arith.constant 12 : i32
      %dma_start3A_756 = arith.constant 0 : i32
      %dma_start3A_757 = tpu.memref_slice %arg7[%rem3A_445, %dma_start3A_755, %dma_start3A_756] : memref<2x15x96xi32, #tpu.memory_space<vmem>> -> memref<1x1x96xi32, #tpu.memory_space<vmem>>
      %dma_start3A_758 = tpu.memref_squeeze %dma_start3A_757 : memref<1x1x96xi32, #tpu.memory_space<vmem>> -> memref<96xi32, #tpu.memory_space<vmem>>
      %dma_start3A_759 = arith.constant 0 : i32
      %dma_start3A_760 = arith.constant 0 : i32
      %dma_start3A_761 = tpu.memref_slice %arg2[%dma_start3A_759, %dma_start3A_760] : memref<10240x128xf32, #tpu.memory_space<hbm>> -> memref<10240x128xf32, #tpu.memory_space<hbm>>
      tpu.enqueue_indirect_dma source(%dma_start3A_761 : memref<10240x128xf32, #tpu.memory_space<hbm>>) target(%arg9 : memref<96x128xf32, #tpu.memory_space<vmem>>) offsets(%dma_start3A_758 : memref<96xi32, #tpu.memory_space<vmem>>) semaphore(%arg13 : memref<!tpu.dma_semaphore, #tpu.memory_space<semaphore_mem>>)
      %dma_start3A_762 = arith.constant 10 : i32
      %dma_start3A_763 = arith.constant 0 : i32
      %dma_start3A_764 = tpu.memref_slice %arg8[%rem3A_445, %dma_start3A_762, %dma_start3A_763] : memref<2x15x96xi32, #tpu.memory_space<vmem>> -> memref<1x1x96xi32, #tpu.memory_space<vmem>>
      %dma_start3A_765 = tpu.memref_squeeze %dma_start3A_764 : memref<1x1x96xi32, #tpu.memory_space<vmem>> -> memref<96xi32, #tpu.memory_space<vmem>>
      %dma_start3A_766 = arith.constant 0 : i32
      %dma_start3A_767 = arith.constant 0 : i32
      %dma_start3A_768 = tpu.memref_slice %arg12[%dma_start3A_766, %dma_start3A_767] : memref<10240x128xf32, #tpu.memory_space<vmem_shared>> -> memref<10240x128xf32, #tpu.memory_space<vmem_shared>>
      tpu.enqueue_indirect_dma source(%arg10 : memref<96x128xf32, #tpu.memory_space<vmem>>) target(%dma_start3A_768 : memref<10240x128xf32, #tpu.memory_space<vmem_shared>>) offsets(%dma_start3A_765 : memref<96xi32, #tpu.memory_space<vmem>>) semaphore(%arg14 : memref<!tpu.dma_semaphore, #tpu.memory_space<semaphore_mem>>) {add = true}
      %dma_wait3A_769 = arith.constant 0 : i32
      %dma_wait3A_770 = arith.constant 0 : i32
      %dma_wait3A_771 = tpu.memref_slice %arg2[%dma_wait3A_769, %dma_wait3A_770] : memref<10240x128xf32, #tpu.memory_space<hbm>> -> memref<96x128xf32, #tpu.memory_space<hbm>>
      %dma_wait3A_772 = arith.constant 0 : i32
      %dma_wait3A_773 = arith.constant 0 : i32
      %dma_wait3A_774 = tpu.memref_slice %arg2[%dma_wait3A_772, %dma_wait3A_773] : memref<10240x128xf32, #tpu.memory_space<hbm>> -> memref<96x128xf32, #tpu.memory_space<hbm>>
      tpu.wait_dma2 semaphore(%arg13 : memref<!tpu.dma_semaphore, #tpu.memory_space<semaphore_mem>>) src(%dma_wait3A_774 : memref<96x128xf32, #tpu.memory_space<hbm>>) dst(%arg11 : memref<96x128xf32, #tpu.memory_space<vmem>>)
      %dma_wait3A_775 = arith.constant 0 : i32
      %dma_wait3A_776 = arith.constant 0 : i32
      %dma_wait3A_777 = tpu.memref_slice %arg2[%dma_wait3A_775, %dma_wait3A_776] : memref<10240x128xf32, #tpu.memory_space<hbm>> -> memref<96x128xf32, #tpu.memory_space<hbm>>
      %dma_wait3A_778 = arith.constant 0 : i32
      %dma_wait3A_779 = arith.constant 0 : i32
      %dma_wait3A_780 = tpu.memref_slice %arg2[%dma_wait3A_778, %dma_wait3A_779] : memref<10240x128xf32, #tpu.memory_space<hbm>> -> memref<96x128xf32, #tpu.memory_space<hbm>>
      tpu.wait_dma2 semaphore(%arg14 : memref<!tpu.dma_semaphore, #tpu.memory_space<semaphore_mem>>) src(%dma_wait3A_780 : memref<96x128xf32, #tpu.memory_space<hbm>>) dst(%arg10 : memref<96x128xf32, #tpu.memory_space<vmem>>)
      %dma_start3A_781 = arith.constant 13 : i32
      %dma_start3A_782 = arith.constant 0 : i32
      %dma_start3A_783 = tpu.memref_slice %arg7[%rem3A_445, %dma_start3A_781, %dma_start3A_782] : memref<2x15x96xi32, #tpu.memory_space<vmem>> -> memref<1x1x96xi32, #tpu.memory_space<vmem>>
      %dma_start3A_784 = tpu.memref_squeeze %dma_start3A_783 : memref<1x1x96xi32, #tpu.memory_space<vmem>> -> memref<96xi32, #tpu.memory_space<vmem>>
      %dma_start3A_785 = arith.constant 0 : i32
      %dma_start3A_786 = arith.constant 0 : i32
      %dma_start3A_787 = tpu.memref_slice %arg2[%dma_start3A_785, %dma_start3A_786] : memref<10240x128xf32, #tpu.memory_space<hbm>> -> memref<10240x128xf32, #tpu.memory_space<hbm>>
      tpu.enqueue_indirect_dma source(%dma_start3A_787 : memref<10240x128xf32, #tpu.memory_space<hbm>>) target(%arg10 : memref<96x128xf32, #tpu.memory_space<vmem>>) offsets(%dma_start3A_784 : memref<96xi32, #tpu.memory_space<vmem>>) semaphore(%arg13 : memref<!tpu.dma_semaphore, #tpu.memory_space<semaphore_mem>>)
      %dma_start3A_788 = arith.constant 11 : i32
      %dma_start3A_789 = arith.constant 0 : i32
      %dma_start3A_790 = tpu.memref_slice %arg8[%rem3A_445, %dma_start3A_788, %dma_start3A_789] : memref<2x15x96xi32, #tpu.memory_space<vmem>> -> memref<1x1x96xi32, #tpu.memory_space<vmem>>
      %dma_start3A_791 = tpu.memref_squeeze %dma_start3A_790 : memref<1x1x96xi32, #tpu.memory_space<vmem>> -> memref<96xi32, #tpu.memory_space<vmem>>
      %dma_start3A_792 = arith.constant 0 : i32
      %dma_start3A_793 = arith.constant 0 : i32
      %dma_start3A_794 = tpu.memref_slice %arg12[%dma_start3A_792, %dma_start3A_793] : memref<10240x128xf32, #tpu.memory_space<vmem_shared>> -> memref<10240x128xf32, #tpu.memory_space<vmem_shared>>
      tpu.enqueue_indirect_dma source(%arg11 : memref<96x128xf32, #tpu.memory_space<vmem>>) target(%dma_start3A_794 : memref<10240x128xf32, #tpu.memory_space<vmem_shared>>) offsets(%dma_start3A_791 : memref<96xi32, #tpu.memory_space<vmem>>) semaphore(%arg14 : memref<!tpu.dma_semaphore, #tpu.memory_space<semaphore_mem>>) {add = true}
      %dma_wait3A_795 = arith.constant 0 : i32
      %dma_wait3A_796 = arith.constant 0 : i32
      %dma_wait3A_797 = tpu.memref_slice %arg2[%dma_wait3A_795, %dma_wait3A_796] : memref<10240x128xf32, #tpu.memory_space<hbm>> -> memref<96x128xf32, #tpu.memory_space<hbm>>
      %dma_wait3A_798 = arith.constant 0 : i32
      %dma_wait3A_799 = arith.constant 0 : i32
      %dma_wait3A_800 = tpu.memref_slice %arg2[%dma_wait3A_798, %dma_wait3A_799] : memref<10240x128xf32, #tpu.memory_space<hbm>> -> memref<96x128xf32, #tpu.memory_space<hbm>>
      tpu.wait_dma2 semaphore(%arg13 : memref<!tpu.dma_semaphore, #tpu.memory_space<semaphore_mem>>) src(%dma_wait3A_800 : memref<96x128xf32, #tpu.memory_space<hbm>>) dst(%arg9 : memref<96x128xf32, #tpu.memory_space<vmem>>)
      %dma_wait3A_801 = arith.constant 0 : i32
      %dma_wait3A_802 = arith.constant 0 : i32
      %dma_wait3A_803 = tpu.memref_slice %arg2[%dma_wait3A_801, %dma_wait3A_802] : memref<10240x128xf32, #tpu.memory_space<hbm>> -> memref<96x128xf32, #tpu.memory_space<hbm>>
      %dma_wait3A_804 = arith.constant 0 : i32
      %dma_wait3A_805 = arith.constant 0 : i32
      %dma_wait3A_806 = tpu.memref_slice %arg2[%dma_wait3A_804, %dma_wait3A_805] : memref<10240x128xf32, #tpu.memory_space<hbm>> -> memref<96x128xf32, #tpu.memory_space<hbm>>
      tpu.wait_dma2 semaphore(%arg14 : memref<!tpu.dma_semaphore, #tpu.memory_space<semaphore_mem>>) src(%dma_wait3A_806 : memref<96x128xf32, #tpu.memory_space<hbm>>) dst(%arg11 : memref<96x128xf32, #tpu.memory_space<vmem>>)
      %dma_start3A_807 = arith.constant 14 : i32
      %dma_start3A_808 = arith.constant 0 : i32
      %dma_start3A_809 = tpu.memref_slice %arg7[%rem3A_445, %dma_start3A_807, %dma_start3A_808] : memref<2x15x96xi32, #tpu.memory_space<vmem>> -> memref<1x1x96xi32, #tpu.memory_space<vmem>>
      %dma_start3A_810 = tpu.memref_squeeze %dma_start3A_809 : memref<1x1x96xi32, #tpu.memory_space<vmem>> -> memref<96xi32, #tpu.memory_space<vmem>>
      %dma_start3A_811 = arith.constant 0 : i32
      %dma_start3A_812 = arith.constant 0 : i32
      %dma_start3A_813 = tpu.memref_slice %arg2[%dma_start3A_811, %dma_start3A_812] : memref<10240x128xf32, #tpu.memory_space<hbm>> -> memref<10240x128xf32, #tpu.memory_space<hbm>>
      tpu.enqueue_indirect_dma source(%dma_start3A_813 : memref<10240x128xf32, #tpu.memory_space<hbm>>) target(%arg11 : memref<96x128xf32, #tpu.memory_space<vmem>>) offsets(%dma_start3A_810 : memref<96xi32, #tpu.memory_space<vmem>>) semaphore(%arg13 : memref<!tpu.dma_semaphore, #tpu.memory_space<semaphore_mem>>)
      %dma_start3A_814 = arith.constant 12 : i32
      %dma_start3A_815 = arith.constant 0 : i32
      %dma_start3A_816 = tpu.memref_slice %arg8[%rem3A_445, %dma_start3A_814, %dma_start3A_815] : memref<2x15x96xi32, #tpu.memory_space<vmem>> -> memref<1x1x96xi32, #tpu.memory_space<vmem>>
      %dma_start3A_817 = tpu.memref_squeeze %dma_start3A_816 : memref<1x1x96xi32, #tpu.memory_space<vmem>> -> memref<96xi32, #tpu.memory_space<vmem>>
      %dma_start3A_818 = arith.constant 0 : i32
      %dma_start3A_819 = arith.constant 0 : i32
      %dma_start3A_820 = tpu.memref_slice %arg12[%dma_start3A_818, %dma_start3A_819] : memref<10240x128xf32, #tpu.memory_space<vmem_shared>> -> memref<10240x128xf32, #tpu.memory_space<vmem_shared>>
      tpu.enqueue_indirect_dma source(%arg9 : memref<96x128xf32, #tpu.memory_space<vmem>>) target(%dma_start3A_820 : memref<10240x128xf32, #tpu.memory_space<vmem_shared>>) offsets(%dma_start3A_817 : memref<96xi32, #tpu.memory_space<vmem>>) semaphore(%arg14 : memref<!tpu.dma_semaphore, #tpu.memory_space<semaphore_mem>>) {add = true}
      %dma_wait3A_821 = arith.constant 0 : i32
      %dma_wait3A_822 = arith.constant 0 : i32
      %dma_wait3A_823 = arith.constant 0 : i32
      %dma_wait3A_824 = arith.constant 0 : i32
      %dma_wait3A_825 = tpu.memref_slice %arg7[%dma_wait3A_822, %dma_wait3A_823, %dma_wait3A_824] : memref<2x15x96xi32, #tpu.memory_space<vmem>> -> memref<1x15x96xi32, #tpu.memory_space<vmem>>
      %dma_wait3A_826 = tpu.memref_squeeze %dma_wait3A_825 : memref<1x15x96xi32, #tpu.memory_space<vmem>> -> memref<15x96xi32, #tpu.memory_space<vmem>>
      %dma_wait3A_827 = arith.constant 0 : i32
      %dma_wait3A_828 = arith.constant 0 : i32
      %dma_wait3A_829 = tpu.memref_slice %arg3[%add3A, %dma_wait3A_821, %dma_wait3A_827, %dma_wait3A_828] : memref<32x7x15x96xi32, #tpu.memory_space<hbm>> -> memref<1x1x15x96xi32, #tpu.memory_space<hbm>>
      %dma_wait3A_830 = tpu.memref_squeeze %dma_wait3A_829 : memref<1x1x15x96xi32, #tpu.memory_space<hbm>> -> memref<15x96xi32, #tpu.memory_space<hbm>>
      %dma_wait3A_831 = arith.constant 0 : i32
      %dma_wait3A_832 = arith.constant 0 : i32
      %dma_wait3A_833 = tpu.memref_slice %arg7[%dma_wait3A_822, %dma_wait3A_831, %dma_wait3A_832] : memref<2x15x96xi32, #tpu.memory_space<vmem>> -> memref<1x15x96xi32, #tpu.memory_space<vmem>>
      %dma_wait3A_834 = tpu.memref_squeeze %dma_wait3A_833 : memref<1x15x96xi32, #tpu.memory_space<vmem>> -> memref<15x96xi32, #tpu.memory_space<vmem>>
      %dma_wait3A_835 = arith.constant 0 : i32
      %dma_wait3A_836 = arith.constant 0 : i32
      %dma_wait3A_837 = tpu.memref_slice %arg3[%add3A, %dma_wait3A_821, %dma_wait3A_835, %dma_wait3A_836] : memref<32x7x15x96xi32, #tpu.memory_space<hbm>> -> memref<1x1x15x96xi32, #tpu.memory_space<hbm>>
      %dma_wait3A_838 = tpu.memref_squeeze %dma_wait3A_837 : memref<1x1x15x96xi32, #tpu.memory_space<hbm>> -> memref<15x96xi32, #tpu.memory_space<hbm>>
      tpu.wait_dma2 semaphore(%arg15 : memref<!tpu.dma_semaphore, #tpu.memory_space<semaphore_mem>>) src(%dma_wait3A_838 : memref<15x96xi32, #tpu.memory_space<hbm>>) dst(%dma_wait3A_834 : memref<15x96xi32, #tpu.memory_space<vmem>>)
      %dma_wait3A_839 = arith.constant 0 : i32
      %dma_wait3A_840 = arith.constant 0 : i32
      %dma_wait3A_841 = arith.constant 0 : i32
      %dma_wait3A_842 = arith.constant 0 : i32
      %dma_wait3A_843 = tpu.memref_slice %arg7[%dma_wait3A_840, %dma_wait3A_841, %dma_wait3A_842] : memref<2x15x96xi32, #tpu.memory_space<vmem>> -> memref<1x15x96xi32, #tpu.memory_space<vmem>>
      %dma_wait3A_844 = tpu.memref_squeeze %dma_wait3A_843 : memref<1x15x96xi32, #tpu.memory_space<vmem>> -> memref<15x96xi32, #tpu.memory_space<vmem>>
      %dma_wait3A_845 = arith.constant 0 : i32
      %dma_wait3A_846 = arith.constant 0 : i32
      %dma_wait3A_847 = tpu.memref_slice %arg3[%add3A, %dma_wait3A_839, %dma_wait3A_845, %dma_wait3A_846] : memref<32x7x15x96xi32, #tpu.memory_space<hbm>> -> memref<1x1x15x96xi32, #tpu.memory_space<hbm>>
      %dma_wait3A_848 = tpu.memref_squeeze %dma_wait3A_847 : memref<1x1x15x96xi32, #tpu.memory_space<hbm>> -> memref<15x96xi32, #tpu.memory_space<hbm>>
      %dma_wait3A_849 = arith.constant 0 : i32
      %dma_wait3A_850 = arith.constant 0 : i32
      %dma_wait3A_851 = tpu.memref_slice %arg7[%dma_wait3A_840, %dma_wait3A_849, %dma_wait3A_850] : memref<2x15x96xi32, #tpu.memory_space<vmem>> -> memref<1x15x96xi32, #tpu.memory_space<vmem>>
      %dma_wait3A_852 = tpu.memref_squeeze %dma_wait3A_851 : memref<1x15x96xi32, #tpu.memory_space<vmem>> -> memref<15x96xi32, #tpu.memory_space<vmem>>
      %dma_wait3A_853 = arith.constant 0 : i32
      %dma_wait3A_854 = arith.constant 0 : i32
      %dma_wait3A_855 = tpu.memref_slice %arg3[%add3A, %dma_wait3A_839, %dma_wait3A_853, %dma_wait3A_854] : memref<32x7x15x96xi32, #tpu.memory_space<hbm>> -> memref<1x1x15x96xi32, #tpu.memory_space<hbm>>
      %dma_wait3A_856 = tpu.memref_squeeze %dma_wait3A_855 : memref<1x1x15x96xi32, #tpu.memory_space<hbm>> -> memref<15x96xi32, #tpu.memory_space<hbm>>
      tpu.wait_dma2 semaphore(%arg15 : memref<!tpu.dma_semaphore, #tpu.memory_space<semaphore_mem>>) src(%dma_wait3A_856 : memref<15x96xi32, #tpu.memory_space<hbm>>) dst(%dma_wait3A_852 : memref<15x96xi32, #tpu.memory_space<vmem>>)
      %dma_wait3A_857 = arith.constant 0 : i32
      %dma_wait3A_858 = arith.constant 0 : i32
      %dma_wait3A_859 = tpu.memref_slice %arg2[%dma_wait3A_857, %dma_wait3A_858] : memref<10240x128xf32, #tpu.memory_space<hbm>> -> memref<96x128xf32, #tpu.memory_space<hbm>>
      %dma_wait3A_860 = arith.constant 0 : i32
      %dma_wait3A_861 = arith.constant 0 : i32
      %dma_wait3A_862 = tpu.memref_slice %arg2[%dma_wait3A_860, %dma_wait3A_861] : memref<10240x128xf32, #tpu.memory_space<hbm>> -> memref<96x128xf32, #tpu.memory_space<hbm>>
      tpu.wait_dma2 semaphore(%arg13 : memref<!tpu.dma_semaphore, #tpu.memory_space<semaphore_mem>>) src(%dma_wait3A_862 : memref<96x128xf32, #tpu.memory_space<hbm>>) dst(%arg10 : memref<96x128xf32, #tpu.memory_space<vmem>>)
      %dma_wait3A_863 = arith.constant 0 : i32
      %dma_wait3A_864 = arith.constant 0 : i32
      %dma_wait3A_865 = tpu.memref_slice %arg2[%dma_wait3A_863, %dma_wait3A_864] : memref<10240x128xf32, #tpu.memory_space<hbm>> -> memref<96x128xf32, #tpu.memory_space<hbm>>
      %dma_wait3A_866 = arith.constant 0 : i32
      %dma_wait3A_867 = arith.constant 0 : i32
      %dma_wait3A_868 = tpu.memref_slice %arg2[%dma_wait3A_866, %dma_wait3A_867] : memref<10240x128xf32, #tpu.memory_space<hbm>> -> memref<96x128xf32, #tpu.memory_space<hbm>>
      tpu.wait_dma2 semaphore(%arg14 : memref<!tpu.dma_semaphore, #tpu.memory_space<semaphore_mem>>) src(%dma_wait3A_868 : memref<96x128xf32, #tpu.memory_space<hbm>>) dst(%arg9 : memref<96x128xf32, #tpu.memory_space<vmem>>)
      %dma_start3A_869 = arith.constant 0 : i32
      %dma_start3A_870 = arith.constant 0 : i32
      %dma_start3A_871 = tpu.memref_slice %arg7[%sub3A_446, %dma_start3A_869, %dma_start3A_870] : memref<2x15x96xi32, #tpu.memory_space<vmem>> -> memref<1x1x96xi32, #tpu.memory_space<vmem>>
      %dma_start3A_872 = tpu.memref_squeeze %dma_start3A_871 : memref<1x1x96xi32, #tpu.memory_space<vmem>> -> memref<96xi32, #tpu.memory_space<vmem>>
      %dma_start3A_873 = arith.constant 0 : i32
      %dma_start3A_874 = arith.constant 0 : i32
      %dma_start3A_875 = tpu.memref_slice %arg2[%dma_start3A_873, %dma_start3A_874] : memref<10240x128xf32, #tpu.memory_space<hbm>> -> memref<10240x128xf32, #tpu.memory_space<hbm>>
      tpu.enqueue_indirect_dma source(%dma_start3A_875 : memref<10240x128xf32, #tpu.memory_space<hbm>>) target(%arg9 : memref<96x128xf32, #tpu.memory_space<vmem>>) offsets(%dma_start3A_872 : memref<96xi32, #tpu.memory_space<vmem>>) semaphore(%arg13 : memref<!tpu.dma_semaphore, #tpu.memory_space<semaphore_mem>>)
      %dma_start3A_876 = arith.constant 13 : i32
      %dma_start3A_877 = arith.constant 0 : i32
      %dma_start3A_878 = tpu.memref_slice %arg8[%rem3A_445, %dma_start3A_876, %dma_start3A_877] : memref<2x15x96xi32, #tpu.memory_space<vmem>> -> memref<1x1x96xi32, #tpu.memory_space<vmem>>
      %dma_start3A_879 = tpu.memref_squeeze %dma_start3A_878 : memref<1x1x96xi32, #tpu.memory_space<vmem>> -> memref<96xi32, #tpu.memory_space<vmem>>
      %dma_start3A_880 = arith.constant 0 : i32
      %dma_start3A_881 = arith.constant 0 : i32
      %dma_start3A_882 = tpu.memref_slice %arg12[%dma_start3A_880, %dma_start3A_881] : memref<10240x128xf32, #tpu.memory_space<vmem_shared>> -> memref<10240x128xf32, #tpu.memory_space<vmem_shared>>
      tpu.enqueue_indirect_dma source(%arg10 : memref<96x128xf32, #tpu.memory_space<vmem>>) target(%dma_start3A_882 : memref<10240x128xf32, #tpu.memory_space<vmem_shared>>) offsets(%dma_start3A_879 : memref<96xi32, #tpu.memory_space<vmem>>) semaphore(%arg14 : memref<!tpu.dma_semaphore, #tpu.memory_space<semaphore_mem>>) {add = true}
      %dma_wait3A_883 = arith.constant 0 : i32
      %dma_wait3A_884 = arith.constant 0 : i32
      %dma_wait3A_885 = tpu.memref_slice %arg2[%dma_wait3A_883, %dma_wait3A_884] : memref<10240x128xf32, #tpu.memory_space<hbm>> -> memref<96x128xf32, #tpu.memory_space<hbm>>
      %dma_wait3A_886 = arith.constant 0 : i32
      %dma_wait3A_887 = arith.constant 0 : i32
      %dma_wait3A_888 = tpu.memref_slice %arg2[%dma_wait3A_886, %dma_wait3A_887] : memref<10240x128xf32, #tpu.memory_space<hbm>> -> memref<96x128xf32, #tpu.memory_space<hbm>>
      tpu.wait_dma2 semaphore(%arg13 : memref<!tpu.dma_semaphore, #tpu.memory_space<semaphore_mem>>) src(%dma_wait3A_888 : memref<96x128xf32, #tpu.memory_space<hbm>>) dst(%arg11 : memref<96x128xf32, #tpu.memory_space<vmem>>)
      %dma_wait3A_889 = arith.constant 0 : i32
      %dma_wait3A_890 = arith.constant 0 : i32
      %dma_wait3A_891 = tpu.memref_slice %arg2[%dma_wait3A_889, %dma_wait3A_890] : memref<10240x128xf32, #tpu.memory_space<hbm>> -> memref<96x128xf32, #tpu.memory_space<hbm>>
      %dma_wait3A_892 = arith.constant 0 : i32
      %dma_wait3A_893 = arith.constant 0 : i32
      %dma_wait3A_894 = tpu.memref_slice %arg2[%dma_wait3A_892, %dma_wait3A_893] : memref<10240x128xf32, #tpu.memory_space<hbm>> -> memref<96x128xf32, #tpu.memory_space<hbm>>
      tpu.wait_dma2 semaphore(%arg14 : memref<!tpu.dma_semaphore, #tpu.memory_space<semaphore_mem>>) src(%dma_wait3A_894 : memref<96x128xf32, #tpu.memory_space<hbm>>) dst(%arg10 : memref<96x128xf32, #tpu.memory_space<vmem>>)
      %dma_start3A_895 = arith.constant 1 : i32
      %dma_start3A_896 = arith.constant 0 : i32
      %dma_start3A_897 = tpu.memref_slice %arg7[%sub3A_446, %dma_start3A_895, %dma_start3A_896] : memref<2x15x96xi32, #tpu.memory_space<vmem>> -> memref<1x1x96xi32, #tpu.memory_space<vmem>>
      %dma_start3A_898 = tpu.memref_squeeze %dma_start3A_897 : memref<1x1x96xi32, #tpu.memory_space<vmem>> -> memref<96xi32, #tpu.memory_space<vmem>>
      %dma_start3A_899 = arith.constant 0 : i32
      %dma_start3A_900 = arith.constant 0 : i32
      %dma_start3A_901 = tpu.memref_slice %arg2[%dma_start3A_899, %dma_start3A_900] : memref<10240x128xf32, #tpu.memory_space<hbm>> -> memref<10240x128xf32, #tpu.memory_space<hbm>>
      tpu.enqueue_indirect_dma source(%dma_start3A_901 : memref<10240x128xf32, #tpu.memory_space<hbm>>) target(%arg10 : memref<96x128xf32, #tpu.memory_space<vmem>>) offsets(%dma_start3A_898 : memref<96xi32, #tpu.memory_space<vmem>>) semaphore(%arg13 : memref<!tpu.dma_semaphore, #tpu.memory_space<semaphore_mem>>)
      %dma_start3A_902 = arith.constant 14 : i32
      %dma_start3A_903 = arith.constant 0 : i32
      %dma_start3A_904 = tpu.memref_slice %arg8[%rem3A_445, %dma_start3A_902, %dma_start3A_903] : memref<2x15x96xi32, #tpu.memory_space<vmem>> -> memref<1x1x96xi32, #tpu.memory_space<vmem>>
      %dma_start3A_905 = tpu.memref_squeeze %dma_start3A_904 : memref<1x1x96xi32, #tpu.memory_space<vmem>> -> memref<96xi32, #tpu.memory_space<vmem>>
      %dma_start3A_906 = arith.constant 0 : i32
      %dma_start3A_907 = arith.constant 0 : i32
      %dma_start3A_908 = tpu.memref_slice %arg12[%dma_start3A_906, %dma_start3A_907] : memref<10240x128xf32, #tpu.memory_space<vmem_shared>> -> memref<10240x128xf32, #tpu.memory_space<vmem_shared>>
      tpu.enqueue_indirect_dma source(%arg11 : memref<96x128xf32, #tpu.memory_space<vmem>>) target(%dma_start3A_908 : memref<10240x128xf32, #tpu.memory_space<vmem_shared>>) offsets(%dma_start3A_905 : memref<96xi32, #tpu.memory_space<vmem>>) semaphore(%arg14 : memref<!tpu.dma_semaphore, #tpu.memory_space<semaphore_mem>>) {add = true}
    }
    %scan3A_33 = arith.constant 6 : i32
    %dma_wait3A = arith.constant 0 : i32
    %dma_wait3A_34 = arith.constant 0 : i32
    %dma_wait3A_35 = tpu.memref_slice %arg2[%dma_wait3A, %dma_wait3A_34] : memref<10240x128xf32, #tpu.memory_space<hbm>> -> memref<96x128xf32, #tpu.memory_space<hbm>>
    %dma_wait3A_36 = arith.constant 0 : i32
    %dma_wait3A_37 = arith.constant 0 : i32
    %dma_wait3A_38 = tpu.memref_slice %arg2[%dma_wait3A_36, %dma_wait3A_37] : memref<10240x128xf32, #tpu.memory_space<hbm>> -> memref<96x128xf32, #tpu.memory_space<hbm>>
    tpu.wait_dma2 semaphore(%arg13 : memref<!tpu.dma_semaphore, #tpu.memory_space<semaphore_mem>>) src(%dma_wait3A_38 : memref<96x128xf32, #tpu.memory_space<hbm>>) dst(%arg9 : memref<96x128xf32, #tpu.memory_space<vmem>>)
    %dma_wait3A_39 = arith.constant 0 : i32
    %dma_wait3A_40 = arith.constant 0 : i32
    %dma_wait3A_41 = tpu.memref_slice %arg2[%dma_wait3A_39, %dma_wait3A_40] : memref<10240x128xf32, #tpu.memory_space<hbm>> -> memref<96x128xf32, #tpu.memory_space<hbm>>
    %dma_wait3A_42 = arith.constant 0 : i32
    %dma_wait3A_43 = arith.constant 0 : i32
    %dma_wait3A_44 = tpu.memref_slice %arg2[%dma_wait3A_42, %dma_wait3A_43] : memref<10240x128xf32, #tpu.memory_space<hbm>> -> memref<96x128xf32, #tpu.memory_space<hbm>>
    tpu.wait_dma2 semaphore(%arg14 : memref<!tpu.dma_semaphore, #tpu.memory_space<semaphore_mem>>) src(%dma_wait3A_44 : memref<96x128xf32, #tpu.memory_space<hbm>>) dst(%arg11 : memref<96x128xf32, #tpu.memory_space<vmem>>)
    %dma_start3A_45 = arith.constant 0 : i32
    %dma_start3A_46 = arith.constant 2 : i32
    %dma_start3A_47 = arith.constant 0 : i32
    %dma_start3A_48 = tpu.memref_slice %arg7[%dma_start3A_45, %dma_start3A_46, %dma_start3A_47] : memref<2x15x96xi32, #tpu.memory_space<vmem>> -> memref<1x1x96xi32, #tpu.memory_space<vmem>>
    %dma_start3A_49 = tpu.memref_squeeze %dma_start3A_48 : memref<1x1x96xi32, #tpu.memory_space<vmem>> -> memref<96xi32, #tpu.memory_space<vmem>>
    %dma_start3A_50 = arith.constant 0 : i32
    %dma_start3A_51 = arith.constant 0 : i32
    %dma_start3A_52 = tpu.memref_slice %arg2[%dma_start3A_50, %dma_start3A_51] : memref<10240x128xf32, #tpu.memory_space<hbm>> -> memref<10240x128xf32, #tpu.memory_space<hbm>>
    tpu.enqueue_indirect_dma source(%dma_start3A_52 : memref<10240x128xf32, #tpu.memory_space<hbm>>) target(%arg11 : memref<96x128xf32, #tpu.memory_space<vmem>>) offsets(%dma_start3A_49 : memref<96xi32, #tpu.memory_space<vmem>>) semaphore(%arg13 : memref<!tpu.dma_semaphore, #tpu.memory_space<semaphore_mem>>)
    %dma_start3A_53 = arith.constant 0 : i32
    %dma_start3A_54 = arith.constant 0 : i32
    %dma_start3A_55 = arith.constant 0 : i32
    %dma_start3A_56 = tpu.memref_slice %arg8[%dma_start3A_53, %dma_start3A_54, %dma_start3A_55] : memref<2x15x96xi32, #tpu.memory_space<vmem>> -> memref<1x1x96xi32, #tpu.memory_space<vmem>>
    %dma_start3A_57 = tpu.memref_squeeze %dma_start3A_56 : memref<1x1x96xi32, #tpu.memory_space<vmem>> -> memref<96xi32, #tpu.memory_space<vmem>>
    %dma_start3A_58 = arith.constant 0 : i32
    %dma_start3A_59 = arith.constant 0 : i32
    %dma_start3A_60 = tpu.memref_slice %arg12[%dma_start3A_58, %dma_start3A_59] : memref<10240x128xf32, #tpu.memory_space<vmem_shared>> -> memref<10240x128xf32, #tpu.memory_space<vmem_shared>>
    tpu.enqueue_indirect_dma source(%arg9 : memref<96x128xf32, #tpu.memory_space<vmem>>) target(%dma_start3A_60 : memref<10240x128xf32, #tpu.memory_space<vmem_shared>>) offsets(%dma_start3A_57 : memref<96xi32, #tpu.memory_space<vmem>>) semaphore(%arg14 : memref<!tpu.dma_semaphore, #tpu.memory_space<semaphore_mem>>) {add = true}
    %dma_wait3A_61 = arith.constant 0 : i32
    %dma_wait3A_62 = arith.constant 0 : i32
    %dma_wait3A_63 = tpu.memref_slice %arg2[%dma_wait3A_61, %dma_wait3A_62] : memref<10240x128xf32, #tpu.memory_space<hbm>> -> memref<96x128xf32, #tpu.memory_space<hbm>>
    %dma_wait3A_64 = arith.constant 0 : i32
    %dma_wait3A_65 = arith.constant 0 : i32
    %dma_wait3A_66 = tpu.memref_slice %arg2[%dma_wait3A_64, %dma_wait3A_65] : memref<10240x128xf32, #tpu.memory_space<hbm>> -> memref<96x128xf32, #tpu.memory_space<hbm>>
    tpu.wait_dma2 semaphore(%arg13 : memref<!tpu.dma_semaphore, #tpu.memory_space<semaphore_mem>>) src(%dma_wait3A_66 : memref<96x128xf32, #tpu.memory_space<hbm>>) dst(%arg10 : memref<96x128xf32, #tpu.memory_space<vmem>>)
    %dma_wait3A_67 = arith.constant 0 : i32
    %dma_wait3A_68 = arith.constant 0 : i32
    %dma_wait3A_69 = tpu.memref_slice %arg2[%dma_wait3A_67, %dma_wait3A_68] : memref<10240x128xf32, #tpu.memory_space<hbm>> -> memref<96x128xf32, #tpu.memory_space<hbm>>
    %dma_wait3A_70 = arith.constant 0 : i32
    %dma_wait3A_71 = arith.constant 0 : i32
    %dma_wait3A_72 = tpu.memref_slice %arg2[%dma_wait3A_70, %dma_wait3A_71] : memref<10240x128xf32, #tpu.memory_space<hbm>> -> memref<96x128xf32, #tpu.memory_space<hbm>>
    tpu.wait_dma2 semaphore(%arg14 : memref<!tpu.dma_semaphore, #tpu.memory_space<semaphore_mem>>) src(%dma_wait3A_72 : memref<96x128xf32, #tpu.memory_space<hbm>>) dst(%arg9 : memref<96x128xf32, #tpu.memory_space<vmem>>)
    %dma_start3A_73 = arith.constant 0 : i32
    %dma_start3A_74 = arith.constant 3 : i32
    %dma_start3A_75 = arith.constant 0 : i32
    %dma_start3A_76 = tpu.memref_slice %arg7[%dma_start3A_73, %dma_start3A_74, %dma_start3A_75] : memref<2x15x96xi32, #tpu.memory_space<vmem>> -> memref<1x1x96xi32, #tpu.memory_space<vmem>>
    %dma_start3A_77 = tpu.memref_squeeze %dma_start3A_76 : memref<1x1x96xi32, #tpu.memory_space<vmem>> -> memref<96xi32, #tpu.memory_space<vmem>>
    %dma_start3A_78 = arith.constant 0 : i32
    %dma_start3A_79 = arith.constant 0 : i32
    %dma_start3A_80 = tpu.memref_slice %arg2[%dma_start3A_78, %dma_start3A_79] : memref<10240x128xf32, #tpu.memory_space<hbm>> -> memref<10240x128xf32, #tpu.memory_space<hbm>>
    tpu.enqueue_indirect_dma source(%dma_start3A_80 : memref<10240x128xf32, #tpu.memory_space<hbm>>) target(%arg9 : memref<96x128xf32, #tpu.memory_space<vmem>>) offsets(%dma_start3A_77 : memref<96xi32, #tpu.memory_space<vmem>>) semaphore(%arg13 : memref<!tpu.dma_semaphore, #tpu.memory_space<semaphore_mem>>)
    %dma_start3A_81 = arith.constant 0 : i32
    %dma_start3A_82 = arith.constant 1 : i32
    %dma_start3A_83 = arith.constant 0 : i32
    %dma_start3A_84 = tpu.memref_slice %arg8[%dma_start3A_81, %dma_start3A_82, %dma_start3A_83] : memref<2x15x96xi32, #tpu.memory_space<vmem>> -> memref<1x1x96xi32, #tpu.memory_space<vmem>>
    %dma_start3A_85 = tpu.memref_squeeze %dma_start3A_84 : memref<1x1x96xi32, #tpu.memory_space<vmem>> -> memref<96xi32, #tpu.memory_space<vmem>>
    %dma_start3A_86 = arith.constant 0 : i32
    %dma_start3A_87 = arith.constant 0 : i32
    %dma_start3A_88 = tpu.memref_slice %arg12[%dma_start3A_86, %dma_start3A_87] : memref<10240x128xf32, #tpu.memory_space<vmem_shared>> -> memref<10240x128xf32, #tpu.memory_space<vmem_shared>>
    tpu.enqueue_indirect_dma source(%arg10 : memref<96x128xf32, #tpu.memory_space<vmem>>) target(%dma_start3A_88 : memref<10240x128xf32, #tpu.memory_space<vmem_shared>>) offsets(%dma_start3A_85 : memref<96xi32, #tpu.memory_space<vmem>>) semaphore(%arg14 : memref<!tpu.dma_semaphore, #tpu.memory_space<semaphore_mem>>) {add = true}
    %dma_wait3A_89 = arith.constant 0 : i32
    %dma_wait3A_90 = arith.constant 0 : i32
    %dma_wait3A_91 = tpu.memref_slice %arg2[%dma_wait3A_89, %dma_wait3A_90] : memref<10240x128xf32, #tpu.memory_space<hbm>> -> memref<96x128xf32, #tpu.memory_space<hbm>>
    %dma_wait3A_92 = arith.constant 0 : i32
    %dma_wait3A_93 = arith.constant 0 : i32
    %dma_wait3A_94 = tpu.memref_slice %arg2[%dma_wait3A_92, %dma_wait3A_93] : memref<10240x128xf32, #tpu.memory_space<hbm>> -> memref<96x128xf32, #tpu.memory_space<hbm>>
    tpu.wait_dma2 semaphore(%arg13 : memref<!tpu.dma_semaphore, #tpu.memory_space<semaphore_mem>>) src(%dma_wait3A_94 : memref<96x128xf32, #tpu.memory_space<hbm>>) dst(%arg11 : memref<96x128xf32, #tpu.memory_space<vmem>>)
    %dma_wait3A_95 = arith.constant 0 : i32
    %dma_wait3A_96 = arith.constant 0 : i32
    %dma_wait3A_97 = tpu.memref_slice %arg2[%dma_wait3A_95, %dma_wait3A_96] : memref<10240x128xf32, #tpu.memory_space<hbm>> -> memref<96x128xf32, #tpu.memory_space<hbm>>
    %dma_wait3A_98 = arith.constant 0 : i32
    %dma_wait3A_99 = arith.constant 0 : i32
    %dma_wait3A_100 = tpu.memref_slice %arg2[%dma_wait3A_98, %dma_wait3A_99] : memref<10240x128xf32, #tpu.memory_space<hbm>> -> memref<96x128xf32, #tpu.memory_space<hbm>>
    tpu.wait_dma2 semaphore(%arg14 : memref<!tpu.dma_semaphore, #tpu.memory_space<semaphore_mem>>) src(%dma_wait3A_100 : memref<96x128xf32, #tpu.memory_space<hbm>>) dst(%arg10 : memref<96x128xf32, #tpu.memory_space<vmem>>)
    %dma_start3A_101 = arith.constant 0 : i32
    %dma_start3A_102 = arith.constant 4 : i32
    %dma_start3A_103 = arith.constant 0 : i32
    %dma_start3A_104 = tpu.memref_slice %arg7[%dma_start3A_101, %dma_start3A_102, %dma_start3A_103] : memref<2x15x96xi32, #tpu.memory_space<vmem>> -> memref<1x1x96xi32, #tpu.memory_space<vmem>>
    %dma_start3A_105 = tpu.memref_squeeze %dma_start3A_104 : memref<1x1x96xi32, #tpu.memory_space<vmem>> -> memref<96xi32, #tpu.memory_space<vmem>>
    %dma_start3A_106 = arith.constant 0 : i32
    %dma_start3A_107 = arith.constant 0 : i32
    %dma_start3A_108 = tpu.memref_slice %arg2[%dma_start3A_106, %dma_start3A_107] : memref<10240x128xf32, #tpu.memory_space<hbm>> -> memref<10240x128xf32, #tpu.memory_space<hbm>>
    tpu.enqueue_indirect_dma source(%dma_start3A_108 : memref<10240x128xf32, #tpu.memory_space<hbm>>) target(%arg10 : memref<96x128xf32, #tpu.memory_space<vmem>>) offsets(%dma_start3A_105 : memref<96xi32, #tpu.memory_space<vmem>>) semaphore(%arg13 : memref<!tpu.dma_semaphore, #tpu.memory_space<semaphore_mem>>)
    %dma_start3A_109 = arith.constant 0 : i32
    %dma_start3A_110 = arith.constant 2 : i32
    %dma_start3A_111 = arith.constant 0 : i32
    %dma_start3A_112 = tpu.memref_slice %arg8[%dma_start3A_109, %dma_start3A_110, %dma_start3A_111] : memref<2x15x96xi32, #tpu.memory_space<vmem>> -> memref<1x1x96xi32, #tpu.memory_space<vmem>>
    %dma_start3A_113 = tpu.memref_squeeze %dma_start3A_112 : memref<1x1x96xi32, #tpu.memory_space<vmem>> -> memref<96xi32, #tpu.memory_space<vmem>>
    %dma_start3A_114 = arith.constant 0 : i32
    %dma_start3A_115 = arith.constant 0 : i32
    %dma_start3A_116 = tpu.memref_slice %arg12[%dma_start3A_114, %dma_start3A_115] : memref<10240x128xf32, #tpu.memory_space<vmem_shared>> -> memref<10240x128xf32, #tpu.memory_space<vmem_shared>>
    tpu.enqueue_indirect_dma source(%arg11 : memref<96x128xf32, #tpu.memory_space<vmem>>) target(%dma_start3A_116 : memref<10240x128xf32, #tpu.memory_space<vmem_shared>>) offsets(%dma_start3A_113 : memref<96xi32, #tpu.memory_space<vmem>>) semaphore(%arg14 : memref<!tpu.dma_semaphore, #tpu.memory_space<semaphore_mem>>) {add = true}
    %dma_wait3A_117 = arith.constant 0 : i32
    %dma_wait3A_118 = arith.constant 0 : i32
    %dma_wait3A_119 = tpu.memref_slice %arg2[%dma_wait3A_117, %dma_wait3A_118] : memref<10240x128xf32, #tpu.memory_space<hbm>> -> memref<96x128xf32, #tpu.memory_space<hbm>>
    %dma_wait3A_120 = arith.constant 0 : i32
    %dma_wait3A_121 = arith.constant 0 : i32
    %dma_wait3A_122 = tpu.memref_slice %arg2[%dma_wait3A_120, %dma_wait3A_121] : memref<10240x128xf32, #tpu.memory_space<hbm>> -> memref<96x128xf32, #tpu.memory_space<hbm>>
    tpu.wait_dma2 semaphore(%arg13 : memref<!tpu.dma_semaphore, #tpu.memory_space<semaphore_mem>>) src(%dma_wait3A_122 : memref<96x128xf32, #tpu.memory_space<hbm>>) dst(%arg9 : memref<96x128xf32, #tpu.memory_space<vmem>>)
    %dma_wait3A_123 = arith.constant 0 : i32
    %dma_wait3A_124 = arith.constant 0 : i32
    %dma_wait3A_125 = tpu.memref_slice %arg2[%dma_wait3A_123, %dma_wait3A_124] : memref<10240x128xf32, #tpu.memory_space<hbm>> -> memref<96x128xf32, #tpu.memory_space<hbm>>
    %dma_wait3A_126 = arith.constant 0 : i32
    %dma_wait3A_127 = arith.constant 0 : i32
    %dma_wait3A_128 = tpu.memref_slice %arg2[%dma_wait3A_126, %dma_wait3A_127] : memref<10240x128xf32, #tpu.memory_space<hbm>> -> memref<96x128xf32, #tpu.memory_space<hbm>>
    tpu.wait_dma2 semaphore(%arg14 : memref<!tpu.dma_semaphore, #tpu.memory_space<semaphore_mem>>) src(%dma_wait3A_128 : memref<96x128xf32, #tpu.memory_space<hbm>>) dst(%arg11 : memref<96x128xf32, #tpu.memory_space<vmem>>)
    %dma_start3A_129 = arith.constant 0 : i32
    %dma_start3A_130 = arith.constant 5 : i32
    %dma_start3A_131 = arith.constant 0 : i32
    %dma_start3A_132 = tpu.memref_slice %arg7[%dma_start3A_129, %dma_start3A_130, %dma_start3A_131] : memref<2x15x96xi32, #tpu.memory_space<vmem>> -> memref<1x1x96xi32, #tpu.memory_space<vmem>>
    %dma_start3A_133 = tpu.memref_squeeze %dma_start3A_132 : memref<1x1x96xi32, #tpu.memory_space<vmem>> -> memref<96xi32, #tpu.memory_space<vmem>>
    %dma_start3A_134 = arith.constant 0 : i32
    %dma_start3A_135 = arith.constant 0 : i32
    %dma_start3A_136 = tpu.memref_slice %arg2[%dma_start3A_134, %dma_start3A_135] : memref<10240x128xf32, #tpu.memory_space<hbm>> -> memref<10240x128xf32, #tpu.memory_space<hbm>>
    tpu.enqueue_indirect_dma source(%dma_start3A_136 : memref<10240x128xf32, #tpu.memory_space<hbm>>) target(%arg11 : memref<96x128xf32, #tpu.memory_space<vmem>>) offsets(%dma_start3A_133 : memref<96xi32, #tpu.memory_space<vmem>>) semaphore(%arg13 : memref<!tpu.dma_semaphore, #tpu.memory_space<semaphore_mem>>)
    %dma_start3A_137 = arith.constant 0 : i32
    %dma_start3A_138 = arith.constant 3 : i32
    %dma_start3A_139 = arith.constant 0 : i32
    %dma_start3A_140 = tpu.memref_slice %arg8[%dma_start3A_137, %dma_start3A_138, %dma_start3A_139] : memref<2x15x96xi32, #tpu.memory_space<vmem>> -> memref<1x1x96xi32, #tpu.memory_space<vmem>>
    %dma_start3A_141 = tpu.memref_squeeze %dma_start3A_140 : memref<1x1x96xi32, #tpu.memory_space<vmem>> -> memref<96xi32, #tpu.memory_space<vmem>>
    %dma_start3A_142 = arith.constant 0 : i32
    %dma_start3A_143 = arith.constant 0 : i32
    %dma_start3A_144 = tpu.memref_slice %arg12[%dma_start3A_142, %dma_start3A_143] : memref<10240x128xf32, #tpu.memory_space<vmem_shared>> -> memref<10240x128xf32, #tpu.memory_space<vmem_shared>>
    tpu.enqueue_indirect_dma source(%arg9 : memref<96x128xf32, #tpu.memory_space<vmem>>) target(%dma_start3A_144 : memref<10240x128xf32, #tpu.memory_space<vmem_shared>>) offsets(%dma_start3A_141 : memref<96xi32, #tpu.memory_space<vmem>>) semaphore(%arg14 : memref<!tpu.dma_semaphore, #tpu.memory_space<semaphore_mem>>) {add = true}
    %dma_wait3A_145 = arith.constant 0 : i32
    %dma_wait3A_146 = arith.constant 0 : i32
    %dma_wait3A_147 = tpu.memref_slice %arg2[%dma_wait3A_145, %dma_wait3A_146] : memref<10240x128xf32, #tpu.memory_space<hbm>> -> memref<96x128xf32, #tpu.memory_space<hbm>>
    %dma_wait3A_148 = arith.constant 0 : i32
    %dma_wait3A_149 = arith.constant 0 : i32
    %dma_wait3A_150 = tpu.memref_slice %arg2[%dma_wait3A_148, %dma_wait3A_149] : memref<10240x128xf32, #tpu.memory_space<hbm>> -> memref<96x128xf32, #tpu.memory_space<hbm>>
    tpu.wait_dma2 semaphore(%arg13 : memref<!tpu.dma_semaphore, #tpu.memory_space<semaphore_mem>>) src(%dma_wait3A_150 : memref<96x128xf32, #tpu.memory_space<hbm>>) dst(%arg10 : memref<96x128xf32, #tpu.memory_space<vmem>>)
    %dma_wait3A_151 = arith.constant 0 : i32
    %dma_wait3A_152 = arith.constant 0 : i32
    %dma_wait3A_153 = tpu.memref_slice %arg2[%dma_wait3A_151, %dma_wait3A_152] : memref<10240x128xf32, #tpu.memory_space<hbm>> -> memref<96x128xf32, #tpu.memory_space<hbm>>
    %dma_wait3A_154 = arith.constant 0 : i32
    %dma_wait3A_155 = arith.constant 0 : i32
    %dma_wait3A_156 = tpu.memref_slice %arg2[%dma_wait3A_154, %dma_wait3A_155] : memref<10240x128xf32, #tpu.memory_space<hbm>> -> memref<96x128xf32, #tpu.memory_space<hbm>>
    tpu.wait_dma2 semaphore(%arg14 : memref<!tpu.dma_semaphore, #tpu.memory_space<semaphore_mem>>) src(%dma_wait3A_156 : memref<96x128xf32, #tpu.memory_space<hbm>>) dst(%arg9 : memref<96x128xf32, #tpu.memory_space<vmem>>)
    %dma_start3A_157 = arith.constant 0 : i32
    %dma_start3A_158 = arith.constant 6 : i32
    %dma_start3A_159 = arith.constant 0 : i32
    %dma_start3A_160 = tpu.memref_slice %arg7[%dma_start3A_157, %dma_start3A_158, %dma_start3A_159] : memref<2x15x96xi32, #tpu.memory_space<vmem>> -> memref<1x1x96xi32, #tpu.memory_space<vmem>>
    %dma_start3A_161 = tpu.memref_squeeze %dma_start3A_160 : memref<1x1x96xi32, #tpu.memory_space<vmem>> -> memref<96xi32, #tpu.memory_space<vmem>>
    %dma_start3A_162 = arith.constant 0 : i32
    %dma_start3A_163 = arith.constant 0 : i32
    %dma_start3A_164 = tpu.memref_slice %arg2[%dma_start3A_162, %dma_start3A_163] : memref<10240x128xf32, #tpu.memory_space<hbm>> -> memref<10240x128xf32, #tpu.memory_space<hbm>>
    tpu.enqueue_indirect_dma source(%dma_start3A_164 : memref<10240x128xf32, #tpu.memory_space<hbm>>) target(%arg9 : memref<96x128xf32, #tpu.memory_space<vmem>>) offsets(%dma_start3A_161 : memref<96xi32, #tpu.memory_space<vmem>>) semaphore(%arg13 : memref<!tpu.dma_semaphore, #tpu.memory_space<semaphore_mem>>)
    %dma_start3A_165 = arith.constant 0 : i32
    %dma_start3A_166 = arith.constant 4 : i32
    %dma_start3A_167 = arith.constant 0 : i32
    %dma_start3A_168 = tpu.memref_slice %arg8[%dma_start3A_165, %dma_start3A_166, %dma_start3A_167] : memref<2x15x96xi32, #tpu.memory_space<vmem>> -> memref<1x1x96xi32, #tpu.memory_space<vmem>>
    %dma_start3A_169 = tpu.memref_squeeze %dma_start3A_168 : memref<1x1x96xi32, #tpu.memory_space<vmem>> -> memref<96xi32, #tpu.memory_space<vmem>>
    %dma_start3A_170 = arith.constant 0 : i32
    %dma_start3A_171 = arith.constant 0 : i32
    %dma_start3A_172 = tpu.memref_slice %arg12[%dma_start3A_170, %dma_start3A_171] : memref<10240x128xf32, #tpu.memory_space<vmem_shared>> -> memref<10240x128xf32, #tpu.memory_space<vmem_shared>>
    tpu.enqueue_indirect_dma source(%arg10 : memref<96x128xf32, #tpu.memory_space<vmem>>) target(%dma_start3A_172 : memref<10240x128xf32, #tpu.memory_space<vmem_shared>>) offsets(%dma_start3A_169 : memref<96xi32, #tpu.memory_space<vmem>>) semaphore(%arg14 : memref<!tpu.dma_semaphore, #tpu.memory_space<semaphore_mem>>) {add = true}
    %dma_wait3A_173 = arith.constant 0 : i32
    %dma_wait3A_174 = arith.constant 0 : i32
    %dma_wait3A_175 = tpu.memref_slice %arg2[%dma_wait3A_173, %dma_wait3A_174] : memref<10240x128xf32, #tpu.memory_space<hbm>> -> memref<96x128xf32, #tpu.memory_space<hbm>>
    %dma_wait3A_176 = arith.constant 0 : i32
    %dma_wait3A_177 = arith.constant 0 : i32
    %dma_wait3A_178 = tpu.memref_slice %arg2[%dma_wait3A_176, %dma_wait3A_177] : memref<10240x128xf32, #tpu.memory_space<hbm>> -> memref<96x128xf32, #tpu.memory_space<hbm>>
    tpu.wait_dma2 semaphore(%arg13 : memref<!tpu.dma_semaphore, #tpu.memory_space<semaphore_mem>>) src(%dma_wait3A_178 : memref<96x128xf32, #tpu.memory_space<hbm>>) dst(%arg11 : memref<96x128xf32, #tpu.memory_space<vmem>>)
    %dma_wait3A_179 = arith.constant 0 : i32
    %dma_wait3A_180 = arith.constant 0 : i32
    %dma_wait3A_181 = tpu.memref_slice %arg2[%dma_wait3A_179, %dma_wait3A_180] : memref<10240x128xf32, #tpu.memory_space<hbm>> -> memref<96x128xf32, #tpu.memory_space<hbm>>
    %dma_wait3A_182 = arith.constant 0 : i32
    %dma_wait3A_183 = arith.constant 0 : i32
    %dma_wait3A_184 = tpu.memref_slice %arg2[%dma_wait3A_182, %dma_wait3A_183] : memref<10240x128xf32, #tpu.memory_space<hbm>> -> memref<96x128xf32, #tpu.memory_space<hbm>>
    tpu.wait_dma2 semaphore(%arg14 : memref<!tpu.dma_semaphore, #tpu.memory_space<semaphore_mem>>) src(%dma_wait3A_184 : memref<96x128xf32, #tpu.memory_space<hbm>>) dst(%arg10 : memref<96x128xf32, #tpu.memory_space<vmem>>)
    %dma_start3A_185 = arith.constant 0 : i32
    %dma_start3A_186 = arith.constant 7 : i32
    %dma_start3A_187 = arith.constant 0 : i32
    %dma_start3A_188 = tpu.memref_slice %arg7[%dma_start3A_185, %dma_start3A_186, %dma_start3A_187] : memref<2x15x96xi32, #tpu.memory_space<vmem>> -> memref<1x1x96xi32, #tpu.memory_space<vmem>>
    %dma_start3A_189 = tpu.memref_squeeze %dma_start3A_188 : memref<1x1x96xi32, #tpu.memory_space<vmem>> -> memref<96xi32, #tpu.memory_space<vmem>>
    %dma_start3A_190 = arith.constant 0 : i32
    %dma_start3A_191 = arith.constant 0 : i32
    %dma_start3A_192 = tpu.memref_slice %arg2[%dma_start3A_190, %dma_start3A_191] : memref<10240x128xf32, #tpu.memory_space<hbm>> -> memref<10240x128xf32, #tpu.memory_space<hbm>>
    tpu.enqueue_indirect_dma source(%dma_start3A_192 : memref<10240x128xf32, #tpu.memory_space<hbm>>) target(%arg10 : memref<96x128xf32, #tpu.memory_space<vmem>>) offsets(%dma_start3A_189 : memref<96xi32, #tpu.memory_space<vmem>>) semaphore(%arg13 : memref<!tpu.dma_semaphore, #tpu.memory_space<semaphore_mem>>)
    %dma_start3A_193 = arith.constant 0 : i32
    %dma_start3A_194 = arith.constant 5 : i32
    %dma_start3A_195 = arith.constant 0 : i32
    %dma_start3A_196 = tpu.memref_slice %arg8[%dma_start3A_193, %dma_start3A_194, %dma_start3A_195] : memref<2x15x96xi32, #tpu.memory_space<vmem>> -> memref<1x1x96xi32, #tpu.memory_space<vmem>>
    %dma_start3A_197 = tpu.memref_squeeze %dma_start3A_196 : memref<1x1x96xi32, #tpu.memory_space<vmem>> -> memref<96xi32, #tpu.memory_space<vmem>>
    %dma_start3A_198 = arith.constant 0 : i32
    %dma_start3A_199 = arith.constant 0 : i32
    %dma_start3A_200 = tpu.memref_slice %arg12[%dma_start3A_198, %dma_start3A_199] : memref<10240x128xf32, #tpu.memory_space<vmem_shared>> -> memref<10240x128xf32, #tpu.memory_space<vmem_shared>>
    tpu.enqueue_indirect_dma source(%arg11 : memref<96x128xf32, #tpu.memory_space<vmem>>) target(%dma_start3A_200 : memref<10240x128xf32, #tpu.memory_space<vmem_shared>>) offsets(%dma_start3A_197 : memref<96xi32, #tpu.memory_space<vmem>>) semaphore(%arg14 : memref<!tpu.dma_semaphore, #tpu.memory_space<semaphore_mem>>) {add = true}
    %dma_wait3A_201 = arith.constant 0 : i32
    %dma_wait3A_202 = arith.constant 0 : i32
    %dma_wait3A_203 = tpu.memref_slice %arg2[%dma_wait3A_201, %dma_wait3A_202] : memref<10240x128xf32, #tpu.memory_space<hbm>> -> memref<96x128xf32, #tpu.memory_space<hbm>>
    %dma_wait3A_204 = arith.constant 0 : i32
    %dma_wait3A_205 = arith.constant 0 : i32
    %dma_wait3A_206 = tpu.memref_slice %arg2[%dma_wait3A_204, %dma_wait3A_205] : memref<10240x128xf32, #tpu.memory_space<hbm>> -> memref<96x128xf32, #tpu.memory_space<hbm>>
    tpu.wait_dma2 semaphore(%arg13 : memref<!tpu.dma_semaphore, #tpu.memory_space<semaphore_mem>>) src(%dma_wait3A_206 : memref<96x128xf32, #tpu.memory_space<hbm>>) dst(%arg9 : memref<96x128xf32, #tpu.memory_space<vmem>>)
    %dma_wait3A_207 = arith.constant 0 : i32
    %dma_wait3A_208 = arith.constant 0 : i32
    %dma_wait3A_209 = tpu.memref_slice %arg2[%dma_wait3A_207, %dma_wait3A_208] : memref<10240x128xf32, #tpu.memory_space<hbm>> -> memref<96x128xf32, #tpu.memory_space<hbm>>
    %dma_wait3A_210 = arith.constant 0 : i32
    %dma_wait3A_211 = arith.constant 0 : i32
    %dma_wait3A_212 = tpu.memref_slice %arg2[%dma_wait3A_210, %dma_wait3A_211] : memref<10240x128xf32, #tpu.memory_space<hbm>> -> memref<96x128xf32, #tpu.memory_space<hbm>>
    tpu.wait_dma2 semaphore(%arg14 : memref<!tpu.dma_semaphore, #tpu.memory_space<semaphore_mem>>) src(%dma_wait3A_212 : memref<96x128xf32, #tpu.memory_space<hbm>>) dst(%arg11 : memref<96x128xf32, #tpu.memory_space<vmem>>)
    %dma_start3A_213 = arith.constant 0 : i32
    %dma_start3A_214 = arith.constant 8 : i32
    %dma_start3A_215 = arith.constant 0 : i32
    %dma_start3A_216 = tpu.memref_slice %arg7[%dma_start3A_213, %dma_start3A_214, %dma_start3A_215] : memref<2x15x96xi32, #tpu.memory_space<vmem>> -> memref<1x1x96xi32, #tpu.memory_space<vmem>>
    %dma_start3A_217 = tpu.memref_squeeze %dma_start3A_216 : memref<1x1x96xi32, #tpu.memory_space<vmem>> -> memref<96xi32, #tpu.memory_space<vmem>>
    %dma_start3A_218 = arith.constant 0 : i32
    %dma_start3A_219 = arith.constant 0 : i32
    %dma_start3A_220 = tpu.memref_slice %arg2[%dma_start3A_218, %dma_start3A_219] : memref<10240x128xf32, #tpu.memory_space<hbm>> -> memref<10240x128xf32, #tpu.memory_space<hbm>>
    tpu.enqueue_indirect_dma source(%dma_start3A_220 : memref<10240x128xf32, #tpu.memory_space<hbm>>) target(%arg11 : memref<96x128xf32, #tpu.memory_space<vmem>>) offsets(%dma_start3A_217 : memref<96xi32, #tpu.memory_space<vmem>>) semaphore(%arg13 : memref<!tpu.dma_semaphore, #tpu.memory_space<semaphore_mem>>)
    %dma_start3A_221 = arith.constant 0 : i32
    %dma_start3A_222 = arith.constant 6 : i32
    %dma_start3A_223 = arith.constant 0 : i32
    %dma_start3A_224 = tpu.memref_slice %arg8[%dma_start3A_221, %dma_start3A_222, %dma_start3A_223] : memref<2x15x96xi32, #tpu.memory_space<vmem>> -> memref<1x1x96xi32, #tpu.memory_space<vmem>>
    %dma_start3A_225 = tpu.memref_squeeze %dma_start3A_224 : memref<1x1x96xi32, #tpu.memory_space<vmem>> -> memref<96xi32, #tpu.memory_space<vmem>>
    %dma_start3A_226 = arith.constant 0 : i32
    %dma_start3A_227 = arith.constant 0 : i32
    %dma_start3A_228 = tpu.memref_slice %arg12[%dma_start3A_226, %dma_start3A_227] : memref<10240x128xf32, #tpu.memory_space<vmem_shared>> -> memref<10240x128xf32, #tpu.memory_space<vmem_shared>>
    tpu.enqueue_indirect_dma source(%arg9 : memref<96x128xf32, #tpu.memory_space<vmem>>) target(%dma_start3A_228 : memref<10240x128xf32, #tpu.memory_space<vmem_shared>>) offsets(%dma_start3A_225 : memref<96xi32, #tpu.memory_space<vmem>>) semaphore(%arg14 : memref<!tpu.dma_semaphore, #tpu.memory_space<semaphore_mem>>) {add = true}
    %dma_wait3A_229 = arith.constant 0 : i32
    %dma_wait3A_230 = arith.constant 0 : i32
    %dma_wait3A_231 = tpu.memref_slice %arg2[%dma_wait3A_229, %dma_wait3A_230] : memref<10240x128xf32, #tpu.memory_space<hbm>> -> memref<96x128xf32, #tpu.memory_space<hbm>>
    %dma_wait3A_232 = arith.constant 0 : i32
    %dma_wait3A_233 = arith.constant 0 : i32
    %dma_wait3A_234 = tpu.memref_slice %arg2[%dma_wait3A_232, %dma_wait3A_233] : memref<10240x128xf32, #tpu.memory_space<hbm>> -> memref<96x128xf32, #tpu.memory_space<hbm>>
    tpu.wait_dma2 semaphore(%arg13 : memref<!tpu.dma_semaphore, #tpu.memory_space<semaphore_mem>>) src(%dma_wait3A_234 : memref<96x128xf32, #tpu.memory_space<hbm>>) dst(%arg10 : memref<96x128xf32, #tpu.memory_space<vmem>>)
    %dma_wait3A_235 = arith.constant 0 : i32
    %dma_wait3A_236 = arith.constant 0 : i32
    %dma_wait3A_237 = tpu.memref_slice %arg2[%dma_wait3A_235, %dma_wait3A_236] : memref<10240x128xf32, #tpu.memory_space<hbm>> -> memref<96x128xf32, #tpu.memory_space<hbm>>
    %dma_wait3A_238 = arith.constant 0 : i32
    %dma_wait3A_239 = arith.constant 0 : i32
    %dma_wait3A_240 = tpu.memref_slice %arg2[%dma_wait3A_238, %dma_wait3A_239] : memref<10240x128xf32, #tpu.memory_space<hbm>> -> memref<96x128xf32, #tpu.memory_space<hbm>>
    tpu.wait_dma2 semaphore(%arg14 : memref<!tpu.dma_semaphore, #tpu.memory_space<semaphore_mem>>) src(%dma_wait3A_240 : memref<96x128xf32, #tpu.memory_space<hbm>>) dst(%arg9 : memref<96x128xf32, #tpu.memory_space<vmem>>)
    %dma_start3A_241 = arith.constant 0 : i32
    %dma_start3A_242 = arith.constant 9 : i32
    %dma_start3A_243 = arith.constant 0 : i32
    %dma_start3A_244 = tpu.memref_slice %arg7[%dma_start3A_241, %dma_start3A_242, %dma_start3A_243] : memref<2x15x96xi32, #tpu.memory_space<vmem>> -> memref<1x1x96xi32, #tpu.memory_space<vmem>>
    %dma_start3A_245 = tpu.memref_squeeze %dma_start3A_244 : memref<1x1x96xi32, #tpu.memory_space<vmem>> -> memref<96xi32, #tpu.memory_space<vmem>>
    %dma_start3A_246 = arith.constant 0 : i32
    %dma_start3A_247 = arith.constant 0 : i32
    %dma_start3A_248 = tpu.memref_slice %arg2[%dma_start3A_246, %dma_start3A_247] : memref<10240x128xf32, #tpu.memory_space<hbm>> -> memref<10240x128xf32, #tpu.memory_space<hbm>>
    tpu.enqueue_indirect_dma source(%dma_start3A_248 : memref<10240x128xf32, #tpu.memory_space<hbm>>) target(%arg9 : memref<96x128xf32, #tpu.memory_space<vmem>>) offsets(%dma_start3A_245 : memref<96xi32, #tpu.memory_space<vmem>>) semaphore(%arg13 : memref<!tpu.dma_semaphore, #tpu.memory_space<semaphore_mem>>)
    %dma_start3A_249 = arith.constant 0 : i32
    %dma_start3A_250 = arith.constant 7 : i32
    %dma_start3A_251 = arith.constant 0 : i32
    %dma_start3A_252 = tpu.memref_slice %arg8[%dma_start3A_249, %dma_start3A_250, %dma_start3A_251] : memref<2x15x96xi32, #tpu.memory_space<vmem>> -> memref<1x1x96xi32, #tpu.memory_space<vmem>>
    %dma_start3A_253 = tpu.memref_squeeze %dma_start3A_252 : memref<1x1x96xi32, #tpu.memory_space<vmem>> -> memref<96xi32, #tpu.memory_space<vmem>>
    %dma_start3A_254 = arith.constant 0 : i32
    %dma_start3A_255 = arith.constant 0 : i32
    %dma_start3A_256 = tpu.memref_slice %arg12[%dma_start3A_254, %dma_start3A_255] : memref<10240x128xf32, #tpu.memory_space<vmem_shared>> -> memref<10240x128xf32, #tpu.memory_space<vmem_shared>>
    tpu.enqueue_indirect_dma source(%arg10 : memref<96x128xf32, #tpu.memory_space<vmem>>) target(%dma_start3A_256 : memref<10240x128xf32, #tpu.memory_space<vmem_shared>>) offsets(%dma_start3A_253 : memref<96xi32, #tpu.memory_space<vmem>>) semaphore(%arg14 : memref<!tpu.dma_semaphore, #tpu.memory_space<semaphore_mem>>) {add = true}
    %dma_wait3A_257 = arith.constant 0 : i32
    %dma_wait3A_258 = arith.constant 0 : i32
    %dma_wait3A_259 = tpu.memref_slice %arg2[%dma_wait3A_257, %dma_wait3A_258] : memref<10240x128xf32, #tpu.memory_space<hbm>> -> memref<96x128xf32, #tpu.memory_space<hbm>>
    %dma_wait3A_260 = arith.constant 0 : i32
    %dma_wait3A_261 = arith.constant 0 : i32
    %dma_wait3A_262 = tpu.memref_slice %arg2[%dma_wait3A_260, %dma_wait3A_261] : memref<10240x128xf32, #tpu.memory_space<hbm>> -> memref<96x128xf32, #tpu.memory_space<hbm>>
    tpu.wait_dma2 semaphore(%arg13 : memref<!tpu.dma_semaphore, #tpu.memory_space<semaphore_mem>>) src(%dma_wait3A_262 : memref<96x128xf32, #tpu.memory_space<hbm>>) dst(%arg11 : memref<96x128xf32, #tpu.memory_space<vmem>>)
    %dma_wait3A_263 = arith.constant 0 : i32
    %dma_wait3A_264 = arith.constant 0 : i32
    %dma_wait3A_265 = tpu.memref_slice %arg2[%dma_wait3A_263, %dma_wait3A_264] : memref<10240x128xf32, #tpu.memory_space<hbm>> -> memref<96x128xf32, #tpu.memory_space<hbm>>
    %dma_wait3A_266 = arith.constant 0 : i32
    %dma_wait3A_267 = arith.constant 0 : i32
    %dma_wait3A_268 = tpu.memref_slice %arg2[%dma_wait3A_266, %dma_wait3A_267] : memref<10240x128xf32, #tpu.memory_space<hbm>> -> memref<96x128xf32, #tpu.memory_space<hbm>>
    tpu.wait_dma2 semaphore(%arg14 : memref<!tpu.dma_semaphore, #tpu.memory_space<semaphore_mem>>) src(%dma_wait3A_268 : memref<96x128xf32, #tpu.memory_space<hbm>>) dst(%arg10 : memref<96x128xf32, #tpu.memory_space<vmem>>)
    %dma_start3A_269 = arith.constant 0 : i32
    %dma_start3A_270 = arith.constant 10 : i32
    %dma_start3A_271 = arith.constant 0 : i32
    %dma_start3A_272 = tpu.memref_slice %arg7[%dma_start3A_269, %dma_start3A_270, %dma_start3A_271] : memref<2x15x96xi32, #tpu.memory_space<vmem>> -> memref<1x1x96xi32, #tpu.memory_space<vmem>>
    %dma_start3A_273 = tpu.memref_squeeze %dma_start3A_272 : memref<1x1x96xi32, #tpu.memory_space<vmem>> -> memref<96xi32, #tpu.memory_space<vmem>>
    %dma_start3A_274 = arith.constant 0 : i32
    %dma_start3A_275 = arith.constant 0 : i32
    %dma_start3A_276 = tpu.memref_slice %arg2[%dma_start3A_274, %dma_start3A_275] : memref<10240x128xf32, #tpu.memory_space<hbm>> -> memref<10240x128xf32, #tpu.memory_space<hbm>>
    tpu.enqueue_indirect_dma source(%dma_start3A_276 : memref<10240x128xf32, #tpu.memory_space<hbm>>) target(%arg10 : memref<96x128xf32, #tpu.memory_space<vmem>>) offsets(%dma_start3A_273 : memref<96xi32, #tpu.memory_space<vmem>>) semaphore(%arg13 : memref<!tpu.dma_semaphore, #tpu.memory_space<semaphore_mem>>)
    %dma_start3A_277 = arith.constant 0 : i32
    %dma_start3A_278 = arith.constant 8 : i32
    %dma_start3A_279 = arith.constant 0 : i32
    %dma_start3A_280 = tpu.memref_slice %arg8[%dma_start3A_277, %dma_start3A_278, %dma_start3A_279] : memref<2x15x96xi32, #tpu.memory_space<vmem>> -> memref<1x1x96xi32, #tpu.memory_space<vmem>>
    %dma_start3A_281 = tpu.memref_squeeze %dma_start3A_280 : memref<1x1x96xi32, #tpu.memory_space<vmem>> -> memref<96xi32, #tpu.memory_space<vmem>>
    %dma_start3A_282 = arith.constant 0 : i32
    %dma_start3A_283 = arith.constant 0 : i32
    %dma_start3A_284 = tpu.memref_slice %arg12[%dma_start3A_282, %dma_start3A_283] : memref<10240x128xf32, #tpu.memory_space<vmem_shared>> -> memref<10240x128xf32, #tpu.memory_space<vmem_shared>>
    tpu.enqueue_indirect_dma source(%arg11 : memref<96x128xf32, #tpu.memory_space<vmem>>) target(%dma_start3A_284 : memref<10240x128xf32, #tpu.memory_space<vmem_shared>>) offsets(%dma_start3A_281 : memref<96xi32, #tpu.memory_space<vmem>>) semaphore(%arg14 : memref<!tpu.dma_semaphore, #tpu.memory_space<semaphore_mem>>) {add = true}
    %dma_wait3A_285 = arith.constant 0 : i32
    %dma_wait3A_286 = arith.constant 0 : i32
    %dma_wait3A_287 = tpu.memref_slice %arg2[%dma_wait3A_285, %dma_wait3A_286] : memref<10240x128xf32, #tpu.memory_space<hbm>> -> memref<96x128xf32, #tpu.memory_space<hbm>>
    %dma_wait3A_288 = arith.constant 0 : i32
    %dma_wait3A_289 = arith.constant 0 : i32
    %dma_wait3A_290 = tpu.memref_slice %arg2[%dma_wait3A_288, %dma_wait3A_289] : memref<10240x128xf32, #tpu.memory_space<hbm>> -> memref<96x128xf32, #tpu.memory_space<hbm>>
    tpu.wait_dma2 semaphore(%arg13 : memref<!tpu.dma_semaphore, #tpu.memory_space<semaphore_mem>>) src(%dma_wait3A_290 : memref<96x128xf32, #tpu.memory_space<hbm>>) dst(%arg9 : memref<96x128xf32, #tpu.memory_space<vmem>>)
    %dma_wait3A_291 = arith.constant 0 : i32
    %dma_wait3A_292 = arith.constant 0 : i32
    %dma_wait3A_293 = tpu.memref_slice %arg2[%dma_wait3A_291, %dma_wait3A_292] : memref<10240x128xf32, #tpu.memory_space<hbm>> -> memref<96x128xf32, #tpu.memory_space<hbm>>
    %dma_wait3A_294 = arith.constant 0 : i32
    %dma_wait3A_295 = arith.constant 0 : i32
    %dma_wait3A_296 = tpu.memref_slice %arg2[%dma_wait3A_294, %dma_wait3A_295] : memref<10240x128xf32, #tpu.memory_space<hbm>> -> memref<96x128xf32, #tpu.memory_space<hbm>>
    tpu.wait_dma2 semaphore(%arg14 : memref<!tpu.dma_semaphore, #tpu.memory_space<semaphore_mem>>) src(%dma_wait3A_296 : memref<96x128xf32, #tpu.memory_space<hbm>>) dst(%arg11 : memref<96x128xf32, #tpu.memory_space<vmem>>)
    %dma_start3A_297 = arith.constant 0 : i32
    %dma_start3A_298 = arith.constant 11 : i32
    %dma_start3A_299 = arith.constant 0 : i32
    %dma_start3A_300 = tpu.memref_slice %arg7[%dma_start3A_297, %dma_start3A_298, %dma_start3A_299] : memref<2x15x96xi32, #tpu.memory_space<vmem>> -> memref<1x1x96xi32, #tpu.memory_space<vmem>>
    %dma_start3A_301 = tpu.memref_squeeze %dma_start3A_300 : memref<1x1x96xi32, #tpu.memory_space<vmem>> -> memref<96xi32, #tpu.memory_space<vmem>>
    %dma_start3A_302 = arith.constant 0 : i32
    %dma_start3A_303 = arith.constant 0 : i32
    %dma_start3A_304 = tpu.memref_slice %arg2[%dma_start3A_302, %dma_start3A_303] : memref<10240x128xf32, #tpu.memory_space<hbm>> -> memref<10240x128xf32, #tpu.memory_space<hbm>>
    tpu.enqueue_indirect_dma source(%dma_start3A_304 : memref<10240x128xf32, #tpu.memory_space<hbm>>) target(%arg11 : memref<96x128xf32, #tpu.memory_space<vmem>>) offsets(%dma_start3A_301 : memref<96xi32, #tpu.memory_space<vmem>>) semaphore(%arg13 : memref<!tpu.dma_semaphore, #tpu.memory_space<semaphore_mem>>)
    %dma_start3A_305 = arith.constant 0 : i32
    %dma_start3A_306 = arith.constant 9 : i32
    %dma_start3A_307 = arith.constant 0 : i32
    %dma_start3A_308 = tpu.memref_slice %arg8[%dma_start3A_305, %dma_start3A_306, %dma_start3A_307] : memref<2x15x96xi32, #tpu.memory_space<vmem>> -> memref<1x1x96xi32, #tpu.memory_space<vmem>>
    %dma_start3A_309 = tpu.memref_squeeze %dma_start3A_308 : memref<1x1x96xi32, #tpu.memory_space<vmem>> -> memref<96xi32, #tpu.memory_space<vmem>>
    %dma_start3A_310 = arith.constant 0 : i32
    %dma_start3A_311 = arith.constant 0 : i32
    %dma_start3A_312 = tpu.memref_slice %arg12[%dma_start3A_310, %dma_start3A_311] : memref<10240x128xf32, #tpu.memory_space<vmem_shared>> -> memref<10240x128xf32, #tpu.memory_space<vmem_shared>>
    tpu.enqueue_indirect_dma source(%arg9 : memref<96x128xf32, #tpu.memory_space<vmem>>) target(%dma_start3A_312 : memref<10240x128xf32, #tpu.memory_space<vmem_shared>>) offsets(%dma_start3A_309 : memref<96xi32, #tpu.memory_space<vmem>>) semaphore(%arg14 : memref<!tpu.dma_semaphore, #tpu.memory_space<semaphore_mem>>) {add = true}
    %dma_wait3A_313 = arith.constant 0 : i32
    %dma_wait3A_314 = arith.constant 0 : i32
    %dma_wait3A_315 = tpu.memref_slice %arg2[%dma_wait3A_313, %dma_wait3A_314] : memref<10240x128xf32, #tpu.memory_space<hbm>> -> memref<96x128xf32, #tpu.memory_space<hbm>>
    %dma_wait3A_316 = arith.constant 0 : i32
    %dma_wait3A_317 = arith.constant 0 : i32
    %dma_wait3A_318 = tpu.memref_slice %arg2[%dma_wait3A_316, %dma_wait3A_317] : memref<10240x128xf32, #tpu.memory_space<hbm>> -> memref<96x128xf32, #tpu.memory_space<hbm>>
    tpu.wait_dma2 semaphore(%arg13 : memref<!tpu.dma_semaphore, #tpu.memory_space<semaphore_mem>>) src(%dma_wait3A_318 : memref<96x128xf32, #tpu.memory_space<hbm>>) dst(%arg10 : memref<96x128xf32, #tpu.memory_space<vmem>>)
    %dma_wait3A_319 = arith.constant 0 : i32
    %dma_wait3A_320 = arith.constant 0 : i32
    %dma_wait3A_321 = tpu.memref_slice %arg2[%dma_wait3A_319, %dma_wait3A_320] : memref<10240x128xf32, #tpu.memory_space<hbm>> -> memref<96x128xf32, #tpu.memory_space<hbm>>
    %dma_wait3A_322 = arith.constant 0 : i32
    %dma_wait3A_323 = arith.constant 0 : i32
    %dma_wait3A_324 = tpu.memref_slice %arg2[%dma_wait3A_322, %dma_wait3A_323] : memref<10240x128xf32, #tpu.memory_space<hbm>> -> memref<96x128xf32, #tpu.memory_space<hbm>>
    tpu.wait_dma2 semaphore(%arg14 : memref<!tpu.dma_semaphore, #tpu.memory_space<semaphore_mem>>) src(%dma_wait3A_324 : memref<96x128xf32, #tpu.memory_space<hbm>>) dst(%arg9 : memref<96x128xf32, #tpu.memory_space<vmem>>)
    %dma_start3A_325 = arith.constant 0 : i32
    %dma_start3A_326 = arith.constant 12 : i32
    %dma_start3A_327 = arith.constant 0 : i32
    %dma_start3A_328 = tpu.memref_slice %arg7[%dma_start3A_325, %dma_start3A_326, %dma_start3A_327] : memref<2x15x96xi32, #tpu.memory_space<vmem>> -> memref<1x1x96xi32, #tpu.memory_space<vmem>>
    %dma_start3A_329 = tpu.memref_squeeze %dma_start3A_328 : memref<1x1x96xi32, #tpu.memory_space<vmem>> -> memref<96xi32, #tpu.memory_space<vmem>>
    %dma_start3A_330 = arith.constant 0 : i32
    %dma_start3A_331 = arith.constant 0 : i32
    %dma_start3A_332 = tpu.memref_slice %arg2[%dma_start3A_330, %dma_start3A_331] : memref<10240x128xf32, #tpu.memory_space<hbm>> -> memref<10240x128xf32, #tpu.memory_space<hbm>>
    tpu.enqueue_indirect_dma source(%dma_start3A_332 : memref<10240x128xf32, #tpu.memory_space<hbm>>) target(%arg9 : memref<96x128xf32, #tpu.memory_space<vmem>>) offsets(%dma_start3A_329 : memref<96xi32, #tpu.memory_space<vmem>>) semaphore(%arg13 : memref<!tpu.dma_semaphore, #tpu.memory_space<semaphore_mem>>)
    %dma_start3A_333 = arith.constant 0 : i32
    %dma_start3A_334 = arith.constant 10 : i32
    %dma_start3A_335 = arith.constant 0 : i32
    %dma_start3A_336 = tpu.memref_slice %arg8[%dma_start3A_333, %dma_start3A_334, %dma_start3A_335] : memref<2x15x96xi32, #tpu.memory_space<vmem>> -> memref<1x1x96xi32, #tpu.memory_space<vmem>>
    %dma_start3A_337 = tpu.memref_squeeze %dma_start3A_336 : memref<1x1x96xi32, #tpu.memory_space<vmem>> -> memref<96xi32, #tpu.memory_space<vmem>>
    %dma_start3A_338 = arith.constant 0 : i32
    %dma_start3A_339 = arith.constant 0 : i32
    %dma_start3A_340 = tpu.memref_slice %arg12[%dma_start3A_338, %dma_start3A_339] : memref<10240x128xf32, #tpu.memory_space<vmem_shared>> -> memref<10240x128xf32, #tpu.memory_space<vmem_shared>>
    tpu.enqueue_indirect_dma source(%arg10 : memref<96x128xf32, #tpu.memory_space<vmem>>) target(%dma_start3A_340 : memref<10240x128xf32, #tpu.memory_space<vmem_shared>>) offsets(%dma_start3A_337 : memref<96xi32, #tpu.memory_space<vmem>>) semaphore(%arg14 : memref<!tpu.dma_semaphore, #tpu.memory_space<semaphore_mem>>) {add = true}
    %dma_wait3A_341 = arith.constant 0 : i32
    %dma_wait3A_342 = arith.constant 0 : i32
    %dma_wait3A_343 = tpu.memref_slice %arg2[%dma_wait3A_341, %dma_wait3A_342] : memref<10240x128xf32, #tpu.memory_space<hbm>> -> memref<96x128xf32, #tpu.memory_space<hbm>>
    %dma_wait3A_344 = arith.constant 0 : i32
    %dma_wait3A_345 = arith.constant 0 : i32
    %dma_wait3A_346 = tpu.memref_slice %arg2[%dma_wait3A_344, %dma_wait3A_345] : memref<10240x128xf32, #tpu.memory_space<hbm>> -> memref<96x128xf32, #tpu.memory_space<hbm>>
    tpu.wait_dma2 semaphore(%arg13 : memref<!tpu.dma_semaphore, #tpu.memory_space<semaphore_mem>>) src(%dma_wait3A_346 : memref<96x128xf32, #tpu.memory_space<hbm>>) dst(%arg11 : memref<96x128xf32, #tpu.memory_space<vmem>>)
    %dma_wait3A_347 = arith.constant 0 : i32
    %dma_wait3A_348 = arith.constant 0 : i32
    %dma_wait3A_349 = tpu.memref_slice %arg2[%dma_wait3A_347, %dma_wait3A_348] : memref<10240x128xf32, #tpu.memory_space<hbm>> -> memref<96x128xf32, #tpu.memory_space<hbm>>
    %dma_wait3A_350 = arith.constant 0 : i32
    %dma_wait3A_351 = arith.constant 0 : i32
    %dma_wait3A_352 = tpu.memref_slice %arg2[%dma_wait3A_350, %dma_wait3A_351] : memref<10240x128xf32, #tpu.memory_space<hbm>> -> memref<96x128xf32, #tpu.memory_space<hbm>>
    tpu.wait_dma2 semaphore(%arg14 : memref<!tpu.dma_semaphore, #tpu.memory_space<semaphore_mem>>) src(%dma_wait3A_352 : memref<96x128xf32, #tpu.memory_space<hbm>>) dst(%arg10 : memref<96x128xf32, #tpu.memory_space<vmem>>)
    %dma_start3A_353 = arith.constant 0 : i32
    %dma_start3A_354 = arith.constant 13 : i32
    %dma_start3A_355 = arith.constant 0 : i32
    %dma_start3A_356 = tpu.memref_slice %arg7[%dma_start3A_353, %dma_start3A_354, %dma_start3A_355] : memref<2x15x96xi32, #tpu.memory_space<vmem>> -> memref<1x1x96xi32, #tpu.memory_space<vmem>>
    %dma_start3A_357 = tpu.memref_squeeze %dma_start3A_356 : memref<1x1x96xi32, #tpu.memory_space<vmem>> -> memref<96xi32, #tpu.memory_space<vmem>>
    %dma_start3A_358 = arith.constant 0 : i32
    %dma_start3A_359 = arith.constant 0 : i32
    %dma_start3A_360 = tpu.memref_slice %arg2[%dma_start3A_358, %dma_start3A_359] : memref<10240x128xf32, #tpu.memory_space<hbm>> -> memref<10240x128xf32, #tpu.memory_space<hbm>>
    tpu.enqueue_indirect_dma source(%dma_start3A_360 : memref<10240x128xf32, #tpu.memory_space<hbm>>) target(%arg10 : memref<96x128xf32, #tpu.memory_space<vmem>>) offsets(%dma_start3A_357 : memref<96xi32, #tpu.memory_space<vmem>>) semaphore(%arg13 : memref<!tpu.dma_semaphore, #tpu.memory_space<semaphore_mem>>)
    %dma_start3A_361 = arith.constant 0 : i32
    %dma_start3A_362 = arith.constant 11 : i32
    %dma_start3A_363 = arith.constant 0 : i32
    %dma_start3A_364 = tpu.memref_slice %arg8[%dma_start3A_361, %dma_start3A_362, %dma_start3A_363] : memref<2x15x96xi32, #tpu.memory_space<vmem>> -> memref<1x1x96xi32, #tpu.memory_space<vmem>>
    %dma_start3A_365 = tpu.memref_squeeze %dma_start3A_364 : memref<1x1x96xi32, #tpu.memory_space<vmem>> -> memref<96xi32, #tpu.memory_space<vmem>>
    %dma_start3A_366 = arith.constant 0 : i32
    %dma_start3A_367 = arith.constant 0 : i32
    %dma_start3A_368 = tpu.memref_slice %arg12[%dma_start3A_366, %dma_start3A_367] : memref<10240x128xf32, #tpu.memory_space<vmem_shared>> -> memref<10240x128xf32, #tpu.memory_space<vmem_shared>>
    tpu.enqueue_indirect_dma source(%arg11 : memref<96x128xf32, #tpu.memory_space<vmem>>) target(%dma_start3A_368 : memref<10240x128xf32, #tpu.memory_space<vmem_shared>>) offsets(%dma_start3A_365 : memref<96xi32, #tpu.memory_space<vmem>>) semaphore(%arg14 : memref<!tpu.dma_semaphore, #tpu.memory_space<semaphore_mem>>) {add = true}
    %dma_wait3A_369 = arith.constant 0 : i32
    %dma_wait3A_370 = arith.constant 0 : i32
    %dma_wait3A_371 = tpu.memref_slice %arg2[%dma_wait3A_369, %dma_wait3A_370] : memref<10240x128xf32, #tpu.memory_space<hbm>> -> memref<96x128xf32, #tpu.memory_space<hbm>>
    %dma_wait3A_372 = arith.constant 0 : i32
    %dma_wait3A_373 = arith.constant 0 : i32
    %dma_wait3A_374 = tpu.memref_slice %arg2[%dma_wait3A_372, %dma_wait3A_373] : memref<10240x128xf32, #tpu.memory_space<hbm>> -> memref<96x128xf32, #tpu.memory_space<hbm>>
    tpu.wait_dma2 semaphore(%arg13 : memref<!tpu.dma_semaphore, #tpu.memory_space<semaphore_mem>>) src(%dma_wait3A_374 : memref<96x128xf32, #tpu.memory_space<hbm>>) dst(%arg9 : memref<96x128xf32, #tpu.memory_space<vmem>>)
    %dma_wait3A_375 = arith.constant 0 : i32
    %dma_wait3A_376 = arith.constant 0 : i32
    %dma_wait3A_377 = tpu.memref_slice %arg2[%dma_wait3A_375, %dma_wait3A_376] : memref<10240x128xf32, #tpu.memory_space<hbm>> -> memref<96x128xf32, #tpu.memory_space<hbm>>
    %dma_wait3A_378 = arith.constant 0 : i32
    %dma_wait3A_379 = arith.constant 0 : i32
    %dma_wait3A_380 = tpu.memref_slice %arg2[%dma_wait3A_378, %dma_wait3A_379] : memref<10240x128xf32, #tpu.memory_space<hbm>> -> memref<96x128xf32, #tpu.memory_space<hbm>>
    tpu.wait_dma2 semaphore(%arg14 : memref<!tpu.dma_semaphore, #tpu.memory_space<semaphore_mem>>) src(%dma_wait3A_380 : memref<96x128xf32, #tpu.memory_space<hbm>>) dst(%arg11 : memref<96x128xf32, #tpu.memory_space<vmem>>)
    %dma_start3A_381 = arith.constant 0 : i32
    %dma_start3A_382 = arith.constant 14 : i32
    %dma_start3A_383 = arith.constant 0 : i32
    %dma_start3A_384 = tpu.memref_slice %arg7[%dma_start3A_381, %dma_start3A_382, %dma_start3A_383] : memref<2x15x96xi32, #tpu.memory_space<vmem>> -> memref<1x1x96xi32, #tpu.memory_space<vmem>>
    %dma_start3A_385 = tpu.memref_squeeze %dma_start3A_384 : memref<1x1x96xi32, #tpu.memory_space<vmem>> -> memref<96xi32, #tpu.memory_space<vmem>>
    %dma_start3A_386 = arith.constant 0 : i32
    %dma_start3A_387 = arith.constant 0 : i32
    %dma_start3A_388 = tpu.memref_slice %arg2[%dma_start3A_386, %dma_start3A_387] : memref<10240x128xf32, #tpu.memory_space<hbm>> -> memref<10240x128xf32, #tpu.memory_space<hbm>>
    tpu.enqueue_indirect_dma source(%dma_start3A_388 : memref<10240x128xf32, #tpu.memory_space<hbm>>) target(%arg11 : memref<96x128xf32, #tpu.memory_space<vmem>>) offsets(%dma_start3A_385 : memref<96xi32, #tpu.memory_space<vmem>>) semaphore(%arg13 : memref<!tpu.dma_semaphore, #tpu.memory_space<semaphore_mem>>)
    %dma_start3A_389 = arith.constant 0 : i32
    %dma_start3A_390 = arith.constant 12 : i32
    %dma_start3A_391 = arith.constant 0 : i32
    %dma_start3A_392 = tpu.memref_slice %arg8[%dma_start3A_389, %dma_start3A_390, %dma_start3A_391] : memref<2x15x96xi32, #tpu.memory_space<vmem>> -> memref<1x1x96xi32, #tpu.memory_space<vmem>>
    %dma_start3A_393 = tpu.memref_squeeze %dma_start3A_392 : memref<1x1x96xi32, #tpu.memory_space<vmem>> -> memref<96xi32, #tpu.memory_space<vmem>>
    %dma_start3A_394 = arith.constant 0 : i32
    %dma_start3A_395 = arith.constant 0 : i32
    %dma_start3A_396 = tpu.memref_slice %arg12[%dma_start3A_394, %dma_start3A_395] : memref<10240x128xf32, #tpu.memory_space<vmem_shared>> -> memref<10240x128xf32, #tpu.memory_space<vmem_shared>>
    tpu.enqueue_indirect_dma source(%arg9 : memref<96x128xf32, #tpu.memory_space<vmem>>) target(%dma_start3A_396 : memref<10240x128xf32, #tpu.memory_space<vmem_shared>>) offsets(%dma_start3A_393 : memref<96xi32, #tpu.memory_space<vmem>>) semaphore(%arg14 : memref<!tpu.dma_semaphore, #tpu.memory_space<semaphore_mem>>) {add = true}
    %dma_wait3A_397 = arith.constant 0 : i32
    %dma_wait3A_398 = arith.constant 0 : i32
    %dma_wait3A_399 = tpu.memref_slice %arg2[%dma_wait3A_397, %dma_wait3A_398] : memref<10240x128xf32, #tpu.memory_space<hbm>> -> memref<96x128xf32, #tpu.memory_space<hbm>>
    %dma_wait3A_400 = arith.constant 0 : i32
    %dma_wait3A_401 = arith.constant 0 : i32
    %dma_wait3A_402 = tpu.memref_slice %arg2[%dma_wait3A_400, %dma_wait3A_401] : memref<10240x128xf32, #tpu.memory_space<hbm>> -> memref<96x128xf32, #tpu.memory_space<hbm>>
    tpu.wait_dma2 semaphore(%arg13 : memref<!tpu.dma_semaphore, #tpu.memory_space<semaphore_mem>>) src(%dma_wait3A_402 : memref<96x128xf32, #tpu.memory_space<hbm>>) dst(%arg10 : memref<96x128xf32, #tpu.memory_space<vmem>>)
    %dma_wait3A_403 = arith.constant 0 : i32
    %dma_wait3A_404 = arith.constant 0 : i32
    %dma_wait3A_405 = tpu.memref_slice %arg2[%dma_wait3A_403, %dma_wait3A_404] : memref<10240x128xf32, #tpu.memory_space<hbm>> -> memref<96x128xf32, #tpu.memory_space<hbm>>
    %dma_wait3A_406 = arith.constant 0 : i32
    %dma_wait3A_407 = arith.constant 0 : i32
    %dma_wait3A_408 = tpu.memref_slice %arg2[%dma_wait3A_406, %dma_wait3A_407] : memref<10240x128xf32, #tpu.memory_space<hbm>> -> memref<96x128xf32, #tpu.memory_space<hbm>>
    tpu.wait_dma2 semaphore(%arg14 : memref<!tpu.dma_semaphore, #tpu.memory_space<semaphore_mem>>) src(%dma_wait3A_408 : memref<96x128xf32, #tpu.memory_space<hbm>>) dst(%arg9 : memref<96x128xf32, #tpu.memory_space<vmem>>)
    %dma_start3A_409 = arith.constant 0 : i32
    %dma_start3A_410 = arith.constant 13 : i32
    %dma_start3A_411 = arith.constant 0 : i32
    %dma_start3A_412 = tpu.memref_slice %arg8[%dma_start3A_409, %dma_start3A_410, %dma_start3A_411] : memref<2x15x96xi32, #tpu.memory_space<vmem>> -> memref<1x1x96xi32, #tpu.memory_space<vmem>>
    %dma_start3A_413 = tpu.memref_squeeze %dma_start3A_412 : memref<1x1x96xi32, #tpu.memory_space<vmem>> -> memref<96xi32, #tpu.memory_space<vmem>>
    %dma_start3A_414 = arith.constant 0 : i32
    %dma_start3A_415 = arith.constant 0 : i32
    %dma_start3A_416 = tpu.memref_slice %arg12[%dma_start3A_414, %dma_start3A_415] : memref<10240x128xf32, #tpu.memory_space<vmem_shared>> -> memref<10240x128xf32, #tpu.memory_space<vmem_shared>>
    tpu.enqueue_indirect_dma source(%arg10 : memref<96x128xf32, #tpu.memory_space<vmem>>) target(%dma_start3A_416 : memref<10240x128xf32, #tpu.memory_space<vmem_shared>>) offsets(%dma_start3A_413 : memref<96xi32, #tpu.memory_space<vmem>>) semaphore(%arg14 : memref<!tpu.dma_semaphore, #tpu.memory_space<semaphore_mem>>) {add = true}
    %dma_wait3A_417 = arith.constant 0 : i32
    %dma_wait3A_418 = arith.constant 0 : i32
    %dma_wait3A_419 = tpu.memref_slice %arg2[%dma_wait3A_417, %dma_wait3A_418] : memref<10240x128xf32, #tpu.memory_space<hbm>> -> memref<96x128xf32, #tpu.memory_space<hbm>>
    %dma_wait3A_420 = arith.constant 0 : i32
    %dma_wait3A_421 = arith.constant 0 : i32
    %dma_wait3A_422 = tpu.memref_slice %arg2[%dma_wait3A_420, %dma_wait3A_421] : memref<10240x128xf32, #tpu.memory_space<hbm>> -> memref<96x128xf32, #tpu.memory_space<hbm>>
    tpu.wait_dma2 semaphore(%arg13 : memref<!tpu.dma_semaphore, #tpu.memory_space<semaphore_mem>>) src(%dma_wait3A_422 : memref<96x128xf32, #tpu.memory_space<hbm>>) dst(%arg11 : memref<96x128xf32, #tpu.memory_space<vmem>>)
    %dma_wait3A_423 = arith.constant 0 : i32
    %dma_wait3A_424 = arith.constant 0 : i32
    %dma_wait3A_425 = tpu.memref_slice %arg2[%dma_wait3A_423, %dma_wait3A_424] : memref<10240x128xf32, #tpu.memory_space<hbm>> -> memref<96x128xf32, #tpu.memory_space<hbm>>
    %dma_wait3A_426 = arith.constant 0 : i32
    %dma_wait3A_427 = arith.constant 0 : i32
    %dma_wait3A_428 = tpu.memref_slice %arg2[%dma_wait3A_426, %dma_wait3A_427] : memref<10240x128xf32, #tpu.memory_space<hbm>> -> memref<96x128xf32, #tpu.memory_space<hbm>>
    tpu.wait_dma2 semaphore(%arg14 : memref<!tpu.dma_semaphore, #tpu.memory_space<semaphore_mem>>) src(%dma_wait3A_428 : memref<96x128xf32, #tpu.memory_space<hbm>>) dst(%arg10 : memref<96x128xf32, #tpu.memory_space<vmem>>)
    %dma_start3A_429 = arith.constant 0 : i32
    %dma_start3A_430 = arith.constant 14 : i32
    %dma_start3A_431 = arith.constant 0 : i32
    %dma_start3A_432 = tpu.memref_slice %arg8[%dma_start3A_429, %dma_start3A_430, %dma_start3A_431] : memref<2x15x96xi32, #tpu.memory_space<vmem>> -> memref<1x1x96xi32, #tpu.memory_space<vmem>>
    %dma_start3A_433 = tpu.memref_squeeze %dma_start3A_432 : memref<1x1x96xi32, #tpu.memory_space<vmem>> -> memref<96xi32, #tpu.memory_space<vmem>>
    %dma_start3A_434 = arith.constant 0 : i32
    %dma_start3A_435 = arith.constant 0 : i32
    %dma_start3A_436 = tpu.memref_slice %arg12[%dma_start3A_434, %dma_start3A_435] : memref<10240x128xf32, #tpu.memory_space<vmem_shared>> -> memref<10240x128xf32, #tpu.memory_space<vmem_shared>>
    tpu.enqueue_indirect_dma source(%arg11 : memref<96x128xf32, #tpu.memory_space<vmem>>) target(%dma_start3A_436 : memref<10240x128xf32, #tpu.memory_space<vmem_shared>>) offsets(%dma_start3A_433 : memref<96xi32, #tpu.memory_space<vmem>>) semaphore(%arg14 : memref<!tpu.dma_semaphore, #tpu.memory_space<semaphore_mem>>) {add = true}
    %dma_wait3A_437 = arith.constant 0 : i32
    %dma_wait3A_438 = arith.constant 0 : i32
    %dma_wait3A_439 = tpu.memref_slice %arg2[%dma_wait3A_437, %dma_wait3A_438] : memref<10240x128xf32, #tpu.memory_space<hbm>> -> memref<96x128xf32, #tpu.memory_space<hbm>>
    %dma_wait3A_440 = arith.constant 0 : i32
    %dma_wait3A_441 = arith.constant 0 : i32
    %dma_wait3A_442 = tpu.memref_slice %arg2[%dma_wait3A_440, %dma_wait3A_441] : memref<10240x128xf32, #tpu.memory_space<hbm>> -> memref<96x128xf32, #tpu.memory_space<hbm>>
    tpu.wait_dma2 semaphore(%arg14 : memref<!tpu.dma_semaphore, #tpu.memory_space<semaphore_mem>>) src(%dma_wait3A_442 : memref<96x128xf32, #tpu.memory_space<hbm>>) dst(%arg11 : memref<96x128xf32, #tpu.memory_space<vmem>>)
    %barrier3A_443 = arith.constant 0 : index
    tpu.barrier barrier_id(%barrier3A_443)
    "tpu.region"() ({
      %run_scoped3A_444 = tpu.sem_alloc : memref<!tpu.dma_semaphore, #tpu.memory_space<semaphore_mem>>
      %dma_start3A_445 = arith.constant 0 : i32
      %dma_start3A_446 = tpu.memref_slice %arg6[%arg0, %mul3A_2, %dma_start3A_445] : memref<2x10240x128xf32, #tpu.memory_space<hbm>> -> memref<1x640x128xf32, #tpu.memory_space<hbm>>
      %dma_start3A_447 = tpu.memref_squeeze %dma_start3A_446 : memref<1x640x128xf32, #tpu.memory_space<hbm>> -> memref<640x128xf32, #tpu.memory_space<hbm>>
      %dma_start3A_448 = arith.constant 0 : i32
      %dma_start3A_449 = tpu.memref_slice %arg12[%mul3A_2, %dma_start3A_448] : memref<10240x128xf32, #tpu.memory_space<vmem_shared>> -> memref<640x128xf32, #tpu.memory_space<vmem_shared>>
      tpu.enqueue_dma source(%dma_start3A_449 : memref<640x128xf32, #tpu.memory_space<vmem_shared>>) target(%dma_start3A_447 : memref<640x128xf32, #tpu.memory_space<hbm>>) target_semaphore(%run_scoped3A_444 : memref<!tpu.dma_semaphore, #tpu.memory_space<semaphore_mem>>)
      %dma_wait3A_450 = arith.constant 0 : i32
      %dma_wait3A_451 = tpu.memref_slice %arg6[%arg0, %mul3A_2, %dma_wait3A_450] : memref<2x10240x128xf32, #tpu.memory_space<hbm>> -> memref<1x640x128xf32, #tpu.memory_space<hbm>>
      %dma_wait3A_452 = tpu.memref_squeeze %dma_wait3A_451 : memref<1x640x128xf32, #tpu.memory_space<hbm>> -> memref<640x128xf32, #tpu.memory_space<hbm>>
      %dma_wait3A_453 = arith.constant 0 : i32
      %dma_wait3A_454 = tpu.memref_slice %arg12[%mul3A_2, %dma_wait3A_453] : memref<10240x128xf32, #tpu.memory_space<vmem_shared>> -> memref<640x128xf32, #tpu.memory_space<vmem_shared>>
      tpu.wait_dma2 semaphore(%run_scoped3A_444 : memref<!tpu.dma_semaphore, #tpu.memory_space<semaphore_mem>>) src(%dma_wait3A_454 : memref<640x128xf32, #tpu.memory_space<vmem_shared>>) dst(%dma_wait3A_452 : memref<640x128xf32, #tpu.memory_space<hbm>>)
      tpu.yield
    }) : () -> ()
    return
  }
}

#map = affine_map<(d0, d1) -> (0)>
#map1 = affine_map<(d0, d1) -> (0, 0, 0)>
module attributes {stable_mosaic.version = 14 : i64} {
  func.func @deg(%arg0: i32, %arg1: i32, %arg2: memref<320000xi32, #tpu.memory_space<hbm>>, %arg3: memref<320000xi32, #tpu.memory_space<hbm>>, %arg4: memref<32x2x10240xf32, #tpu.memory_space<hbm>>, %arg5: memref<10000xi32, #tpu.memory_space<vmem>>, %arg6: memref<10000xi32, #tpu.memory_space<vmem>>, %arg7: memref<10240xf32, #tpu.memory_space<vmem>>, %arg8: memref<10240xf32, #tpu.memory_space<vmem>>) attributes {dimension_semantics = [#tpu.dimension_semantics<core_parallel>, #tpu.dimension_semantics<subcore_parallel>], iteration_bounds = array<i64: 2, 16>, scalar_prefetch = 0 : i64, scratch_operands = 4 : i64, tpu.core_type = #tpu.core_type<sc_vector_subcore>, window_params = [{transform_indices = #map}, {transform_indices = #map}, {transform_indices = #map1}]} {
    %mul3A = arith.constant 16 : i32
    %mul3A_0 = arith.muli %arg0, %mul3A : i32
    %add3A = arith.addi %mul3A_0, %arg1 : i32
    %broadcast_in_dim3A = arith.constant 0.000000e+00 : f32
    %broadcast_in_dim3A_1 = vector.broadcast %broadcast_in_dim3A : f32 to vector<16xf32>
    %scan3A = arith.constant 0 : i32
    %scan3A_2 = arith.constant 0 : i32
    %scan3A_3 = arith.constant 640 : i32
    %scan3A_4 = arith.addi %scan3A_2, %scan3A_3 : i32
    %scan3A_5 = arith.constant 1 : i32
    scf.for %scan3A_20 = %scan3A_2 to %scan3A_4 step %scan3A_5  : i32 {
      %mul3A_21 = arith.constant 16 : i32
      %mul3A_22 = arith.muli %scan3A_20, %mul3A_21 : i32
      %swap3A = arith.index_cast %mul3A_22 : i32 to index
      %swap3A_23 = tpu.vector_load %arg7[%swap3A] {strides = array<i32>} : memref<10240xf32, #tpu.memory_space<vmem>>, vector<16xf32>,
      tpu.vector_store %arg7[%swap3A], %broadcast_in_dim3A_1 {strides = array<i32>} : memref<10240xf32, #tpu.memory_space<vmem>>, vector<16xf32>,
      %mul3A_24 = arith.constant 16 : i32
      %mul3A_25 = arith.muli %scan3A_20, %mul3A_24 : i32
      %swap3A_26 = arith.index_cast %mul3A_25 : i32 to index
      %swap3A_27 = tpu.vector_load %arg8[%swap3A_26] {strides = array<i32>} : memref<10240xf32, #tpu.memory_space<vmem>>, vector<16xf32>,
      tpu.vector_store %arg8[%swap3A_26], %broadcast_in_dim3A_1 {strides = array<i32>} : memref<10240xf32, #tpu.memory_space<vmem>>, vector<16xf32>,
    }
    %scan3A_6 = arith.constant 640 : i32
    %mul3A_7 = arith.constant 10000 : i32
    %mul3A_8 = arith.muli %add3A, %mul3A_7 : i32
    "tpu.region"() ({
      %run_scoped3A_20 = tpu.sem_alloc : memref<!tpu.dma_semaphore, #tpu.memory_space<semaphore_mem>>
      %dma_start3A = tpu.memref_slice %arg2[%mul3A_8] : memref<320000xi32, #tpu.memory_space<hbm>> -> memref<10000xi32, #tpu.memory_space<hbm>>
      %dma_start3A_21 = tpu.memref_slice %arg2[%mul3A_8] : memref<320000xi32, #tpu.memory_space<hbm>> -> memref<10000xi32, #tpu.memory_space<hbm>>
      tpu.enqueue_dma source(%dma_start3A_21 : memref<10000xi32, #tpu.memory_space<hbm>>) target(%arg5 : memref<10000xi32, #tpu.memory_space<vmem>>) target_semaphore(%run_scoped3A_20 : memref<!tpu.dma_semaphore, #tpu.memory_space<semaphore_mem>>)
      %dma_wait3A = tpu.memref_slice %arg2[%mul3A_8] : memref<320000xi32, #tpu.memory_space<hbm>> -> memref<10000xi32, #tpu.memory_space<hbm>>
      %dma_wait3A_22 = tpu.memref_slice %arg2[%mul3A_8] : memref<320000xi32, #tpu.memory_space<hbm>> -> memref<10000xi32, #tpu.memory_space<hbm>>
      tpu.wait_dma2 semaphore(%run_scoped3A_20 : memref<!tpu.dma_semaphore, #tpu.memory_space<semaphore_mem>>) src(%dma_wait3A_22 : memref<10000xi32, #tpu.memory_space<hbm>>) dst(%arg5 : memref<10000xi32, #tpu.memory_space<vmem>>)
      tpu.yield
    }) : () -> ()
    %mul3A_9 = arith.constant 10000 : i32
    %mul3A_10 = arith.muli %add3A, %mul3A_9 : i32
    "tpu.region"() ({
      %run_scoped3A_20 = tpu.sem_alloc : memref<!tpu.dma_semaphore, #tpu.memory_space<semaphore_mem>>
      %dma_start3A = tpu.memref_slice %arg3[%mul3A_10] : memref<320000xi32, #tpu.memory_space<hbm>> -> memref<10000xi32, #tpu.memory_space<hbm>>
      %dma_start3A_21 = tpu.memref_slice %arg3[%mul3A_10] : memref<320000xi32, #tpu.memory_space<hbm>> -> memref<10000xi32, #tpu.memory_space<hbm>>
      tpu.enqueue_dma source(%dma_start3A_21 : memref<10000xi32, #tpu.memory_space<hbm>>) target(%arg6 : memref<10000xi32, #tpu.memory_space<vmem>>) target_semaphore(%run_scoped3A_20 : memref<!tpu.dma_semaphore, #tpu.memory_space<semaphore_mem>>)
      %dma_wait3A = tpu.memref_slice %arg3[%mul3A_10] : memref<320000xi32, #tpu.memory_space<hbm>> -> memref<10000xi32, #tpu.memory_space<hbm>>
      %dma_wait3A_22 = tpu.memref_slice %arg3[%mul3A_10] : memref<320000xi32, #tpu.memory_space<hbm>> -> memref<10000xi32, #tpu.memory_space<hbm>>
      tpu.wait_dma2 semaphore(%run_scoped3A_20 : memref<!tpu.dma_semaphore, #tpu.memory_space<semaphore_mem>>) src(%dma_wait3A_22 : memref<10000xi32, #tpu.memory_space<hbm>>) dst(%arg6 : memref<10000xi32, #tpu.memory_space<vmem>>)
      tpu.yield
    }) : () -> ()
    %broadcast_in_dim3A_11 = arith.constant 1.000000e+00 : f32
    %broadcast_in_dim3A_12 = vector.broadcast %broadcast_in_dim3A_11 : f32 to vector<16xf32>
    %scan3A_13 = arith.constant 0 : i32
    %scan3A_14 = arith.constant 0 : i32
    %scan3A_15 = arith.constant 625 : i32
    %scan3A_16 = arith.addi %scan3A_14, %scan3A_15 : i32
    %scan3A_17 = arith.constant 1 : i32
    scf.for %scan3A_20 = %scan3A_14 to %scan3A_16 step %scan3A_17  : i32 {
      %mul3A_21 = arith.constant 16 : i32
      %mul3A_22 = arith.muli %scan3A_20, %mul3A_21 : i32
      %get3A = arith.index_cast %mul3A_22 : i32 to index
      %get3A_23 = tpu.vector_load %arg5[%get3A] {strides = array<i32>} : memref<10000xi32, #tpu.memory_space<vmem>>, vector<16xi32>,
      %mul3A_24 = arith.constant 16 : i32
      %mul3A_25 = arith.muli %scan3A_20, %mul3A_24 : i32
      %get3A_26 = arith.index_cast %mul3A_25 : i32 to index
      %get3A_27 = tpu.vector_load %arg6[%get3A_26] {strides = array<i32>} : memref<10000xi32, #tpu.memory_space<vmem>>, vector<16xi32>,
      tpu.vector_store_idx %arg7[%get3A_23], %broadcast_in_dim3A_12 {add = true} : memref<10240xf32, #tpu.memory_space<vmem>>[vector<16xi32>], vector<16xf32>,
      tpu.vector_store_idx %arg8[%get3A_27], %broadcast_in_dim3A_12 {add = true} : memref<10240xf32, #tpu.memory_space<vmem>>[vector<16xi32>], vector<16xf32>,
    }
    %scan3A_18 = arith.constant 625 : i32
    %run_scoped3A = arith.constant 0 : i32
    "tpu.region"() ({
      %run_scoped3A_20 = tpu.sem_alloc : memref<!tpu.dma_semaphore, #tpu.memory_space<semaphore_mem>>
      %dma_start3A = arith.constant 0 : i32
      %dma_start3A_21 = tpu.memref_slice %arg4[%add3A, %run_scoped3A, %dma_start3A] : memref<32x2x10240xf32, #tpu.memory_space<hbm>> -> memref<1x1x10240xf32, #tpu.memory_space<hbm>>
      %dma_start3A_22 = tpu.memref_squeeze %dma_start3A_21 : memref<1x1x10240xf32, #tpu.memory_space<hbm>> -> memref<10240xf32, #tpu.memory_space<hbm>>
      %dma_start3A_23 = arith.constant 0 : i32
      %dma_start3A_24 = tpu.memref_slice %arg4[%add3A, %run_scoped3A, %dma_start3A_23] : memref<32x2x10240xf32, #tpu.memory_space<hbm>> -> memref<1x1x10240xf32, #tpu.memory_space<hbm>>
      %dma_start3A_25 = tpu.memref_squeeze %dma_start3A_24 : memref<1x1x10240xf32, #tpu.memory_space<hbm>> -> memref<10240xf32, #tpu.memory_space<hbm>>
      tpu.enqueue_dma source(%arg7 : memref<10240xf32, #tpu.memory_space<vmem>>) target(%dma_start3A_25 : memref<10240xf32, #tpu.memory_space<hbm>>) target_semaphore(%run_scoped3A_20 : memref<!tpu.dma_semaphore, #tpu.memory_space<semaphore_mem>>)
      %dma_wait3A = arith.constant 0 : i32
      %dma_wait3A_26 = tpu.memref_slice %arg4[%add3A, %run_scoped3A, %dma_wait3A] : memref<32x2x10240xf32, #tpu.memory_space<hbm>> -> memref<1x1x10240xf32, #tpu.memory_space<hbm>>
      %dma_wait3A_27 = tpu.memref_squeeze %dma_wait3A_26 : memref<1x1x10240xf32, #tpu.memory_space<hbm>> -> memref<10240xf32, #tpu.memory_space<hbm>>
      %dma_wait3A_28 = arith.constant 0 : i32
      %dma_wait3A_29 = tpu.memref_slice %arg4[%add3A, %run_scoped3A, %dma_wait3A_28] : memref<32x2x10240xf32, #tpu.memory_space<hbm>> -> memref<1x1x10240xf32, #tpu.memory_space<hbm>>
      %dma_wait3A_30 = tpu.memref_squeeze %dma_wait3A_29 : memref<1x1x10240xf32, #tpu.memory_space<hbm>> -> memref<10240xf32, #tpu.memory_space<hbm>>
      tpu.wait_dma2 semaphore(%run_scoped3A_20 : memref<!tpu.dma_semaphore, #tpu.memory_space<semaphore_mem>>) src(%arg7 : memref<10240xf32, #tpu.memory_space<vmem>>) dst(%dma_wait3A_30 : memref<10240xf32, #tpu.memory_space<hbm>>)
      tpu.yield
    }) : () -> ()
    %run_scoped3A_19 = arith.constant 1 : i32
    "tpu.region"() ({
      %run_scoped3A_20 = tpu.sem_alloc : memref<!tpu.dma_semaphore, #tpu.memory_space<semaphore_mem>>
      %dma_start3A = arith.constant 0 : i32
      %dma_start3A_21 = tpu.memref_slice %arg4[%add3A, %run_scoped3A_19, %dma_start3A] : memref<32x2x10240xf32, #tpu.memory_space<hbm>> -> memref<1x1x10240xf32, #tpu.memory_space<hbm>>
      %dma_start3A_22 = tpu.memref_squeeze %dma_start3A_21 : memref<1x1x10240xf32, #tpu.memory_space<hbm>> -> memref<10240xf32, #tpu.memory_space<hbm>>
      %dma_start3A_23 = arith.constant 0 : i32
      %dma_start3A_24 = tpu.memref_slice %arg4[%add3A, %run_scoped3A_19, %dma_start3A_23] : memref<32x2x10240xf32, #tpu.memory_space<hbm>> -> memref<1x1x10240xf32, #tpu.memory_space<hbm>>
      %dma_start3A_25 = tpu.memref_squeeze %dma_start3A_24 : memref<1x1x10240xf32, #tpu.memory_space<hbm>> -> memref<10240xf32, #tpu.memory_space<hbm>>
      tpu.enqueue_dma source(%arg8 : memref<10240xf32, #tpu.memory_space<vmem>>) target(%dma_start3A_25 : memref<10240xf32, #tpu.memory_space<hbm>>) target_semaphore(%run_scoped3A_20 : memref<!tpu.dma_semaphore, #tpu.memory_space<semaphore_mem>>)
      %dma_wait3A = arith.constant 0 : i32
      %dma_wait3A_26 = tpu.memref_slice %arg4[%add3A, %run_scoped3A_19, %dma_wait3A] : memref<32x2x10240xf32, #tpu.memory_space<hbm>> -> memref<1x1x10240xf32, #tpu.memory_space<hbm>>
      %dma_wait3A_27 = tpu.memref_squeeze %dma_wait3A_26 : memref<1x1x10240xf32, #tpu.memory_space<hbm>> -> memref<10240xf32, #tpu.memory_space<hbm>>
      %dma_wait3A_28 = arith.constant 0 : i32
      %dma_wait3A_29 = tpu.memref_slice %arg4[%add3A, %run_scoped3A_19, %dma_wait3A_28] : memref<32x2x10240xf32, #tpu.memory_space<hbm>> -> memref<1x1x10240xf32, #tpu.memory_space<hbm>>
      %dma_wait3A_30 = tpu.memref_squeeze %dma_wait3A_29 : memref<1x1x10240xf32, #tpu.memory_space<hbm>> -> memref<10240xf32, #tpu.memory_space<hbm>>
      tpu.wait_dma2 semaphore(%run_scoped3A_20 : memref<!tpu.dma_semaphore, #tpu.memory_space<semaphore_mem>>) src(%arg8 : memref<10240xf32, #tpu.memory_space<vmem>>) dst(%dma_wait3A_30 : memref<10240xf32, #tpu.memory_space<hbm>>)
      tpu.yield
    }) : () -> ()
    return
  }
}

module attributes {stable_mosaic.version = 14 : i64} {
  func.func @_tc1_body(%arg0: i32, %arg1: memref<2048x64xf32, #tpu.memory_space<vmem>>, %arg2: memref<2048x128xf32, #tpu.memory_space<vmem>>, %arg3: memref<128x128xf32, #tpu.memory_space<vmem>>, %arg4: memref<2048x128xf32, #tpu.memory_space<vmem>>) attributes {dimension_semantics = [#tpu.dimension_semantics<arbitrary>], iteration_bounds = array<i64: 5>, scalar_prefetch = 0 : i64, scratch_operands = 0 : i64, tpu.core_type = #tpu.core_type<tc>, window_params = [{transform_indices = @transform_0, window_bounds = array<i64: 2048, 64>}, {transform_indices = @transform_1, window_bounds = array<i64: 2048, 128>}, {pipeline_mode = #tpu.pipeline_mode<synchronous>, transform_indices = @transform_2, window_bounds = array<i64: 128, 128>}, {transform_indices = @transform_3, window_bounds = array<i64: 2048, 128>}]} {
    %get3A = arith.constant 0 : index
    %get3A_0 = arith.constant 0 : index
    %get3A_1 = vector.load %arg1[%get3A, %get3A_0] : memref<2048x64xf32, #tpu.memory_space<vmem>>, vector<2048x64xf32>
    %slice3A = vector.extract_strided_slice %get3A_1 {offsets = [0, 0], sizes = [2048, 32], strides = [1, 1]} : vector<2048x64xf32> to vector<2048x32xf32>
    %reduce_sum3A = arith.constant dense<0.000000e+00> : vector<2048xf32>
    %reduce_sum3A_2 = vector.multi_reduction <add>, %slice3A, %reduce_sum3A [1] : vector<2048x32xf32> to vector<2048xf32>
    %broadcast_in_dim3A = vector.shape_cast %reduce_sum3A_2 : vector<2048xf32> to vector<2048x1xf32>
    %max3A = arith.constant 1.000000e+00 : f32
    %max3A_3 = vector.broadcast %max3A : f32 to vector<2048x1xf32>
    %max3A_4 = arith.maximumf %broadcast_in_dim3A, %max3A_3 : vector<2048x1xf32>
    %rsqrt3A = math.rsqrt %max3A_4 : vector<2048x1xf32>
    %get3A_5 = arith.constant 0 : index
    %get3A_6 = arith.constant 0 : index
    %get3A_7 = vector.load %arg2[%get3A_5, %get3A_6] : memref<2048x128xf32, #tpu.memory_space<vmem>>, vector<2048x128xf32>
    %get3A_8 = arith.constant 0 : index
    %get3A_9 = arith.constant 0 : index
    %get3A_10 = vector.load %arg3[%get3A_8, %get3A_9] : memref<128x128xf32, #tpu.memory_space<vmem>>, vector<128x128xf32>
    %dot_general3A = arith.constant dense<0.000000e+00> : vector<2048x128xf32>
    %dot_general3A_11 = tpu.matmul %get3A_7, %get3A_10, %dot_general3A {dimension_numbers = #tpu.dot_dimension_numbers<[1], [0], [0], [1], [0, 0, 1, 1], [], []>, transpose_lhs_hint = false} : vector<2048x128xf32>, vector<128x128xf32>, vector<2048x128xf32> -> vector<2048x128xf32>
    %mul3A = vector.broadcast %rsqrt3A : vector<2048x1xf32> to vector<2048x128xf32>
    %mul3A_12 = arith.mulf %dot_general3A_11, %mul3A : vector<2048x128xf32>
    %swap3A = arith.constant 0 : index
    %swap3A_13 = arith.constant 0 : index
    %swap3A_14 = vector.load %arg4[%swap3A, %swap3A_13] : memref<2048x128xf32, #tpu.memory_space<vmem>>, vector<2048x128xf32>
    tpu.vector_store %arg4[%swap3A, %swap3A_13], %mul3A_12 {strides = array<i32>} : memref<2048x128xf32, #tpu.memory_space<vmem>>, vector<2048x128xf32>,
    return
  }
  func.func @transform_0(%arg0: i32) -> (i32, i32) {
    %c0_i32 = arith.constant 0 : i32
    %c0_i32_0 = arith.constant 0 : i32
    return %arg0, %c0_i32 : i32, i32
  }
  func.func @transform_1(%arg0: i32) -> (i32, i32) {
    %c0_i32 = arith.constant 0 : i32
    %c0_i32_0 = arith.constant 0 : i32
    return %arg0, %c0_i32 : i32, i32
  }
  func.func @transform_2(%arg0: i32) -> (i32, i32) {
    %c0_i32 = arith.constant 0 : i32
    %c0_i32_0 = arith.constant 0 : i32
    %c0_i32_1 = arith.constant 0 : i32
    return %c0_i32, %c0_i32_0 : i32, i32
  }
  func.func @transform_3(%arg0: i32) -> (i32, i32) {
    %c0_i32 = arith.constant 0 : i32
    %c0_i32_0 = arith.constant 0 : i32
    return %arg0, %c0_i32 : i32, i32
  }
}

module attributes {stable_mosaic.version = 14 : i64} {
  func.func @_tc2_body(%arg0: i32, %arg1: memref<2048x64xf32, #tpu.memory_space<vmem>>, %arg2: memref<2048x128xf32, #tpu.memory_space<vmem>>, %arg3: memref<2048x128xf32, #tpu.memory_space<vmem>>, %arg4: memref<1x128xf32, #tpu.memory_space<vmem>>, %arg5: memref<128x128xf32, #tpu.memory_space<vmem>>, %arg6: memref<2048x128xf32, #tpu.memory_space<vmem>>) attributes {dimension_semantics = [#tpu.dimension_semantics<arbitrary>], iteration_bounds = array<i64: 5>, scalar_prefetch = 0 : i64, scratch_operands = 0 : i64, tpu.core_type = #tpu.core_type<tc>, window_params = [{transform_indices = @transform_0, window_bounds = array<i64: 2048, 64>}, {transform_indices = @transform_1, window_bounds = array<i64: 2048, 128>}, {transform_indices = @transform_2, window_bounds = array<i64: 2048, 128>}, {pipeline_mode = #tpu.pipeline_mode<synchronous>, transform_indices = @transform_3, window_bounds = array<i64: 1, 128>}, {pipeline_mode = #tpu.pipeline_mode<synchronous>, transform_indices = @transform_4, window_bounds = array<i64: 128, 128>}, {transform_indices = @transform_5, window_bounds = array<i64: 2048, 128>}]} {
    %get3A = arith.constant 0 : index
    %get3A_0 = arith.constant 0 : index
    %get3A_1 = vector.load %arg1[%get3A, %get3A_0] : memref<2048x64xf32, #tpu.memory_space<vmem>>, vector<2048x64xf32>
    %slice3A = vector.extract_strided_slice %get3A_1 {offsets = [0, 0], sizes = [2048, 32], strides = [1, 1]} : vector<2048x64xf32> to vector<2048x32xf32>
    %reduce_sum3A = arith.constant dense<0.000000e+00> : vector<2048xf32>
    %reduce_sum3A_2 = vector.multi_reduction <add>, %slice3A, %reduce_sum3A [1] : vector<2048x32xf32> to vector<2048xf32>
    %broadcast_in_dim3A = vector.shape_cast %reduce_sum3A_2 : vector<2048xf32> to vector<2048x1xf32>
    %slice3A_3 = vector.extract_strided_slice %get3A_1 {offsets = [0, 32], sizes = [2048, 32], strides = [1, 1]} : vector<2048x64xf32> to vector<2048x32xf32>
    %reduce_sum3A_4 = arith.constant dense<0.000000e+00> : vector<2048xf32>
    %reduce_sum3A_5 = vector.multi_reduction <add>, %slice3A_3, %reduce_sum3A_4 [1] : vector<2048x32xf32> to vector<2048xf32>
    %broadcast_in_dim3A_6 = vector.shape_cast %reduce_sum3A_5 : vector<2048xf32> to vector<2048x1xf32>
    %max3A = arith.constant 1.000000e+00 : f32
    %max3A_7 = vector.broadcast %max3A : f32 to vector<2048x1xf32>
    %max3A_8 = arith.maximumf %broadcast_in_dim3A, %max3A_7 : vector<2048x1xf32>
    %rsqrt3A = math.rsqrt %max3A_8 : vector<2048x1xf32>
    %max3A_9 = arith.constant 1.000000e+00 : f32
    %max3A_10 = vector.broadcast %max3A_9 : f32 to vector<2048x1xf32>
    %max3A_11 = arith.maximumf %broadcast_in_dim3A_6, %max3A_10 : vector<2048x1xf32>
    %rsqrt3A_12 = math.rsqrt %max3A_11 : vector<2048x1xf32>
    %get3A_13 = arith.constant 0 : index
    %get3A_14 = arith.constant 0 : index
    %get3A_15 = vector.load %arg2[%get3A_13, %get3A_14] : memref<2048x128xf32, #tpu.memory_space<vmem>>, vector<2048x128xf32>
    %get3A_16 = arith.constant 0 : index
    %get3A_17 = arith.constant 0 : index
    %get3A_18 = vector.load %arg3[%get3A_16, %get3A_17] : memref<2048x128xf32, #tpu.memory_space<vmem>>, vector<2048x128xf32>
    %add3A = arith.addf %get3A_15, %get3A_18 : vector<2048x128xf32>
    %mul3A = vector.broadcast %rsqrt3A_12 : vector<2048x1xf32> to vector<2048x128xf32>
    %mul3A_19 = arith.mulf %add3A, %mul3A : vector<2048x128xf32>
    %get3A_20 = arith.constant 0 : index
    %get3A_21 = arith.constant 0 : index
    %get3A_22 = vector.load %arg4[%get3A_20, %get3A_21] : memref<1x128xf32, #tpu.memory_space<vmem>>, vector<1x128xf32>
    %add3A_23 = vector.broadcast %get3A_22 : vector<1x128xf32> to vector<2048x128xf32>
    %add3A_24 = arith.addf %mul3A_19, %add3A_23 : vector<2048x128xf32>
    %get3A_25 = arith.constant 0 : index
    %get3A_26 = arith.constant 0 : index
    %get3A_27 = vector.load %arg5[%get3A_25, %get3A_26] : memref<128x128xf32, #tpu.memory_space<vmem>>, vector<128x128xf32>
    %dot_general3A = arith.constant dense<0.000000e+00> : vector<2048x128xf32>
    %dot_general3A_28 = tpu.matmul %add3A_24, %get3A_27, %dot_general3A {dimension_numbers = #tpu.dot_dimension_numbers<[1], [0], [0], [1], [0, 0, 1, 1], [], []>, transpose_lhs_hint = false} : vector<2048x128xf32>, vector<128x128xf32>, vector<2048x128xf32> -> vector<2048x128xf32>
    %mul3A_29 = vector.broadcast %rsqrt3A : vector<2048x1xf32> to vector<2048x128xf32>
    %mul3A_30 = arith.mulf %dot_general3A_28, %mul3A_29 : vector<2048x128xf32>
    %swap3A = arith.constant 0 : index
    %swap3A_31 = arith.constant 0 : index
    %swap3A_32 = vector.load %arg6[%swap3A, %swap3A_31] : memref<2048x128xf32, #tpu.memory_space<vmem>>, vector<2048x128xf32>
    tpu.vector_store %arg6[%swap3A, %swap3A_31], %mul3A_30 {strides = array<i32>} : memref<2048x128xf32, #tpu.memory_space<vmem>>, vector<2048x128xf32>,
    return
  }
  func.func @transform_0(%arg0: i32) -> (i32, i32) {
    %c0_i32 = arith.constant 0 : i32
    %c0_i32_0 = arith.constant 0 : i32
    return %arg0, %c0_i32 : i32, i32
  }
  func.func @transform_1(%arg0: i32) -> (i32, i32) {
    %c0_i32 = arith.constant 0 : i32
    %c0_i32_0 = arith.constant 0 : i32
    return %arg0, %c0_i32 : i32, i32
  }
  func.func @transform_2(%arg0: i32) -> (i32, i32) {
    %c0_i32 = arith.constant 0 : i32
    %c0_i32_0 = arith.constant 0 : i32
    return %arg0, %c0_i32 : i32, i32
  }
  func.func @transform_3(%arg0: i32) -> (i32, i32) {
    %c0_i32 = arith.constant 0 : i32
    %c0_i32_0 = arith.constant 0 : i32
    %c0_i32_1 = arith.constant 0 : i32
    return %c0_i32, %c0_i32_0 : i32, i32
  }
  func.func @transform_4(%arg0: i32) -> (i32, i32) {
    %c0_i32 = arith.constant 0 : i32
    %c0_i32_0 = arith.constant 0 : i32
    %c0_i32_1 = arith.constant 0 : i32
    return %c0_i32, %c0_i32_0 : i32, i32
  }
  func.func @transform_5(%arg0: i32) -> (i32, i32) {
    %c0_i32 = arith.constant 0 : i32
    %c0_i32_0 = arith.constant 0 : i32
    return %arg0, %c0_i32 : i32, i32
  }
}

module attributes {stable_mosaic.version = 14 : i64} {
  func.func @_tc3_body(%arg0: i32, %arg1: memref<2048x64xf32, #tpu.memory_space<vmem>>, %arg2: memref<2048x128xf32, #tpu.memory_space<vmem>>, %arg3: memref<2048x128xf32, #tpu.memory_space<vmem>>, %arg4: memref<1x128xf32, #tpu.memory_space<vmem>>, %arg5: memref<2048x128xf32, #tpu.memory_space<vmem>>) attributes {dimension_semantics = [#tpu.dimension_semantics<arbitrary>], iteration_bounds = array<i64: 5>, scalar_prefetch = 0 : i64, scratch_operands = 0 : i64, tpu.core_type = #tpu.core_type<tc>, window_params = [{transform_indices = @transform_0, window_bounds = array<i64: 2048, 64>}, {transform_indices = @transform_1, window_bounds = array<i64: 2048, 128>}, {transform_indices = @transform_2, window_bounds = array<i64: 2048, 128>}, {pipeline_mode = #tpu.pipeline_mode<synchronous>, transform_indices = @transform_3, window_bounds = array<i64: 1, 128>}, {transform_indices = @transform_4, window_bounds = array<i64: 2048, 128>}]} {
    %get3A = arith.constant 0 : index
    %get3A_0 = arith.constant 0 : index
    %get3A_1 = vector.load %arg1[%get3A, %get3A_0] : memref<2048x64xf32, #tpu.memory_space<vmem>>, vector<2048x64xf32>
    %slice3A = vector.extract_strided_slice %get3A_1 {offsets = [0, 32], sizes = [2048, 32], strides = [1, 1]} : vector<2048x64xf32> to vector<2048x32xf32>
    %reduce_sum3A = arith.constant dense<0.000000e+00> : vector<2048xf32>
    %reduce_sum3A_2 = vector.multi_reduction <add>, %slice3A, %reduce_sum3A [1] : vector<2048x32xf32> to vector<2048xf32>
    %broadcast_in_dim3A = vector.shape_cast %reduce_sum3A_2 : vector<2048xf32> to vector<2048x1xf32>
    %max3A = arith.constant 1.000000e+00 : f32
    %max3A_3 = vector.broadcast %max3A : f32 to vector<2048x1xf32>
    %max3A_4 = arith.maximumf %broadcast_in_dim3A, %max3A_3 : vector<2048x1xf32>
    %rsqrt3A = math.rsqrt %max3A_4 : vector<2048x1xf32>
    %get3A_5 = arith.constant 0 : index
    %get3A_6 = arith.constant 0 : index
    %get3A_7 = vector.load %arg2[%get3A_5, %get3A_6] : memref<2048x128xf32, #tpu.memory_space<vmem>>, vector<2048x128xf32>
    %get3A_8 = arith.constant 0 : index
    %get3A_9 = arith.constant 0 : index
    %get3A_10 = vector.load %arg3[%get3A_8, %get3A_9] : memref<2048x128xf32, #tpu.memory_space<vmem>>, vector<2048x128xf32>
    %add3A = arith.addf %get3A_7, %get3A_10 : vector<2048x128xf32>
    %mul3A = vector.broadcast %rsqrt3A : vector<2048x1xf32> to vector<2048x128xf32>
    %mul3A_11 = arith.mulf %add3A, %mul3A : vector<2048x128xf32>
    %get3A_12 = arith.constant 0 : index
    %get3A_13 = arith.constant 0 : index
    %get3A_14 = vector.load %arg4[%get3A_12, %get3A_13] : memref<1x128xf32, #tpu.memory_space<vmem>>, vector<1x128xf32>
    %add3A_15 = vector.broadcast %get3A_14 : vector<1x128xf32> to vector<2048x128xf32>
    %add3A_16 = arith.addf %mul3A_11, %add3A_15 : vector<2048x128xf32>
    %swap3A = arith.constant 0 : index
    %swap3A_17 = arith.constant 0 : index
    %swap3A_18 = vector.load %arg5[%swap3A, %swap3A_17] : memref<2048x128xf32, #tpu.memory_space<vmem>>, vector<2048x128xf32>
    tpu.vector_store %arg5[%swap3A, %swap3A_17], %add3A_16 {strides = array<i32>} : memref<2048x128xf32, #tpu.memory_space<vmem>>, vector<2048x128xf32>,
    return
  }
  func.func @transform_0(%arg0: i32) -> (i32, i32) {
    %c0_i32 = arith.constant 0 : i32
    %c0_i32_0 = arith.constant 0 : i32
    return %arg0, %c0_i32 : i32, i32
  }
  func.func @transform_1(%arg0: i32) -> (i32, i32) {
    %c0_i32 = arith.constant 0 : i32
    %c0_i32_0 = arith.constant 0 : i32
    return %arg0, %c0_i32 : i32, i32
  }
  func.func @transform_2(%arg0: i32) -> (i32, i32) {
    %c0_i32 = arith.constant 0 : i32
    %c0_i32_0 = arith.constant 0 : i32
    return %arg0, %c0_i32 : i32, i32
  }
  func.func @transform_3(%arg0: i32) -> (i32, i32) {
    %c0_i32 = arith.constant 0 : i32
    %c0_i32_0 = arith.constant 0 : i32
    %c0_i32_1 = arith.constant 0 : i32
    return %c0_i32, %c0_i32_0 : i32, i32
  }
  func.func @transform_4(%arg0: i32) -> (i32, i32) {
    %c0_i32 = arith.constant 0 : i32
    %c0_i32_0 = arith.constant 0 : i32
    return %arg0, %c0_i32 : i32, i32
  }
}

</mosaic_0001>

<sc_bundles>
// kernel: kernel.11.cloned.1.call-start
scs
__scs_entry_jumppad:
0x0: {  	(pc) =	sbr.rel $0x88, $3  }
0x1: {  	(tag) =	ssettag $0x0;
	lr =	simm.s32 $0x1  }
0x2: {  	[smem:$0x3F9B] =	sst lr;
	_ =	strace $0xD0000000  }
0x3: {  	_ = 	snop  }
0x4: {  	_ = 	snop  }
0x5: {  	_ = 	snop  }
0x6: {  	_ = 	snop  }
0x7: {  	_ = 	snop  }
__scs_overlays_trampoline_lowered:
0x8: {  	[smem:$0x3FAA] =	sst s0  }
0x9: {  	[smem:$0x3FAB] =	sst s1  }
0xa: {  	[smem:$0x3FAC] =	sst s2  }
0xb: {  	[smem:$0x3FAD] =	sst s3  }
0xc: {  	[smem:$0x3FAE] =	sst s4  }
0xd: {  	[smem:$0x3FAF] =	sst s5  }
0xe: {  	[smem:$0x3FB0] =	sst s6  }
0xf: {  	[smem:$0x3FB1] =	sst s7  }
0x10: {  	[smem:$0x3FB2] =	sst s8  }
0x11: {  	[smem:$0x3FB3] =	sst s9;
	s0 =	simm.s32 @!p0 $0x0  }
0x12: {  	s1 =	sld [smem:$0x3F99];
	s0 =	simm.s32 @p0 $0x1  }
0x13: {  	[smem:$0x3FB4] =	sst s0;
	s0 =	simm.s32 @!p1 $0x0  }
0x14: {  	s2 =	sld [smem:$0x3F98];
	s0 =	simm.s32 @p1 $0x1  }
0x15: {  	[smem:$0x3FB5] =	sst s0;
	s0 =	simm.s32 @!p2 $0x0  }
0x16: {  	s3 =	sld [smem:$0x3FDB];
	s0 =	simm.s32 @p2 $0x1  }
0x17: {  	s4 =	simm.s32 $0x1BF5;
	[smem:$0x3FB7] =	sst s0  }
0x18: {  	s0 =	sld [smem:$0x3F9A];
	_ =	swait.ge [sflag:s4], $0x0  }
0x19: {  	s7 =	sld [smem:$0x3F9B]  }
0x1a: {  	s8 =	sadd.s32 $0xFFFFE003, lr  }
0x1b: {  	s9 =	sadd.s32 $0xFFFFFEF7, lr;
	s5 =	simm.s32 $0xFFFFFFFF;
	p2 =	slt.u32 s8, $0xFFFFF086  }
0x1c: {  	p1 =	slt.u32 s9, $0xF7A;
	s5 =	simm.s32 @!p2 $0x0  }
0x1d: {  	s5 =	simm.s32 @p1 $0x1;
	p0 =	seq.s32 s7, s2  }
0x1e: {  	s7 =	smul.u32 @!p0 $0xF7A, s2;
	p2 =	seq.s32 @!p0 s5, $0x0  }
0x1f: {  	s9 =	smul.u32 $0xF7A, s1;
	s8 =	simm.s32 @!p0 $0x1BF5;
	p2 =	por !p2, p0  }
0x20: {  	[sflag:s8] =	ssyncset.s32 @!p0 $0xFFFFF086;
	s6 =	sadd.s32 @!p0 s3, s7;
	s7 =	simm.s32 @!p0 $0x108  }
0x21: {  	s3 =	sadd.s32 s3, s9;
	s6 =	sadd.s32 @!p0 $0x88, s6;
	s7 =	simm.s32 @p2 $0x1082  }
0x22: {  	[simem:s7], [sflag:s8] =	dma.local @!p0 [hbm:s6], $0xF7A  }
0x23: {  	s9 =	sor.u32 $0xD0000000, s2;
	s6 =	simm.s32 $0x108;
	_ =	swait.ge @!p0 [sflag:s8], $0x0  }
0x24: {  	s3 =	sadd.s32 $0x88, s3;
	s6 =	simm.s32 @!p1 $0x1082;
	[sflag:s4] =	ssyncset.s32 $0xFFFFF086  }
0x25: {  	[simem:s6], [sflag:s4] =	dma.local [hbm:s3], $0xF7A  }
0x26: {  	[smem:$0x3F9B] =	sst s1;
	(tag) =	ssettag s2;
	_ =	strace s9  }
0x27: {  	s1 =	sld [smem:$0x3FAB]  }
0x28: {  	s2 =	sld [smem:$0x3FAC]  }
0x29: {  	s4 =	sld [smem:$0x3FAE]  }
0x2a: {  	p0 =	seq.s32 s5, $0x0;
	s5 =	sld [smem:$0x3FAF]  }
0x2b: {  	s6 =	sld [smem:$0x3FB0]  }
0x2c: {  	s7 =	sld [smem:$0x3FB1]  }
0x2d: {  	s3 =	simm.s32 $0x108;
	s8 =	sld [smem:$0x3FB2]  }
0x2e: {  	s3 =	simm.s32 @!p0 $0x1082;
	s9 =	sld [smem:$0x3FB3]  }
0x2f: {  	lr =	sadd.s32 s0, s3;
	s0 =	sld [smem:$0x3FAA]  }
0x30: {  	s3 =	sld [smem:$0x3FAD]  }
0x31: {  	[smem:$0x3FB6] =	sst s10  }
0x32: {  	s10 =	sld [smem:$0x3FB4];
	_ =	sdelay $0x3  }
0x33: {  	p0 =	seq.s32 s10, $0x1;
	s10 =	sld [smem:$0x3FB6];
	_ =	sdelay $0x3  }
0x34: {  	[smem:$0x3FB6] =	sst s10  }
0x35: {  	s10 =	sld [smem:$0x3FB5];
	_ =	sdelay $0x3  }
0x36: {  	p1 =	seq.s32 s10, $0x1;
	s10 =	sld [smem:$0x3FB6];
	_ =	sdelay $0x3  }
0x37: {  	[smem:$0x3FB6] =	sst s10  }
0x38: {  	s10 =	sld [smem:$0x3FB7]  }
0x39: {  	_ = 	snop;
	(pc) =	sbr.ind lr, $3  }
0x3a: {  	_ = 	snop  }
0x3b: {  	_ = 	snop  }
0x3c: {  	p2 =	seq.s32 s10, $0x1;
	s10 =	sld [smem:$0x3FB6]  }
0x3d: {  	_ =	shalt  }
0x3e: {  	_ =	shalt  }
0x3f: {  	_ =	shalt  }
0x40: {  	_ =	shalt  }
0x41: {  	_ =	shalt  }
0x42: {  	_ =	shalt  }
0x43: {  	_ =	shalt  }
0x44: {  	_ =	shalt  }
0x45: {  	_ =	shalt  }
0x46: {  	_ =	shalt  }
0x47: {  	_ =	shalt  }
0x48: {  	_ =	shalt  }
0x49: {  	_ =	shalt  }
0x4a: {  	_ =	shalt  }
0x4b: {  	_ =	shalt  }
0x4c: {  	_ =	shalt  }
0x4d: {  	_ =	shalt  }
0x4e: {  	_ =	shalt  }
0x4f: {  	_ =	shalt  }
0x50: {  	_ =	shalt  }
0x51: {  	_ =	shalt  }
0x52: {  	_ =	shalt  }
0x53: {  	_ =	shalt  }
0x54: {  	_ =	shalt  }
0x55: {  	_ =	shalt  }
0x56: {  	_ =	shalt  }
0x57: {  	_ =	shalt  }
0x58: {  	_ =	shalt  }
0x59: {  	_ =	shalt  }
0x5a: {  	_ =	shalt  }
0x5b: {  	_ =	shalt  }
0x5c: {  	_ =	shalt  }
0x5d: {  	_ =	shalt  }
0x5e: {  	_ =	shalt  }
0x5f: {  	_ =	shalt  }
0x60: {  	_ =	shalt  }
0x61: {  	_ =	shalt  }
0x62: {  	_ =	shalt  }
0x63: {  	_ =	shalt  }
0x64: {  	_ =	shalt  }
0x65: {  	_ =	shalt  }
0x66: {  	_ =	shalt  }
0x67: {  	_ =	shalt  }
0x68: {  	_ =	shalt  }
0x69: {  	_ =	shalt  }
0x6a: {  	_ =	shalt  }
0x6b: {  	_ =	shalt  }
0x6c: {  	_ =	shalt  }
0x6d: {  	_ =	shalt  }
0x6e: {  	_ =	shalt  }
0x6f: {  	_ =	shalt  }
0x70: {  	_ =	shalt  }
0x71: {  	_ =	shalt  }
0x72: {  	_ =	shalt  }
0x73: {  	_ =	shalt  }
0x74: {  	_ =	shalt  }
0x75: {  	_ =	shalt  }
0x76: {  	_ =	shalt  }
0x77: {  	_ =	shalt  }
0x78: {  	_ =	shalt  }
0x79: {  	_ =	shalt  }
0x7a: {  	_ =	shalt  }
0x7b: {  	_ =	shalt  }
0x7c: {  	_ =	shalt  }
0x7d: {  	_ =	shalt  }
0x7e: {  	_ =	shalt  }
0x7f: {  	_ =	shalt  }
0x80: {  	_ =	shalt  }
0x81: {  	_ =	shalt  }
0x82: {  	_ =	shalt  }
0x83: {  	_ =	shalt  }
0x84: {  	_ =	shalt  }
0x85: {  	_ =	shalt  }
0x86: {  	_ =	shalt  }
0x87: {  	_ =	shalt  }
.Lfunc_end0:
.L_simem_size_0:
called_computation.1_lowered:
.L_overlay_start_0:
0x88: {  	s2 =	sld [smem:$0x3FD9]  }
0x89: {  	s3 =	sld [smem:$0x3FFE];
	_ =	sdelay $0x1  }
0x8a: {  	s1 =	srdreg.scid  }
0x8b: {  	s0 =	sand.u32 $0x1, s1  }
0x8c: {  	s16 =	sshll.u32 s0, $0xA;
	s2 =	sadd.s32 s3, s2  }
0x8d: {  	s2 =	sadd.s32 s2, s16  }
0x8e: {  	[smem:$0x3FC2] =	sst s2  }
0x8f: {  	_ = 	snop  }
0x90: {  	(tm) =	ssettm $0x1  }
0x91: {  	s17 =	sld [smem:$0x3FFB];
	_ =	sdelay $0x3  }
0x92: {  	_ =	strace s17  }
0x93: {  	s2 =	sld [smem:$0x3FFC];
	_ =	sdelay $0x3  }
0x94: {  	_ =	strace s2  }
0x95: {  	s2 =	sld [smem:$0x3FFD];
	_ =	sdelay $0x3  }
0x96: {  	_ =	strace s2  }
0x97: {  	_ =	strace $0x8FFFFFFF  }
0x98: {  	s18 =	sld [smem:$0x3FDB];
	_ =	sdelay $0x1  }
0x99: {  	s19 =	simm.s32 $_scs_section_size  }
0x9a: {  	s4 =	simm.s32 $_size__tile_overlayer_lowered;
	s5 =	simm.s32 $_tile_overlayer_lowered  }
0x9b: {  	s22 =	simm.s32 $0x1BFF;
	s21 =	sshll.u32 s5, $0x1;
	s2 =	sadd.s32 s19, s18  }
0x9c: {  	s6 =	simm.s32 $0x0;
	s20 =	sshll.u32 s4, $0x1;
	s4 =	sadd.s32 s21, s2  }
0x9d: {  	[timem:s6], [sflag:s22] =	dma.local [hbm:s4], s20  }
0x9e: {  	_ =	swait.ge [sflag:s22], s20  }
0x9f: {  	s3 =	ssub.s32 $0x0, s20;
	[sflag:s22] =	ssyncset.done $0x0  }
0xa0: {  	[sflag:s22] =	ssyncadd.s32 s3;
	_ =	sdelay $0x1  }
0xa1: {  	s23 =	simm.s32 $0x1B8B  }
0xa2: {  	_ =	swait.ge [sflag:s23], $0x1  }
0xa3: {  	[sflag:s23] =	ssyncset.done $0x0  }
0xa4: {  	s25 =	simm.s32 $0x1B8E;
	s24 =	sld [smem:$0x3FFE];
	[sflag:s23] =	ssyncadd.s32 $0xFFFFFFFF  }
0xa5: {  	s26 =	simm.s32 $execute0_lowered;
	[smem:$0x3FD2] =	sst s25  }
0xa6: {  	s4 =	sshll.u32 s26, $0x1;
	_ =	strace $0x80000049;
	[dreg:$0x1] =	wrdreg $0xFFFFFFFF  }
0xa7: {  	s28 =	simm.s32 $_size_execute0_lowered;
	s2 =	sadd.s32 s2, s4;
	[dreg:$0x0] =	wrdreg $0x0  }
0xa8: {  	s4 =	sshll.u32 s28, $0x1;
	[dreg:$0x2] =	wrdreg s2  }
0xa9: {  	[dreg:$0x3] =	wrdreg s4  }
0xaa: {  	[dreg:$0x4] =	wrdreg $0xC0  }
0xab: {  	_ =	task [dreg:s6], $0x5FFFF  }
0xac: {  	[dreg:$0x1] =	wrdreg $0xFFFFFFFF  }
0xad: {  	[dreg:$0x0] =	wrdreg $0x60  }
0xae: {  	[dreg:$0x2] =	wrdreg s24  }
0xaf: {  	[dreg:$0x3] =	wrdreg $0xB0000  }
0xb0: {  	[dreg:$0x4] =	wrdreg $0x9  }
0xb1: {  	_ =	task.clear_ibuf [dreg:s6], $0x5FFFF;
	_ =	strace $0x90000049  }
0xb2: {  	s29 =	simm.s32 $0x9;
	_ =	strace $0x8000004B  }
0xb3: {  	_ =	swait.ge [sflag:s29], $0x1  }
0xb4: {  	[sflag:s29] =	ssyncadd.s32 $0xFFFFFFFF  }
0xb5: {  	_ =	strace $0x9000004B  }
0xb6: {  	_ =	sfence  }
0xb7: {  	s30 =	sld [smem:$0x0];
	_ =	sdelay $0x2  }
0xb8: {  	s31 =	sshll.u32 s1, $0xD;
	s1 =	sshrl.u32 s1, $0x2  }
0xb9: {  	s3 =	sand.u32 $0x4000, s31;
	s1 =	sadd.s32 s1, s30  }
0xba: {  	s0 =	sor.u32 s3, s0;
	s1 =	sshll.u32 s1, $0x11  }
0xbb: {  	s0 =	sor.u32 s1, s0  }
0xbc: {  	s0 =	sadd.s32 $0x8F2B, s0  }
0xbd: {  	[sflag:s0] =	ssyncadd.remote.s32 $0x1  }
0xbe: {  	_ =	sfence.sel $0xFFFF  }
0xbf: {  	[dreg:$0x0] =	wrdreg $0xFFFFFFFF;
	(pc) =	sbr.abs _section_cstart, $3  }
0xc0: {  	[dreg:$0x1] =	wrdreg $0xFFFFFFFF  }
0xc1: {  	_ =	task.clear_ibuf [dreg:s6], $0x2FFFF;
	_ =	strace $0x9FFFFFFF  }
0xc2: {  	(tm) =	ssettm $0x7FFFFFFF  }
0xc3: {  	_ =	shalt  }
tec
execute0_lowered:
.L_overlay_start_1:
0x0: {  	(tag) =	ssettag $0x1  }
0x1: {  	s0 =	rddreg [dreg:$0x0]  }
0x2: {  	s2 =	rddreg [dreg:$0x1];
	s3 =	simm.s32 $0x0;
	s1 =	srdreg.scid  }
0x3: {  	s15 =	stileid.u32;
	s16 =	simm.s32 $0x1000;
	s17 =	simm.s32 $0x8000  }
0x4: {  	s18 =	simm.s32 $0x60;
	s19 =	simm.s32 $0x2000;
	s21 =	simm.s32 $0x5000  }
0x5: {  	s22 =	simm.s32 $0x1;
	s23 =	simm.s32 $0x2;
	s24 =	simm.s32 $0x3  }
0x6: {  	s20 =	simm.s32 $0x1700;
	s25 =	simm.s32 $0x0;
	[smem:$0x7FF] =	sst s3  }
0x7: {  	s1 =	sand.u32 $0x1, s1;
	s8 =	smul.u32 $0x14000, s15;
	s4 =	sadd.s32 $0x31000, s0  }
0x8: {  	s5 =	sadd.s32 $0x23000, s0;
	s6 =	sadd.s32 $0x15000, s0;
	s12 =	smul.u32 $0x50000, s15  }
0x9: {  	s7 =	sadd.s32 $0x59000, s0;
	s29 =	smul.u32 $0x3800, s15;
	s30 =	sshll.u32 s15, $0x6  }
0xa: {  	_ =	strace $0x8000004A;
	s9 =	smul.u32 $0x140000, s1;
	s10 =	sshll.u32 s1, $0x4  }
0xb: {  	s11 =	ssub.s32 $0x2, s1;
	s1 =	smul.u32 $0x38000, s1;
	s10 =	sor.u32 s15, s10  }
0xc: {  	s13 =	sshrl.u32 s11, $0x1;
	s28 =	sshrl.u32 s12, $0x2;
	s15 =	simm.s32 $0x4  }
0xd: {  	s9 =	sadd.s32 s8, s9;
	s10 =	smul.u32 $0x3800, s10;
	s13 =	ssub.s32 s11, s13  }
0xe: {  	s8 =	sshrl.u32 s8, $0x3;
	s14 =	sadd.s32 s28, s2;
	s1 =	sadd.s32 s29, s1  }
0xf: {  	s9 =	sshrl.u32 s9, $0x3;
	s8 =	sadd.s32 s7, s8;
	s1 =	sadd.s32 $0x800, s1  }
0x10: {  	s13 =	smax.u32 s13, $0x1;
	s14 =	sshrl.u32 s14, $0x3;
	s0 =	sadd.s32 s9, s0  }
0x11: {  	s9 =	sor.u32 $0x1C04, s30;
	s31 =	sshrl.u32 s10, $0x3;
	[dreg:$0x3] =	wrdreg s1  }
0x12: {  	s10 =	sadd.s32 s5, s31;
	s11 =	sadd.s32 s6, s31;
	s12 =	sadd.s32 $0x81000, s0  }
.LBB2_1:
0x13: {  	[spmem:s14], [sflag:s9] =	dma.local [hbm:s8], $0x2800  }
0x14: {  	_ =	swait.ge [sflag:s15], $0x2800  }
0x15: {  	[sflag:s15] =	ssyncset.done $0x0  }
0x16: {  	[sflag:s15] =	ssyncadd.s32 $0xFFFFD800  }
0x17: {  	[tilespmem:s3], [sflag:$0x4] =	stream.linear.gather [hbm4b:s10+s3], $0x780, $0x38;
	[tilespmem:$0x1F000] =	vst v63  }
0x18: {  	_ =	swait.ge [sflag:s15], $0x780  }
0x19: {  	[sflag:s15] =	ssyncset.done $0x0  }
0x1a: {  	[sflag:s15] =	ssyncadd.s32 $0xFFFFF880  }
0x1b: {  	[tilespmem:s16], [sflag:$0x4] =	stream.linear.gather [hbm4b:s11+s3], $0x780, $0x38;
	[tilespmem:$0x1F000] =	vst v63  }
0x1c: {  	_ =	swait.ge [sflag:s15], $0x780  }
0x1d: {  	[sflag:s15] =	ssyncset.done $0x0  }
0x1e: {  	[sflag:s15] =	ssyncadd.s32 $0xFFFFF880  }
0x1f: {  	[tilespmem:s17], [sflag:$0x4] =	stream.linear.gather [hbm4b:s7+s3], $0x3000, $0x38;
	[tilespmem:$0x1F000] =	vst v63  }
0x20: {  	_ =	swait.ge [sflag:s15], $0x3000  }
0x21: {  	[sflag:s15] =	ssyncset.done $0x0  }
0x22: {  	[sflag:s15] =	ssyncadd.s32 $0xFFFFD000  }
0x23: {  	[bflag:$0x0] =	sbarrier.arrive $0xFFFF  }
0x24: {  	[tilespmem:s19], [sflag:$0x1] =	stream.indirect.gather [hbm4b:s4+s18], $0x80, s3, s18, $0xb8;
	[tilespmem:$0x1F000] =	vst v63  }
0x25: {  	s26 =	rddreg [dreg:$0x3]  }
0x26: {  	s0 =	simm.s32 $0x80;
	s26 =	sadd.s32 $0x0, s26  }
0x27: {  	[tilespmem:s21], [sflag:$0x1] =	stream.indirect.gather [hbm4b:s4+s18], $0x80, s0, s18, $0xb8;
	[tilespmem:$0x1F000] =	vst v63  }
0x28: {  	s29 =	sand.u32 $0x800, s3;
	s28 =	sshrl.u32 s26, $0x3  }
0x29: {  	[spmem:s2] =	stream.indirect.scatter.add.f32 [tilespmem:s17], [sflag:$0x2], $0x80, s16, s18, $0xb8;
	[tilespmem:$0x1F000] =	vst v63  }
0x2a: {  	s1 =	sxor.u32 $0x800, s29;
	s30 =	sadd.s32 s5, s28  }
0x2b: {  	[tilespmem:s1], [sflag:$0x3] =	stream.linear.gather [hbm4b:s30+s3], $0x780, $0x38;
	[tilespmem:$0x1F000] =	vst v63  }
0x2c: {  	s0 =	sxor.u32 $0x1800, s29;
	s28 =	sadd.s32 s6, s28  }
0x2d: {  	[tilespmem:s0], [sflag:$0x3] =	stream.linear.gather [hbm4b:s28+s3], $0x780, $0x38;
	[tilespmem:$0x1F000] =	vst v63  }
0x2e: {  	_ =	swait.ge [sflag:s22], $0x3000  }
0x2f: {  	[sflag:s22] =	ssyncset.done $0x0  }
0x30: {  	[sflag:s22] =	ssyncadd.s32 $0xFFFFD000  }
0x31: {  	_ =	swait.ge [sflag:s23], $0x3000  }
0x32: {  	[sflag:s23] =	ssyncset.done $0x0  }
0x33: {  	s28 =	sor.u32 $0x100, s29;
	[sflag:s23] =	ssyncadd.s32 $0xFFFFD000  }
0x34: {  	[tilespmem:s17], [sflag:$0x1] =	stream.indirect.gather [hbm4b:s4+s18], $0x80, s28, s18, $0xb8;
	[tilespmem:$0x1F000] =	vst v63  }
0x35: {  	s28 =	sor.u32 $0x1000, s29  }
0x36: {  	[spmem:s2] =	stream.indirect.scatter.add.f32 [tilespmem:s19], [sflag:$0x2], $0x80, s28, s18, $0xb8;
	[tilespmem:$0x1F000] =	vst v63  }
0x37: {  	_ =	swait.ge [sflag:s22], $0x3000  }
0x38: {  	[sflag:s22] =	ssyncset.done $0x0  }
0x39: {  	[sflag:s22] =	ssyncadd.s32 $0xFFFFD000  }
0x3a: {  	_ =	swait.ge [sflag:s23], $0x3000  }
0x3b: {  	[sflag:s23] =	ssyncset.done $0x0  }
0x3c: {  	s28 =	sor.u32 $0x180, s29;
	[sflag:s23] =	ssyncadd.s32 $0xFFFFD000  }
0x3d: {  	[tilespmem:s19], [sflag:$0x1] =	stream.indirect.gather [hbm4b:s4+s18], $0x80, s28, s18, $0xb8;
	[tilespmem:$0x1F000] =	vst v63  }
0x3e: {  	s28 =	sor.u32 $0x1080, s29  }
0x3f: {  	[spmem:s2] =	stream.indirect.scatter.add.f32 [tilespmem:s21], [sflag:$0x2], $0x80, s28, s18, $0xb8;
	[tilespmem:$0x1F000] =	vst v63  }
0x40: {  	_ =	swait.ge [sflag:s22], $0x3000  }
0x41: {  	[sflag:s22] =	ssyncset.done $0x0  }
0x42: {  	[sflag:s22] =	ssyncadd.s32 $0xFFFFD000  }
0x43: {  	_ =	swait.ge [sflag:s23], $0x3000  }
0x44: {  	[sflag:s23] =	ssyncset.done $0x0  }
0x45: {  	s28 =	sor.u32 $0x200, s29;
	[sflag:s23] =	ssyncadd.s32 $0xFFFFD000  }
0x46: {  	[tilespmem:s21], [sflag:$0x1] =	stream.indirect.gather [hbm4b:s4+s18], $0x80, s28, s18, $0xb8;
	[tilespmem:$0x1F000] =	vst v63  }
0x47: {  	s28 =	sor.u32 $0x1100, s29  }
0x48: {  	[spmem:s2] =	stream.indirect.scatter.add.f32 [tilespmem:s17], [sflag:$0x2], $0x80, s28, s18, $0xb8;
	[tilespmem:$0x1F000] =	vst v63  }
0x49: {  	_ =	swait.ge [sflag:s22], $0x3000  }
0x4a: {  	[sflag:s22] =	ssyncset.done $0x0  }
0x4b: {  	[sflag:s22] =	ssyncadd.s32 $0xFFFFD000  }
0x4c: {  	_ =	swait.ge [sflag:s23], $0x3000  }
0x4d: {  	[sflag:s23] =	ssyncset.done $0x0  }
0x4e: {  	s28 =	sor.u32 $0x280, s29;
	[sflag:s23] =	ssyncadd.s32 $0xFFFFD000  }
0x4f: {  	[tilespmem:s17], [sflag:$0x1] =	stream.indirect.gather [hbm4b:s4+s18], $0x80, s28, s18, $0xb8;
	[tilespmem:$0x1F000] =	vst v63  }
0x50: {  	s28 =	sor.u32 $0x1180, s29  }
0x51: {  	[spmem:s2] =	stream.indirect.scatter.add.f32 [tilespmem:s19], [sflag:$0x2], $0x80, s28, s18, $0xb8;
	[tilespmem:$0x1F000] =	vst v63  }
0x52: {  	_ =	swait.ge [sflag:s22], $0x3000  }
0x53: {  	[sflag:s22] =	ssyncset.done $0x0  }
0x54: {  	[sflag:s22] =	ssyncadd.s32 $0xFFFFD000  }
0x55: {  	_ =	swait.ge [sflag:s23], $0x3000  }
0x56: {  	[sflag:s23] =	ssyncset.done $0x0  }
0x57: {  	s28 =	sor.u32 $0x300, s29;
	[sflag:s23] =	ssyncadd.s32 $0xFFFFD000  }
0x58: {  	[tilespmem:s19], [sflag:$0x1] =	stream.indirect.gather [hbm4b:s4+s18], $0x80, s28, s18, $0xb8;
	[tilespmem:$0x1F000] =	vst v63  }
0x59: {  	s28 =	sor.u32 $0x1200, s29  }
0x5a: {  	[spmem:s2] =	stream.indirect.scatter.add.f32 [tilespmem:s21], [sflag:$0x2], $0x80, s28, s18, $0xb8;
	[tilespmem:$0x1F000] =	vst v63  }
0x5b: {  	_ =	swait.ge [sflag:s22], $0x3000  }
0x5c: {  	[sflag:s22] =	ssyncset.done $0x0  }
0x5d: {  	[sflag:s22] =	ssyncadd.s32 $0xFFFFD000  }
0x5e: {  	_ =	swait.ge [sflag:s23], $0x3000  }
0x5f: {  	[sflag:s23] =	ssyncset.done $0x0  }
0x60: {  	s28 =	sor.u32 $0x380, s29;
	[sflag:s23] =	ssyncadd.s32 $0xFFFFD000  }
0x61: {  	[tilespmem:s21], [sflag:$0x1] =	stream.indirect.gather [hbm4b:s4+s18], $0x80, s28, s18, $0xb8;
	[tilespmem:$0x1F000] =	vst v63  }
0x62: {  	s28 =	sor.u32 $0x1280, s29  }
0x63: {  	[spmem:s2] =	stream.indirect.scatter.add.f32 [tilespmem:s17], [sflag:$0x2], $0x80, s28, s18, $0xb8;
	[tilespmem:$0x1F000] =	vst v63  }
0x64: {  	_ =	swait.ge [sflag:s22], $0x3000  }
0x65: {  	[sflag:s22] =	ssyncset.done $0x0  }
0x66: {  	[sflag:s22] =	ssyncadd.s32 $0xFFFFD000  }
0x67: {  	_ =	swait.ge [sflag:s23], $0x3000  }
0x68: {  	[sflag:s23] =	ssyncset.done $0x0  }
0x69: {  	s28 =	sor.u32 $0x400, s29;
	[sflag:s23] =	ssyncadd.s32 $0xFFFFD000  }
0x6a: {  	[tilespmem:s17], [sflag:$0x1] =	stream.indirect.gather [hbm4b:s4+s18], $0x80, s28, s18, $0xb8;
	[tilespmem:$0x1F000] =	vst v63  }
0x6b: {  	s28 =	sor.u32 $0x1300, s29  }
0x6c: {  	[spmem:s2] =	stream.indirect.scatter.add.f32 [tilespmem:s19], [sflag:$0x2], $0x80, s28, s18, $0xb8;
	[tilespmem:$0x1F000] =	vst v63  }
0x6d: {  	_ =	swait.ge [sflag:s22], $0x3000  }
0x6e: {  	[sflag:s22] =	ssyncset.done $0x0  }
0x6f: {  	[sflag:s22] =	ssyncadd.s32 $0xFFFFD000  }
0x70: {  	_ =	swait.ge [sflag:s23], $0x3000  }
0x71: {  	[sflag:s23] =	ssyncset.done $0x0  }
0x72: {  	s28 =	sor.u32 $0x480, s29;
	[sflag:s23] =	ssyncadd.s32 $0xFFFFD000  }
0x73: {  	[tilespmem:s19], [sflag:$0x1] =	stream.indirect.gather [hbm4b:s4+s18], $0x80, s28, s18, $0xb8;
	[tilespmem:$0x1F000] =	vst v63  }
0x74: {  	s28 =	sor.u32 $0x1380, s29  }
0x75: {  	[spmem:s2] =	stream.indirect.scatter.add.f32 [tilespmem:s21], [sflag:$0x2], $0x80, s28, s18, $0xb8;
	[tilespmem:$0x1F000] =	vst v63  }
0x76: {  	_ =	swait.ge [sflag:s22], $0x3000  }
0x77: {  	[sflag:s22] =	ssyncset.done $0x0  }
0x78: {  	[sflag:s22] =	ssyncadd.s32 $0xFFFFD000  }
0x79: {  	_ =	swait.ge [sflag:s23], $0x3000  }
0x7a: {  	[sflag:s23] =	ssyncset.done $0x0  }
0x7b: {  	s28 =	sor.u32 $0x500, s29;
	[sflag:s23] =	ssyncadd.s32 $0xFFFFD000  }
0x7c: {  	[tilespmem:s21], [sflag:$0x1] =	stream.indirect.gather [hbm4b:s4+s18], $0x80, s28, s18, $0xb8;
	[tilespmem:$0x1F000] =	vst v63  }
0x7d: {  	s28 =	sor.u32 $0x1400, s29  }
0x7e: {  	[spmem:s2] =	stream.indirect.scatter.add.f32 [tilespmem:s17], [sflag:$0x2], $0x80, s28, s18, $0xb8;
	[tilespmem:$0x1F000] =	vst v63  }
0x7f: {  	_ =	swait.ge [sflag:s22], $0x3000  }
0x80: {  	[sflag:s22] =	ssyncset.done $0x0  }
0x81: {  	[sflag:s22] =	ssyncadd.s32 $0xFFFFD000  }
0x82: {  	_ =	swait.ge [sflag:s23], $0x3000  }
0x83: {  	[sflag:s23] =	ssyncset.done $0x0  }
0x84: {  	s28 =	sor.u32 $0x580, s29;
	[sflag:s23] =	ssyncadd.s32 $0xFFFFD000  }
0x85: {  	[tilespmem:s17], [sflag:$0x1] =	stream.indirect.gather [hbm4b:s4+s18], $0x80, s28, s18, $0xb8;
	[tilespmem:$0x1F000] =	vst v63  }
0x86: {  	s28 =	sor.u32 $0x1480, s29  }
0x87: {  	[spmem:s2] =	stream.indirect.scatter.add.f32 [tilespmem:s19], [sflag:$0x2], $0x80, s28, s18, $0xb8;
	[tilespmem:$0x1F000] =	vst v63  }
0x88: {  	_ =	swait.ge [sflag:s22], $0x3000  }
0x89: {  	[sflag:s22] =	ssyncset.done $0x0  }
0x8a: {  	[sflag:s22] =	ssyncadd.s32 $0xFFFFD000  }
0x8b: {  	_ =	swait.ge [sflag:s23], $0x3000  }
0x8c: {  	[sflag:s23] =	ssyncset.done $0x0  }
0x8d: {  	s28 =	sor.u32 $0x600, s29;
	[sflag:s23] =	ssyncadd.s32 $0xFFFFD000  }
0x8e: {  	[tilespmem:s19], [sflag:$0x1] =	stream.indirect.gather [hbm4b:s4+s18], $0x80, s28, s18, $0xb8;
	[tilespmem:$0x1F000] =	vst v63  }
0x8f: {  	s28 =	sor.u32 $0x1500, s29  }
0x90: {  	[spmem:s2] =	stream.indirect.scatter.add.f32 [tilespmem:s21], [sflag:$0x2], $0x80, s28, s18, $0xb8;
	[tilespmem:$0x1F000] =	vst v63  }
0x91: {  	_ =	swait.ge [sflag:s22], $0x3000  }
0x92: {  	[sflag:s22] =	ssyncset.done $0x0  }
0x93: {  	[sflag:s22] =	ssyncadd.s32 $0xFFFFD000  }
0x94: {  	_ =	swait.ge [sflag:s23], $0x3000  }
0x95: {  	[sflag:s23] =	ssyncset.done $0x0  }
0x96: {  	s28 =	sor.u32 $0x680, s29;
	[sflag:s23] =	ssyncadd.s32 $0xFFFFD000  }
0x97: {  	[tilespmem:s21], [sflag:$0x1] =	stream.indirect.gather [hbm4b:s4+s18], $0x80, s28, s18, $0xb8;
	[tilespmem:$0x1F000] =	vst v63  }
0x98: {  	s28 =	sor.u32 $0x1580, s29  }
0x99: {  	[spmem:s2] =	stream.indirect.scatter.add.f32 [tilespmem:s17], [sflag:$0x2], $0x80, s28, s18, $0xb8;
	[tilespmem:$0x1F000] =	vst v63  }
0x9a: {  	_ =	swait.ge [sflag:s22], $0x3000  }
0x9b: {  	[sflag:s22] =	ssyncset.done $0x0  }
0x9c: {  	[sflag:s22] =	ssyncadd.s32 $0xFFFFD000  }
0x9d: {  	_ =	swait.ge [sflag:s23], $0x3000  }
0x9e: {  	[sflag:s23] =	ssyncset.done $0x0  }
0x9f: {  	s28 =	sor.u32 $0x700, s29;
	[sflag:s23] =	ssyncadd.s32 $0xFFFFD000  }
0xa0: {  	[tilespmem:s17], [sflag:$0x1] =	stream.indirect.gather [hbm4b:s4+s18], $0x80, s28, s18, $0xb8;
	[tilespmem:$0x1F000] =	vst v63  }
0xa1: {  	s28 =	sor.u32 $0x1600, s29  }
0xa2: {  	[spmem:s2] =	stream.indirect.scatter.add.f32 [tilespmem:s19], [sflag:$0x2], $0x80, s28, s18, $0xb8;
	[tilespmem:$0x1F000] =	vst v63  }
0xa3: {  	_ =	swait.ge [sflag:s24], $0x780  }
0xa4: {  	[sflag:s24] =	ssyncset.done $0x0  }
0xa5: {  	[sflag:s24] =	ssyncadd.s32 $0xFFFFF880  }
0xa6: {  	_ =	swait.ge [sflag:s24], $0x780  }
0xa7: {  	[sflag:s24] =	ssyncset.done $0x0  }
0xa8: {  	[sflag:s24] =	ssyncadd.s32 $0xFFFFF880  }
0xa9: {  	_ =	swait.ge [sflag:s22], $0x3000  }
0xaa: {  	[sflag:s22] =	ssyncset.done $0x0  }
0xab: {  	[sflag:s22] =	ssyncadd.s32 $0xFFFFD000  }
0xac: {  	_ =	swait.ge [sflag:s23], $0x3000  }
0xad: {  	[sflag:s23] =	ssyncset.done $0x0  }
0xae: {  	[sflag:s23] =	ssyncadd.s32 $0xFFFFD000  }
0xaf: {  	[tilespmem:s19], [sflag:$0x1] =	stream.indirect.gather [hbm4b:s4+s18], $0x80, s1, s18, $0xb8;
	[tilespmem:$0x1F000] =	vst v63  }
0xb0: {  	s1 =	sor.u32 $0x1680, s29  }
0xb1: {  	[spmem:s2] =	stream.indirect.scatter.add.f32 [tilespmem:s21], [sflag:$0x2], $0x80, s1, s18, $0xb8;
	[tilespmem:$0x1F000] =	vst v63  }
0xb2: {  	_ =	swait.ge [sflag:s22], $0x3000  }
0xb3: {  	[sflag:s22] =	ssyncset.done $0x0  }
0xb4: {  	[sflag:s22] =	ssyncadd.s32 $0xFFFFD000  }
0xb5: {  	s26 =	simm.s32 $0x800;
	_ =	swait.ge [sflag:s23], $0x3000  }
0xb6: {  	s30 =	sxor.u32 $0x880, s29;
	s28 =	simm.s32 $0x1000;
	[sflag:s23] =	ssyncset.done $0x0  }
0xb7: {  	s29 =	sor.u32 $0x1700, s29;
	s31 =	rddreg [dreg:$0x3];
	[sflag:s23] =	ssyncadd.s32 $0xFFFFD000  }
0xb8: {  	[tilespmem:s21], [sflag:$0x1] =	stream.indirect.gather [hbm4b:s4+s18], $0x80, s30, s18, $0xb8;
	[tilespmem:$0x1F000] =	vst v63  }
.LBB2_2:
0xb9: {  	s31 =	sadd.s32 s26, s31  }
0xba: {  	[spmem:s2] =	stream.indirect.scatter.add.f32 [tilespmem:s17], [sflag:$0x2], $0x80, s29, s18, $0xb8;
	[tilespmem:$0x1F000] =	vst v63  }
0xbb: {  	s0 =	smov.u32 s28;
	s30 =	sand.u32 $0x800, s26;
	s1 =	sshrl.u32 s31, $0x3  }
0xbc: {  	s26 =	smov.u32 s0;
	s31 =	sxor.u32 $0x800, s30;
	s0 =	sadd.s32 s5, s1  }
0xbd: {  	[tilespmem:s31], [sflag:$0x3] =	stream.linear.gather [hbm4b:s0+s3], $0x780, $0x38;
	[tilespmem:$0x1F000] =	vst v63  }
0xbe: {  	s1 =	sadd.s32 s6, s1;
	s0 =	sxor.u32 $0x1800, s30  }
0xbf: {  	[tilespmem:s0], [sflag:$0x3] =	stream.linear.gather [hbm4b:s1+s3], $0x780, $0x38;
	[tilespmem:$0x1F000] =	vst v63  }
0xc0: {  	_ =	swait.ge [sflag:s22], $0x3000  }
0xc1: {  	[sflag:s22] =	ssyncset.done $0x0  }
0xc2: {  	[sflag:s22] =	ssyncadd.s32 $0xFFFFD000  }
0xc3: {  	_ =	swait.ge [sflag:s23], $0x3000  }
0xc4: {  	[sflag:s23] =	ssyncset.done $0x0  }
0xc5: {  	s1 =	sor.u32 $0x100, s30;
	[sflag:s23] =	ssyncadd.s32 $0xFFFFD000  }
0xc6: {  	[tilespmem:s17], [sflag:$0x1] =	stream.indirect.gather [hbm4b:s4+s18], $0x80, s1, s18, $0xb8;
	[tilespmem:$0x1F000] =	vst v63  }
0xc7: {  	s1 =	sor.u32 $0x1000, s30  }
0xc8: {  	[spmem:s2] =	stream.indirect.scatter.add.f32 [tilespmem:s19], [sflag:$0x2], $0x80, s1, s18, $0xb8;
	[tilespmem:$0x1F000] =	vst v63  }
0xc9: {  	_ =	swait.ge [sflag:s22], $0x3000  }
0xca: {  	[sflag:s22] =	ssyncset.done $0x0  }
0xcb: {  	[sflag:s22] =	ssyncadd.s32 $0xFFFFD000  }
0xcc: {  	_ =	swait.ge [sflag:s23], $0x3000  }
0xcd: {  	[sflag:s23] =	ssyncset.done $0x0  }
0xce: {  	s1 =	sor.u32 $0x180, s30;
	[sflag:s23] =	ssyncadd.s32 $0xFFFFD000  }
0xcf: {  	[tilespmem:s19], [sflag:$0x1] =	stream.indirect.gather [hbm4b:s4+s18], $0x80, s1, s18, $0xb8;
	[tilespmem:$0x1F000] =	vst v63  }
0xd0: {  	s1 =	sor.u32 $0x1080, s30  }
0xd1: {  	[spmem:s2] =	stream.indirect.scatter.add.f32 [tilespmem:s21], [sflag:$0x2], $0x80, s1, s18, $0xb8;
	[tilespmem:$0x1F000] =	vst v63  }
0xd2: {  	_ =	swait.ge [sflag:s22], $0x3000  }
0xd3: {  	[sflag:s22] =	ssyncset.done $0x0  }
0xd4: {  	[sflag:s22] =	ssyncadd.s32 $0xFFFFD000  }
0xd5: {  	_ =	swait.ge [sflag:s23], $0x3000  }
0xd6: {  	[sflag:s23] =	ssyncset.done $0x0  }
0xd7: {  	s1 =	sor.u32 $0x200, s30;
	[sflag:s23] =	ssyncadd.s32 $0xFFFFD000  }
0xd8: {  	[tilespmem:s21], [sflag:$0x1] =	stream.indirect.gather [hbm4b:s4+s18], $0x80, s1, s18, $0xb8;
	[tilespmem:$0x1F000] =	vst v63  }
0xd9: {  	s1 =	sor.u32 $0x1100, s30  }
0xda: {  	[spmem:s2] =	stream.indirect.scatter.add.f32 [tilespmem:s17], [sflag:$0x2], $0x80, s1, s18, $0xb8;
	[tilespmem:$0x1F000] =	vst v63  }
0xdb: {  	_ =	swait.ge [sflag:s22], $0x3000  }
0xdc: {  	[sflag:s22] =	ssyncset.done $0x0  }
0xdd: {  	[sflag:s22] =	ssyncadd.s32 $0xFFFFD000  }
0xde: {  	_ =	swait.ge [sflag:s23], $0x3000  }
0xdf: {  	[sflag:s23] =	ssyncset.done $0x0  }
0xe0: {  	s1 =	sor.u32 $0x280, s30;
	[sflag:s23] =	ssyncadd.s32 $0xFFFFD000  }
0xe1: {  	[tilespmem:s17], [sflag:$0x1] =	stream.indirect.gather [hbm4b:s4+s18], $0x80, s1, s18, $0xb8;
	[tilespmem:$0x1F000] =	vst v63  }
0xe2: {  	s1 =	sor.u32 $0x1180, s30  }
0xe3: {  	[spmem:s2] =	stream.indirect.scatter.add.f32 [tilespmem:s19], [sflag:$0x2], $0x80, s1, s18, $0xb8;
	[tilespmem:$0x1F000] =	vst v63  }
0xe4: {  	_ =	swait.ge [sflag:s22], $0x3000  }
0xe5: {  	[sflag:s22] =	ssyncset.done $0x0  }
0xe6: {  	[sflag:s22] =	ssyncadd.s32 $0xFFFFD000  }
0xe7: {  	_ =	swait.ge [sflag:s23], $0x3000  }
0xe8: {  	[sflag:s23] =	ssyncset.done $0x0  }
0xe9: {  	s1 =	sor.u32 $0x300, s30;
	[sflag:s23] =	ssyncadd.s32 $0xFFFFD000  }
0xea: {  	[tilespmem:s19], [sflag:$0x1] =	stream.indirect.gather [hbm4b:s4+s18], $0x80, s1, s18, $0xb8;
	[tilespmem:$0x1F000] =	vst v63  }
0xeb: {  	s1 =	sor.u32 $0x1200, s30  }
0xec: {  	[spmem:s2] =	stream.indirect.scatter.add.f32 [tilespmem:s21], [sflag:$0x2], $0x80, s1, s18, $0xb8;
	[tilespmem:$0x1F000] =	vst v63  }
0xed: {  	_ =	swait.ge [sflag:s22], $0x3000  }
0xee: {  	[sflag:s22] =	ssyncset.done $0x0  }
0xef: {  	[sflag:s22] =	ssyncadd.s32 $0xFFFFD000  }
0xf0: {  	_ =	swait.ge [sflag:s23], $0x3000  }
0xf1: {  	[sflag:s23] =	ssyncset.done $0x0  }
0xf2: {  	s1 =	sor.u32 $0x380, s30;
	[sflag:s23] =	ssyncadd.s32 $0xFFFFD000  }
0xf3: {  	[tilespmem:s21], [sflag:$0x1] =	stream.indirect.gather [hbm4b:s4+s18], $0x80, s1, s18, $0xb8;
	[tilespmem:$0x1F000] =	vst v63  }
0xf4: {  	s1 =	sor.u32 $0x1280, s30  }
0xf5: {  	[spmem:s2] =	stream.indirect.scatter.add.f32 [tilespmem:s17], [sflag:$0x2], $0x80, s1, s18, $0xb8;
	[tilespmem:$0x1F000] =	vst v63  }
0xf6: {  	_ =	swait.ge [sflag:s22], $0x3000  }
0xf7: {  	[sflag:s22] =	ssyncset.done $0x0  }
0xf8: {  	[sflag:s22] =	ssyncadd.s32 $0xFFFFD000  }
0xf9: {  	_ =	swait.ge [sflag:s23], $0x3000  }
0xfa: {  	[sflag:s23] =	ssyncset.done $0x0  }
0xfb: {  	s1 =	sor.u32 $0x400, s30;
	[sflag:s23] =	ssyncadd.s32 $0xFFFFD000  }
0xfc: {  	[tilespmem:s17], [sflag:$0x1] =	stream.indirect.gather [hbm4b:s4+s18], $0x80, s1, s18, $0xb8;
	[tilespmem:$0x1F000] =	vst v63  }
0xfd: {  	s1 =	sor.u32 $0x1300, s30  }
0xfe: {  	[spmem:s2] =	stream.indirect.scatter.add.f32 [tilespmem:s19], [sflag:$0x2], $0x80, s1, s18, $0xb8;
	[tilespmem:$0x1F000] =	vst v63  }
0xff: {  	_ =	swait.ge [sflag:s22], $0x3000  }
0x100: {  	[sflag:s22] =	ssyncset.done $0x0  }
0x101: {  	[sflag:s22] =	ssyncadd.s32 $0xFFFFD000  }
0x102: {  	_ =	swait.ge [sflag:s23], $0x3000  }
0x103: {  	[sflag:s23] =	ssyncset.done $0x0  }
0x104: {  	s1 =	sor.u32 $0x480, s30;
	[sflag:s23] =	ssyncadd.s32 $0xFFFFD000  }
0x105: {  	[tilespmem:s19], [sflag:$0x1] =	stream.indirect.gather [hbm4b:s4+s18], $0x80, s1, s18, $0xb8;
	[tilespmem:$0x1F000] =	vst v63  }
0x106: {  	s1 =	sor.u32 $0x1380, s30  }
0x107: {  	[spmem:s2] =	stream.indirect.scatter.add.f32 [tilespmem:s21], [sflag:$0x2], $0x80, s1, s18, $0xb8;
	[tilespmem:$0x1F000] =	vst v63  }
0x108: {  	_ =	swait.ge [sflag:s22], $0x3000  }
0x109: {  	[sflag:s22] =	ssyncset.done $0x0  }
0x10a: {  	[sflag:s22] =	ssyncadd.s32 $0xFFFFD000  }
0x10b: {  	_ =	swait.ge [sflag:s23], $0x3000  }
0x10c: {  	[sflag:s23] =	ssyncset.done $0x0  }
0x10d: {  	s1 =	sor.u32 $0x500, s30;
	[sflag:s23] =	ssyncadd.s32 $0xFFFFD000  }
0x10e: {  	[tilespmem:s21], [sflag:$0x1] =	stream.indirect.gather [hbm4b:s4+s18], $0x80, s1, s18, $0xb8;
	[tilespmem:$0x1F000] =	vst v63  }
0x10f: {  	s1 =	sor.u32 $0x1400, s30  }
0x110: {  	[spmem:s2] =	stream.indirect.scatter.add.f32 [tilespmem:s17], [sflag:$0x2], $0x80, s1, s18, $0xb8;
	[tilespmem:$0x1F000] =	vst v63  }
0x111: {  	_ =	swait.ge [sflag:s22], $0x3000  }
0x112: {  	[sflag:s22] =	ssyncset.done $0x0  }
0x113: {  	[sflag:s22] =	ssyncadd.s32 $0xFFFFD000  }
0x114: {  	_ =	swait.ge [sflag:s23], $0x3000  }
0x115: {  	[sflag:s23] =	ssyncset.done $0x0  }
0x116: {  	s1 =	sor.u32 $0x580, s30;
	[sflag:s23] =	ssyncadd.s32 $0xFFFFD000  }
0x117: {  	[tilespmem:s17], [sflag:$0x1] =	stream.indirect.gather [hbm4b:s4+s18], $0x80, s1, s18, $0xb8;
	[tilespmem:$0x1F000] =	vst v63  }
0x118: {  	s1 =	sor.u32 $0x1480, s30  }
0x119: {  	[spmem:s2] =	stream.indirect.scatter.add.f32 [tilespmem:s19], [sflag:$0x2], $0x80, s1, s18, $0xb8;
	[tilespmem:$0x1F000] =	vst v63  }
0x11a: {  	_ =	swait.ge [sflag:s22], $0x3000  }
0x11b: {  	[sflag:s22] =	ssyncset.done $0x0  }
0x11c: {  	[sflag:s22] =	ssyncadd.s32 $0xFFFFD000  }
0x11d: {  	_ =	swait.ge [sflag:s23], $0x3000  }
0x11e: {  	[sflag:s23] =	ssyncset.done $0x0  }
0x11f: {  	s1 =	sor.u32 $0x600, s30;
	[sflag:s23] =	ssyncadd.s32 $0xFFFFD000  }
0x120: {  	[tilespmem:s19], [sflag:$0x1] =	stream.indirect.gather [hbm4b:s4+s18], $0x80, s1, s18, $0xb8;
	[tilespmem:$0x1F000] =	vst v63  }
0x121: {  	s1 =	sor.u32 $0x1500, s30  }
0x122: {  	[spmem:s2] =	stream.indirect.scatter.add.f32 [tilespmem:s21], [sflag:$0x2], $0x80, s1, s18, $0xb8;
	[tilespmem:$0x1F000] =	vst v63  }
0x123: {  	_ =	swait.ge [sflag:s22], $0x3000  }
0x124: {  	[sflag:s22] =	ssyncset.done $0x0  }
0x125: {  	[sflag:s22] =	ssyncadd.s32 $0xFFFFD000  }
0x126: {  	_ =	swait.ge [sflag:s23], $0x3000  }
0x127: {  	[sflag:s23] =	ssyncset.done $0x0  }
0x128: {  	s1 =	sor.u32 $0x680, s30;
	[sflag:s23] =	ssyncadd.s32 $0xFFFFD000  }
0x129: {  	[tilespmem:s21], [sflag:$0x1] =	stream.indirect.gather [hbm4b:s4+s18], $0x80, s1, s18, $0xb8;
	[tilespmem:$0x1F000] =	vst v63  }
0x12a: {  	s1 =	sor.u32 $0x1580, s30  }
0x12b: {  	[spmem:s2] =	stream.indirect.scatter.add.f32 [tilespmem:s17], [sflag:$0x2], $0x80, s1, s18, $0xb8;
	[tilespmem:$0x1F000] =	vst v63  }
0x12c: {  	_ =	swait.ge [sflag:s22], $0x3000  }
0x12d: {  	[sflag:s22] =	ssyncset.done $0x0  }
0x12e: {  	[sflag:s22] =	ssyncadd.s32 $0xFFFFD000  }
0x12f: {  	_ =	swait.ge [sflag:s23], $0x3000  }
0x130: {  	[sflag:s23] =	ssyncset.done $0x0  }
0x131: {  	s1 =	sor.u32 $0x700, s30;
	[sflag:s23] =	ssyncadd.s32 $0xFFFFD000  }
0x132: {  	[tilespmem:s17], [sflag:$0x1] =	stream.indirect.gather [hbm4b:s4+s18], $0x80, s1, s18, $0xb8;
	[tilespmem:$0x1F000] =	vst v63  }
0x133: {  	s1 =	sor.u32 $0x1600, s30  }
0x134: {  	[spmem:s2] =	stream.indirect.scatter.add.f32 [tilespmem:s19], [sflag:$0x2], $0x80, s1, s18, $0xb8;
	[tilespmem:$0x1F000] =	vst v63  }
0x135: {  	_ =	swait.ge [sflag:s24], $0x780  }
0x136: {  	[sflag:s24] =	ssyncset.done $0x0  }
0x137: {  	[sflag:s24] =	ssyncadd.s32 $0xFFFFF880  }
0x138: {  	_ =	swait.ge [sflag:s24], $0x780  }
0x139: {  	[sflag:s24] =	ssyncset.done $0x0  }
0x13a: {  	[sflag:s24] =	ssyncadd.s32 $0xFFFFF880  }
0x13b: {  	_ =	swait.ge [sflag:s22], $0x3000  }
0x13c: {  	[sflag:s22] =	ssyncset.done $0x0  }
0x13d: {  	[sflag:s22] =	ssyncadd.s32 $0xFFFFD000  }
0x13e: {  	_ =	swait.ge [sflag:s23], $0x3000  }
0x13f: {  	[sflag:s23] =	ssyncset.done $0x0  }
0x140: {  	[sflag:s23] =	ssyncadd.s32 $0xFFFFD000  }
0x141: {  	[tilespmem:s19], [sflag:$0x1] =	stream.indirect.gather [hbm4b:s4+s18], $0x80, s31, s18, $0xb8;
	[tilespmem:$0x1F000] =	vst v63  }
0x142: {  	s1 =	sor.u32 $0x1680, s30  }
0x143: {  	[spmem:s2] =	stream.indirect.scatter.add.f32 [tilespmem:s21], [sflag:$0x2], $0x80, s1, s18, $0xb8;
	[tilespmem:$0x1F000] =	vst v63  }
0x144: {  	_ =	swait.ge [sflag:s22], $0x3000  }
0x145: {  	p0 =	sne.s32 s28, $0x2800;
	[sflag:s22] =	ssyncset.done $0x0  }
.Ltmp0:
0x146: {  	[sflag:s22] =	ssyncadd.s32 $0xFFFFD000;
	(pc) =	sbr.rel @p0 .LBB2_2-.Ltmp0, $4  }
0x147: {  	_ =	swait.ge [sflag:s23], $0x3000  }
0x148: {  	s28 =	sadd.s32 $0x800, s28;
	s29 =	sor.u32 $0x1700, s30;
	[sflag:s23] =	ssyncset.done $0x0  }
0x149: {  	s30 =	sxor.u32 $0x880, s30;
	s31 =	rddreg [dreg:$0x3];
	[sflag:s23] =	ssyncadd.s32 $0xFFFFD000  }
0x14a: {  	[tilespmem:s21], [sflag:$0x1] =	stream.indirect.gather [hbm4b:s4+s18], $0x80, s30, s18, $0xb8;
	[tilespmem:$0x1F000] =	vst v63  }
0x14b: {  	s0 =	sadd.s32 s26, s31  }
0x14c: {  	[spmem:s2] =	stream.indirect.scatter.add.f32 [tilespmem:s17], [sflag:$0x2], $0x80, s29, s18, $0xb8;
	[tilespmem:$0x1F000] =	vst v63  }
0x14d: {  	s26 =	sand.u32 $0x800, s26;
	s0 =	sshrl.u32 s0, $0x3  }
0x14e: {  	s28 =	sxor.u32 $0x800, s26;
	s1 =	sadd.s32 s5, s0  }
0x14f: {  	[tilespmem:s28], [sflag:$0x3] =	stream.linear.gather [hbm4b:s1+s3], $0x780, $0x38;
	[tilespmem:$0x1F000] =	vst v63  }
0x150: {  	s29 =	sxor.u32 $0x1800, s26;
	s0 =	sadd.s32 s6, s0  }
0x151: {  	[tilespmem:s29], [sflag:$0x3] =	stream.linear.gather [hbm4b:s0+s3], $0x780, $0x38;
	[tilespmem:$0x1F000] =	vst v63  }
0x152: {  	_ =	swait.ge [sflag:s22], $0x3000  }
0x153: {  	[sflag:s22] =	ssyncset.done $0x0  }
0x154: {  	[sflag:s22] =	ssyncadd.s32 $0xFFFFD000  }
0x155: {  	_ =	swait.ge [sflag:s23], $0x3000  }
0x156: {  	[sflag:s23] =	ssyncset.done $0x0  }
0x157: {  	s30 =	sor.u32 $0x100, s26;
	[sflag:s23] =	ssyncadd.s32 $0xFFFFD000  }
0x158: {  	[tilespmem:s17], [sflag:$0x1] =	stream.indirect.gather [hbm4b:s4+s18], $0x80, s30, s18, $0xb8;
	[tilespmem:$0x1F000] =	vst v63  }
0x159: {  	s31 =	sor.u32 $0x1000, s26  }
0x15a: {  	[spmem:s2] =	stream.indirect.scatter.add.f32 [tilespmem:s19], [sflag:$0x2], $0x80, s31, s18, $0xb8;
	[tilespmem:$0x1F000] =	vst v63  }
0x15b: {  	_ =	swait.ge [sflag:s22], $0x3000  }
0x15c: {  	[sflag:s22] =	ssyncset.done $0x0  }
0x15d: {  	[sflag:s22] =	ssyncadd.s32 $0xFFFFD000  }
0x15e: {  	_ =	swait.ge [sflag:s23], $0x3000  }
0x15f: {  	[sflag:s23] =	ssyncset.done $0x0  }
0x160: {  	s1 =	sor.u32 $0x180, s26;
	[sflag:s23] =	ssyncadd.s32 $0xFFFFD000  }
0x161: {  	[tilespmem:s19], [sflag:$0x1] =	stream.indirect.gather [hbm4b:s4+s18], $0x80, s1, s18, $0xb8;
	[tilespmem:$0x1F000] =	vst v63  }
0x162: {  	s29 =	sor.u32 $0x1080, s26  }
0x163: {  	[spmem:s2] =	stream.indirect.scatter.add.f32 [tilespmem:s21], [sflag:$0x2], $0x80, s29, s18, $0xb8;
	[tilespmem:$0x1F000] =	vst v63  }
0x164: {  	_ =	swait.ge [sflag:s22], $0x3000  }
0x165: {  	[sflag:s22] =	ssyncset.done $0x0  }
0x166: {  	[sflag:s22] =	ssyncadd.s32 $0xFFFFD000  }
0x167: {  	_ =	swait.ge [sflag:s23], $0x3000  }
0x168: {  	[sflag:s23] =	ssyncset.done $0x0  }
0x169: {  	s30 =	sor.u32 $0x200, s26;
	[sflag:s23] =	ssyncadd.s32 $0xFFFFD000  }
0x16a: {  	[tilespmem:s21], [sflag:$0x1] =	stream.indirect.gather [hbm4b:s4+s18], $0x80, s30, s18, $0xb8;
	[tilespmem:$0x1F000] =	vst v63  }
0x16b: {  	s31 =	sor.u32 $0x1100, s26  }
0x16c: {  	[spmem:s2] =	stream.indirect.scatter.add.f32 [tilespmem:s17], [sflag:$0x2], $0x80, s31, s18, $0xb8;
	[tilespmem:$0x1F000] =	vst v63  }
0x16d: {  	_ =	swait.ge [sflag:s22], $0x3000  }
0x16e: {  	[sflag:s22] =	ssyncset.done $0x0  }
0x16f: {  	[sflag:s22] =	ssyncadd.s32 $0xFFFFD000  }
0x170: {  	_ =	swait.ge [sflag:s23], $0x3000  }
0x171: {  	[sflag:s23] =	ssyncset.done $0x0  }
0x172: {  	s1 =	sor.u32 $0x280, s26;
	[sflag:s23] =	ssyncadd.s32 $0xFFFFD000  }
0x173: {  	[tilespmem:s17], [sflag:$0x1] =	stream.indirect.gather [hbm4b:s4+s18], $0x80, s1, s18, $0xb8;
	[tilespmem:$0x1F000] =	vst v63  }
0x174: {  	s29 =	sor.u32 $0x1180, s26  }
0x175: {  	[spmem:s2] =	stream.indirect.scatter.add.f32 [tilespmem:s19], [sflag:$0x2], $0x80, s29, s18, $0xb8;
	[tilespmem:$0x1F000] =	vst v63  }
0x176: {  	_ =	swait.ge [sflag:s22], $0x3000  }
0x177: {  	[sflag:s22] =	ssyncset.done $0x0  }
0x178: {  	[sflag:s22] =	ssyncadd.s32 $0xFFFFD000  }
0x179: {  	_ =	swait.ge [sflag:s23], $0x3000  }
0x17a: {  	[sflag:s23] =	ssyncset.done $0x0  }
0x17b: {  	s30 =	sor.u32 $0x300, s26;
	[sflag:s23] =	ssyncadd.s32 $0xFFFFD000  }
0x17c: {  	[tilespmem:s19], [sflag:$0x1] =	stream.indirect.gather [hbm4b:s4+s18], $0x80, s30, s18, $0xb8;
	[tilespmem:$0x1F000] =	vst v63  }
0x17d: {  	s31 =	sor.u32 $0x1200, s26  }
0x17e: {  	[spmem:s2] =	stream.indirect.scatter.add.f32 [tilespmem:s21], [sflag:$0x2], $0x80, s31, s18, $0xb8;
	[tilespmem:$0x1F000] =	vst v63  }
0x17f: {  	_ =	swait.ge [sflag:s22], $0x3000  }
0x180: {  	[sflag:s22] =	ssyncset.done $0x0  }
0x181: {  	[sflag:s22] =	ssyncadd.s32 $0xFFFFD000  }
0x182: {  	_ =	swait.ge [sflag:s23], $0x3000  }
0x183: {  	[sflag:s23] =	ssyncset.done $0x0  }
0x184: {  	s1 =	sor.u32 $0x380, s26;
	[sflag:s23] =	ssyncadd.s32 $0xFFFFD000  }
0x185: {  	[tilespmem:s21], [sflag:$0x1] =	stream.indirect.gather [hbm4b:s4+s18], $0x80, s1, s18, $0xb8;
	[tilespmem:$0x1F000] =	vst v63  }
0x186: {  	s29 =	sor.u32 $0x1280, s26  }
0x187: {  	[spmem:s2] =	stream.indirect.scatter.add.f32 [tilespmem:s17], [sflag:$0x2], $0x80, s29, s18, $0xb8;
	[tilespmem:$0x1F000] =	vst v63  }
0x188: {  	_ =	swait.ge [sflag:s22], $0x3000  }
0x189: {  	[sflag:s22] =	ssyncset.done $0x0  }
0x18a: {  	[sflag:s22] =	ssyncadd.s32 $0xFFFFD000  }
0x18b: {  	_ =	swait.ge [sflag:s23], $0x3000  }
0x18c: {  	[sflag:s23] =	ssyncset.done $0x0  }
0x18d: {  	s30 =	sor.u32 $0x400, s26;
	[sflag:s23] =	ssyncadd.s32 $0xFFFFD000  }
0x18e: {  	[tilespmem:s17], [sflag:$0x1] =	stream.indirect.gather [hbm4b:s4+s18], $0x80, s30, s18, $0xb8;
	[tilespmem:$0x1F000] =	vst v63  }
0x18f: {  	s31 =	sor.u32 $0x1300, s26  }
0x190: {  	[spmem:s2] =	stream.indirect.scatter.add.f32 [tilespmem:s19], [sflag:$0x2], $0x80, s31, s18, $0xb8;
	[tilespmem:$0x1F000] =	vst v63  }
0x191: {  	_ =	swait.ge [sflag:s22], $0x3000  }
0x192: {  	[sflag:s22] =	ssyncset.done $0x0  }
0x193: {  	[sflag:s22] =	ssyncadd.s32 $0xFFFFD000  }
0x194: {  	_ =	swait.ge [sflag:s23], $0x3000  }
0x195: {  	[sflag:s23] =	ssyncset.done $0x0  }
0x196: {  	s1 =	sor.u32 $0x480, s26;
	[sflag:s23] =	ssyncadd.s32 $0xFFFFD000  }
0x197: {  	[tilespmem:s19], [sflag:$0x1] =	stream.indirect.gather [hbm4b:s4+s18], $0x80, s1, s18, $0xb8;
	[tilespmem:$0x1F000] =	vst v63  }
0x198: {  	s29 =	sor.u32 $0x1380, s26  }
0x199: {  	[spmem:s2] =	stream.indirect.scatter.add.f32 [tilespmem:s21], [sflag:$0x2], $0x80, s29, s18, $0xb8;
	[tilespmem:$0x1F000] =	vst v63  }
0x19a: {  	_ =	swait.ge [sflag:s22], $0x3000  }
0x19b: {  	[sflag:s22] =	ssyncset.done $0x0  }
0x19c: {  	[sflag:s22] =	ssyncadd.s32 $0xFFFFD000  }
0x19d: {  	_ =	swait.ge [sflag:s23], $0x3000  }
0x19e: {  	[sflag:s23] =	ssyncset.done $0x0  }
0x19f: {  	s30 =	sor.u32 $0x500, s26;
	[sflag:s23] =	ssyncadd.s32 $0xFFFFD000  }
0x1a0: {  	[tilespmem:s21], [sflag:$0x1] =	stream.indirect.gather [hbm4b:s4+s18], $0x80, s30, s18, $0xb8;
	[tilespmem:$0x1F000] =	vst v63  }
0x1a1: {  	s31 =	sor.u32 $0x1400, s26  }
0x1a2: {  	[spmem:s2] =	stream.indirect.scatter.add.f32 [tilespmem:s17], [sflag:$0x2], $0x80, s31, s18, $0xb8;
	[tilespmem:$0x1F000] =	vst v63  }
0x1a3: {  	_ =	swait.ge [sflag:s22], $0x3000  }
0x1a4: {  	[sflag:s22] =	ssyncset.done $0x0  }
0x1a5: {  	[sflag:s22] =	ssyncadd.s32 $0xFFFFD000  }
0x1a6: {  	_ =	swait.ge [sflag:s23], $0x3000  }
0x1a7: {  	[sflag:s23] =	ssyncset.done $0x0  }
0x1a8: {  	s1 =	sor.u32 $0x580, s26;
	[sflag:s23] =	ssyncadd.s32 $0xFFFFD000  }
0x1a9: {  	[tilespmem:s17], [sflag:$0x1] =	stream.indirect.gather [hbm4b:s4+s18], $0x80, s1, s18, $0xb8;
	[tilespmem:$0x1F000] =	vst v63  }
0x1aa: {  	s29 =	sor.u32 $0x1480, s26  }
0x1ab: {  	[spmem:s2] =	stream.indirect.scatter.add.f32 [tilespmem:s19], [sflag:$0x2], $0x80, s29, s18, $0xb8;
	[tilespmem:$0x1F000] =	vst v63  }
0x1ac: {  	_ =	swait.ge [sflag:s22], $0x3000  }
0x1ad: {  	[sflag:s22] =	ssyncset.done $0x0  }
0x1ae: {  	[sflag:s22] =	ssyncadd.s32 $0xFFFFD000  }
0x1af: {  	_ =	swait.ge [sflag:s23], $0x3000  }
0x1b0: {  	[sflag:s23] =	ssyncset.done $0x0  }
0x1b1: {  	s30 =	sor.u32 $0x600, s26;
	[sflag:s23] =	ssyncadd.s32 $0xFFFFD000  }
0x1b2: {  	[tilespmem:s19], [sflag:$0x1] =	stream.indirect.gather [hbm4b:s4+s18], $0x80, s30, s18, $0xb8;
	[tilespmem:$0x1F000] =	vst v63  }
0x1b3: {  	s31 =	sor.u32 $0x1500, s26  }
0x1b4: {  	[spmem:s2] =	stream.indirect.scatter.add.f32 [tilespmem:s21], [sflag:$0x2], $0x80, s31, s18, $0xb8;
	[tilespmem:$0x1F000] =	vst v63  }
0x1b5: {  	_ =	swait.ge [sflag:s22], $0x3000  }
0x1b6: {  	[sflag:s22] =	ssyncset.done $0x0  }
0x1b7: {  	[sflag:s22] =	ssyncadd.s32 $0xFFFFD000  }
0x1b8: {  	_ =	swait.ge [sflag:s23], $0x3000  }
0x1b9: {  	[sflag:s23] =	ssyncset.done $0x0  }
0x1ba: {  	s1 =	sor.u32 $0x680, s26;
	[sflag:s23] =	ssyncadd.s32 $0xFFFFD000  }
0x1bb: {  	[tilespmem:s21], [sflag:$0x1] =	stream.indirect.gather [hbm4b:s4+s18], $0x80, s1, s18, $0xb8;
	[tilespmem:$0x1F000] =	vst v63  }
0x1bc: {  	s29 =	sor.u32 $0x1580, s26  }
0x1bd: {  	[spmem:s2] =	stream.indirect.scatter.add.f32 [tilespmem:s17], [sflag:$0x2], $0x80, s29, s18, $0xb8;
	[tilespmem:$0x1F000] =	vst v63  }
0x1be: {  	_ =	swait.ge [sflag:s22], $0x3000  }
0x1bf: {  	[sflag:s22] =	ssyncset.done $0x0  }
0x1c0: {  	[sflag:s22] =	ssyncadd.s32 $0xFFFFD000  }
0x1c1: {  	_ =	swait.ge [sflag:s23], $0x3000  }
0x1c2: {  	[sflag:s23] =	ssyncset.done $0x0  }
0x1c3: {  	s30 =	sor.u32 $0x700, s26;
	[sflag:s23] =	ssyncadd.s32 $0xFFFFD000  }
0x1c4: {  	[tilespmem:s17], [sflag:$0x1] =	stream.indirect.gather [hbm4b:s4+s18], $0x80, s30, s18, $0xb8;
	[tilespmem:$0x1F000] =	vst v63  }
0x1c5: {  	s31 =	sor.u32 $0x1600, s26  }
0x1c6: {  	[spmem:s2] =	stream.indirect.scatter.add.f32 [tilespmem:s19], [sflag:$0x2], $0x80, s31, s18, $0xb8;
	[tilespmem:$0x1F000] =	vst v63  }
0x1c7: {  	_ =	swait.ge [sflag:s24], $0x780  }
0x1c8: {  	[sflag:s24] =	ssyncset.done $0x0  }
0x1c9: {  	[sflag:s24] =	ssyncadd.s32 $0xFFFFF880  }
0x1ca: {  	_ =	swait.ge [sflag:s24], $0x780  }
0x1cb: {  	[sflag:s24] =	ssyncset.done $0x0  }
0x1cc: {  	[sflag:s24] =	ssyncadd.s32 $0xFFFFF880  }
0x1cd: {  	_ =	swait.ge [sflag:s22], $0x3000  }
0x1ce: {  	[sflag:s22] =	ssyncset.done $0x0  }
0x1cf: {  	[sflag:s22] =	ssyncadd.s32 $0xFFFFD000  }
0x1d0: {  	_ =	swait.ge [sflag:s23], $0x3000  }
0x1d1: {  	[sflag:s23] =	ssyncset.done $0x0  }
0x1d2: {  	[sflag:s23] =	ssyncadd.s32 $0xFFFFD000  }
0x1d3: {  	[tilespmem:s19], [sflag:$0x1] =	stream.indirect.gather [hbm4b:s4+s18], $0x80, s28, s18, $0xb8;
	[tilespmem:$0x1F000] =	vst v63  }
0x1d4: {  	s1 =	sor.u32 $0x1680, s26  }
0x1d5: {  	[spmem:s2] =	stream.indirect.scatter.add.f32 [tilespmem:s21], [sflag:$0x2], $0x80, s1, s18, $0xb8;
	[tilespmem:$0x1F000] =	vst v63  }
0x1d6: {  	_ =	swait.ge [sflag:s22], $0x3000  }
0x1d7: {  	[sflag:s22] =	ssyncset.done $0x0  }
0x1d8: {  	[sflag:s22] =	ssyncadd.s32 $0xFFFFD000  }
0x1d9: {  	_ =	swait.ge [sflag:s23], $0x3000  }
0x1da: {  	[sflag:s23] =	ssyncset.done $0x0  }
0x1db: {  	s28 =	sxor.u32 $0x880, s26;
	[sflag:s23] =	ssyncadd.s32 $0xFFFFD000  }
0x1dc: {  	[tilespmem:s21], [sflag:$0x1] =	stream.indirect.gather [hbm4b:s4+s18], $0x80, s28, s18, $0xb8;
	[tilespmem:$0x1F000] =	vst v63  }
0x1dd: {  	s29 =	sor.u32 $0x1700, s26  }
0x1de: {  	[spmem:s2] =	stream.indirect.scatter.add.f32 [tilespmem:s17], [sflag:$0x2], $0x80, s29, s18, $0xb8;
	[tilespmem:$0x1F000] =	vst v63  }
0x1df: {  	_ =	swait.ge [sflag:s22], $0x3000  }
0x1e0: {  	[sflag:s22] =	ssyncset.done $0x0  }
0x1e1: {  	[sflag:s22] =	ssyncadd.s32 $0xFFFFD000  }
0x1e2: {  	_ =	swait.ge [sflag:s23], $0x3000  }
0x1e3: {  	[sflag:s23] =	ssyncset.done $0x0  }
0x1e4: {  	s30 =	simm.s32 $0x100;
	[sflag:s23] =	ssyncadd.s32 $0xFFFFD000  }
0x1e5: {  	[tilespmem:s17], [sflag:$0x1] =	stream.indirect.gather [hbm4b:s4+s18], $0x80, s30, s18, $0xb8;
	[tilespmem:$0x1F000] =	vst v63  }
0x1e6: {  	_ = 	snop  }
0x1e7: {  	[spmem:s2] =	stream.indirect.scatter.add.f32 [tilespmem:s19], [sflag:$0x2], $0x80, s16, s18, $0xb8;
	[tilespmem:$0x1F000] =	vst v63  }
0x1e8: {  	_ =	swait.ge [sflag:s22], $0x3000  }
0x1e9: {  	[sflag:s22] =	ssyncset.done $0x0  }
0x1ea: {  	[sflag:s22] =	ssyncadd.s32 $0xFFFFD000  }
0x1eb: {  	_ =	swait.ge [sflag:s23], $0x3000  }
0x1ec: {  	[sflag:s23] =	ssyncset.done $0x0  }
0x1ed: {  	s31 =	simm.s32 $0x180;
	[sflag:s23] =	ssyncadd.s32 $0xFFFFD000  }
0x1ee: {  	[tilespmem:s19], [sflag:$0x1] =	stream.indirect.gather [hbm4b:s4+s18], $0x80, s31, s18, $0xb8;
	[tilespmem:$0x1F000] =	vst v63  }
0x1ef: {  	s1 =	simm.s32 $0x1080  }
0x1f0: {  	[spmem:s2] =	stream.indirect.scatter.add.f32 [tilespmem:s21], [sflag:$0x2], $0x80, s1, s18, $0xb8;
	[tilespmem:$0x1F000] =	vst v63  }
0x1f1: {  	_ =	swait.ge [sflag:s22], $0x3000  }
0x1f2: {  	[sflag:s22] =	ssyncset.done $0x0  }
0x1f3: {  	[sflag:s22] =	ssyncadd.s32 $0xFFFFD000  }
0x1f4: {  	_ =	swait.ge [sflag:s23], $0x3000  }
0x1f5: {  	[sflag:s23] =	ssyncset.done $0x0  }
0x1f6: {  	s26 =	simm.s32 $0x200;
	[sflag:s23] =	ssyncadd.s32 $0xFFFFD000  }
0x1f7: {  	[tilespmem:s21], [sflag:$0x1] =	stream.indirect.gather [hbm4b:s4+s18], $0x80, s26, s18, $0xb8;
	[tilespmem:$0x1F000] =	vst v63  }
0x1f8: {  	s28 =	simm.s32 $0x1100  }
0x1f9: {  	[spmem:s2] =	stream.indirect.scatter.add.f32 [tilespmem:s17], [sflag:$0x2], $0x80, s28, s18, $0xb8;
	[tilespmem:$0x1F000] =	vst v63  }
0x1fa: {  	_ =	swait.ge [sflag:s22], $0x3000  }
0x1fb: {  	[sflag:s22] =	ssyncset.done $0x0  }
0x1fc: {  	[sflag:s22] =	ssyncadd.s32 $0xFFFFD000  }
0x1fd: {  	_ =	swait.ge [sflag:s23], $0x3000  }
0x1fe: {  	[sflag:s23] =	ssyncset.done $0x0  }
0x1ff: {  	s29 =	simm.s32 $0x280;
	[sflag:s23] =	ssyncadd.s32 $0xFFFFD000  }
0x200: {  	[tilespmem:s17], [sflag:$0x1] =	stream.indirect.gather [hbm4b:s4+s18], $0x80, s29, s18, $0xb8;
	[tilespmem:$0x1F000] =	vst v63  }
0x201: {  	s30 =	simm.s32 $0x1180  }
0x202: {  	[spmem:s2] =	stream.indirect.scatter.add.f32 [tilespmem:s19], [sflag:$0x2], $0x80, s30, s18, $0xb8;
	[tilespmem:$0x1F000] =	vst v63  }
0x203: {  	_ =	swait.ge [sflag:s22], $0x3000  }
0x204: {  	[sflag:s22] =	ssyncset.done $0x0  }
0x205: {  	[sflag:s22] =	ssyncadd.s32 $0xFFFFD000  }
0x206: {  	_ =	swait.ge [sflag:s23], $0x3000  }
0x207: {  	[sflag:s23] =	ssyncset.done $0x0  }
0x208: {  	s31 =	simm.s32 $0x300;
	[sflag:s23] =	ssyncadd.s32 $0xFFFFD000  }
0x209: {  	[tilespmem:s19], [sflag:$0x1] =	stream.indirect.gather [hbm4b:s4+s18], $0x80, s31, s18, $0xb8;
	[tilespmem:$0x1F000] =	vst v63  }
0x20a: {  	s1 =	simm.s32 $0x1200  }
0x20b: {  	[spmem:s2] =	stream.indirect.scatter.add.f32 [tilespmem:s21], [sflag:$0x2], $0x80, s1, s18, $0xb8;
	[tilespmem:$0x1F000] =	vst v63  }
0x20c: {  	_ =	swait.ge [sflag:s22], $0x3000  }
0x20d: {  	[sflag:s22] =	ssyncset.done $0x0  }
0x20e: {  	[sflag:s22] =	ssyncadd.s32 $0xFFFFD000  }
0x20f: {  	_ =	swait.ge [sflag:s23], $0x3000  }
0x210: {  	[sflag:s23] =	ssyncset.done $0x0  }
0x211: {  	s26 =	simm.s32 $0x380;
	[sflag:s23] =	ssyncadd.s32 $0xFFFFD000  }
0x212: {  	[tilespmem:s21], [sflag:$0x1] =	stream.indirect.gather [hbm4b:s4+s18], $0x80, s26, s18, $0xb8;
	[tilespmem:$0x1F000] =	vst v63  }
0x213: {  	s28 =	simm.s32 $0x1280  }
0x214: {  	[spmem:s2] =	stream.indirect.scatter.add.f32 [tilespmem:s17], [sflag:$0x2], $0x80, s28, s18, $0xb8;
	[tilespmem:$0x1F000] =	vst v63  }
0x215: {  	_ =	swait.ge [sflag:s22], $0x3000  }
0x216: {  	[sflag:s22] =	ssyncset.done $0x0  }
0x217: {  	[sflag:s22] =	ssyncadd.s32 $0xFFFFD000  }
0x218: {  	_ =	swait.ge [sflag:s23], $0x3000  }
0x219: {  	[sflag:s23] =	ssyncset.done $0x0  }
0x21a: {  	s29 =	simm.s32 $0x400;
	[sflag:s23] =	ssyncadd.s32 $0xFFFFD000  }
0x21b: {  	[tilespmem:s17], [sflag:$0x1] =	stream.indirect.gather [hbm4b:s4+s18], $0x80, s29, s18, $0xb8;
	[tilespmem:$0x1F000] =	vst v63  }
0x21c: {  	s30 =	simm.s32 $0x1300  }
0x21d: {  	[spmem:s2] =	stream.indirect.scatter.add.f32 [tilespmem:s19], [sflag:$0x2], $0x80, s30, s18, $0xb8;
	[tilespmem:$0x1F000] =	vst v63  }
0x21e: {  	_ =	swait.ge [sflag:s22], $0x3000  }
0x21f: {  	[sflag:s22] =	ssyncset.done $0x0  }
0x220: {  	[sflag:s22] =	ssyncadd.s32 $0xFFFFD000  }
0x221: {  	_ =	swait.ge [sflag:s23], $0x3000  }
0x222: {  	[sflag:s23] =	ssyncset.done $0x0  }
0x223: {  	s31 =	simm.s32 $0x480;
	[sflag:s23] =	ssyncadd.s32 $0xFFFFD000  }
0x224: {  	[tilespmem:s19], [sflag:$0x1] =	stream.indirect.gather [hbm4b:s4+s18], $0x80, s31, s18, $0xb8;
	[tilespmem:$0x1F000] =	vst v63  }
0x225: {  	s1 =	simm.s32 $0x1380  }
0x226: {  	[spmem:s2] =	stream.indirect.scatter.add.f32 [tilespmem:s21], [sflag:$0x2], $0x80, s1, s18, $0xb8;
	[tilespmem:$0x1F000] =	vst v63  }
0x227: {  	_ =	swait.ge [sflag:s22], $0x3000  }
0x228: {  	[sflag:s22] =	ssyncset.done $0x0  }
0x229: {  	[sflag:s22] =	ssyncadd.s32 $0xFFFFD000  }
0x22a: {  	_ =	swait.ge [sflag:s23], $0x3000  }
0x22b: {  	[sflag:s23] =	ssyncset.done $0x0  }
0x22c: {  	s26 =	simm.s32 $0x500;
	[sflag:s23] =	ssyncadd.s32 $0xFFFFD000  }
0x22d: {  	[tilespmem:s21], [sflag:$0x1] =	stream.indirect.gather [hbm4b:s4+s18], $0x80, s26, s18, $0xb8;
	[tilespmem:$0x1F000] =	vst v63  }
0x22e: {  	s28 =	simm.s32 $0x1400  }
0x22f: {  	[spmem:s2] =	stream.indirect.scatter.add.f32 [tilespmem:s17], [sflag:$0x2], $0x80, s28, s18, $0xb8;
	[tilespmem:$0x1F000] =	vst v63  }
0x230: {  	_ =	swait.ge [sflag:s22], $0x3000  }
0x231: {  	[sflag:s22] =	ssyncset.done $0x0  }
0x232: {  	[sflag:s22] =	ssyncadd.s32 $0xFFFFD000  }
0x233: {  	_ =	swait.ge [sflag:s23], $0x3000  }
0x234: {  	[sflag:s23] =	ssyncset.done $0x0  }
0x235: {  	s29 =	simm.s32 $0x580;
	[sflag:s23] =	ssyncadd.s32 $0xFFFFD000  }
0x236: {  	[tilespmem:s17], [sflag:$0x1] =	stream.indirect.gather [hbm4b:s4+s18], $0x80, s29, s18, $0xb8;
	[tilespmem:$0x1F000] =	vst v63  }
0x237: {  	s30 =	simm.s32 $0x1480  }
0x238: {  	[spmem:s2] =	stream.indirect.scatter.add.f32 [tilespmem:s19], [sflag:$0x2], $0x80, s30, s18, $0xb8;
	[tilespmem:$0x1F000] =	vst v63  }
0x239: {  	_ =	swait.ge [sflag:s22], $0x3000  }
0x23a: {  	[sflag:s22] =	ssyncset.done $0x0  }
0x23b: {  	[sflag:s22] =	ssyncadd.s32 $0xFFFFD000  }
0x23c: {  	_ =	swait.ge [sflag:s23], $0x3000  }
0x23d: {  	[sflag:s23] =	ssyncset.done $0x0  }
0x23e: {  	s31 =	simm.s32 $0x600;
	[sflag:s23] =	ssyncadd.s32 $0xFFFFD000  }
0x23f: {  	[tilespmem:s19], [sflag:$0x1] =	stream.indirect.gather [hbm4b:s4+s18], $0x80, s31, s18, $0xb8;
	[tilespmem:$0x1F000] =	vst v63  }
0x240: {  	s1 =	simm.s32 $0x1500  }
0x241: {  	[spmem:s2] =	stream.indirect.scatter.add.f32 [tilespmem:s21], [sflag:$0x2], $0x80, s1, s18, $0xb8;
	[tilespmem:$0x1F000] =	vst v63  }
0x242: {  	_ =	swait.ge [sflag:s22], $0x3000  }
0x243: {  	[sflag:s22] =	ssyncset.done $0x0  }
0x244: {  	[sflag:s22] =	ssyncadd.s32 $0xFFFFD000  }
0x245: {  	_ =	swait.ge [sflag:s23], $0x3000  }
0x246: {  	[sflag:s23] =	ssyncset.done $0x0  }
0x247: {  	s26 =	simm.s32 $0x680;
	[sflag:s23] =	ssyncadd.s32 $0xFFFFD000  }
0x248: {  	[tilespmem:s21], [sflag:$0x1] =	stream.indirect.gather [hbm4b:s4+s18], $0x80, s26, s18, $0xb8;
	[tilespmem:$0x1F000] =	vst v63  }
0x249: {  	s28 =	simm.s32 $0x1580  }
0x24a: {  	[spmem:s2] =	stream.indirect.scatter.add.f32 [tilespmem:s17], [sflag:$0x2], $0x80, s28, s18, $0xb8;
	[tilespmem:$0x1F000] =	vst v63  }
0x24b: {  	_ =	swait.ge [sflag:s22], $0x3000  }
0x24c: {  	[sflag:s22] =	ssyncset.done $0x0  }
0x24d: {  	[sflag:s22] =	ssyncadd.s32 $0xFFFFD000  }
0x24e: {  	_ =	swait.ge [sflag:s23], $0x3000  }
0x24f: {  	[sflag:s23] =	ssyncset.done $0x0  }
0x250: {  	s29 =	simm.s32 $0x700;
	[sflag:s23] =	ssyncadd.s32 $0xFFFFD000  }
0x251: {  	[tilespmem:s17], [sflag:$0x1] =	stream.indirect.gather [hbm4b:s4+s18], $0x80, s29, s18, $0xb8;
	[tilespmem:$0x1F000] =	vst v63  }
0x252: {  	s30 =	simm.s32 $0x1600  }
0x253: {  	[spmem:s2] =	stream.indirect.scatter.add.f32 [tilespmem:s19], [sflag:$0x2], $0x80, s30, s18, $0xb8;
	[tilespmem:$0x1F000] =	vst v63  }
0x254: {  	_ =	swait.ge [sflag:s22], $0x3000  }
0x255: {  	[sflag:s22] =	ssyncset.done $0x0  }
0x256: {  	[sflag:s22] =	ssyncadd.s32 $0xFFFFD000  }
0x257: {  	_ =	swait.ge [sflag:s23], $0x3000  }
0x258: {  	[sflag:s23] =	ssyncset.done $0x0  }
0x259: {  	s31 =	simm.s32 $0x1680;
	[sflag:s23] =	ssyncadd.s32 $0xFFFFD000  }
0x25a: {  	[spmem:s2] =	stream.indirect.scatter.add.f32 [tilespmem:s21], [sflag:$0x2], $0x80, s31, s18, $0xb8;
	[tilespmem:$0x1F000] =	vst v63  }
0x25b: {  	_ =	swait.ge [sflag:s22], $0x3000  }
0x25c: {  	[sflag:s22] =	ssyncset.done $0x0  }
0x25d: {  	[sflag:s22] =	ssyncadd.s32 $0xFFFFD000  }
0x25e: {  	_ =	swait.ge [sflag:s23], $0x3000  }
0x25f: {  	[sflag:s23] =	ssyncset.done $0x0  }
0x260: {  	[sflag:s23] =	ssyncadd.s32 $0xFFFFD000  }
0x261: {  	[spmem:s2] =	stream.indirect.scatter.add.f32 [tilespmem:s17], [sflag:$0x2], $0x80, s20, s18, $0xb8;
	[tilespmem:$0x1F000] =	vst v63  }
0x262: {  	_ =	swait.ge [sflag:s23], $0x3000  }
0x263: {  	s25 =	sadd.s32 $0x1, s25;
	[sflag:s23] =	ssyncset.done $0x0  }
0x264: {  	p0 =	sne.s32 s25, s13;
	[sflag:s23] =	ssyncadd.s32 $0xFFFFD000  }
.Ltmp1:
0x265: {  	[bflag:$0x0] =	sbarrier.arrive $0xFFFF;
	(pc) =	sbr.rel @p0 .LBB2_1-.Ltmp1, $4  }
0x266: {  	[hbm:s12], [sflag:s9] =	dma.local [spmem:s14], $0x2800  }
0x267: {  	_ =	swait.ge [sflag:s15], $0x2800  }
0x268: {  	[sflag:s15] =	ssyncset.done $0x0  }
0x269: {  	[sflag:s15] =	ssyncadd.s32 $0xFFFFD800  }
0x26a: {  	_ =	sfence.sel $0x180000  }
0x26b: {  	[bflag:$0x0] =	sbarrier.arrive $0xFFFF  }
0x26c: {  	_ =	strace $0x9000004A  }
0x26d: {  	s0 =	stileid.u32;
	[bflag:$0x2] =	sbarrier.arrive $0xFFFF  }
0x26e: {  	p0 =	sne.s32 s0, $0x0;
	s0 =	rddreg [dreg:$0x2]  }
0x26f: {  	s0 =	sadd.s32 @!p0 $0x100000, s0  }
0x270: {  	[sflag:s0] =	ssyncadd.tile.s32 @!p0 $0x1;
	_ =	shalt  }
.Lfunc_end2:
_tile_overlayer_lowered:
.L_overlay_start_2:
0x271: {  	(tag) =	ssettag $0x2  }
0x272: {  	s0 =	rddreg [dreg:$0x0];
	s2 =	stileid.u32  }
0x273: {  	s1 =	rddreg [dreg:$0x1];
	p0 =	sne.s32 s2, $0x0  }
0x274: {  	s3 =	rddreg [dreg:$0x2];
	[bflag:$0x3] =	sbarrier.arrive $0xFFFF;
	s2 =	simm.s32 @!p0 $0x1C04  }
0x275: {  	[timem:s3], [sflag:s2] =	dma.local @!p0 [hbm:s0], s1  }
0x276: {  	s0 =	simm.s32 @!p0 $0x4  }
0x277: {  	_ =	swait.ge @!p0 [sflag:s0], s1  }
0x278: {  	s1 =	ssub.s32 @!p0 $0x0, s1;
	[sflag:s0] =	ssyncset.done @!p0 $0x0  }
0x279: {  	[sflag:s0] =	ssyncadd.s32 @!p0 s1  }
0x27a: {  	[bflag:$0x3] =	sbarrier.arrive $0xFFFF  }
0x27b: {  	_ =	shalt  }

// kernel: kernel.14.cloned.1.call-start
scs
__scs_entry_jumppad:
0x0: {  	(pc) =	sbr.rel $0x88, $3  }
0x1: {  	(tag) =	ssettag $0x0;
	lr =	simm.s32 $0x1  }
0x2: {  	[smem:$0x3F9B] =	sst lr;
	_ =	strace $0xD0000000  }
0x3: {  	_ = 	snop  }
0x4: {  	_ = 	snop  }
0x5: {  	_ = 	snop  }
0x6: {  	_ = 	snop  }
0x7: {  	_ = 	snop  }
__scs_overlays_trampoline_lowered:
0x8: {  	[smem:$0x3FAA] =	sst s0  }
0x9: {  	[smem:$0x3FAB] =	sst s1  }
0xa: {  	[smem:$0x3FAC] =	sst s2  }
0xb: {  	[smem:$0x3FAD] =	sst s3  }
0xc: {  	[smem:$0x3FAE] =	sst s4  }
0xd: {  	[smem:$0x3FAF] =	sst s5  }
0xe: {  	[smem:$0x3FB0] =	sst s6  }
0xf: {  	[smem:$0x3FB1] =	sst s7  }
0x10: {  	[smem:$0x3FB2] =	sst s8  }
0x11: {  	[smem:$0x3FB3] =	sst s9;
	s0 =	simm.s32 @!p0 $0x0  }
0x12: {  	s1 =	sld [smem:$0x3F99];
	s0 =	simm.s32 @p0 $0x1  }
0x13: {  	[smem:$0x3FB4] =	sst s0;
	s0 =	simm.s32 @!p1 $0x0  }
0x14: {  	s2 =	sld [smem:$0x3F98];
	s0 =	simm.s32 @p1 $0x1  }
0x15: {  	[smem:$0x3FB5] =	sst s0;
	s0 =	simm.s32 @!p2 $0x0  }
0x16: {  	s3 =	sld [smem:$0x3FDB];
	s0 =	simm.s32 @p2 $0x1  }
0x17: {  	s4 =	simm.s32 $0x1BF5;
	[smem:$0x3FB7] =	sst s0  }
0x18: {  	s0 =	sld [smem:$0x3F9A];
	_ =	swait.ge [sflag:s4], $0x0  }
0x19: {  	s7 =	sld [smem:$0x3F9B]  }
0x1a: {  	s8 =	sadd.s32 $0xFFFFE003, lr  }
0x1b: {  	s9 =	sadd.s32 $0xFFFFFEF7, lr;
	s5 =	simm.s32 $0xFFFFFFFF;
	p2 =	slt.u32 s8, $0xFFFFF086  }
0x1c: {  	p1 =	slt.u32 s9, $0xF7A;
	s5 =	simm.s32 @!p2 $0x0  }
0x1d: {  	s5 =	simm.s32 @p1 $0x1;
	p0 =	seq.s32 s7, s2  }
0x1e: {  	s7 =	smul.u32 @!p0 $0xF7A, s2;
	p2 =	seq.s32 @!p0 s5, $0x0  }
0x1f: {  	s9 =	smul.u32 $0xF7A, s1;
	s8 =	simm.s32 @!p0 $0x1BF5;
	p2 =	por !p2, p0  }
0x20: {  	[sflag:s8] =	ssyncset.s32 @!p0 $0xFFFFF086;
	s6 =	sadd.s32 @!p0 s3, s7;
	s7 =	simm.s32 @!p0 $0x108  }
0x21: {  	s3 =	sadd.s32 s3, s9;
	s6 =	sadd.s32 @!p0 $0x88, s6;
	s7 =	simm.s32 @p2 $0x1082  }
0x22: {  	[simem:s7], [sflag:s8] =	dma.local @!p0 [hbm:s6], $0xF7A  }
0x23: {  	s9 =	sor.u32 $0xD0000000, s2;
	s6 =	simm.s32 $0x108;
	_ =	swait.ge @!p0 [sflag:s8], $0x0  }
0x24: {  	s3 =	sadd.s32 $0x88, s3;
	s6 =	simm.s32 @!p1 $0x1082;
	[sflag:s4] =	ssyncset.s32 $0xFFFFF086  }
0x25: {  	[simem:s6], [sflag:s4] =	dma.local [hbm:s3], $0xF7A  }
0x26: {  	[smem:$0x3F9B] =	sst s1;
	(tag) =	ssettag s2;
	_ =	strace s9  }
0x27: {  	s1 =	sld [smem:$0x3FAB]  }
0x28: {  	s2 =	sld [smem:$0x3FAC]  }
0x29: {  	s4 =	sld [smem:$0x3FAE]  }
0x2a: {  	p0 =	seq.s32 s5, $0x0;
	s5 =	sld [smem:$0x3FAF]  }
0x2b: {  	s6 =	sld [smem:$0x3FB0]  }
0x2c: {  	s7 =	sld [smem:$0x3FB1]  }
0x2d: {  	s3 =	simm.s32 $0x108;
	s8 =	sld [smem:$0x3FB2]  }
0x2e: {  	s3 =	simm.s32 @!p0 $0x1082;
	s9 =	sld [smem:$0x3FB3]  }
0x2f: {  	lr =	sadd.s32 s0, s3;
	s0 =	sld [smem:$0x3FAA]  }
0x30: {  	s3 =	sld [smem:$0x3FAD]  }
0x31: {  	[smem:$0x3FB6] =	sst s10  }
0x32: {  	s10 =	sld [smem:$0x3FB4];
	_ =	sdelay $0x3  }
0x33: {  	p0 =	seq.s32 s10, $0x1;
	s10 =	sld [smem:$0x3FB6];
	_ =	sdelay $0x3  }
0x34: {  	[smem:$0x3FB6] =	sst s10  }
0x35: {  	s10 =	sld [smem:$0x3FB5];
	_ =	sdelay $0x3  }
0x36: {  	p1 =	seq.s32 s10, $0x1;
	s10 =	sld [smem:$0x3FB6];
	_ =	sdelay $0x3  }
0x37: {  	[smem:$0x3FB6] =	sst s10  }
0x38: {  	s10 =	sld [smem:$0x3FB7]  }
0x39: {  	_ = 	snop;
	(pc) =	sbr.ind lr, $3  }
0x3a: {  	_ = 	snop  }
0x3b: {  	_ = 	snop  }
0x3c: {  	p2 =	seq.s32 s10, $0x1;
	s10 =	sld [smem:$0x3FB6]  }
0x3d: {  	_ =	shalt  }
0x3e: {  	_ =	shalt  }
0x3f: {  	_ =	shalt  }
0x40: {  	_ =	shalt  }
0x41: {  	_ =	shalt  }
0x42: {  	_ =	shalt  }
0x43: {  	_ =	shalt  }
0x44: {  	_ =	shalt  }
0x45: {  	_ =	shalt  }
0x46: {  	_ =	shalt  }
0x47: {  	_ =	shalt  }
0x48: {  	_ =	shalt  }
0x49: {  	_ =	shalt  }
0x4a: {  	_ =	shalt  }
0x4b: {  	_ =	shalt  }
0x4c: {  	_ =	shalt  }
0x4d: {  	_ =	shalt  }
0x4e: {  	_ =	shalt  }
0x4f: {  	_ =	shalt  }
0x50: {  	_ =	shalt  }
0x51: {  	_ =	shalt  }
0x52: {  	_ =	shalt  }
0x53: {  	_ =	shalt  }
0x54: {  	_ =	shalt  }
0x55: {  	_ =	shalt  }
0x56: {  	_ =	shalt  }
0x57: {  	_ =	shalt  }
0x58: {  	_ =	shalt  }
0x59: {  	_ =	shalt  }
0x5a: {  	_ =	shalt  }
0x5b: {  	_ =	shalt  }
0x5c: {  	_ =	shalt  }
0x5d: {  	_ =	shalt  }
0x5e: {  	_ =	shalt  }
0x5f: {  	_ =	shalt  }
0x60: {  	_ =	shalt  }
0x61: {  	_ =	shalt  }
0x62: {  	_ =	shalt  }
0x63: {  	_ =	shalt  }
0x64: {  	_ =	shalt  }
0x65: {  	_ =	shalt  }
0x66: {  	_ =	shalt  }
0x67: {  	_ =	shalt  }
0x68: {  	_ =	shalt  }
0x69: {  	_ =	shalt  }
0x6a: {  	_ =	shalt  }
0x6b: {  	_ =	shalt  }
0x6c: {  	_ =	shalt  }
0x6d: {  	_ =	shalt  }
0x6e: {  	_ =	shalt  }
0x6f: {  	_ =	shalt  }
0x70: {  	_ =	shalt  }
0x71: {  	_ =	shalt  }
0x72: {  	_ =	shalt  }
0x73: {  	_ =	shalt  }
0x74: {  	_ =	shalt  }
0x75: {  	_ =	shalt  }
0x76: {  	_ =	shalt  }
0x77: {  	_ =	shalt  }
0x78: {  	_ =	shalt  }
0x79: {  	_ =	shalt  }
0x7a: {  	_ =	shalt  }
0x7b: {  	_ =	shalt  }
0x7c: {  	_ =	shalt  }
0x7d: {  	_ =	shalt  }
0x7e: {  	_ =	shalt  }
0x7f: {  	_ =	shalt  }
0x80: {  	_ =	shalt  }
0x81: {  	_ =	shalt  }
0x82: {  	_ =	shalt  }
0x83: {  	_ =	shalt  }
0x84: {  	_ =	shalt  }
0x85: {  	_ =	shalt  }
0x86: {  	_ =	shalt  }
0x87: {  	_ =	shalt  }
.Lfunc_end0:
.L_simem_size_0:
called_computation.2_lowered:
.L_overlay_start_0:
0x88: {  	s2 =	sld [smem:$0x3FD9]  }
0x89: {  	s3 =	sld [smem:$0x3FFE];
	_ =	sdelay $0x1  }
0x8a: {  	s1 =	srdreg.scid  }
0x8b: {  	s0 =	sand.u32 $0x1, s1  }
0x8c: {  	s16 =	sshll.u32 s0, $0xA;
	s2 =	sadd.s32 s3, s2  }
0x8d: {  	s2 =	sadd.s32 s2, s16  }
0x8e: {  	[smem:$0x3FC2] =	sst s2  }
0x8f: {  	_ = 	snop  }
0x90: {  	(tm) =	ssettm $0x1  }
0x91: {  	s17 =	sld [smem:$0x3FFB];
	_ =	sdelay $0x3  }
0x92: {  	_ =	strace s17  }
0x93: {  	s2 =	sld [smem:$0x3FFC];
	_ =	sdelay $0x3  }
0x94: {  	_ =	strace s2  }
0x95: {  	s2 =	sld [smem:$0x3FFD];
	_ =	sdelay $0x3  }
0x96: {  	_ =	strace s2  }
0x97: {  	_ =	strace $0x8FFFFFFF  }
0x98: {  	s18 =	sld [smem:$0x3FDB];
	_ =	sdelay $0x1  }
0x99: {  	s19 =	simm.s32 $_scs_section_size  }
0x9a: {  	s4 =	simm.s32 $_size__tile_overlayer_lowered;
	s5 =	simm.s32 $_tile_overlayer_lowered  }
0x9b: {  	s22 =	simm.s32 $0x1BFF;
	s21 =	sshll.u32 s5, $0x1;
	s2 =	sadd.s32 s19, s18  }
0x9c: {  	s6 =	simm.s32 $0x0;
	s20 =	sshll.u32 s4, $0x1;
	s4 =	sadd.s32 s21, s2  }
0x9d: {  	[timem:s6], [sflag:s22] =	dma.local [hbm:s4], s20  }
0x9e: {  	_ =	swait.ge [sflag:s22], s20  }
0x9f: {  	s3 =	ssub.s32 $0x0, s20;
	[sflag:s22] =	ssyncset.done $0x0  }
0xa0: {  	[sflag:s22] =	ssyncadd.s32 s3;
	_ =	sdelay $0x1  }
0xa1: {  	s23 =	simm.s32 $0x1B8B  }
0xa2: {  	_ =	swait.ge [sflag:s23], $0x1  }
0xa3: {  	[sflag:s23] =	ssyncset.done $0x0  }
0xa4: {  	s25 =	simm.s32 $0x1B8E;
	s24 =	sld [smem:$0x3FFE];
	[sflag:s23] =	ssyncadd.s32 $0xFFFFFFFF  }
0xa5: {  	s26 =	simm.s32 $execute0_lowered;
	[smem:$0x3FD2] =	sst s25  }
0xa6: {  	s4 =	sshll.u32 s26, $0x1;
	_ =	strace $0x8000004C;
	[dreg:$0x1] =	wrdreg $0xFFFFFFFF  }
0xa7: {  	s28 =	simm.s32 $_size_execute0_lowered;
	s2 =	sadd.s32 s2, s4;
	[dreg:$0x0] =	wrdreg $0x0  }
0xa8: {  	s4 =	sshll.u32 s28, $0x1;
	[dreg:$0x2] =	wrdreg s2  }
0xa9: {  	[dreg:$0x3] =	wrdreg s4  }
0xaa: {  	[dreg:$0x4] =	wrdreg $0xC0  }
0xab: {  	_ =	task [dreg:s6], $0x5FFFF  }
0xac: {  	[dreg:$0x1] =	wrdreg $0xFFFFFFFF  }
0xad: {  	[dreg:$0x0] =	wrdreg $0x60  }
0xae: {  	[dreg:$0x2] =	wrdreg s24  }
0xaf: {  	[dreg:$0x3] =	wrdreg $0xB0000  }
0xb0: {  	[dreg:$0x4] =	wrdreg $0x9  }
0xb1: {  	_ =	task.clear_ibuf [dreg:s6], $0x5FFFF;
	_ =	strace $0x9000004C  }
0xb2: {  	s29 =	simm.s32 $0x9;
	_ =	strace $0x8000004E  }
0xb3: {  	_ =	swait.ge [sflag:s29], $0x1  }
0xb4: {  	[sflag:s29] =	ssyncadd.s32 $0xFFFFFFFF  }
0xb5: {  	_ =	strace $0x9000004E  }
0xb6: {  	_ =	sfence  }
0xb7: {  	s30 =	sld [smem:$0x0];
	_ =	sdelay $0x2  }
0xb8: {  	s31 =	sshll.u32 s1, $0xD;
	s1 =	sshrl.u32 s1, $0x2  }
0xb9: {  	s3 =	sand.u32 $0x4000, s31;
	s1 =	sadd.s32 s1, s30  }
0xba: {  	s0 =	sor.u32 s3, s0;
	s1 =	sshll.u32 s1, $0x11  }
0xbb: {  	s0 =	sor.u32 s1, s0  }
0xbc: {  	s0 =	sadd.s32 $0x8F2B, s0  }
0xbd: {  	[sflag:s0] =	ssyncadd.remote.s32 $0x1  }
0xbe: {  	_ =	sfence.sel $0xFFFF  }
0xbf: {  	[dreg:$0x0] =	wrdreg $0xFFFFFFFF;
	(pc) =	sbr.abs _section_cstart, $3  }
0xc0: {  	[dreg:$0x1] =	wrdreg $0xFFFFFFFF  }
0xc1: {  	_ =	task.clear_ibuf [dreg:s6], $0x2FFFF;
	_ =	strace $0x9FFFFFFF  }
0xc2: {  	(tm) =	ssettm $0x7FFFFFFF  }
0xc3: {  	_ =	shalt  }
tec
execute0_lowered:
.L_overlay_start_1:
0x0: {  	(tag) =	ssettag $0x1  }
0x1: {  	s0 =	rddreg [dreg:$0x0]  }
0x2: {  	s2 =	rddreg [dreg:$0x1];
	s3 =	simm.s32 $0x0;
	s1 =	srdreg.scid  }
0x3: {  	s15 =	stileid.u32;
	s16 =	simm.s32 $0x1000;
	s17 =	simm.s32 $0x8000  }
0x4: {  	s18 =	simm.s32 $0x60;
	s19 =	simm.s32 $0x2000;
	s21 =	simm.s32 $0x5000  }
0x5: {  	s22 =	simm.s32 $0x1;
	s23 =	simm.s32 $0x2;
	s24 =	simm.s32 $0x3  }
0x6: {  	s20 =	simm.s32 $0x1700;
	s25 =	simm.s32 $0x0;
	[smem:$0x7FF] =	sst s3  }
0x7: {  	s1 =	sand.u32 $0x1, s1;
	s8 =	smul.u32 $0x14000, s15;
	s4 =	sadd.s32 $0x31000, s0  }
0x8: {  	s5 =	sadd.s32 $0x23000, s0;
	s6 =	sadd.s32 $0x15000, s0;
	s12 =	smul.u32 $0x50000, s15  }
0x9: {  	s7 =	sadd.s32 $0x59000, s0;
	s29 =	smul.u32 $0x3800, s15;
	s30 =	sshll.u32 s15, $0x6  }
0xa: {  	_ =	strace $0x8000004D;
	s9 =	smul.u32 $0x140000, s1;
	s10 =	sshll.u32 s1, $0x4  }
0xb: {  	s11 =	ssub.s32 $0x2, s1;
	s1 =	smul.u32 $0x38000, s1;
	s10 =	sor.u32 s15, s10  }
0xc: {  	s13 =	sshrl.u32 s11, $0x1;
	s28 =	sshrl.u32 s12, $0x2;
	s15 =	simm.s32 $0x4  }
0xd: {  	s9 =	sadd.s32 s8, s9;
	s10 =	smul.u32 $0x3800, s10;
	s13 =	ssub.s32 s11, s13  }
0xe: {  	s8 =	sshrl.u32 s8, $0x3;
	s14 =	sadd.s32 s28, s2;
	s1 =	sadd.s32 s29, s1  }
0xf: {  	s9 =	sshrl.u32 s9, $0x3;
	s8 =	sadd.s32 s7, s8;
	s1 =	sadd.s32 $0x800, s1  }
0x10: {  	s13 =	smax.u32 s13, $0x1;
	s14 =	sshrl.u32 s14, $0x3;
	s0 =	sadd.s32 s9, s0  }
0x11: {  	s9 =	sor.u32 $0x1C04, s30;
	s31 =	sshrl.u32 s10, $0x3;
	[dreg:$0x3] =	wrdreg s1  }
0x12: {  	s10 =	sadd.s32 s5, s31;
	s11 =	sadd.s32 s6, s31;
	s12 =	sadd.s32 $0x81000, s0  }
.LBB2_1:
0x13: {  	[spmem:s14], [sflag:s9] =	dma.local [hbm:s8], $0x2800  }
0x14: {  	_ =	swait.ge [sflag:s15], $0x2800  }
0x15: {  	[sflag:s15] =	ssyncset.done $0x0  }
0x16: {  	[sflag:s15] =	ssyncadd.s32 $0xFFFFD800  }
0x17: {  	[tilespmem:s3], [sflag:$0x4] =	stream.linear.gather [hbm4b:s10+s3], $0x780, $0x38;
	[tilespmem:$0x1F000] =	vst v63  }
0x18: {  	_ =	swait.ge [sflag:s15], $0x780  }
0x19: {  	[sflag:s15] =	ssyncset.done $0x0  }
0x1a: {  	[sflag:s15] =	ssyncadd.s32 $0xFFFFF880  }
0x1b: {  	[tilespmem:s16], [sflag:$0x4] =	stream.linear.gather [hbm4b:s11+s3], $0x780, $0x38;
	[tilespmem:$0x1F000] =	vst v63  }
0x1c: {  	_ =	swait.ge [sflag:s15], $0x780  }
0x1d: {  	[sflag:s15] =	ssyncset.done $0x0  }
0x1e: {  	[sflag:s15] =	ssyncadd.s32 $0xFFFFF880  }
0x1f: {  	[tilespmem:s17], [sflag:$0x4] =	stream.linear.gather [hbm4b:s7+s3], $0x3000, $0x38;
	[tilespmem:$0x1F000] =	vst v63  }
0x20: {  	_ =	swait.ge [sflag:s15], $0x3000  }
0x21: {  	[sflag:s15] =	ssyncset.done $0x0  }
0x22: {  	[sflag:s15] =	ssyncadd.s32 $0xFFFFD000  }
0x23: {  	[bflag:$0x0] =	sbarrier.arrive $0xFFFF  }
0x24: {  	[tilespmem:s19], [sflag:$0x1] =	stream.indirect.gather [hbm4b:s4+s18], $0x80, s3, s18, $0xb8;
	[tilespmem:$0x1F000] =	vst v63  }
0x25: {  	s26 =	rddreg [dreg:$0x3]  }
0x26: {  	s0 =	simm.s32 $0x80;
	s26 =	sadd.s32 $0x0, s26  }
0x27: {  	[tilespmem:s21], [sflag:$0x1] =	stream.indirect.gather [hbm4b:s4+s18], $0x80, s0, s18, $0xb8;
	[tilespmem:$0x1F000] =	vst v63  }
0x28: {  	s29 =	sand.u32 $0x800, s3;
	s28 =	sshrl.u32 s26, $0x3  }
0x29: {  	[spmem:s2] =	stream.indirect.scatter.add.f32 [tilespmem:s17], [sflag:$0x2], $0x80, s16, s18, $0xb8;
	[tilespmem:$0x1F000] =	vst v63  }
0x2a: {  	s1 =	sxor.u32 $0x800, s29;
	s30 =	sadd.s32 s5, s28  }
0x2b: {  	[tilespmem:s1], [sflag:$0x3] =	stream.linear.gather [hbm4b:s30+s3], $0x780, $0x38;
	[tilespmem:$0x1F000] =	vst v63  }
0x2c: {  	s0 =	sxor.u32 $0x1800, s29;
	s28 =	sadd.s32 s6, s28  }
0x2d: {  	[tilespmem:s0], [sflag:$0x3] =	stream.linear.gather [hbm4b:s28+s3], $0x780, $0x38;
	[tilespmem:$0x1F000] =	vst v63  }
0x2e: {  	_ =	swait.ge [sflag:s22], $0x3000  }
0x2f: {  	[sflag:s22] =	ssyncset.done $0x0  }
0x30: {  	[sflag:s22] =	ssyncadd.s32 $0xFFFFD000  }
0x31: {  	_ =	swait.ge [sflag:s23], $0x3000  }
0x32: {  	[sflag:s23] =	ssyncset.done $0x0  }
0x33: {  	s28 =	sor.u32 $0x100, s29;
	[sflag:s23] =	ssyncadd.s32 $0xFFFFD000  }
0x34: {  	[tilespmem:s17], [sflag:$0x1] =	stream.indirect.gather [hbm4b:s4+s18], $0x80, s28, s18, $0xb8;
	[tilespmem:$0x1F000] =	vst v63  }
0x35: {  	s28 =	sor.u32 $0x1000, s29  }
0x36: {  	[spmem:s2] =	stream.indirect.scatter.add.f32 [tilespmem:s19], [sflag:$0x2], $0x80, s28, s18, $0xb8;
	[tilespmem:$0x1F000] =	vst v63  }
0x37: {  	_ =	swait.ge [sflag:s22], $0x3000  }
0x38: {  	[sflag:s22] =	ssyncset.done $0x0  }
0x39: {  	[sflag:s22] =	ssyncadd.s32 $0xFFFFD000  }
0x3a: {  	_ =	swait.ge [sflag:s23], $0x3000  }
0x3b: {  	[sflag:s23] =	ssyncset.done $0x0  }
0x3c: {  	s28 =	sor.u32 $0x180, s29;
	[sflag:s23] =	ssyncadd.s32 $0xFFFFD000  }
0x3d: {  	[tilespmem:s19], [sflag:$0x1] =	stream.indirect.gather [hbm4b:s4+s18], $0x80, s28, s18, $0xb8;
	[tilespmem:$0x1F000] =	vst v63  }
0x3e: {  	s28 =	sor.u32 $0x1080, s29  }
0x3f: {  	[spmem:s2] =	stream.indirect.scatter.add.f32 [tilespmem:s21], [sflag:$0x2], $0x80, s28, s18, $0xb8;
	[tilespmem:$0x1F000] =	vst v63  }
0x40: {  	_ =	swait.ge [sflag:s22], $0x3000  }
0x41: {  	[sflag:s22] =	ssyncset.done $0x0  }
0x42: {  	[sflag:s22] =	ssyncadd.s32 $0xFFFFD000  }
0x43: {  	_ =	swait.ge [sflag:s23], $0x3000  }
0x44: {  	[sflag:s23] =	ssyncset.done $0x0  }
0x45: {  	s28 =	sor.u32 $0x200, s29;
	[sflag:s23] =	ssyncadd.s32 $0xFFFFD000  }
0x46: {  	[tilespmem:s21], [sflag:$0x1] =	stream.indirect.gather [hbm4b:s4+s18], $0x80, s28, s18, $0xb8;
	[tilespmem:$0x1F000] =	vst v63  }
0x47: {  	s28 =	sor.u32 $0x1100, s29  }
0x48: {  	[spmem:s2] =	stream.indirect.scatter.add.f32 [tilespmem:s17], [sflag:$0x2], $0x80, s28, s18, $0xb8;
	[tilespmem:$0x1F000] =	vst v63  }
0x49: {  	_ =	swait.ge [sflag:s22], $0x3000  }
0x4a: {  	[sflag:s22] =	ssyncset.done $0x0  }
0x4b: {  	[sflag:s22] =	ssyncadd.s32 $0xFFFFD000  }
0x4c: {  	_ =	swait.ge [sflag:s23], $0x3000  }
0x4d: {  	[sflag:s23] =	ssyncset.done $0x0  }
0x4e: {  	s28 =	sor.u32 $0x280, s29;
	[sflag:s23] =	ssyncadd.s32 $0xFFFFD000  }
0x4f: {  	[tilespmem:s17], [sflag:$0x1] =	stream.indirect.gather [hbm4b:s4+s18], $0x80, s28, s18, $0xb8;
	[tilespmem:$0x1F000] =	vst v63  }
0x50: {  	s28 =	sor.u32 $0x1180, s29  }
0x51: {  	[spmem:s2] =	stream.indirect.scatter.add.f32 [tilespmem:s19], [sflag:$0x2], $0x80, s28, s18, $0xb8;
	[tilespmem:$0x1F000] =	vst v63  }
0x52: {  	_ =	swait.ge [sflag:s22], $0x3000  }
0x53: {  	[sflag:s22] =	ssyncset.done $0x0  }
0x54: {  	[sflag:s22] =	ssyncadd.s32 $0xFFFFD000  }
0x55: {  	_ =	swait.ge [sflag:s23], $0x3000  }
0x56: {  	[sflag:s23] =	ssyncset.done $0x0  }
0x57: {  	s28 =	sor.u32 $0x300, s29;
	[sflag:s23] =	ssyncadd.s32 $0xFFFFD000  }
0x58: {  	[tilespmem:s19], [sflag:$0x1] =	stream.indirect.gather [hbm4b:s4+s18], $0x80, s28, s18, $0xb8;
	[tilespmem:$0x1F000] =	vst v63  }
0x59: {  	s28 =	sor.u32 $0x1200, s29  }
0x5a: {  	[spmem:s2] =	stream.indirect.scatter.add.f32 [tilespmem:s21], [sflag:$0x2], $0x80, s28, s18, $0xb8;
	[tilespmem:$0x1F000] =	vst v63  }
0x5b: {  	_ =	swait.ge [sflag:s22], $0x3000  }
0x5c: {  	[sflag:s22] =	ssyncset.done $0x0  }
0x5d: {  	[sflag:s22] =	ssyncadd.s32 $0xFFFFD000  }
0x5e: {  	_ =	swait.ge [sflag:s23], $0x3000  }
0x5f: {  	[sflag:s23] =	ssyncset.done $0x0  }
0x60: {  	s28 =	sor.u32 $0x380, s29;
	[sflag:s23] =	ssyncadd.s32 $0xFFFFD000  }
0x61: {  	[tilespmem:s21], [sflag:$0x1] =	stream.indirect.gather [hbm4b:s4+s18], $0x80, s28, s18, $0xb8;
	[tilespmem:$0x1F000] =	vst v63  }
0x62: {  	s28 =	sor.u32 $0x1280, s29  }
0x63: {  	[spmem:s2] =	stream.indirect.scatter.add.f32 [tilespmem:s17], [sflag:$0x2], $0x80, s28, s18, $0xb8;
	[tilespmem:$0x1F000] =	vst v63  }
0x64: {  	_ =	swait.ge [sflag:s22], $0x3000  }
0x65: {  	[sflag:s22] =	ssyncset.done $0x0  }
0x66: {  	[sflag:s22] =	ssyncadd.s32 $0xFFFFD000  }
0x67: {  	_ =	swait.ge [sflag:s23], $0x3000  }
0x68: {  	[sflag:s23] =	ssyncset.done $0x0  }
0x69: {  	s28 =	sor.u32 $0x400, s29;
	[sflag:s23] =	ssyncadd.s32 $0xFFFFD000  }
0x6a: {  	[tilespmem:s17], [sflag:$0x1] =	stream.indirect.gather [hbm4b:s4+s18], $0x80, s28, s18, $0xb8;
	[tilespmem:$0x1F000] =	vst v63  }
0x6b: {  	s28 =	sor.u32 $0x1300, s29  }
0x6c: {  	[spmem:s2] =	stream.indirect.scatter.add.f32 [tilespmem:s19], [sflag:$0x2], $0x80, s28, s18, $0xb8;
	[tilespmem:$0x1F000] =	vst v63  }
0x6d: {  	_ =	swait.ge [sflag:s22], $0x3000  }
0x6e: {  	[sflag:s22] =	ssyncset.done $0x0  }
0x6f: {  	[sflag:s22] =	ssyncadd.s32 $0xFFFFD000  }
0x70: {  	_ =	swait.ge [sflag:s23], $0x3000  }
0x71: {  	[sflag:s23] =	ssyncset.done $0x0  }
0x72: {  	s28 =	sor.u32 $0x480, s29;
	[sflag:s23] =	ssyncadd.s32 $0xFFFFD000  }
0x73: {  	[tilespmem:s19], [sflag:$0x1] =	stream.indirect.gather [hbm4b:s4+s18], $0x80, s28, s18, $0xb8;
	[tilespmem:$0x1F000] =	vst v63  }
0x74: {  	s28 =	sor.u32 $0x1380, s29  }
0x75: {  	[spmem:s2] =	stream.indirect.scatter.add.f32 [tilespmem:s21], [sflag:$0x2], $0x80, s28, s18, $0xb8;
	[tilespmem:$0x1F000] =	vst v63  }
0x76: {  	_ =	swait.ge [sflag:s22], $0x3000  }
0x77: {  	[sflag:s22] =	ssyncset.done $0x0  }
0x78: {  	[sflag:s22] =	ssyncadd.s32 $0xFFFFD000  }
0x79: {  	_ =	swait.ge [sflag:s23], $0x3000  }
0x7a: {  	[sflag:s23] =	ssyncset.done $0x0  }
0x7b: {  	s28 =	sor.u32 $0x500, s29;
	[sflag:s23] =	ssyncadd.s32 $0xFFFFD000  }
0x7c: {  	[tilespmem:s21], [sflag:$0x1] =	stream.indirect.gather [hbm4b:s4+s18], $0x80, s28, s18, $0xb8;
	[tilespmem:$0x1F000] =	vst v63  }
0x7d: {  	s28 =	sor.u32 $0x1400, s29  }
0x7e: {  	[spmem:s2] =	stream.indirect.scatter.add.f32 [tilespmem:s17], [sflag:$0x2], $0x80, s28, s18, $0xb8;
	[tilespmem:$0x1F000] =	vst v63  }
0x7f: {  	_ =	swait.ge [sflag:s22], $0x3000  }
0x80: {  	[sflag:s22] =	ssyncset.done $0x0  }
0x81: {  	[sflag:s22] =	ssyncadd.s32 $0xFFFFD000  }
0x82: {  	_ =	swait.ge [sflag:s23], $0x3000  }
0x83: {  	[sflag:s23] =	ssyncset.done $0x0  }
0x84: {  	s28 =	sor.u32 $0x580, s29;
	[sflag:s23] =	ssyncadd.s32 $0xFFFFD000  }
0x85: {  	[tilespmem:s17], [sflag:$0x1] =	stream.indirect.gather [hbm4b:s4+s18], $0x80, s28, s18, $0xb8;
	[tilespmem:$0x1F000] =	vst v63  }
0x86: {  	s28 =	sor.u32 $0x1480, s29  }
0x87: {  	[spmem:s2] =	stream.indirect.scatter.add.f32 [tilespmem:s19], [sflag:$0x2], $0x80, s28, s18, $0xb8;
	[tilespmem:$0x1F000] =	vst v63  }
0x88: {  	_ =	swait.ge [sflag:s22], $0x3000  }
0x89: {  	[sflag:s22] =	ssyncset.done $0x0  }
0x8a: {  	[sflag:s22] =	ssyncadd.s32 $0xFFFFD000  }
0x8b: {  	_ =	swait.ge [sflag:s23], $0x3000  }
0x8c: {  	[sflag:s23] =	ssyncset.done $0x0  }
0x8d: {  	s28 =	sor.u32 $0x600, s29;
	[sflag:s23] =	ssyncadd.s32 $0xFFFFD000  }
0x8e: {  	[tilespmem:s19], [sflag:$0x1] =	stream.indirect.gather [hbm4b:s4+s18], $0x80, s28, s18, $0xb8;
	[tilespmem:$0x1F000] =	vst v63  }
0x8f: {  	s28 =	sor.u32 $0x1500, s29  }
0x90: {  	[spmem:s2] =	stream.indirect.scatter.add.f32 [tilespmem:s21], [sflag:$0x2], $0x80, s28, s18, $0xb8;
	[tilespmem:$0x1F000] =	vst v63  }
0x91: {  	_ =	swait.ge [sflag:s22], $0x3000  }
0x92: {  	[sflag:s22] =	ssyncset.done $0x0  }
0x93: {  	[sflag:s22] =	ssyncadd.s32 $0xFFFFD000  }
0x94: {  	_ =	swait.ge [sflag:s23], $0x3000  }
0x95: {  	[sflag:s23] =	ssyncset.done $0x0  }
0x96: {  	s28 =	sor.u32 $0x680, s29;
	[sflag:s23] =	ssyncadd.s32 $0xFFFFD000  }
0x97: {  	[tilespmem:s21], [sflag:$0x1] =	stream.indirect.gather [hbm4b:s4+s18], $0x80, s28, s18, $0xb8;
	[tilespmem:$0x1F000] =	vst v63  }
0x98: {  	s28 =	sor.u32 $0x1580, s29  }
0x99: {  	[spmem:s2] =	stream.indirect.scatter.add.f32 [tilespmem:s17], [sflag:$0x2], $0x80, s28, s18, $0xb8;
	[tilespmem:$0x1F000] =	vst v63  }
0x9a: {  	_ =	swait.ge [sflag:s22], $0x3000  }
0x9b: {  	[sflag:s22] =	ssyncset.done $0x0  }
0x9c: {  	[sflag:s22] =	ssyncadd.s32 $0xFFFFD000  }
0x9d: {  	_ =	swait.ge [sflag:s23], $0x3000  }
0x9e: {  	[sflag:s23] =	ssyncset.done $0x0  }
0x9f: {  	s28 =	sor.u32 $0x700, s29;
	[sflag:s23] =	ssyncadd.s32 $0xFFFFD000  }
0xa0: {  	[tilespmem:s17], [sflag:$0x1] =	stream.indirect.gather [hbm4b:s4+s18], $0x80, s28, s18, $0xb8;
	[tilespmem:$0x1F000] =	vst v63  }
0xa1: {  	s28 =	sor.u32 $0x1600, s29  }
0xa2: {  	[spmem:s2] =	stream.indirect.scatter.add.f32 [tilespmem:s19], [sflag:$0x2], $0x80, s28, s18, $0xb8;
	[tilespmem:$0x1F000] =	vst v63  }
0xa3: {  	_ =	swait.ge [sflag:s24], $0x780  }
0xa4: {  	[sflag:s24] =	ssyncset.done $0x0  }
0xa5: {  	[sflag:s24] =	ssyncadd.s32 $0xFFFFF880  }
0xa6: {  	_ =	swait.ge [sflag:s24], $0x780  }
0xa7: {  	[sflag:s24] =	ssyncset.done $0x0  }
0xa8: {  	[sflag:s24] =	ssyncadd.s32 $0xFFFFF880  }
0xa9: {  	_ =	swait.ge [sflag:s22], $0x3000  }
0xaa: {  	[sflag:s22] =	ssyncset.done $0x0  }
0xab: {  	[sflag:s22] =	ssyncadd.s32 $0xFFFFD000  }
0xac: {  	_ =	swait.ge [sflag:s23], $0x3000  }
0xad: {  	[sflag:s23] =	ssyncset.done $0x0  }
0xae: {  	[sflag:s23] =	ssyncadd.s32 $0xFFFFD000  }
0xaf: {  	[tilespmem:s19], [sflag:$0x1] =	stream.indirect.gather [hbm4b:s4+s18], $0x80, s1, s18, $0xb8;
	[tilespmem:$0x1F000] =	vst v63  }
0xb0: {  	s1 =	sor.u32 $0x1680, s29  }
0xb1: {  	[spmem:s2] =	stream.indirect.scatter.add.f32 [tilespmem:s21], [sflag:$0x2], $0x80, s1, s18, $0xb8;
	[tilespmem:$0x1F000] =	vst v63  }
0xb2: {  	_ =	swait.ge [sflag:s22], $0x3000  }
0xb3: {  	[sflag:s22] =	ssyncset.done $0x0  }
0xb4: {  	[sflag:s22] =	ssyncadd.s32 $0xFFFFD000  }
0xb5: {  	s26 =	simm.s32 $0x800;
	_ =	swait.ge [sflag:s23], $0x3000  }
0xb6: {  	s30 =	sxor.u32 $0x880, s29;
	s28 =	simm.s32 $0x1000;
	[sflag:s23] =	ssyncset.done $0x0  }
0xb7: {  	s29 =	sor.u32 $0x1700, s29;
	s31 =	rddreg [dreg:$0x3];
	[sflag:s23] =	ssyncadd.s32 $0xFFFFD000  }
0xb8: {  	[tilespmem:s21], [sflag:$0x1] =	stream.indirect.gather [hbm4b:s4+s18], $0x80, s30, s18, $0xb8;
	[tilespmem:$0x1F000] =	vst v63  }
.LBB2_2:
0xb9: {  	s31 =	sadd.s32 s26, s31  }
0xba: {  	[spmem:s2] =	stream.indirect.scatter.add.f32 [tilespmem:s17], [sflag:$0x2], $0x80, s29, s18, $0xb8;
	[tilespmem:$0x1F000] =	vst v63  }
0xbb: {  	s0 =	smov.u32 s28;
	s30 =	sand.u32 $0x800, s26;
	s1 =	sshrl.u32 s31, $0x3  }
0xbc: {  	s26 =	smov.u32 s0;
	s31 =	sxor.u32 $0x800, s30;
	s0 =	sadd.s32 s5, s1  }
0xbd: {  	[tilespmem:s31], [sflag:$0x3] =	stream.linear.gather [hbm4b:s0+s3], $0x780, $0x38;
	[tilespmem:$0x1F000] =	vst v63  }
0xbe: {  	s1 =	sadd.s32 s6, s1;
	s0 =	sxor.u32 $0x1800, s30  }
0xbf: {  	[tilespmem:s0], [sflag:$0x3] =	stream.linear.gather [hbm4b:s1+s3], $0x780, $0x38;
	[tilespmem:$0x1F000] =	vst v63  }
0xc0: {  	_ =	swait.ge [sflag:s22], $0x3000  }
0xc1: {  	[sflag:s22] =	ssyncset.done $0x0  }
0xc2: {  	[sflag:s22] =	ssyncadd.s32 $0xFFFFD000  }
0xc3: {  	_ =	swait.ge [sflag:s23], $0x3000  }
0xc4: {  	[sflag:s23] =	ssyncset.done $0x0  }
0xc5: {  	s1 =	sor.u32 $0x100, s30;
	[sflag:s23] =	ssyncadd.s32 $0xFFFFD000  }
0xc6: {  	[tilespmem:s17], [sflag:$0x1] =	stream.indirect.gather [hbm4b:s4+s18], $0x80, s1, s18, $0xb8;
	[tilespmem:$0x1F000] =	vst v63  }
0xc7: {  	s1 =	sor.u32 $0x1000, s30  }
0xc8: {  	[spmem:s2] =	stream.indirect.scatter.add.f32 [tilespmem:s19], [sflag:$0x2], $0x80, s1, s18, $0xb8;
	[tilespmem:$0x1F000] =	vst v63  }
0xc9: {  	_ =	swait.ge [sflag:s22], $0x3000  }
0xca: {  	[sflag:s22] =	ssyncset.done $0x0  }
0xcb: {  	[sflag:s22] =	ssyncadd.s32 $0xFFFFD000  }
0xcc: {  	_ =	swait.ge [sflag:s23], $0x3000  }
0xcd: {  	[sflag:s23] =	ssyncset.done $0x0  }
0xce: {  	s1 =	sor.u32 $0x180, s30;
	[sflag:s23] =	ssyncadd.s32 $0xFFFFD000  }
0xcf: {  	[tilespmem:s19], [sflag:$0x1] =	stream.indirect.gather [hbm4b:s4+s18], $0x80, s1, s18, $0xb8;
	[tilespmem:$0x1F000] =	vst v63  }
0xd0: {  	s1 =	sor.u32 $0x1080, s30  }
0xd1: {  	[spmem:s2] =	stream.indirect.scatter.add.f32 [tilespmem:s21], [sflag:$0x2], $0x80, s1, s18, $0xb8;
	[tilespmem:$0x1F000] =	vst v63  }
0xd2: {  	_ =	swait.ge [sflag:s22], $0x3000  }
0xd3: {  	[sflag:s22] =	ssyncset.done $0x0  }
0xd4: {  	[sflag:s22] =	ssyncadd.s32 $0xFFFFD000  }
0xd5: {  	_ =	swait.ge [sflag:s23], $0x3000  }
0xd6: {  	[sflag:s23] =	ssyncset.done $0x0  }
0xd7: {  	s1 =	sor.u32 $0x200, s30;
	[sflag:s23] =	ssyncadd.s32 $0xFFFFD000  }
0xd8: {  	[tilespmem:s21], [sflag:$0x1] =	stream.indirect.gather [hbm4b:s4+s18], $0x80, s1, s18, $0xb8;
	[tilespmem:$0x1F000] =	vst v63  }
0xd9: {  	s1 =	sor.u32 $0x1100, s30  }
0xda: {  	[spmem:s2] =	stream.indirect.scatter.add.f32 [tilespmem:s17], [sflag:$0x2], $0x80, s1, s18, $0xb8;
	[tilespmem:$0x1F000] =	vst v63  }
0xdb: {  	_ =	swait.ge [sflag:s22], $0x3000  }
0xdc: {  	[sflag:s22] =	ssyncset.done $0x0  }
0xdd: {  	[sflag:s22] =	ssyncadd.s32 $0xFFFFD000  }
0xde: {  	_ =	swait.ge [sflag:s23], $0x3000  }
0xdf: {  	[sflag:s23] =	ssyncset.done $0x0  }
0xe0: {  	s1 =	sor.u32 $0x280, s30;
	[sflag:s23] =	ssyncadd.s32 $0xFFFFD000  }
0xe1: {  	[tilespmem:s17], [sflag:$0x1] =	stream.indirect.gather [hbm4b:s4+s18], $0x80, s1, s18, $0xb8;
	[tilespmem:$0x1F000] =	vst v63  }
0xe2: {  	s1 =	sor.u32 $0x1180, s30  }
0xe3: {  	[spmem:s2] =	stream.indirect.scatter.add.f32 [tilespmem:s19], [sflag:$0x2], $0x80, s1, s18, $0xb8;
	[tilespmem:$0x1F000] =	vst v63  }
0xe4: {  	_ =	swait.ge [sflag:s22], $0x3000  }
0xe5: {  	[sflag:s22] =	ssyncset.done $0x0  }
0xe6: {  	[sflag:s22] =	ssyncadd.s32 $0xFFFFD000  }
0xe7: {  	_ =	swait.ge [sflag:s23], $0x3000  }
0xe8: {  	[sflag:s23] =	ssyncset.done $0x0  }
0xe9: {  	s1 =	sor.u32 $0x300, s30;
	[sflag:s23] =	ssyncadd.s32 $0xFFFFD000  }
0xea: {  	[tilespmem:s19], [sflag:$0x1] =	stream.indirect.gather [hbm4b:s4+s18], $0x80, s1, s18, $0xb8;
	[tilespmem:$0x1F000] =	vst v63  }
0xeb: {  	s1 =	sor.u32 $0x1200, s30  }
0xec: {  	[spmem:s2] =	stream.indirect.scatter.add.f32 [tilespmem:s21], [sflag:$0x2], $0x80, s1, s18, $0xb8;
	[tilespmem:$0x1F000] =	vst v63  }
0xed: {  	_ =	swait.ge [sflag:s22], $0x3000  }
0xee: {  	[sflag:s22] =	ssyncset.done $0x0  }
0xef: {  	[sflag:s22] =	ssyncadd.s32 $0xFFFFD000  }
0xf0: {  	_ =	swait.ge [sflag:s23], $0x3000  }
0xf1: {  	[sflag:s23] =	ssyncset.done $0x0  }
0xf2: {  	s1 =	sor.u32 $0x380, s30;
	[sflag:s23] =	ssyncadd.s32 $0xFFFFD000  }
0xf3: {  	[tilespmem:s21], [sflag:$0x1] =	stream.indirect.gather [hbm4b:s4+s18], $0x80, s1, s18, $0xb8;
	[tilespmem:$0x1F000] =	vst v63  }
0xf4: {  	s1 =	sor.u32 $0x1280, s30  }
0xf5: {  	[spmem:s2] =	stream.indirect.scatter.add.f32 [tilespmem:s17], [sflag:$0x2], $0x80, s1, s18, $0xb8;
	[tilespmem:$0x1F000] =	vst v63  }
0xf6: {  	_ =	swait.ge [sflag:s22], $0x3000  }
0xf7: {  	[sflag:s22] =	ssyncset.done $0x0  }
0xf8: {  	[sflag:s22] =	ssyncadd.s32 $0xFFFFD000  }
0xf9: {  	_ =	swait.ge [sflag:s23], $0x3000  }
0xfa: {  	[sflag:s23] =	ssyncset.done $0x0  }
0xfb: {  	s1 =	sor.u32 $0x400, s30;
	[sflag:s23] =	ssyncadd.s32 $0xFFFFD000  }
0xfc: {  	[tilespmem:s17], [sflag:$0x1] =	stream.indirect.gather [hbm4b:s4+s18], $0x80, s1, s18, $0xb8;
	[tilespmem:$0x1F000] =	vst v63  }
0xfd: {  	s1 =	sor.u32 $0x1300, s30  }
0xfe: {  	[spmem:s2] =	stream.indirect.scatter.add.f32 [tilespmem:s19], [sflag:$0x2], $0x80, s1, s18, $0xb8;
	[tilespmem:$0x1F000] =	vst v63  }
0xff: {  	_ =	swait.ge [sflag:s22], $0x3000  }
0x100: {  	[sflag:s22] =	ssyncset.done $0x0  }
0x101: {  	[sflag:s22] =	ssyncadd.s32 $0xFFFFD000  }
0x102: {  	_ =	swait.ge [sflag:s23], $0x3000  }
0x103: {  	[sflag:s23] =	ssyncset.done $0x0  }
0x104: {  	s1 =	sor.u32 $0x480, s30;
	[sflag:s23] =	ssyncadd.s32 $0xFFFFD000  }
0x105: {  	[tilespmem:s19], [sflag:$0x1] =	stream.indirect.gather [hbm4b:s4+s18], $0x80, s1, s18, $0xb8;
	[tilespmem:$0x1F000] =	vst v63  }
0x106: {  	s1 =	sor.u32 $0x1380, s30  }
0x107: {  	[spmem:s2] =	stream.indirect.scatter.add.f32 [tilespmem:s21], [sflag:$0x2], $0x80, s1, s18, $0xb8;
	[tilespmem:$0x1F000] =	vst v63  }
0x108: {  	_ =	swait.ge [sflag:s22], $0x3000  }
0x109: {  	[sflag:s22] =	ssyncset.done $0x0  }
0x10a: {  	[sflag:s22] =	ssyncadd.s32 $0xFFFFD000  }
0x10b: {  	_ =	swait.ge [sflag:s23], $0x3000  }
0x10c: {  	[sflag:s23] =	ssyncset.done $0x0  }
0x10d: {  	s1 =	sor.u32 $0x500, s30;
	[sflag:s23] =	ssyncadd.s32 $0xFFFFD000  }
0x10e: {  	[tilespmem:s21], [sflag:$0x1] =	stream.indirect.gather [hbm4b:s4+s18], $0x80, s1, s18, $0xb8;
	[tilespmem:$0x1F000] =	vst v63  }
0x10f: {  	s1 =	sor.u32 $0x1400, s30  }
0x110: {  	[spmem:s2] =	stream.indirect.scatter.add.f32 [tilespmem:s17], [sflag:$0x2], $0x80, s1, s18, $0xb8;
	[tilespmem:$0x1F000] =	vst v63  }
0x111: {  	_ =	swait.ge [sflag:s22], $0x3000  }
0x112: {  	[sflag:s22] =	ssyncset.done $0x0  }
0x113: {  	[sflag:s22] =	ssyncadd.s32 $0xFFFFD000  }
0x114: {  	_ =	swait.ge [sflag:s23], $0x3000  }
0x115: {  	[sflag:s23] =	ssyncset.done $0x0  }
0x116: {  	s1 =	sor.u32 $0x580, s30;
	[sflag:s23] =	ssyncadd.s32 $0xFFFFD000  }
0x117: {  	[tilespmem:s17], [sflag:$0x1] =	stream.indirect.gather [hbm4b:s4+s18], $0x80, s1, s18, $0xb8;
	[tilespmem:$0x1F000] =	vst v63  }
0x118: {  	s1 =	sor.u32 $0x1480, s30  }
0x119: {  	[spmem:s2] =	stream.indirect.scatter.add.f32 [tilespmem:s19], [sflag:$0x2], $0x80, s1, s18, $0xb8;
	[tilespmem:$0x1F000] =	vst v63  }
0x11a: {  	_ =	swait.ge [sflag:s22], $0x3000  }
0x11b: {  	[sflag:s22] =	ssyncset.done $0x0  }
0x11c: {  	[sflag:s22] =	ssyncadd.s32 $0xFFFFD000  }
0x11d: {  	_ =	swait.ge [sflag:s23], $0x3000  }
0x11e: {  	[sflag:s23] =	ssyncset.done $0x0  }
0x11f: {  	s1 =	sor.u32 $0x600, s30;
	[sflag:s23] =	ssyncadd.s32 $0xFFFFD000  }
0x120: {  	[tilespmem:s19], [sflag:$0x1] =	stream.indirect.gather [hbm4b:s4+s18], $0x80, s1, s18, $0xb8;
	[tilespmem:$0x1F000] =	vst v63  }
0x121: {  	s1 =	sor.u32 $0x1500, s30  }
0x122: {  	[spmem:s2] =	stream.indirect.scatter.add.f32 [tilespmem:s21], [sflag:$0x2], $0x80, s1, s18, $0xb8;
	[tilespmem:$0x1F000] =	vst v63  }
0x123: {  	_ =	swait.ge [sflag:s22], $0x3000  }
0x124: {  	[sflag:s22] =	ssyncset.done $0x0  }
0x125: {  	[sflag:s22] =	ssyncadd.s32 $0xFFFFD000  }
0x126: {  	_ =	swait.ge [sflag:s23], $0x3000  }
0x127: {  	[sflag:s23] =	ssyncset.done $0x0  }
0x128: {  	s1 =	sor.u32 $0x680, s30;
	[sflag:s23] =	ssyncadd.s32 $0xFFFFD000  }
0x129: {  	[tilespmem:s21], [sflag:$0x1] =	stream.indirect.gather [hbm4b:s4+s18], $0x80, s1, s18, $0xb8;
	[tilespmem:$0x1F000] =	vst v63  }
0x12a: {  	s1 =	sor.u32 $0x1580, s30  }
0x12b: {  	[spmem:s2] =	stream.indirect.scatter.add.f32 [tilespmem:s17], [sflag:$0x2], $0x80, s1, s18, $0xb8;
	[tilespmem:$0x1F000] =	vst v63  }
0x12c: {  	_ =	swait.ge [sflag:s22], $0x3000  }
0x12d: {  	[sflag:s22] =	ssyncset.done $0x0  }
0x12e: {  	[sflag:s22] =	ssyncadd.s32 $0xFFFFD000  }
0x12f: {  	_ =	swait.ge [sflag:s23], $0x3000  }
0x130: {  	[sflag:s23] =	ssyncset.done $0x0  }
0x131: {  	s1 =	sor.u32 $0x700, s30;
	[sflag:s23] =	ssyncadd.s32 $0xFFFFD000  }
0x132: {  	[tilespmem:s17], [sflag:$0x1] =	stream.indirect.gather [hbm4b:s4+s18], $0x80, s1, s18, $0xb8;
	[tilespmem:$0x1F000] =	vst v63  }
0x133: {  	s1 =	sor.u32 $0x1600, s30  }
0x134: {  	[spmem:s2] =	stream.indirect.scatter.add.f32 [tilespmem:s19], [sflag:$0x2], $0x80, s1, s18, $0xb8;
	[tilespmem:$0x1F000] =	vst v63  }
0x135: {  	_ =	swait.ge [sflag:s24], $0x780  }
0x136: {  	[sflag:s24] =	ssyncset.done $0x0  }
0x137: {  	[sflag:s24] =	ssyncadd.s32 $0xFFFFF880  }
0x138: {  	_ =	swait.ge [sflag:s24], $0x780  }
0x139: {  	[sflag:s24] =	ssyncset.done $0x0  }
0x13a: {  	[sflag:s24] =	ssyncadd.s32 $0xFFFFF880  }
0x13b: {  	_ =	swait.ge [sflag:s22], $0x3000  }
0x13c: {  	[sflag:s22] =	ssyncset.done $0x0  }
0x13d: {  	[sflag:s22] =	ssyncadd.s32 $0xFFFFD000  }
0x13e: {  	_ =	swait.ge [sflag:s23], $0x3000  }
0x13f: {  	[sflag:s23] =	ssyncset.done $0x0  }
0x140: {  	[sflag:s23] =	ssyncadd.s32 $0xFFFFD000  }
0x141: {  	[tilespmem:s19], [sflag:$0x1] =	stream.indirect.gather [hbm4b:s4+s18], $0x80, s31, s18, $0xb8;
	[tilespmem:$0x1F000] =	vst v63  }
0x142: {  	s1 =	sor.u32 $0x1680, s30  }
0x143: {  	[spmem:s2] =	stream.indirect.scatter.add.f32 [tilespmem:s21], [sflag:$0x2], $0x80, s1, s18, $0xb8;
	[tilespmem:$0x1F000] =	vst v63  }
0x144: {  	_ =	swait.ge [sflag:s22], $0x3000  }
0x145: {  	p0 =	sne.s32 s28, $0x2800;
	[sflag:s22] =	ssyncset.done $0x0  }
.Ltmp0:
0x146: {  	[sflag:s22] =	ssyncadd.s32 $0xFFFFD000;
	(pc) =	sbr.rel @p0 .LBB2_2-.Ltmp0, $4  }
0x147: {  	_ =	swait.ge [sflag:s23], $0x3000  }
0x148: {  	s28 =	sadd.s32 $0x800, s28;
	s29 =	sor.u32 $0x1700, s30;
	[sflag:s23] =	ssyncset.done $0x0  }
0x149: {  	s30 =	sxor.u32 $0x880, s30;
	s31 =	rddreg [dreg:$0x3];
	[sflag:s23] =	ssyncadd.s32 $0xFFFFD000  }
0x14a: {  	[tilespmem:s21], [sflag:$0x1] =	stream.indirect.gather [hbm4b:s4+s18], $0x80, s30, s18, $0xb8;
	[tilespmem:$0x1F000] =	vst v63  }
0x14b: {  	s0 =	sadd.s32 s26, s31  }
0x14c: {  	[spmem:s2] =	stream.indirect.scatter.add.f32 [tilespmem:s17], [sflag:$0x2], $0x80, s29, s18, $0xb8;
	[tilespmem:$0x1F000] =	vst v63  }
0x14d: {  	s26 =	sand.u32 $0x800, s26;
	s0 =	sshrl.u32 s0, $0x3  }
0x14e: {  	s28 =	sxor.u32 $0x800, s26;
	s1 =	sadd.s32 s5, s0  }
0x14f: {  	[tilespmem:s28], [sflag:$0x3] =	stream.linear.gather [hbm4b:s1+s3], $0x780, $0x38;
	[tilespmem:$0x1F000] =	vst v63  }
0x150: {  	s29 =	sxor.u32 $0x1800, s26;
	s0 =	sadd.s32 s6, s0  }
0x151: {  	[tilespmem:s29], [sflag:$0x3] =	stream.linear.gather [hbm4b:s0+s3], $0x780, $0x38;
	[tilespmem:$0x1F000] =	vst v63  }
0x152: {  	_ =	swait.ge [sflag:s22], $0x3000  }
0x153: {  	[sflag:s22] =	ssyncset.done $0x0  }
0x154: {  	[sflag:s22] =	ssyncadd.s32 $0xFFFFD000  }
0x155: {  	_ =	swait.ge [sflag:s23], $0x3000  }
0x156: {  	[sflag:s23] =	ssyncset.done $0x0  }
0x157: {  	s30 =	sor.u32 $0x100, s26;
	[sflag:s23] =	ssyncadd.s32 $0xFFFFD000  }
0x158: {  	[tilespmem:s17], [sflag:$0x1] =	stream.indirect.gather [hbm4b:s4+s18], $0x80, s30, s18, $0xb8;
	[tilespmem:$0x1F000] =	vst v63  }
0x159: {  	s31 =	sor.u32 $0x1000, s26  }
0x15a: {  	[spmem:s2] =	stream.indirect.scatter.add.f32 [tilespmem:s19], [sflag:$0x2], $0x80, s31, s18, $0xb8;
	[tilespmem:$0x1F000] =	vst v63  }
0x15b: {  	_ =	swait.ge [sflag:s22], $0x3000  }
0x15c: {  	[sflag:s22] =	ssyncset.done $0x0  }
0x15d: {  	[sflag:s22] =	ssyncadd.s32 $0xFFFFD000  }
0x15e: {  	_ =	swait.ge [sflag:s23], $0x3000  }
0x15f: {  	[sflag:s23] =	ssyncset.done $0x0  }
0x160: {  	s1 =	sor.u32 $0x180, s26;
	[sflag:s23] =	ssyncadd.s32 $0xFFFFD000  }
0x161: {  	[tilespmem:s19], [sflag:$0x1] =	stream.indirect.gather [hbm4b:s4+s18], $0x80, s1, s18, $0xb8;
	[tilespmem:$0x1F000] =	vst v63  }
0x162: {  	s29 =	sor.u32 $0x1080, s26  }
0x163: {  	[spmem:s2] =	stream.indirect.scatter.add.f32 [tilespmem:s21], [sflag:$0x2], $0x80, s29, s18, $0xb8;
	[tilespmem:$0x1F000] =	vst v63  }
0x164: {  	_ =	swait.ge [sflag:s22], $0x3000  }
0x165: {  	[sflag:s22] =	ssyncset.done $0x0  }
0x166: {  	[sflag:s22] =	ssyncadd.s32 $0xFFFFD000  }
0x167: {  	_ =	swait.ge [sflag:s23], $0x3000  }
0x168: {  	[sflag:s23] =	ssyncset.done $0x0  }
0x169: {  	s30 =	sor.u32 $0x200, s26;
	[sflag:s23] =	ssyncadd.s32 $0xFFFFD000  }
0x16a: {  	[tilespmem:s21], [sflag:$0x1] =	stream.indirect.gather [hbm4b:s4+s18], $0x80, s30, s18, $0xb8;
	[tilespmem:$0x1F000] =	vst v63  }
0x16b: {  	s31 =	sor.u32 $0x1100, s26  }
0x16c: {  	[spmem:s2] =	stream.indirect.scatter.add.f32 [tilespmem:s17], [sflag:$0x2], $0x80, s31, s18, $0xb8;
	[tilespmem:$0x1F000] =	vst v63  }
0x16d: {  	_ =	swait.ge [sflag:s22], $0x3000  }
0x16e: {  	[sflag:s22] =	ssyncset.done $0x0  }
0x16f: {  	[sflag:s22] =	ssyncadd.s32 $0xFFFFD000  }
0x170: {  	_ =	swait.ge [sflag:s23], $0x3000  }
0x171: {  	[sflag:s23] =	ssyncset.done $0x0  }
0x172: {  	s1 =	sor.u32 $0x280, s26;
	[sflag:s23] =	ssyncadd.s32 $0xFFFFD000  }
0x173: {  	[tilespmem:s17], [sflag:$0x1] =	stream.indirect.gather [hbm4b:s4+s18], $0x80, s1, s18, $0xb8;
	[tilespmem:$0x1F000] =	vst v63  }
0x174: {  	s29 =	sor.u32 $0x1180, s26  }
0x175: {  	[spmem:s2] =	stream.indirect.scatter.add.f32 [tilespmem:s19], [sflag:$0x2], $0x80, s29, s18, $0xb8;
	[tilespmem:$0x1F000] =	vst v63  }
0x176: {  	_ =	swait.ge [sflag:s22], $0x3000  }
0x177: {  	[sflag:s22] =	ssyncset.done $0x0  }
0x178: {  	[sflag:s22] =	ssyncadd.s32 $0xFFFFD000  }
0x179: {  	_ =	swait.ge [sflag:s23], $0x3000  }
0x17a: {  	[sflag:s23] =	ssyncset.done $0x0  }
0x17b: {  	s30 =	sor.u32 $0x300, s26;
	[sflag:s23] =	ssyncadd.s32 $0xFFFFD000  }
0x17c: {  	[tilespmem:s19], [sflag:$0x1] =	stream.indirect.gather [hbm4b:s4+s18], $0x80, s30, s18, $0xb8;
	[tilespmem:$0x1F000] =	vst v63  }
0x17d: {  	s31 =	sor.u32 $0x1200, s26  }
0x17e: {  	[spmem:s2] =	stream.indirect.scatter.add.f32 [tilespmem:s21], [sflag:$0x2], $0x80, s31, s18, $0xb8;
	[tilespmem:$0x1F000] =	vst v63  }
0x17f: {  	_ =	swait.ge [sflag:s22], $0x3000  }
0x180: {  	[sflag:s22] =	ssyncset.done $0x0  }
0x181: {  	[sflag:s22] =	ssyncadd.s32 $0xFFFFD000  }
0x182: {  	_ =	swait.ge [sflag:s23], $0x3000  }
0x183: {  	[sflag:s23] =	ssyncset.done $0x0  }
0x184: {  	s1 =	sor.u32 $0x380, s26;
	[sflag:s23] =	ssyncadd.s32 $0xFFFFD000  }
0x185: {  	[tilespmem:s21], [sflag:$0x1] =	stream.indirect.gather [hbm4b:s4+s18], $0x80, s1, s18, $0xb8;
	[tilespmem:$0x1F000] =	vst v63  }
0x186: {  	s29 =	sor.u32 $0x1280, s26  }
0x187: {  	[spmem:s2] =	stream.indirect.scatter.add.f32 [tilespmem:s17], [sflag:$0x2], $0x80, s29, s18, $0xb8;
	[tilespmem:$0x1F000] =	vst v63  }
0x188: {  	_ =	swait.ge [sflag:s22], $0x3000  }
0x189: {  	[sflag:s22] =	ssyncset.done $0x0  }
0x18a: {  	[sflag:s22] =	ssyncadd.s32 $0xFFFFD000  }
0x18b: {  	_ =	swait.ge [sflag:s23], $0x3000  }
0x18c: {  	[sflag:s23] =	ssyncset.done $0x0  }
0x18d: {  	s30 =	sor.u32 $0x400, s26;
	[sflag:s23] =	ssyncadd.s32 $0xFFFFD000  }
0x18e: {  	[tilespmem:s17], [sflag:$0x1] =	stream.indirect.gather [hbm4b:s4+s18], $0x80, s30, s18, $0xb8;
	[tilespmem:$0x1F000] =	vst v63  }
0x18f: {  	s31 =	sor.u32 $0x1300, s26  }
0x190: {  	[spmem:s2] =	stream.indirect.scatter.add.f32 [tilespmem:s19], [sflag:$0x2], $0x80, s31, s18, $0xb8;
	[tilespmem:$0x1F000] =	vst v63  }
0x191: {  	_ =	swait.ge [sflag:s22], $0x3000  }
0x192: {  	[sflag:s22] =	ssyncset.done $0x0  }
0x193: {  	[sflag:s22] =	ssyncadd.s32 $0xFFFFD000  }
0x194: {  	_ =	swait.ge [sflag:s23], $0x3000  }
0x195: {  	[sflag:s23] =	ssyncset.done $0x0  }
0x196: {  	s1 =	sor.u32 $0x480, s26;
	[sflag:s23] =	ssyncadd.s32 $0xFFFFD000  }
0x197: {  	[tilespmem:s19], [sflag:$0x1] =	stream.indirect.gather [hbm4b:s4+s18], $0x80, s1, s18, $0xb8;
	[tilespmem:$0x1F000] =	vst v63  }
0x198: {  	s29 =	sor.u32 $0x1380, s26  }
0x199: {  	[spmem:s2] =	stream.indirect.scatter.add.f32 [tilespmem:s21], [sflag:$0x2], $0x80, s29, s18, $0xb8;
	[tilespmem:$0x1F000] =	vst v63  }
0x19a: {  	_ =	swait.ge [sflag:s22], $0x3000  }
0x19b: {  	[sflag:s22] =	ssyncset.done $0x0  }
0x19c: {  	[sflag:s22] =	ssyncadd.s32 $0xFFFFD000  }
0x19d: {  	_ =	swait.ge [sflag:s23], $0x3000  }
0x19e: {  	[sflag:s23] =	ssyncset.done $0x0  }
0x19f: {  	s30 =	sor.u32 $0x500, s26;
	[sflag:s23] =	ssyncadd.s32 $0xFFFFD000  }
0x1a0: {  	[tilespmem:s21], [sflag:$0x1] =	stream.indirect.gather [hbm4b:s4+s18], $0x80, s30, s18, $0xb8;
	[tilespmem:$0x1F000] =	vst v63  }
0x1a1: {  	s31 =	sor.u32 $0x1400, s26  }
0x1a2: {  	[spmem:s2] =	stream.indirect.scatter.add.f32 [tilespmem:s17], [sflag:$0x2], $0x80, s31, s18, $0xb8;
	[tilespmem:$0x1F000] =	vst v63  }
0x1a3: {  	_ =	swait.ge [sflag:s22], $0x3000  }
0x1a4: {  	[sflag:s22] =	ssyncset.done $0x0  }
0x1a5: {  	[sflag:s22] =	ssyncadd.s32 $0xFFFFD000  }
0x1a6: {  	_ =	swait.ge [sflag:s23], $0x3000  }
0x1a7: {  	[sflag:s23] =	ssyncset.done $0x0  }
0x1a8: {  	s1 =	sor.u32 $0x580, s26;
	[sflag:s23] =	ssyncadd.s32 $0xFFFFD000  }
0x1a9: {  	[tilespmem:s17], [sflag:$0x1] =	stream.indirect.gather [hbm4b:s4+s18], $0x80, s1, s18, $0xb8;
	[tilespmem:$0x1F000] =	vst v63  }
0x1aa: {  	s29 =	sor.u32 $0x1480, s26  }
0x1ab: {  	[spmem:s2] =	stream.indirect.scatter.add.f32 [tilespmem:s19], [sflag:$0x2], $0x80, s29, s18, $0xb8;
	[tilespmem:$0x1F000] =	vst v63  }
0x1ac: {  	_ =	swait.ge [sflag:s22], $0x3000  }
0x1ad: {  	[sflag:s22] =	ssyncset.done $0x0  }
0x1ae: {  	[sflag:s22] =	ssyncadd.s32 $0xFFFFD000  }
0x1af: {  	_ =	swait.ge [sflag:s23], $0x3000  }
0x1b0: {  	[sflag:s23] =	ssyncset.done $0x0  }
0x1b1: {  	s30 =	sor.u32 $0x600, s26;
	[sflag:s23] =	ssyncadd.s32 $0xFFFFD000  }
0x1b2: {  	[tilespmem:s19], [sflag:$0x1] =	stream.indirect.gather [hbm4b:s4+s18], $0x80, s30, s18, $0xb8;
	[tilespmem:$0x1F000] =	vst v63  }
0x1b3: {  	s31 =	sor.u32 $0x1500, s26  }
0x1b4: {  	[spmem:s2] =	stream.indirect.scatter.add.f32 [tilespmem:s21], [sflag:$0x2], $0x80, s31, s18, $0xb8;
	[tilespmem:$0x1F000] =	vst v63  }
0x1b5: {  	_ =	swait.ge [sflag:s22], $0x3000  }
0x1b6: {  	[sflag:s22] =	ssyncset.done $0x0  }
0x1b7: {  	[sflag:s22] =	ssyncadd.s32 $0xFFFFD000  }
0x1b8: {  	_ =	swait.ge [sflag:s23], $0x3000  }
0x1b9: {  	[sflag:s23] =	ssyncset.done $0x0  }
0x1ba: {  	s1 =	sor.u32 $0x680, s26;
	[sflag:s23] =	ssyncadd.s32 $0xFFFFD000  }
0x1bb: {  	[tilespmem:s21], [sflag:$0x1] =	stream.indirect.gather [hbm4b:s4+s18], $0x80, s1, s18, $0xb8;
	[tilespmem:$0x1F000] =	vst v63  }
0x1bc: {  	s29 =	sor.u32 $0x1580, s26  }
0x1bd: {  	[spmem:s2] =	stream.indirect.scatter.add.f32 [tilespmem:s17], [sflag:$0x2], $0x80, s29, s18, $0xb8;
	[tilespmem:$0x1F000] =	vst v63  }
0x1be: {  	_ =	swait.ge [sflag:s22], $0x3000  }
0x1bf: {  	[sflag:s22] =	ssyncset.done $0x0  }
0x1c0: {  	[sflag:s22] =	ssyncadd.s32 $0xFFFFD000  }
0x1c1: {  	_ =	swait.ge [sflag:s23], $0x3000  }
0x1c2: {  	[sflag:s23] =	ssyncset.done $0x0  }
0x1c3: {  	s30 =	sor.u32 $0x700, s26;
	[sflag:s23] =	ssyncadd.s32 $0xFFFFD000  }
0x1c4: {  	[tilespmem:s17], [sflag:$0x1] =	stream.indirect.gather [hbm4b:s4+s18], $0x80, s30, s18, $0xb8;
	[tilespmem:$0x1F000] =	vst v63  }
0x1c5: {  	s31 =	sor.u32 $0x1600, s26  }
0x1c6: {  	[spmem:s2] =	stream.indirect.scatter.add.f32 [tilespmem:s19], [sflag:$0x2], $0x80, s31, s18, $0xb8;
	[tilespmem:$0x1F000] =	vst v63  }
0x1c7: {  	_ =	swait.ge [sflag:s24], $0x780  }
0x1c8: {  	[sflag:s24] =	ssyncset.done $0x0  }
0x1c9: {  	[sflag:s24] =	ssyncadd.s32 $0xFFFFF880  }
0x1ca: {  	_ =	swait.ge [sflag:s24], $0x780  }
0x1cb: {  	[sflag:s24] =	ssyncset.done $0x0  }
0x1cc: {  	[sflag:s24] =	ssyncadd.s32 $0xFFFFF880  }
0x1cd: {  	_ =	swait.ge [sflag:s22], $0x3000  }
0x1ce: {  	[sflag:s22] =	ssyncset.done $0x0  }
0x1cf: {  	[sflag:s22] =	ssyncadd.s32 $0xFFFFD000  }
0x1d0: {  	_ =	swait.ge [sflag:s23], $0x3000  }
0x1d1: {  	[sflag:s23] =	ssyncset.done $0x0  }
0x1d2: {  	[sflag:s23] =	ssyncadd.s32 $0xFFFFD000  }
0x1d3: {  	[tilespmem:s19], [sflag:$0x1] =	stream.indirect.gather [hbm4b:s4+s18], $0x80, s28, s18, $0xb8;
	[tilespmem:$0x1F000] =	vst v63  }
0x1d4: {  	s1 =	sor.u32 $0x1680, s26  }
0x1d5: {  	[spmem:s2] =	stream.indirect.scatter.add.f32 [tilespmem:s21], [sflag:$0x2], $0x80, s1, s18, $0xb8;
	[tilespmem:$0x1F000] =	vst v63  }
0x1d6: {  	_ =	swait.ge [sflag:s22], $0x3000  }
0x1d7: {  	[sflag:s22] =	ssyncset.done $0x0  }
0x1d8: {  	[sflag:s22] =	ssyncadd.s32 $0xFFFFD000  }
0x1d9: {  	_ =	swait.ge [sflag:s23], $0x3000  }
0x1da: {  	[sflag:s23] =	ssyncset.done $0x0  }
0x1db: {  	s28 =	sxor.u32 $0x880, s26;
	[sflag:s23] =	ssyncadd.s32 $0xFFFFD000  }
0x1dc: {  	[tilespmem:s21], [sflag:$0x1] =	stream.indirect.gather [hbm4b:s4+s18], $0x80, s28, s18, $0xb8;
	[tilespmem:$0x1F000] =	vst v63  }
0x1dd: {  	s29 =	sor.u32 $0x1700, s26  }
0x1de: {  	[spmem:s2] =	stream.indirect.scatter.add.f32 [tilespmem:s17], [sflag:$0x2], $0x80, s29, s18, $0xb8;
	[tilespmem:$0x1F000] =	vst v63  }
0x1df: {  	_ =	swait.ge [sflag:s22], $0x3000  }
0x1e0: {  	[sflag:s22] =	ssyncset.done $0x0  }
0x1e1: {  	[sflag:s22] =	ssyncadd.s32 $0xFFFFD000  }
0x1e2: {  	_ =	swait.ge [sflag:s23], $0x3000  }
0x1e3: {  	[sflag:s23] =	ssyncset.done $0x0  }
0x1e4: {  	s30 =	simm.s32 $0x100;
	[sflag:s23] =	ssyncadd.s32 $0xFFFFD000  }
0x1e5: {  	[tilespmem:s17], [sflag:$0x1] =	stream.indirect.gather [hbm4b:s4+s18], $0x80, s30, s18, $0xb8;
	[tilespmem:$0x1F000] =	vst v63  }
0x1e6: {  	_ = 	snop  }
0x1e7: {  	[spmem:s2] =	stream.indirect.scatter.add.f32 [tilespmem:s19], [sflag:$0x2], $0x80, s16, s18, $0xb8;
	[tilespmem:$0x1F000] =	vst v63  }
0x1e8: {  	_ =	swait.ge [sflag:s22], $0x3000  }
0x1e9: {  	[sflag:s22] =	ssyncset.done $0x0  }
0x1ea: {  	[sflag:s22] =	ssyncadd.s32 $0xFFFFD000  }
0x1eb: {  	_ =	swait.ge [sflag:s23], $0x3000  }
0x1ec: {  	[sflag:s23] =	ssyncset.done $0x0  }
0x1ed: {  	s31 =	simm.s32 $0x180;
	[sflag:s23] =	ssyncadd.s32 $0xFFFFD000  }
0x1ee: {  	[tilespmem:s19], [sflag:$0x1] =	stream.indirect.gather [hbm4b:s4+s18], $0x80, s31, s18, $0xb8;
	[tilespmem:$0x1F000] =	vst v63  }
0x1ef: {  	s1 =	simm.s32 $0x1080  }
0x1f0: {  	[spmem:s2] =	stream.indirect.scatter.add.f32 [tilespmem:s21], [sflag:$0x2], $0x80, s1, s18, $0xb8;
	[tilespmem:$0x1F000] =	vst v63  }
0x1f1: {  	_ =	swait.ge [sflag:s22], $0x3000  }
0x1f2: {  	[sflag:s22] =	ssyncset.done $0x0  }
0x1f3: {  	[sflag:s22] =	ssyncadd.s32 $0xFFFFD000  }
0x1f4: {  	_ =	swait.ge [sflag:s23], $0x3000  }
0x1f5: {  	[sflag:s23] =	ssyncset.done $0x0  }
0x1f6: {  	s26 =	simm.s32 $0x200;
	[sflag:s23] =	ssyncadd.s32 $0xFFFFD000  }
0x1f7: {  	[tilespmem:s21], [sflag:$0x1] =	stream.indirect.gather [hbm4b:s4+s18], $0x80, s26, s18, $0xb8;
	[tilespmem:$0x1F000] =	vst v63  }
0x1f8: {  	s28 =	simm.s32 $0x1100  }
0x1f9: {  	[spmem:s2] =	stream.indirect.scatter.add.f32 [tilespmem:s17], [sflag:$0x2], $0x80, s28, s18, $0xb8;
	[tilespmem:$0x1F000] =	vst v63  }
0x1fa: {  	_ =	swait.ge [sflag:s22], $0x3000  }
0x1fb: {  	[sflag:s22] =	ssyncset.done $0x0  }
0x1fc: {  	[sflag:s22] =	ssyncadd.s32 $0xFFFFD000  }
0x1fd: {  	_ =	swait.ge [sflag:s23], $0x3000  }
0x1fe: {  	[sflag:s23] =	ssyncset.done $0x0  }
0x1ff: {  	s29 =	simm.s32 $0x280;
	[sflag:s23] =	ssyncadd.s32 $0xFFFFD000  }
0x200: {  	[tilespmem:s17], [sflag:$0x1] =	stream.indirect.gather [hbm4b:s4+s18], $0x80, s29, s18, $0xb8;
	[tilespmem:$0x1F000] =	vst v63  }
0x201: {  	s30 =	simm.s32 $0x1180  }
0x202: {  	[spmem:s2] =	stream.indirect.scatter.add.f32 [tilespmem:s19], [sflag:$0x2], $0x80, s30, s18, $0xb8;
	[tilespmem:$0x1F000] =	vst v63  }
0x203: {  	_ =	swait.ge [sflag:s22], $0x3000  }
0x204: {  	[sflag:s22] =	ssyncset.done $0x0  }
0x205: {  	[sflag:s22] =	ssyncadd.s32 $0xFFFFD000  }
0x206: {  	_ =	swait.ge [sflag:s23], $0x3000  }
0x207: {  	[sflag:s23] =	ssyncset.done $0x0  }
0x208: {  	s31 =	simm.s32 $0x300;
	[sflag:s23] =	ssyncadd.s32 $0xFFFFD000  }
0x209: {  	[tilespmem:s19], [sflag:$0x1] =	stream.indirect.gather [hbm4b:s4+s18], $0x80, s31, s18, $0xb8;
	[tilespmem:$0x1F000] =	vst v63  }
0x20a: {  	s1 =	simm.s32 $0x1200  }
0x20b: {  	[spmem:s2] =	stream.indirect.scatter.add.f32 [tilespmem:s21], [sflag:$0x2], $0x80, s1, s18, $0xb8;
	[tilespmem:$0x1F000] =	vst v63  }
0x20c: {  	_ =	swait.ge [sflag:s22], $0x3000  }
0x20d: {  	[sflag:s22] =	ssyncset.done $0x0  }
0x20e: {  	[sflag:s22] =	ssyncadd.s32 $0xFFFFD000  }
0x20f: {  	_ =	swait.ge [sflag:s23], $0x3000  }
0x210: {  	[sflag:s23] =	ssyncset.done $0x0  }
0x211: {  	s26 =	simm.s32 $0x380;
	[sflag:s23] =	ssyncadd.s32 $0xFFFFD000  }
0x212: {  	[tilespmem:s21], [sflag:$0x1] =	stream.indirect.gather [hbm4b:s4+s18], $0x80, s26, s18, $0xb8;
	[tilespmem:$0x1F000] =	vst v63  }
0x213: {  	s28 =	simm.s32 $0x1280  }
0x214: {  	[spmem:s2] =	stream.indirect.scatter.add.f32 [tilespmem:s17], [sflag:$0x2], $0x80, s28, s18, $0xb8;
	[tilespmem:$0x1F000] =	vst v63  }
0x215: {  	_ =	swait.ge [sflag:s22], $0x3000  }
0x216: {  	[sflag:s22] =	ssyncset.done $0x0  }
0x217: {  	[sflag:s22] =	ssyncadd.s32 $0xFFFFD000  }
0x218: {  	_ =	swait.ge [sflag:s23], $0x3000  }
0x219: {  	[sflag:s23] =	ssyncset.done $0x0  }
0x21a: {  	s29 =	simm.s32 $0x400;
	[sflag:s23] =	ssyncadd.s32 $0xFFFFD000  }
0x21b: {  	[tilespmem:s17], [sflag:$0x1] =	stream.indirect.gather [hbm4b:s4+s18], $0x80, s29, s18, $0xb8;
	[tilespmem:$0x1F000] =	vst v63  }
0x21c: {  	s30 =	simm.s32 $0x1300  }
0x21d: {  	[spmem:s2] =	stream.indirect.scatter.add.f32 [tilespmem:s19], [sflag:$0x2], $0x80, s30, s18, $0xb8;
	[tilespmem:$0x1F000] =	vst v63  }
0x21e: {  	_ =	swait.ge [sflag:s22], $0x3000  }
0x21f: {  	[sflag:s22] =	ssyncset.done $0x0  }
0x220: {  	[sflag:s22] =	ssyncadd.s32 $0xFFFFD000  }
0x221: {  	_ =	swait.ge [sflag:s23], $0x3000  }
0x222: {  	[sflag:s23] =	ssyncset.done $0x0  }
0x223: {  	s31 =	simm.s32 $0x480;
	[sflag:s23] =	ssyncadd.s32 $0xFFFFD000  }
0x224: {  	[tilespmem:s19], [sflag:$0x1] =	stream.indirect.gather [hbm4b:s4+s18], $0x80, s31, s18, $0xb8;
	[tilespmem:$0x1F000] =	vst v63  }
0x225: {  	s1 =	simm.s32 $0x1380  }
0x226: {  	[spmem:s2] =	stream.indirect.scatter.add.f32 [tilespmem:s21], [sflag:$0x2], $0x80, s1, s18, $0xb8;
	[tilespmem:$0x1F000] =	vst v63  }
0x227: {  	_ =	swait.ge [sflag:s22], $0x3000  }
0x228: {  	[sflag:s22] =	ssyncset.done $0x0  }
0x229: {  	[sflag:s22] =	ssyncadd.s32 $0xFFFFD000  }
0x22a: {  	_ =	swait.ge [sflag:s23], $0x3000  }
0x22b: {  	[sflag:s23] =	ssyncset.done $0x0  }
0x22c: {  	s26 =	simm.s32 $0x500;
	[sflag:s23] =	ssyncadd.s32 $0xFFFFD000  }
0x22d: {  	[tilespmem:s21], [sflag:$0x1] =	stream.indirect.gather [hbm4b:s4+s18], $0x80, s26, s18, $0xb8;
	[tilespmem:$0x1F000] =	vst v63  }
0x22e: {  	s28 =	simm.s32 $0x1400  }
0x22f: {  	[spmem:s2] =	stream.indirect.scatter.add.f32 [tilespmem:s17], [sflag:$0x2], $0x80, s28, s18, $0xb8;
	[tilespmem:$0x1F000] =	vst v63  }
0x230: {  	_ =	swait.ge [sflag:s22], $0x3000  }
0x231: {  	[sflag:s22] =	ssyncset.done $0x0  }
0x232: {  	[sflag:s22] =	ssyncadd.s32 $0xFFFFD000  }
0x233: {  	_ =	swait.ge [sflag:s23], $0x3000  }
0x234: {  	[sflag:s23] =	ssyncset.done $0x0  }
0x235: {  	s29 =	simm.s32 $0x580;
	[sflag:s23] =	ssyncadd.s32 $0xFFFFD000  }
0x236: {  	[tilespmem:s17], [sflag:$0x1] =	stream.indirect.gather [hbm4b:s4+s18], $0x80, s29, s18, $0xb8;
	[tilespmem:$0x1F000] =	vst v63  }
0x237: {  	s30 =	simm.s32 $0x1480  }
0x238: {  	[spmem:s2] =	stream.indirect.scatter.add.f32 [tilespmem:s19], [sflag:$0x2], $0x80, s30, s18, $0xb8;
	[tilespmem:$0x1F000] =	vst v63  }
0x239: {  	_ =	swait.ge [sflag:s22], $0x3000  }
0x23a: {  	[sflag:s22] =	ssyncset.done $0x0  }
0x23b: {  	[sflag:s22] =	ssyncadd.s32 $0xFFFFD000  }
0x23c: {  	_ =	swait.ge [sflag:s23], $0x3000  }
0x23d: {  	[sflag:s23] =	ssyncset.done $0x0  }
0x23e: {  	s31 =	simm.s32 $0x600;
	[sflag:s23] =	ssyncadd.s32 $0xFFFFD000  }
0x23f: {  	[tilespmem:s19], [sflag:$0x1] =	stream.indirect.gather [hbm4b:s4+s18], $0x80, s31, s18, $0xb8;
	[tilespmem:$0x1F000] =	vst v63  }
0x240: {  	s1 =	simm.s32 $0x1500  }
0x241: {  	[spmem:s2] =	stream.indirect.scatter.add.f32 [tilespmem:s21], [sflag:$0x2], $0x80, s1, s18, $0xb8;
	[tilespmem:$0x1F000] =	vst v63  }
0x242: {  	_ =	swait.ge [sflag:s22], $0x3000  }
0x243: {  	[sflag:s22] =	ssyncset.done $0x0  }
0x244: {  	[sflag:s22] =	ssyncadd.s32 $0xFFFFD000  }
0x245: {  	_ =	swait.ge [sflag:s23], $0x3000  }
0x246: {  	[sflag:s23] =	ssyncset.done $0x0  }
0x247: {  	s26 =	simm.s32 $0x680;
	[sflag:s23] =	ssyncadd.s32 $0xFFFFD000  }
0x248: {  	[tilespmem:s21], [sflag:$0x1] =	stream.indirect.gather [hbm4b:s4+s18], $0x80, s26, s18, $0xb8;
	[tilespmem:$0x1F000] =	vst v63  }
0x249: {  	s28 =	simm.s32 $0x1580  }
0x24a: {  	[spmem:s2] =	stream.indirect.scatter.add.f32 [tilespmem:s17], [sflag:$0x2], $0x80, s28, s18, $0xb8;
	[tilespmem:$0x1F000] =	vst v63  }
0x24b: {  	_ =	swait.ge [sflag:s22], $0x3000  }
0x24c: {  	[sflag:s22] =	ssyncset.done $0x0  }
0x24d: {  	[sflag:s22] =	ssyncadd.s32 $0xFFFFD000  }
0x24e: {  	_ =	swait.ge [sflag:s23], $0x3000  }
0x24f: {  	[sflag:s23] =	ssyncset.done $0x0  }
0x250: {  	s29 =	simm.s32 $0x700;
	[sflag:s23] =	ssyncadd.s32 $0xFFFFD000  }
0x251: {  	[tilespmem:s17], [sflag:$0x1] =	stream.indirect.gather [hbm4b:s4+s18], $0x80, s29, s18, $0xb8;
	[tilespmem:$0x1F000] =	vst v63  }
0x252: {  	s30 =	simm.s32 $0x1600  }
0x253: {  	[spmem:s2] =	stream.indirect.scatter.add.f32 [tilespmem:s19], [sflag:$0x2], $0x80, s30, s18, $0xb8;
	[tilespmem:$0x1F000] =	vst v63  }
0x254: {  	_ =	swait.ge [sflag:s22], $0x3000  }
0x255: {  	[sflag:s22] =	ssyncset.done $0x0  }
0x256: {  	[sflag:s22] =	ssyncadd.s32 $0xFFFFD000  }
0x257: {  	_ =	swait.ge [sflag:s23], $0x3000  }
0x258: {  	[sflag:s23] =	ssyncset.done $0x0  }
0x259: {  	s31 =	simm.s32 $0x1680;
	[sflag:s23] =	ssyncadd.s32 $0xFFFFD000  }
0x25a: {  	[spmem:s2] =	stream.indirect.scatter.add.f32 [tilespmem:s21], [sflag:$0x2], $0x80, s31, s18, $0xb8;
	[tilespmem:$0x1F000] =	vst v63  }
0x25b: {  	_ =	swait.ge [sflag:s22], $0x3000  }
0x25c: {  	[sflag:s22] =	ssyncset.done $0x0  }
0x25d: {  	[sflag:s22] =	ssyncadd.s32 $0xFFFFD000  }
0x25e: {  	_ =	swait.ge [sflag:s23], $0x3000  }
0x25f: {  	[sflag:s23] =	ssyncset.done $0x0  }
0x260: {  	[sflag:s23] =	ssyncadd.s32 $0xFFFFD000  }
0x261: {  	[spmem:s2] =	stream.indirect.scatter.add.f32 [tilespmem:s17], [sflag:$0x2], $0x80, s20, s18, $0xb8;
	[tilespmem:$0x1F000] =	vst v63  }
0x262: {  	_ =	swait.ge [sflag:s23], $0x3000  }
0x263: {  	s25 =	sadd.s32 $0x1, s25;
	[sflag:s23] =	ssyncset.done $0x0  }
0x264: {  	p0 =	sne.s32 s25, s13;
	[sflag:s23] =	ssyncadd.s32 $0xFFFFD000  }
.Ltmp1:
0x265: {  	[bflag:$0x0] =	sbarrier.arrive $0xFFFF;
	(pc) =	sbr.rel @p0 .LBB2_1-.Ltmp1, $4  }
0x266: {  	[hbm:s12], [sflag:s9] =	dma.local [spmem:s14], $0x2800  }
0x267: {  	_ =	swait.ge [sflag:s15], $0x2800  }
0x268: {  	[sflag:s15] =	ssyncset.done $0x0  }
0x269: {  	[sflag:s15] =	ssyncadd.s32 $0xFFFFD800  }
0x26a: {  	_ =	sfence.sel $0x180000  }
0x26b: {  	[bflag:$0x0] =	sbarrier.arrive $0xFFFF  }
0x26c: {  	_ =	strace $0x9000004D  }
0x26d: {  	s0 =	stileid.u32;
	[bflag:$0x2] =	sbarrier.arrive $0xFFFF  }
0x26e: {  	p0 =	sne.s32 s0, $0x0;
	s0 =	rddreg [dreg:$0x2]  }
0x26f: {  	s0 =	sadd.s32 @!p0 $0x100000, s0  }
0x270: {  	[sflag:s0] =	ssyncadd.tile.s32 @!p0 $0x1;
	_ =	shalt  }
.Lfunc_end2:
_tile_overlayer_lowered:
.L_overlay_start_2:
0x271: {  	(tag) =	ssettag $0x2  }
0x272: {  	s0 =	rddreg [dreg:$0x0];
	s2 =	stileid.u32  }
0x273: {  	s1 =	rddreg [dreg:$0x1];
	p0 =	sne.s32 s2, $0x0  }
0x274: {  	s3 =	rddreg [dreg:$0x2];
	[bflag:$0x3] =	sbarrier.arrive $0xFFFF;
	s2 =	simm.s32 @!p0 $0x1C04  }
0x275: {  	[timem:s3], [sflag:s2] =	dma.local @!p0 [hbm:s0], s1  }
0x276: {  	s0 =	simm.s32 @!p0 $0x4  }
0x277: {  	_ =	swait.ge @!p0 [sflag:s0], s1  }
0x278: {  	s1 =	ssub.s32 @!p0 $0x0, s1;
	[sflag:s0] =	ssyncset.done @!p0 $0x0  }
0x279: {  	[sflag:s0] =	ssyncadd.s32 @!p0 s1  }
0x27a: {  	[bflag:$0x3] =	sbarrier.arrive $0xFFFF  }
0x27b: {  	_ =	shalt  }

// kernel: kernel.8.cloned.1.call-start
scs
__scs_entry_jumppad:
0x0: {  	(pc) =	sbr.rel $0x88, $3  }
0x1: {  	(tag) =	ssettag $0x0;
	lr =	simm.s32 $0x1  }
0x2: {  	[smem:$0x3F9B] =	sst lr;
	_ =	strace $0xD0000000  }
0x3: {  	_ = 	snop  }
0x4: {  	_ = 	snop  }
0x5: {  	_ = 	snop  }
0x6: {  	_ = 	snop  }
0x7: {  	_ = 	snop  }
__scs_overlays_trampoline_lowered:
0x8: {  	[smem:$0x3FAA] =	sst s0  }
0x9: {  	[smem:$0x3FAB] =	sst s1  }
0xa: {  	[smem:$0x3FAC] =	sst s2  }
0xb: {  	[smem:$0x3FAD] =	sst s3  }
0xc: {  	[smem:$0x3FAE] =	sst s4  }
0xd: {  	[smem:$0x3FAF] =	sst s5  }
0xe: {  	[smem:$0x3FB0] =	sst s6  }
0xf: {  	[smem:$0x3FB1] =	sst s7  }
0x10: {  	[smem:$0x3FB2] =	sst s8  }
0x11: {  	[smem:$0x3FB3] =	sst s9;
	s0 =	simm.s32 @!p0 $0x0  }
0x12: {  	s1 =	sld [smem:$0x3F99];
	s0 =	simm.s32 @p0 $0x1  }
0x13: {  	[smem:$0x3FB4] =	sst s0;
	s0 =	simm.s32 @!p1 $0x0  }
0x14: {  	s2 =	sld [smem:$0x3F98];
	s0 =	simm.s32 @p1 $0x1  }
0x15: {  	[smem:$0x3FB5] =	sst s0;
	s0 =	simm.s32 @!p2 $0x0  }
0x16: {  	s3 =	sld [smem:$0x3FDB];
	s0 =	simm.s32 @p2 $0x1  }
0x17: {  	s4 =	simm.s32 $0x1BF5;
	[smem:$0x3FB7] =	sst s0  }
0x18: {  	s0 =	sld [smem:$0x3F9A];
	_ =	swait.ge [sflag:s4], $0x0  }
0x19: {  	s7 =	sld [smem:$0x3F9B]  }
0x1a: {  	s8 =	sadd.s32 $0xFFFFE003, lr  }
0x1b: {  	s9 =	sadd.s32 $0xFFFFFEF7, lr;
	s5 =	simm.s32 $0xFFFFFFFF;
	p2 =	slt.u32 s8, $0xFFFFF086  }
0x1c: {  	p1 =	slt.u32 s9, $0xF7A;
	s5 =	simm.s32 @!p2 $0x0  }
0x1d: {  	s5 =	simm.s32 @p1 $0x1;
	p0 =	seq.s32 s7, s2  }
0x1e: {  	s7 =	smul.u32 @!p0 $0xF7A, s2;
	p2 =	seq.s32 @!p0 s5, $0x0  }
0x1f: {  	s9 =	smul.u32 $0xF7A, s1;
	s8 =	simm.s32 @!p0 $0x1BF5;
	p2 =	por !p2, p0  }
0x20: {  	[sflag:s8] =	ssyncset.s32 @!p0 $0xFFFFF086;
	s6 =	sadd.s32 @!p0 s3, s7;
	s7 =	simm.s32 @!p0 $0x108  }
0x21: {  	s3 =	sadd.s32 s3, s9;
	s6 =	sadd.s32 @!p0 $0x88, s6;
	s7 =	simm.s32 @p2 $0x1082  }
0x22: {  	[simem:s7], [sflag:s8] =	dma.local @!p0 [hbm:s6], $0xF7A  }
0x23: {  	s9 =	sor.u32 $0xD0000000, s2;
	s6 =	simm.s32 $0x108;
	_ =	swait.ge @!p0 [sflag:s8], $0x0  }
0x24: {  	s3 =	sadd.s32 $0x88, s3;
	s6 =	simm.s32 @!p1 $0x1082;
	[sflag:s4] =	ssyncset.s32 $0xFFFFF086  }
0x25: {  	[simem:s6], [sflag:s4] =	dma.local [hbm:s3], $0xF7A  }
0x26: {  	[smem:$0x3F9B] =	sst s1;
	(tag) =	ssettag s2;
	_ =	strace s9  }
0x27: {  	s1 =	sld [smem:$0x3FAB]  }
0x28: {  	s2 =	sld [smem:$0x3FAC]  }
0x29: {  	s4 =	sld [smem:$0x3FAE]  }
0x2a: {  	p0 =	seq.s32 s5, $0x0;
	s5 =	sld [smem:$0x3FAF]  }
0x2b: {  	s6 =	sld [smem:$0x3FB0]  }
0x2c: {  	s7 =	sld [smem:$0x3FB1]  }
0x2d: {  	s3 =	simm.s32 $0x108;
	s8 =	sld [smem:$0x3FB2]  }
0x2e: {  	s3 =	simm.s32 @!p0 $0x1082;
	s9 =	sld [smem:$0x3FB3]  }
0x2f: {  	lr =	sadd.s32 s0, s3;
	s0 =	sld [smem:$0x3FAA]  }
0x30: {  	s3 =	sld [smem:$0x3FAD]  }
0x31: {  	[smem:$0x3FB6] =	sst s10  }
0x32: {  	s10 =	sld [smem:$0x3FB4];
	_ =	sdelay $0x3  }
0x33: {  	p0 =	seq.s32 s10, $0x1;
	s10 =	sld [smem:$0x3FB6];
	_ =	sdelay $0x3  }
0x34: {  	[smem:$0x3FB6] =	sst s10  }
0x35: {  	s10 =	sld [smem:$0x3FB5];
	_ =	sdelay $0x3  }
0x36: {  	p1 =	seq.s32 s10, $0x1;
	s10 =	sld [smem:$0x3FB6];
	_ =	sdelay $0x3  }
0x37: {  	[smem:$0x3FB6] =	sst s10  }
0x38: {  	s10 =	sld [smem:$0x3FB7]  }
0x39: {  	_ = 	snop;
	(pc) =	sbr.ind lr, $3  }
0x3a: {  	_ = 	snop  }
0x3b: {  	_ = 	snop  }
0x3c: {  	p2 =	seq.s32 s10, $0x1;
	s10 =	sld [smem:$0x3FB6]  }
0x3d: {  	_ =	shalt  }
0x3e: {  	_ =	shalt  }
0x3f: {  	_ =	shalt  }
0x40: {  	_ =	shalt  }
0x41: {  	_ =	shalt  }
0x42: {  	_ =	shalt  }
0x43: {  	_ =	shalt  }
0x44: {  	_ =	shalt  }
0x45: {  	_ =	shalt  }
0x46: {  	_ =	shalt  }
0x47: {  	_ =	shalt  }
0x48: {  	_ =	shalt  }
0x49: {  	_ =	shalt  }
0x4a: {  	_ =	shalt  }
0x4b: {  	_ =	shalt  }
0x4c: {  	_ =	shalt  }
0x4d: {  	_ =	shalt  }
0x4e: {  	_ =	shalt  }
0x4f: {  	_ =	shalt  }
0x50: {  	_ =	shalt  }
0x51: {  	_ =	shalt  }
0x52: {  	_ =	shalt  }
0x53: {  	_ =	shalt  }
0x54: {  	_ =	shalt  }
0x55: {  	_ =	shalt  }
0x56: {  	_ =	shalt  }
0x57: {  	_ =	shalt  }
0x58: {  	_ =	shalt  }
0x59: {  	_ =	shalt  }
0x5a: {  	_ =	shalt  }
0x5b: {  	_ =	shalt  }
0x5c: {  	_ =	shalt  }
0x5d: {  	_ =	shalt  }
0x5e: {  	_ =	shalt  }
0x5f: {  	_ =	shalt  }
0x60: {  	_ =	shalt  }
0x61: {  	_ =	shalt  }
0x62: {  	_ =	shalt  }
0x63: {  	_ =	shalt  }
0x64: {  	_ =	shalt  }
0x65: {  	_ =	shalt  }
0x66: {  	_ =	shalt  }
0x67: {  	_ =	shalt  }
0x68: {  	_ =	shalt  }
0x69: {  	_ =	shalt  }
0x6a: {  	_ =	shalt  }
0x6b: {  	_ =	shalt  }
0x6c: {  	_ =	shalt  }
0x6d: {  	_ =	shalt  }
0x6e: {  	_ =	shalt  }
0x6f: {  	_ =	shalt  }
0x70: {  	_ =	shalt  }
0x71: {  	_ =	shalt  }
0x72: {  	_ =	shalt  }
0x73: {  	_ =	shalt  }
0x74: {  	_ =	shalt  }
0x75: {  	_ =	shalt  }
0x76: {  	_ =	shalt  }
0x77: {  	_ =	shalt  }
0x78: {  	_ =	shalt  }
0x79: {  	_ =	shalt  }
0x7a: {  	_ =	shalt  }
0x7b: {  	_ =	shalt  }
0x7c: {  	_ =	shalt  }
0x7d: {  	_ =	shalt  }
0x7e: {  	_ =	shalt  }
0x7f: {  	_ =	shalt  }
0x80: {  	_ =	shalt  }
0x81: {  	_ =	shalt  }
0x82: {  	_ =	shalt  }
0x83: {  	_ =	shalt  }
0x84: {  	_ =	shalt  }
0x85: {  	_ =	shalt  }
0x86: {  	_ =	shalt  }
0x87: {  	_ =	shalt  }
.Lfunc_end0:
.L_simem_size_0:
called_computation_lowered:
.L_overlay_start_0:
0x88: {  	s2 =	sld [smem:$0x3FD9]  }
0x89: {  	s3 =	sld [smem:$0x3FFE];
	_ =	sdelay $0x1  }
0x8a: {  	s1 =	srdreg.scid  }
0x8b: {  	s0 =	sand.u32 $0x1, s1  }
0x8c: {  	s17 =	sshll.u32 s0, $0xA;
	s2 =	sadd.s32 s3, s2  }
0x8d: {  	s2 =	sadd.s32 s2, s17  }
0x8e: {  	[smem:$0x3FC2] =	sst s2  }
0x8f: {  	_ = 	snop  }
0x90: {  	s2 =	sld [smem:$0x3FD0];
	(tm) =	ssettm $0x1  }
0x91: {  	s18 =	sld [smem:$0x3FFB];
	_ =	sdelay $0x3  }
0x92: {  	_ =	strace s18  }
0x93: {  	s3 =	sld [smem:$0x3FFC];
	_ =	sdelay $0x3  }
0x94: {  	_ =	strace s3  }
0x95: {  	s3 =	sld [smem:$0x3FFD];
	_ =	sdelay $0x3  }
0x96: {  	_ =	strace s3  }
0x97: {  	_ =	strace $0x8FFFFFFF  }
0x98: {  	s19 =	sld [smem:$0x3FDB];
	_ =	sdelay $0x1  }
0x99: {  	s4 =	simm.s32 $_scs_section_size  }
0x9a: {  	s5 =	simm.s32 $_size__tile_overlayer_lowered;
	s6 =	simm.s32 $_tile_overlayer_lowered  }
0x9b: {  	s22 =	simm.s32 $0x1BFF;
	s21 =	sshll.u32 s6, $0x1;
	s3 =	sadd.s32 s4, s19  }
0x9c: {  	s7 =	simm.s32 $0x0;
	s20 =	sshll.u32 s5, $0x1;
	s5 =	sadd.s32 s21, s3  }
0x9d: {  	[timem:s7], [sflag:s22] =	dma.local [hbm:s5], s20  }
0x9e: {  	_ =	swait.ge [sflag:s22], s20  }
0x9f: {  	s4 =	ssub.s32 $0x0, s20;
	[sflag:s22] =	ssyncset.done $0x0  }
0xa0: {  	[sflag:s22] =	ssyncadd.s32 s4;
	_ =	sdelay $0x1  }
0xa1: {  	s23 =	simm.s32 $0x1B8B  }
0xa2: {  	_ =	swait.ge [sflag:s23], $0x1  }
0xa3: {  	[sflag:s23] =	ssyncset.done $0x0  }
0xa4: {  	s25 =	simm.s32 $0x1B8E;
	s24 =	sld [smem:$0x3FFE];
	[sflag:s23] =	ssyncadd.s32 $0xFFFFFFFF  }
0xa5: {  	s26 =	simm.s32 $execute0_lowered;
	[smem:$0x3FD2] =	sst s25  }
0xa6: {  	s5 =	sshll.u32 s26, $0x1;
	_ =	strace $0x80000046;
	[dreg:$0x1] =	wrdreg $0xFFFFFFFF  }
0xa7: {  	s28 =	simm.s32 $_size_execute0_lowered;
	s3 =	sadd.s32 s3, s5;
	[dreg:$0x0] =	wrdreg $0x0  }
0xa8: {  	s5 =	sshll.u32 s28, $0x1;
	[dreg:$0x2] =	wrdreg s3  }
0xa9: {  	[dreg:$0x3] =	wrdreg s5  }
0xaa: {  	[dreg:$0x4] =	wrdreg $0xC0  }
0xab: {  	_ =	task [dreg:s7], $0x5FFFF  }
0xac: {  	[dreg:$0x1] =	wrdreg $0xFFFFFFFF  }
0xad: {  	[dreg:$0x0] =	wrdreg $0x60  }
0xae: {  	[dreg:$0x2] =	wrdreg s24  }
0xaf: {  	[dreg:$0x3] =	wrdreg s2  }
0xb0: {  	[dreg:$0x4] =	wrdreg $0x9  }
0xb1: {  	_ =	task.clear_ibuf [dreg:s7], $0x5FFFF;
	_ =	strace $0x90000046  }
0xb2: {  	s29 =	simm.s32 $0x9;
	_ =	strace $0x80000048  }
0xb3: {  	_ =	swait.ge [sflag:s29], $0x1  }
0xb4: {  	[sflag:s29] =	ssyncadd.s32 $0xFFFFFFFF  }
0xb5: {  	_ =	strace $0x90000048  }
0xb6: {  	_ =	sfence  }
0xb7: {  	s30 =	sld [smem:$0x0];
	_ =	sdelay $0x2  }
0xb8: {  	s31 =	sshll.u32 s1, $0xD;
	s1 =	sshrl.u32 s1, $0x2  }
0xb9: {  	s3 =	sand.u32 $0x4000, s31;
	s1 =	sadd.s32 s1, s30  }
0xba: {  	s0 =	sor.u32 s3, s0;
	s1 =	sshll.u32 s1, $0x11  }
0xbb: {  	s0 =	sor.u32 s1, s0  }
0xbc: {  	s0 =	sadd.s32 $0x8F2B, s0  }
0xbd: {  	[sflag:s0] =	ssyncadd.remote.s32 $0x1  }
0xbe: {  	_ =	sfence.sel $0xFFFF  }
0xbf: {  	[dreg:$0x0] =	wrdreg $0xFFFFFFFF;
	(pc) =	sbr.abs _section_cstart, $3  }
0xc0: {  	[dreg:$0x1] =	wrdreg $0xFFFFFFFF  }
0xc1: {  	_ =	task.clear_ibuf [dreg:s7], $0x2FFFF;
	_ =	strace $0x9FFFFFFF  }
0xc2: {  	(tm) =	ssettm $0x7FFFFFFF  }
0xc3: {  	_ =	shalt  }
tec
execute0_lowered:
.L_overlay_start_1:
0x0: {  	(tag) =	ssettag $0x1  }
0x1: {  	s4 =	rddreg [dreg:$0x0]  }
0x2: {  	s0 =	srdreg.scid;
	s5 =	rddreg [dreg:$0x1];
	s2 =	simm.s32 $0x0  }
0x3: {  	s9 =	simm.s32 $0x2780;
	s10 =	simm.s32 $0x4F00;
	s3 =	sand.u32 $0x1, s0  }
0x4: {  	s11 =	simm.s32 $0x7700;
	s0 =	stileid.u32;
	s1 =	sshll.u32 s3, $0x4  }
0x5: {  	s12 =	simm.s32 $0x80;
	s13 =	simm.s32 $0x100;
	s6 =	sor.u32 s0, s1  }
0x6: {  	[smem:$0x7FF] =	sst s2;
	s3 =	ssub.s32 $0x2, s3;
	s7 =	smul.u32 $0x4E2, s6  }
0x7: {  	s1 =	rddreg [dreg:$0x2];
	s31 =	sshrl.u32 s3, $0x1;
	s6 =	smul.u32 $0xA00, s6  }
0x8: {  	_ =	strace $0x80000047;
	s8 =	ssub.s32 s3, s31;
	s7 =	sadd.s32 s7, s4  }
0x9: {  	s4 =	sadd.s32 s5, s6;
	s3 =	sadd.s32 $0xB200, s7;
	s5 =	sadd.s32 $0x1400, s7  }
0xa: {  	v0 =	vimm.f32 $0.0e+00;
	v1 =	vimm.f32 $1.000000000e+00;
	s6 =	sadd.s32 $0x10, s4;
	s7 =	smax.u32 s8, $0x1;
	s8 =	simm.s32 $0x1  }
.LBB2_1:
0xb: {  	s14 =	simm.s32 $0x40;
	s15 =	simm.s32 $0x0  }
.LBB2_2:
0xc: {  	p0 =	sne.s32 s14, $0x9FC0;
	[tilespmem:s15+$0x4F00] =	vst v0;
	s16 =	smov.u32 s14;
	s14 =	sadd.s32 $0x40, s14  }
.Ltmp0:
0xd: {  	[tilespmem:s15+$0x7700] =	vst v0;
	(pc) =	sbr.rel @p0 .LBB2_2-.Ltmp0, $2  }
0xe: {  	_ =	sdelay $0x2  }
0xf: {  	s15 =	sshra.s32 s16, $0x2  }
0x10: {  	[tilespmem:s15+$0x4F00] =	vst v0  }
0x11: {  	[tilespmem:s15+$0x7700] =	vst v0;
	s14 =	simm.s32 $0x0  }
0x12: {  	[tilespmem:s14], [sflag:$0x1] =	stream.linear.gather [hbm4b:s3+s14], $0x2710, $0x38;
	[tilespmem:$0x9F00] =	vst v63  }
0x13: {  	_ =	swait.ge [sflag:s8], $0x2710  }
0x14: {  	[sflag:s8] =	ssyncset.done $0x0  }
0x15: {  	[sflag:s8] =	ssyncadd.s32 $0xFFFFD8F0  }
0x16: {  	[tilespmem:s9], [sflag:$0x1] =	stream.linear.gather [hbm4b:s5+s14], $0x2710, $0x38;
	[tilespmem:$0x9F00] =	vst v63  }
0x17: {  	_ =	swait.ge [sflag:s8], $0x2710  }
0x18: {  	[sflag:s8] =	ssyncset.done $0x0  }
0x19: {  	s15 =	simm.s32 $0x0;
	[sflag:s8] =	ssyncadd.s32 $0xFFFFD8F0  }
0x1a: {  	s14 =	simm.s32 $0x40;
	v2 =	vld [tilespmem:s15+$0x0]  }
.LBB2_4:
0x1b: {  	p0 =	sne.s32 s14, $0x9C00;
	v3 =	vld [tilespmem:s15+$0x2780];
	_ =	sdelay $0x4  }
.Ltmp1:
0x1c: {  	(pc) =	sbr.rel @p0 .LBB2_4-.Ltmp1, $4  }
0x1d: {  	_ = 	snop  }
0x1e: {  	[tilespmem:v2+s10+$0x0] =	vst.idx.add.f32.msk $0xffff, v1  }
0x1f: {  	s15 =	sshra.s32 s14, $0x2;
	[tilespmem:v3+s11+$0x0] =	vst.idx.add.f32.msk $0xffff, v1  }
0x20: {  	s14 =	sadd.s32 $0x40, s14;
	v2 =	vld [tilespmem:s15+$0x0]  }
0x21: {  	_ = 	snop  }
0x22: {  	v3 =	vld [tilespmem:s15+$0x2780];
	_ =	sdelay $0x6  }
0x23: {  	[tilespmem:v2+s10+$0x0] =	vst.idx.add.f32.msk $0xffff, v1  }
0x24: {  	[tilespmem:v3+s11+$0x0] =	vst.idx.add.f32.msk $0xffff, v1  }
0x25: {  	[hbm4b:s4+s12] =	stream.strided.scatter [tilespmem:s10], [sflag:$0x1], $0x2800, s13, s12, $0x38;
	[tilespmem:$0x9F00] =	vst v63  }
0x26: {  	s2 =	sadd.s32 $0x1, s2;
	_ =	swait.ge [sflag:s8], $0x2800  }
0x27: {  	p0 =	sne.s32 s2, s7;
	[sflag:s8] =	ssyncset.done $0x0  }
.Ltmp2:
0x28: {  	[sflag:s8] =	ssyncadd.s32 $0xFFFFD800;
	(pc) =	sbr.rel @p0 .LBB2_1-.Ltmp2, $4  }
0x29: {  	[hbm4b:s6+s12] =	stream.strided.scatter [tilespmem:s11], [sflag:$0x1], $0x2800, s13, s12, $0x38;
	[tilespmem:$0x9F00] =	vst v63  }
0x2a: {  	_ =	swait.ge [sflag:s8], $0x2800  }
0x2b: {  	[sflag:s8] =	ssyncset.done $0x0  }
0x2c: {  	[sflag:s8] =	ssyncadd.s32 $0xFFFFD800  }
0x2d: {  	_ =	sfence.sel $0x180000  }
0x2e: {  	[bflag:$0x0] =	sbarrier.arrive $0xFFFF  }
0x2f: {  	p0 =	sne.s32 s0, $0x0;
	_ =	strace $0x90000047  }
0x30: {  	s0 =	sadd.s32 @!p0 $0x100000, s1;
	[bflag:$0x2] =	sbarrier.arrive $0xFFFF  }
0x31: {  	[sflag:s0] =	ssyncadd.tile.s32 @!p0 $0x1;
	_ =	shalt  }
.Lfunc_end2:
_tile_overlayer_lowered:
.L_overlay_start_2:
0x32: {  	(tag) =	ssettag $0x2  }
0x33: {  	s0 =	rddreg [dreg:$0x0];
	s2 =	stileid.u32  }
0x34: {  	s1 =	rddreg [dreg:$0x1];
	p0 =	sne.s32 s2, $0x0  }
0x35: {  	s3 =	rddreg [dreg:$0x2];
	[bflag:$0x3] =	sbarrier.arrive $0xFFFF;
	s2 =	simm.s32 @!p0 $0x1C01  }
0x36: {  	[timem:s3], [sflag:s2] =	dma.local @!p0 [hbm:s0], s1  }
0x37: {  	s0 =	simm.s32 @!p0 $0x1  }
0x38: {  	_ =	swait.ge @!p0 [sflag:s0], s1  }
0x39: {  	s1 =	ssub.s32 @!p0 $0x0, s1;
	[sflag:s0] =	ssyncset.done @!p0 $0x0  }
0x3a: {  	[sflag:s0] =	ssyncadd.s32 @!p0 s1  }
0x3b: {  	[bflag:$0x3] =	sbarrier.arrive $0xFFFF  }
0x3c: {  	_ =	shalt  }

</sc_bundles>
